<compile_context>
chip_gen: v7x
topology: tpu7x:2x2x1
jax: 0.10.2.dev20260603
libtpu: 0.0.44.dev20260713+nightly
codegen_flags: <defaults>
</compile_context>

<pallas_src>
import functools

import jax
import jax.numpy as jnp
from jax import lax
from jax.experimental import pallas as pl
from jax.experimental.pallas import tpu as pltpu
from jax.experimental.pallas import tpu_sc as plsc

_F32 = jnp.float32
NC = 2
NS = 16
LANES = 16
EB = 128
NP = 10240
BN = 512
ZB = 64
ZR = 32
RT = NP // NS
DH = 128


def _ceil_div(a, b):
    return (a + b - 1) // b



def _fill_zeros(zb_v, width, rows):
    zeros = jnp.zeros((LANES,), _F32)

    def fill(r, carry):
        for k in range(width // LANES):
            zb_v[r, pl.ds(k * LANES, LANES)] = zeros
        return carry
    lax.fori_loop(0, rows, fill, 0)


def _zero_acc(zb_v, acc, s, rows):
    def zero(i, carry):
        pltpu.sync_copy(zb_v, acc.at[pl.ds(s * RT + i * rows, rows)])
        return carry
    lax.fori_loop(0, RT // rows, zero, 0)


def _load_idx(edge_hbm, row, pad_hbm, idx_v, w, nb, npad):
    last = NC * NS - 1
    nr = nb - npad

    @pl.when(w < last)
    def _():
        pltpu.sync_copy(edge_hbm.at[row, pl.ds(w * nb, nb)], idx_v)

    @pl.when(w == last)
    def _():
        pltpu.sync_copy(edge_hbm.at[row, pl.ds(w * nb, nr)],
                        idx_v.at[pl.ds(0, nr)])
        pltpu.sync_copy(pad_hbm, idx_v.at[pl.ds(nr, npad)])


@functools.lru_cache(maxsize=None)
def _make_deg(nb, npad):
    mesh = plsc.VectorSubcoreMesh(
        core_axis_name="c", subcore_axis_name="s",
        num_cores=NC, num_subcores=NS)

    @functools.partial(
        pl.kernel,
        out_type=jax.ShapeDtypeStruct((NC * NP, DH), _F32),
        mesh=mesh,
        scratch_types=[
            pltpu.VMEM((nb, EB), jnp.int32),
            pltpu.VMEM((EB, DH), _F32),
            pltpu.VMEM((ZB, DH), _F32),
            pltpu.VMEM_SHARED((NP, DH), _F32),
        ],
    )
    def deg_kernel(edge_hbm, pad_dst_hbm, out_hbm, dst_v, ones_v, zb_v, acc):
        c = lax.axis_index("c")
        s = lax.axis_index("s")
        w = c * NS + s

        ones = jnp.ones((LANES,), _F32)

        def fill_ones(r, carry):
            for k in range(DH // LANES):
                ones_v[r, pl.ds(k * LANES, LANES)] = ones
            return carry
        lax.fori_loop(0, EB, fill_ones, 0)

        _fill_zeros(zb_v, DH, ZB)
        _zero_acc(zb_v, acc, s, ZB)

        _load_idx(edge_hbm, 1, pad_dst_hbm, dst_v, w, nb, npad)
        plsc.subcore_barrier()

        def body(j, carry):
            pltpu.sync_copy(ones_v, acc.at[dst_v.at[j]], add=True)
            return carry
        lax.fori_loop(0, nb, body, 0)

        plsc.subcore_barrier()
        pltpu.sync_copy(acc.at[pl.ds(s * RT, RT)],
                        out_hbm.at[pl.ds(c * NP + s * RT, RT)])

    return deg_kernel


def _agg_loop(tbl, src_v, dst_v, rows, acc, sems, nb):

    def start(j, half):
        pltpu.async_copy(tbl.at[src_v.at[j]],
                         rows.at[pl.ds(half * EB, EB)], sems[half])

    def wait(half):
        pltpu.make_async_copy(tbl.at[src_v.at[0]],
                              rows.at[pl.ds(half * EB, EB)],
                              sems[half]).wait()

    def scatter(j, half):
        pltpu.sync_copy(rows.at[pl.ds(half * EB, EB)],
                        acc.at[dst_v.at[j]], add=True)

    def body(j2, carry):
        j = 2 * j2
        wait(0)
        scatter(j, 0)
        start(lax.rem(j + 2, nb), 0)
        wait(1)
        scatter(j + 1, 1)
        start(lax.rem(j + 3, nb), 1)
        return carry
    lax.fori_loop(0, nb // 2, body, 0)
    wait(0)
    wait(1)


_SC_MESH = dict(core_axis_name="c", subcore_axis_name="s",
                num_cores=NC, num_subcores=NS)


@functools.lru_cache(maxsize=None)
def _make_agg(nb, npad):

    @functools.partial(
        pl.kernel,
        out_type=jax.ShapeDtypeStruct((NC * NP, DH), _F32),
        mesh=plsc.VectorSubcoreMesh(**_SC_MESH),
        scratch_types=[
            pltpu.VMEM((nb, EB), jnp.int32),
            pltpu.VMEM((nb, EB), jnp.int32),
            pltpu.VMEM((2 * EB, DH), _F32),
            pltpu.VMEM((ZR, DH), _F32),
            pltpu.VMEM_SHARED((NP, DH), _F32),
            pltpu.SemaphoreType.DMA,
            pltpu.SemaphoreType.DMA,
        ],
    )
    def agg_kernel(tbl, edge_hbm, pad_src_hbm, pad_dst_hbm, out_hbm,
                   src_v, dst_v, rows, zb_v, acc, sem0, sem1):
        c = lax.axis_index("c")
        s = lax.axis_index("s")
        w = c * NS + s

        _load_idx(edge_hbm, 0, pad_src_hbm, src_v, w, nb, npad)
        _load_idx(edge_hbm, 1, pad_dst_hbm, dst_v, w, nb, npad)
        pltpu.async_copy(tbl.at[src_v.at[0]],
                         rows.at[pl.ds(0, EB)], sem0)
        pltpu.async_copy(tbl.at[src_v.at[1]],
                         rows.at[pl.ds(EB, EB)], sem1)
        _fill_zeros(zb_v, DH, ZR)
        _zero_acc(zb_v, acc, s, ZR)
        plsc.subcore_barrier()

        _agg_loop(tbl, src_v, dst_v, rows, acc, (sem0, sem1), nb)

        plsc.subcore_barrier()
        pltpu.sync_copy(acc.at[pl.ds(s * RT, RT)],
                        out_hbm.at[pl.ds(c * NP + s * RT, RT)])

    return agg_kernel



def _k1_body(x_ref, w_ref, dga_ref, dgb_ref, o_ref, dv_ref):
    deg = dga_ref[:, 0:1] + dgb_ref[:, 0:1] + 1.0
    dinv = lax.rsqrt(deg)
    o_ref[...] = dinv * jnp.dot(x_ref[...], w_ref[...],
                                preferred_element_type=_F32)
    degf = dga_ref[...] + dgb_ref[...] + 1.0
    dvf = lax.rsqrt(degf)
    rr = lax.broadcasted_iota(jnp.int32, (BN, DH), 0)
    ll = lax.broadcasted_iota(jnp.int32, (BN, DH), 1)
    sel = jnp.where(rr % DH == ll, dvf, 0.0)
    packed = jnp.sum(sel.reshape(BN // DH, DH, DH), axis=1)
    dv_ref[...] = packed.reshape(1, BN // DH, DH)


def _dinv_col(dv_ref):
    dv = dv_ref[0]
    a = jnp.broadcast_to(dv[:, None, :],
                         (BN // DH, DH, DH)).reshape(BN, DH)
    rr = lax.broadcasted_iota(jnp.int32, (BN, DH), 0)
    ll = lax.broadcasted_iota(jnp.int32, (BN, DH), 1)
    pick = jnp.where(rr % DH == ll, a, 0.0)
    return jnp.sum(pick, axis=1, keepdims=True)


def _k_mid_body(pa_ref, pb_ref, g_ref, dv_ref, b_ref, w_ref, o_ref):
    dinv = _dinv_col(dv_ref)
    pre = dinv * (pa_ref[...] + pb_ref[...] + g_ref[...]) + b_ref[...]
    a = jnp.maximum(pre, 0.0)
    o_ref[...] = dinv * jnp.dot(a, w_ref[...], preferred_element_type=_F32)


def _k_mid_split_body(pa_ref, pb_ref, g_ref, dv_ref,
                      b_ref, w_ref, oa_ref, ob_ref):
    dinv = _dinv_col(dv_ref)
    pre = dinv * (pa_ref[...] + pb_ref[...] + g_ref[...]) + b_ref[...]
    a = jnp.maximum(pre, 0.0)
    g = dinv * jnp.dot(a, w_ref[...], preferred_element_type=_F32)
    half = g.shape[1] // 2
    oa_ref[...] = g[:, :half]
    ob_ref[...] = g[:, half:]


def _k_final_body(aa0_ref, aa1_ref, ab0_ref, ab1_ref, ga_ref, gb_ref,
                  dv_ref, b_ref, o_ref):
    dinv = _dinv_col(dv_ref)
    left = aa0_ref[...] + aa1_ref[...] + ga_ref[...]
    right = ab0_ref[...] + ab1_ref[...] + gb_ref[...]
    o_ref[...] = dinv * jnp.concatenate([left, right], axis=1) + b_ref[...]


def _deg_specs():
    return [
        pl.BlockSpec((BN, DH), lambda i: (i, 0)),
        pl.BlockSpec((BN, DH), lambda i: (i + NP // BN, 0)),
    ]


_DV_SPEC = pl.BlockSpec((1, BN // DH, DH), lambda i: (i, 0, 0))


def _part_specs(dh):
    return [
        pl.BlockSpec((BN, dh), lambda i: (i, 0)),
        pl.BlockSpec((BN, dh), lambda i: (i + NP // BN, 0)),
    ]



def kernel(x, edge_index, W1, b1, W2, b2, W3, b3):
    n, d_in = x.shape
    e = edge_index.shape[1]
    d_hid = W1.shape[1]
    d_out = W3.shape[1]
    grid = (_ceil_div(n, BN),)

    e_pad = _ceil_div(e, NC * NS * EB) * NC * NS * EB
    nb32 = e_pad // (NC * NS * EB)
    nbatch = e // EB
    edges = edge_index.reshape(2, nbatch, EB)
    nreal8 = ((nbatch - (NC * NS - 1) * nb32) // 8) * 8
    tail_lo = (NC * NS - 1) * nb32 + nreal8
    npad = nb32 - nreal8
    pad = jnp.arange(e_pad - e, dtype=jnp.int32)
    pad_src = jnp.concatenate(
        [edges[0, tail_lo:nbatch], (pad % n).reshape(-1, EB)])
    pad_dst = jnp.concatenate(
        [edges[1, tail_lo:nbatch], (n + pad % (NP - n)).reshape(-1, EB)])

    degp = _make_deg(nb32, npad)(edges, pad_dst)

    table_spec = pl.BlockSpec((BN, d_hid), lambda i: (i, 0))
    g1, dinv2d = pl.pallas_call(
        _k1_body,
        grid=grid,
        in_specs=[
            pl.BlockSpec((BN, d_in), lambda i: (i, 0)),
            pl.BlockSpec((d_in, d_hid), lambda i: (0, 0)),
            *_deg_specs(),
        ],
        out_specs=[table_spec, _DV_SPEC],
        out_shape=[
            jax.ShapeDtypeStruct((n, d_hid), _F32),
            jax.ShapeDtypeStruct((_ceil_div(n, BN), BN // DH, DH), _F32),
        ],
    )(x, W1, degp, degp)

    agg1 = _make_agg(nb32, npad)(g1, edges, pad_src, pad_dst)

    g2 = pl.pallas_call(
        _k_mid_body,
        grid=grid,
        in_specs=[
            *_part_specs(d_hid),
            table_spec,
            _DV_SPEC,
            pl.BlockSpec((1, d_hid), lambda i: (0, 0)),
            pl.BlockSpec((d_hid, d_hid), lambda i: (0, 0)),
        ],
        out_specs=table_spec,
        out_shape=jax.ShapeDtypeStruct((n, d_hid), _F32),
    )(agg1, agg1, g1, dinv2d, b1.reshape(1, -1), W2)

    agg2 = _make_agg(nb32, npad)(g2, edges, pad_src, pad_dst)

    half3 = d_out // 2
    half_spec = pl.BlockSpec((BN, half3), lambda i: (i, 0))
    g3a, g3b = pl.pallas_call(
        _k_mid_split_body,
        grid=grid,
        in_specs=[
            *_part_specs(d_hid),
            table_spec,
            _DV_SPEC,
            pl.BlockSpec((1, d_hid), lambda i: (0, 0)),
            pl.BlockSpec((d_hid, d_out), lambda i: (0, 0)),
        ],
        out_specs=[half_spec] * 2,
        out_shape=[jax.ShapeDtypeStruct((n, half3), _F32)] * 2,
    )(agg2, agg2, g2, dinv2d, b2.reshape(1, -1), W3)

    agg3a = _make_agg(nb32, npad)(g3a, edges, pad_src, pad_dst)
    agg3b = _make_agg(nb32, npad)(g3b, edges, pad_src, pad_dst)

    out = pl.pallas_call(
        _k_final_body,
        grid=grid,
        in_specs=[
            *_part_specs(half3),
            *_part_specs(half3),
            half_spec,
            half_spec,
            _DV_SPEC,
            pl.BlockSpec((1, d_out), lambda i: (0, 0)),
        ],
        out_specs=pl.BlockSpec((BN, d_out), lambda i: (i, 0)),
        out_shape=jax.ShapeDtypeStruct((n, d_out), _F32),
    )(agg3a, agg3a, agg3b, agg3b, g3a, g3b, dinv2d, b3.reshape(1, -1))

    return out

# --- scband reference (transcript-rebuilt; emitter-appended) ---
"""Pipeline reference for scband-model-36361193128732 (READ-ONLY COPY).

The authoritative reference and input builder live on the scoring server;
editing this copy changes nothing except your own understanding.
"""

import jax, jax.numpy as jnp
import numpy as np

N = 10000
E = 160000
D_IN = 256
D_HID = 128
D_OUT = 256


def setup_inputs(seed: int = 0) -> dict:
    key = jax.random.key(seed)
    ks = jax.random.split(key, 9)
    x = jax.random.normal(ks[0], (N, D_IN), dtype=jnp.float32)
    edge_index = jax.random.randint(ks[1], (2, E), 0, N, dtype=jnp.int32)
    W1 = jax.random.normal(ks[2], (D_IN, D_HID), dtype=jnp.float32) * (1.0 / np.sqrt(D_IN))
    b1 = jnp.zeros((D_HID,), dtype=jnp.float32)
    W2 = jax.random.normal(ks[3], (D_HID, D_HID), dtype=jnp.float32) * (1.0 / np.sqrt(D_HID))
    b2 = jnp.zeros((D_HID,), dtype=jnp.float32)
    W3 = jax.random.normal(ks[4], (D_HID, D_OUT), dtype=jnp.float32) * (1.0 / np.sqrt(D_HID))
    b3 = jnp.zeros((D_OUT,), dtype=jnp.float32)
    return {"x": x, "edge_index": edge_index, "W1": W1, "b1": b1, "W2": W2, "b2": b2, "W3": W3, "b3": b3}


def _gcn_layer(x, W, b, src, dst, norm):
    # GCNConv: linear transform, then normalized scatter-add aggregation
    h = x @ W
    msg = jnp.take(h, src, axis=0) * norm[:, None]
    out = jnp.zeros((N, W.shape[1]), dtype=x.dtype).at[dst].add(msg)
    return out + b


def reference(x, edge_index, W1, b1, W2, b2, W3, b3):
    # add self-loops
    loop = jnp.arange(N, dtype=edge_index.dtype)
    src = jnp.concatenate([edge_index[0], loop])
    dst = jnp.concatenate([edge_index[1], loop])
    # symmetric degree normalization deg^{-1/2}[src] * deg^{-1/2}[dst]
    deg = jnp.zeros((N,), dtype=x.dtype).at[dst].add(1.0)
    dinv = jnp.where(deg > 0, 1.0 / jnp.sqrt(deg), 0.0)
    norm = dinv[src] * dinv[dst]
    h = jax.nn.relu(_gcn_layer(x, W1, b1, src, dst, norm))
    h = jax.nn.relu(_gcn_layer(h, W2, b2, src, dst, norm))
    # dropout is identity in eval mode
    out = _gcn_layer(h, W3, b3, src, dst, norm)
    return out

if __name__ == "__main__":
    import jax
    _d = setup_inputs()
    print(jax.jit(kernel)(*tuple(_d.values())))

</pallas_src>

<mosaic_0001>
#map = affine_map<(d0, d1) -> (0, 0, 0)>
#map1 = affine_map<(d0, d1) -> (0, 0)>
module attributes {stable_mosaic.version = 14 : i64} {
  func.func @deg_kernel(%arg0: i32, %arg1: i32, %arg2: memref<2x1250x128xi32, #tpu.memory_space<hbm>>, %arg3: memref<32x128xi32, #tpu.memory_space<hbm>>, %arg4: memref<20480x128xf32, #tpu.memory_space<hbm>>, %arg5: memref<40x128xi32, #tpu.memory_space<vmem>>, %arg6: memref<128x128xf32, #tpu.memory_space<vmem>>, %arg7: memref<64x128xf32, #tpu.memory_space<vmem>>, %arg8: memref<10240x128xf32, #tpu.memory_space<vmem_shared>>) attributes {dimension_semantics = [#tpu.dimension_semantics<core_parallel>, #tpu.dimension_semantics<subcore_parallel>], iteration_bounds = array<i64: 2, 16>, scalar_prefetch = 0 : i64, scratch_operands = 4 : i64, tpu.core_type = #tpu.core_type<sc_vector_subcore>, window_params = [{transform_indices = #map}, {transform_indices = #map1}, {transform_indices = #map1}]} {
    %mul3A = arith.constant 16 : i32
    %mul3A_0 = arith.muli %arg0, %mul3A : i32
    %add3A = arith.addi %mul3A_0, %arg1 : i32
    %broadcast_in_dim3A = arith.constant 1.000000e+00 : f32
    %broadcast_in_dim3A_1 = vector.broadcast %broadcast_in_dim3A : f32 to vector<16xf32>
    %scan3A = arith.constant 0 : i32
    %scan3A_2 = arith.constant 0 : i32
    %scan3A_3 = arith.constant 128 : i32
    %scan3A_4 = arith.addi %scan3A_2, %scan3A_3 : i32
    %scan3A_5 = arith.constant 1 : i32
    scf.for %scan3A_41 = %scan3A_2 to %scan3A_4 step %scan3A_5  : i32 {
      %swap3A = arith.index_cast %scan3A_41 : i32 to index
      %swap3A_42 = arith.constant 0 : index
      %swap3A_43 = tpu.vector_load %arg6[%swap3A, %swap3A_42] {strides = array<i32>} : memref<128x128xf32, #tpu.memory_space<vmem>>, vector<1x16xf32>,
      %swap3A_44 = vector.shape_cast %swap3A_43 : vector<1x16xf32> to vector<16xf32>
      %swap3A_45 = vector.shape_cast %broadcast_in_dim3A_1 : vector<16xf32> to vector<1x16xf32>
      tpu.vector_store %arg6[%swap3A, %swap3A_42], %swap3A_45 {strides = array<i32>} : memref<128x128xf32, #tpu.memory_space<vmem>>, vector<1x16xf32>,
      %swap3A_46 = arith.index_cast %scan3A_41 : i32 to index
      %swap3A_47 = arith.constant 16 : index
      %swap3A_48 = tpu.vector_load %arg6[%swap3A_46, %swap3A_47] {strides = array<i32>} : memref<128x128xf32, #tpu.memory_space<vmem>>, vector<1x16xf32>,
      %swap3A_49 = vector.shape_cast %swap3A_48 : vector<1x16xf32> to vector<16xf32>
      %swap3A_50 = vector.shape_cast %broadcast_in_dim3A_1 : vector<16xf32> to vector<1x16xf32>
      tpu.vector_store %arg6[%swap3A_46, %swap3A_47], %swap3A_50 {strides = array<i32>} : memref<128x128xf32, #tpu.memory_space<vmem>>, vector<1x16xf32>,
      %swap3A_51 = arith.index_cast %scan3A_41 : i32 to index
      %swap3A_52 = arith.constant 32 : index
      %swap3A_53 = tpu.vector_load %arg6[%swap3A_51, %swap3A_52] {strides = array<i32>} : memref<128x128xf32, #tpu.memory_space<vmem>>, vector<1x16xf32>,
      %swap3A_54 = vector.shape_cast %swap3A_53 : vector<1x16xf32> to vector<16xf32>
      %swap3A_55 = vector.shape_cast %broadcast_in_dim3A_1 : vector<16xf32> to vector<1x16xf32>
      tpu.vector_store %arg6[%swap3A_51, %swap3A_52], %swap3A_55 {strides = array<i32>} : memref<128x128xf32, #tpu.memory_space<vmem>>, vector<1x16xf32>,
      %swap3A_56 = arith.index_cast %scan3A_41 : i32 to index
      %swap3A_57 = arith.constant 48 : index
      %swap3A_58 = tpu.vector_load %arg6[%swap3A_56, %swap3A_57] {strides = array<i32>} : memref<128x128xf32, #tpu.memory_space<vmem>>, vector<1x16xf32>,
      %swap3A_59 = vector.shape_cast %swap3A_58 : vector<1x16xf32> to vector<16xf32>
      %swap3A_60 = vector.shape_cast %broadcast_in_dim3A_1 : vector<16xf32> to vector<1x16xf32>
      tpu.vector_store %arg6[%swap3A_56, %swap3A_57], %swap3A_60 {strides = array<i32>} : memref<128x128xf32, #tpu.memory_space<vmem>>, vector<1x16xf32>,
      %swap3A_61 = arith.index_cast %scan3A_41 : i32 to index
      %swap3A_62 = arith.constant 64 : index
      %swap3A_63 = tpu.vector_load %arg6[%swap3A_61, %swap3A_62] {strides = array<i32>} : memref<128x128xf32, #tpu.memory_space<vmem>>, vector<1x16xf32>,
      %swap3A_64 = vector.shape_cast %swap3A_63 : vector<1x16xf32> to vector<16xf32>
      %swap3A_65 = vector.shape_cast %broadcast_in_dim3A_1 : vector<16xf32> to vector<1x16xf32>
      tpu.vector_store %arg6[%swap3A_61, %swap3A_62], %swap3A_65 {strides = array<i32>} : memref<128x128xf32, #tpu.memory_space<vmem>>, vector<1x16xf32>,
      %swap3A_66 = arith.index_cast %scan3A_41 : i32 to index
      %swap3A_67 = arith.constant 80 : index
      %swap3A_68 = tpu.vector_load %arg6[%swap3A_66, %swap3A_67] {strides = array<i32>} : memref<128x128xf32, #tpu.memory_space<vmem>>, vector<1x16xf32>,
      %swap3A_69 = vector.shape_cast %swap3A_68 : vector<1x16xf32> to vector<16xf32>
      %swap3A_70 = vector.shape_cast %broadcast_in_dim3A_1 : vector<16xf32> to vector<1x16xf32>
      tpu.vector_store %arg6[%swap3A_66, %swap3A_67], %swap3A_70 {strides = array<i32>} : memref<128x128xf32, #tpu.memory_space<vmem>>, vector<1x16xf32>,
      %swap3A_71 = arith.index_cast %scan3A_41 : i32 to index
      %swap3A_72 = arith.constant 96 : index
      %swap3A_73 = tpu.vector_load %arg6[%swap3A_71, %swap3A_72] {strides = array<i32>} : memref<128x128xf32, #tpu.memory_space<vmem>>, vector<1x16xf32>,
      %swap3A_74 = vector.shape_cast %swap3A_73 : vector<1x16xf32> to vector<16xf32>
      %swap3A_75 = vector.shape_cast %broadcast_in_dim3A_1 : vector<16xf32> to vector<1x16xf32>
      tpu.vector_store %arg6[%swap3A_71, %swap3A_72], %swap3A_75 {strides = array<i32>} : memref<128x128xf32, #tpu.memory_space<vmem>>, vector<1x16xf32>,
      %swap3A_76 = arith.index_cast %scan3A_41 : i32 to index
      %swap3A_77 = arith.constant 112 : index
      %swap3A_78 = tpu.vector_load %arg6[%swap3A_76, %swap3A_77] {strides = array<i32>} : memref<128x128xf32, #tpu.memory_space<vmem>>, vector<1x16xf32>,
      %swap3A_79 = vector.shape_cast %swap3A_78 : vector<1x16xf32> to vector<16xf32>
      %swap3A_80 = vector.shape_cast %broadcast_in_dim3A_1 : vector<16xf32> to vector<1x16xf32>
      tpu.vector_store %arg6[%swap3A_76, %swap3A_77], %swap3A_80 {strides = array<i32>} : memref<128x128xf32, #tpu.memory_space<vmem>>, vector<1x16xf32>,
    }
    %scan3A_6 = arith.constant 128 : i32
    %broadcast_in_dim3A_7 = arith.constant 0.000000e+00 : f32
    %broadcast_in_dim3A_8 = vector.broadcast %broadcast_in_dim3A_7 : f32 to vector<16xf32>
    %scan3A_9 = arith.constant 0 : i32
    %scan3A_10 = arith.constant 0 : i32
    %scan3A_11 = arith.constant 64 : i32
    %scan3A_12 = arith.addi %scan3A_10, %scan3A_11 : i32
    %scan3A_13 = arith.constant 1 : i32
    scf.for %scan3A_41 = %scan3A_10 to %scan3A_12 step %scan3A_13  : i32 {
      %swap3A = arith.index_cast %scan3A_41 : i32 to index
      %swap3A_42 = arith.constant 0 : index
      %swap3A_43 = tpu.vector_load %arg7[%swap3A, %swap3A_42] {strides = array<i32>} : memref<64x128xf32, #tpu.memory_space<vmem>>, vector<1x16xf32>,
      %swap3A_44 = vector.shape_cast %swap3A_43 : vector<1x16xf32> to vector<16xf32>
      %swap3A_45 = vector.shape_cast %broadcast_in_dim3A_8 : vector<16xf32> to vector<1x16xf32>
      tpu.vector_store %arg7[%swap3A, %swap3A_42], %swap3A_45 {strides = array<i32>} : memref<64x128xf32, #tpu.memory_space<vmem>>, vector<1x16xf32>,
      %swap3A_46 = arith.index_cast %scan3A_41 : i32 to index
      %swap3A_47 = arith.constant 16 : index
      %swap3A_48 = tpu.vector_load %arg7[%swap3A_46, %swap3A_47] {strides = array<i32>} : memref<64x128xf32, #tpu.memory_space<vmem>>, vector<1x16xf32>,
      %swap3A_49 = vector.shape_cast %swap3A_48 : vector<1x16xf32> to vector<16xf32>
      %swap3A_50 = vector.shape_cast %broadcast_in_dim3A_8 : vector<16xf32> to vector<1x16xf32>
      tpu.vector_store %arg7[%swap3A_46, %swap3A_47], %swap3A_50 {strides = array<i32>} : memref<64x128xf32, #tpu.memory_space<vmem>>, vector<1x16xf32>,
      %swap3A_51 = arith.index_cast %scan3A_41 : i32 to index
      %swap3A_52 = arith.constant 32 : index
      %swap3A_53 = tpu.vector_load %arg7[%swap3A_51, %swap3A_52] {strides = array<i32>} : memref<64x128xf32, #tpu.memory_space<vmem>>, vector<1x16xf32>,
      %swap3A_54 = vector.shape_cast %swap3A_53 : vector<1x16xf32> to vector<16xf32>
      %swap3A_55 = vector.shape_cast %broadcast_in_dim3A_8 : vector<16xf32> to vector<1x16xf32>
      tpu.vector_store %arg7[%swap3A_51, %swap3A_52], %swap3A_55 {strides = array<i32>} : memref<64x128xf32, #tpu.memory_space<vmem>>, vector<1x16xf32>,
      %swap3A_56 = arith.index_cast %scan3A_41 : i32 to index
      %swap3A_57 = arith.constant 48 : index
      %swap3A_58 = tpu.vector_load %arg7[%swap3A_56, %swap3A_57] {strides = array<i32>} : memref<64x128xf32, #tpu.memory_space<vmem>>, vector<1x16xf32>,
      %swap3A_59 = vector.shape_cast %swap3A_58 : vector<1x16xf32> to vector<16xf32>
      %swap3A_60 = vector.shape_cast %broadcast_in_dim3A_8 : vector<16xf32> to vector<1x16xf32>
      tpu.vector_store %arg7[%swap3A_56, %swap3A_57], %swap3A_60 {strides = array<i32>} : memref<64x128xf32, #tpu.memory_space<vmem>>, vector<1x16xf32>,
      %swap3A_61 = arith.index_cast %scan3A_41 : i32 to index
      %swap3A_62 = arith.constant 64 : index
      %swap3A_63 = tpu.vector_load %arg7[%swap3A_61, %swap3A_62] {strides = array<i32>} : memref<64x128xf32, #tpu.memory_space<vmem>>, vector<1x16xf32>,
      %swap3A_64 = vector.shape_cast %swap3A_63 : vector<1x16xf32> to vector<16xf32>
      %swap3A_65 = vector.shape_cast %broadcast_in_dim3A_8 : vector<16xf32> to vector<1x16xf32>
      tpu.vector_store %arg7[%swap3A_61, %swap3A_62], %swap3A_65 {strides = array<i32>} : memref<64x128xf32, #tpu.memory_space<vmem>>, vector<1x16xf32>,
      %swap3A_66 = arith.index_cast %scan3A_41 : i32 to index
      %swap3A_67 = arith.constant 80 : index
      %swap3A_68 = tpu.vector_load %arg7[%swap3A_66, %swap3A_67] {strides = array<i32>} : memref<64x128xf32, #tpu.memory_space<vmem>>, vector<1x16xf32>,
      %swap3A_69 = vector.shape_cast %swap3A_68 : vector<1x16xf32> to vector<16xf32>
      %swap3A_70 = vector.shape_cast %broadcast_in_dim3A_8 : vector<16xf32> to vector<1x16xf32>
      tpu.vector_store %arg7[%swap3A_66, %swap3A_67], %swap3A_70 {strides = array<i32>} : memref<64x128xf32, #tpu.memory_space<vmem>>, vector<1x16xf32>,
      %swap3A_71 = arith.index_cast %scan3A_41 : i32 to index
      %swap3A_72 = arith.constant 96 : index
      %swap3A_73 = tpu.vector_load %arg7[%swap3A_71, %swap3A_72] {strides = array<i32>} : memref<64x128xf32, #tpu.memory_space<vmem>>, vector<1x16xf32>,
      %swap3A_74 = vector.shape_cast %swap3A_73 : vector<1x16xf32> to vector<16xf32>
      %swap3A_75 = vector.shape_cast %broadcast_in_dim3A_8 : vector<16xf32> to vector<1x16xf32>
      tpu.vector_store %arg7[%swap3A_71, %swap3A_72], %swap3A_75 {strides = array<i32>} : memref<64x128xf32, #tpu.memory_space<vmem>>, vector<1x16xf32>,
      %swap3A_76 = arith.index_cast %scan3A_41 : i32 to index
      %swap3A_77 = arith.constant 112 : index
      %swap3A_78 = tpu.vector_load %arg7[%swap3A_76, %swap3A_77] {strides = array<i32>} : memref<64x128xf32, #tpu.memory_space<vmem>>, vector<1x16xf32>,
      %swap3A_79 = vector.shape_cast %swap3A_78 : vector<1x16xf32> to vector<16xf32>
      %swap3A_80 = vector.shape_cast %broadcast_in_dim3A_8 : vector<16xf32> to vector<1x16xf32>
      tpu.vector_store %arg7[%swap3A_76, %swap3A_77], %swap3A_80 {strides = array<i32>} : memref<64x128xf32, #tpu.memory_space<vmem>>, vector<1x16xf32>,
    }
    %scan3A_14 = arith.constant 64 : i32
    %scan3A_15 = arith.constant 0 : i32
    %scan3A_16 = arith.constant 0 : i32
    %scan3A_17 = arith.constant 10 : i32
    %scan3A_18 = arith.addi %scan3A_16, %scan3A_17 : i32
    %scan3A_19 = arith.constant 1 : i32
    scf.for %scan3A_41 = %scan3A_16 to %scan3A_18 step %scan3A_19  : i32 {
      %mul3A_42 = arith.constant 640 : i32
      %mul3A_43 = arith.muli %arg1, %mul3A_42 : i32
      %mul3A_44 = arith.constant 64 : i32
      %mul3A_45 = arith.muli %scan3A_41, %mul3A_44 : i32
      %add3A_46 = arith.addi %mul3A_43, %mul3A_45 : i32
      "tpu.region"() ({
        %run_scoped3A = tpu.sem_alloc : memref<!tpu.dma_semaphore, #tpu.memory_space<semaphore_mem>>
        %dma_start3A = arith.constant 0 : i32
        %dma_start3A_47 = tpu.memref_slice %arg8[%add3A_46, %dma_start3A] : memref<10240x128xf32, #tpu.memory_space<vmem_shared>> -> memref<64x128xf32, #tpu.memory_space<vmem_shared>>
        %dma_start3A_48 = arith.constant 0 : i32
        %dma_start3A_49 = tpu.memref_slice %arg8[%add3A_46, %dma_start3A_48] : memref<10240x128xf32, #tpu.memory_space<vmem_shared>> -> memref<64x128xf32, #tpu.memory_space<vmem_shared>>
        tpu.enqueue_dma source(%arg7 : memref<64x128xf32, #tpu.memory_space<vmem>>) target(%dma_start3A_49 : memref<64x128xf32, #tpu.memory_space<vmem_shared>>) target_semaphore(%run_scoped3A : memref<!tpu.dma_semaphore, #tpu.memory_space<semaphore_mem>>)
        %dma_wait3A = arith.constant 0 : i32
        %dma_wait3A_50 = tpu.memref_slice %arg8[%add3A_46, %dma_wait3A] : memref<10240x128xf32, #tpu.memory_space<vmem_shared>> -> memref<64x128xf32, #tpu.memory_space<vmem_shared>>
        %dma_wait3A_51 = arith.constant 0 : i32
        %dma_wait3A_52 = tpu.memref_slice %arg8[%add3A_46, %dma_wait3A_51] : memref<10240x128xf32, #tpu.memory_space<vmem_shared>> -> memref<64x128xf32, #tpu.memory_space<vmem_shared>>
        tpu.wait_dma2 semaphore(%run_scoped3A : memref<!tpu.dma_semaphore, #tpu.memory_space<semaphore_mem>>) src(%arg7 : memref<64x128xf32, #tpu.memory_space<vmem>>) dst(%dma_wait3A_52 : memref<64x128xf32, #tpu.memory_space<vmem_shared>>)
        tpu.yield
      }) : () -> ()
    }
    %scan3A_20 = arith.constant 10 : i32
    %lt3A = arith.constant 31 : i32
    %lt3A_21 = arith.cmpi slt, %add3A, %lt3A : i32
    %convert_element_type3A = arith.extui %lt3A_21 : i1 to i32
    %cond3A = arith.constant 0 : i32
    %cond3A_22 = arith.cmpi ne, %convert_element_type3A, %cond3A : i32
    scf.if %cond3A_22 {
      %mul3A_41 = arith.constant 40 : i32
      %mul3A_42 = arith.muli %add3A, %mul3A_41 : i32
      %run_scoped3A = arith.constant 1 : i32
      "tpu.region"() ({
        %run_scoped3A_43 = tpu.sem_alloc : memref<!tpu.dma_semaphore, #tpu.memory_space<semaphore_mem>>
        %dma_start3A = arith.constant 0 : i32
        %dma_start3A_44 = tpu.memref_slice %arg2[%run_scoped3A, %mul3A_42, %dma_start3A] : memref<2x1250x128xi32, #tpu.memory_space<hbm>> -> memref<1x40x128xi32, #tpu.memory_space<hbm>>
        %dma_start3A_45 = tpu.memref_squeeze %dma_start3A_44 : memref<1x40x128xi32, #tpu.memory_space<hbm>> -> memref<40x128xi32, #tpu.memory_space<hbm>>
        %dma_start3A_46 = arith.constant 0 : i32
        %dma_start3A_47 = tpu.memref_slice %arg2[%run_scoped3A, %mul3A_42, %dma_start3A_46] : memref<2x1250x128xi32, #tpu.memory_space<hbm>> -> memref<1x40x128xi32, #tpu.memory_space<hbm>>
        %dma_start3A_48 = tpu.memref_squeeze %dma_start3A_47 : memref<1x40x128xi32, #tpu.memory_space<hbm>> -> memref<40x128xi32, #tpu.memory_space<hbm>>
        tpu.enqueue_dma source(%dma_start3A_48 : memref<40x128xi32, #tpu.memory_space<hbm>>) target(%arg5 : memref<40x128xi32, #tpu.memory_space<vmem>>) target_semaphore(%run_scoped3A_43 : memref<!tpu.dma_semaphore, #tpu.memory_space<semaphore_mem>>)
        %dma_wait3A = arith.constant 0 : i32
        %dma_wait3A_49 = tpu.memref_slice %arg2[%run_scoped3A, %mul3A_42, %dma_wait3A] : memref<2x1250x128xi32, #tpu.memory_space<hbm>> -> memref<1x40x128xi32, #tpu.memory_space<hbm>>
        %dma_wait3A_50 = tpu.memref_squeeze %dma_wait3A_49 : memref<1x40x128xi32, #tpu.memory_space<hbm>> -> memref<40x128xi32, #tpu.memory_space<hbm>>
        %dma_wait3A_51 = arith.constant 0 : i32
        %dma_wait3A_52 = tpu.memref_slice %arg2[%run_scoped3A, %mul3A_42, %dma_wait3A_51] : memref<2x1250x128xi32, #tpu.memory_space<hbm>> -> memref<1x40x128xi32, #tpu.memory_space<hbm>>
        %dma_wait3A_53 = tpu.memref_squeeze %dma_wait3A_52 : memref<1x40x128xi32, #tpu.memory_space<hbm>> -> memref<40x128xi32, #tpu.memory_space<hbm>>
        tpu.wait_dma2 semaphore(%run_scoped3A_43 : memref<!tpu.dma_semaphore, #tpu.memory_space<semaphore_mem>>) src(%dma_wait3A_53 : memref<40x128xi32, #tpu.memory_space<hbm>>) dst(%arg5 : memref<40x128xi32, #tpu.memory_space<vmem>>)
        tpu.yield
      }) : () -> ()
    } else {
    }
    %eq3A = arith.constant 31 : i32
    %eq3A_23 = arith.cmpi eq, %add3A, %eq3A : i32
    %convert_element_type3A_24 = arith.extui %eq3A_23 : i1 to i32
    %cond3A_25 = arith.constant 0 : i32
    %cond3A_26 = arith.cmpi ne, %convert_element_type3A_24, %cond3A_25 : i32
    scf.if %cond3A_26 {
      %mul3A_41 = arith.constant 40 : i32
      %mul3A_42 = arith.muli %add3A, %mul3A_41 : i32
      %run_scoped3A = arith.constant 1 : i32
      "tpu.region"() ({
        %run_scoped3A_43 = tpu.sem_alloc : memref<!tpu.dma_semaphore, #tpu.memory_space<semaphore_mem>>
        %dma_start3A = arith.constant 0 : i32
        %dma_start3A_44 = arith.constant 0 : i32
        %dma_start3A_45 = tpu.memref_slice %arg5[%dma_start3A, %dma_start3A_44] : memref<40x128xi32, #tpu.memory_space<vmem>> -> memref<8x128xi32, #tpu.memory_space<vmem>>
        %dma_start3A_46 = arith.constant 0 : i32
        %dma_start3A_47 = tpu.memref_slice %arg2[%run_scoped3A, %mul3A_42, %dma_start3A_46] : memref<2x1250x128xi32, #tpu.memory_space<hbm>> -> memref<1x8x128xi32, #tpu.memory_space<hbm>>
        %dma_start3A_48 = tpu.memref_squeeze %dma_start3A_47 : memref<1x8x128xi32, #tpu.memory_space<hbm>> -> memref<8x128xi32, #tpu.memory_space<hbm>>
        %dma_start3A_49 = arith.constant 0 : i32
        %dma_start3A_50 = arith.constant 0 : i32
        %dma_start3A_51 = tpu.memref_slice %arg5[%dma_start3A_49, %dma_start3A_50] : memref<40x128xi32, #tpu.memory_space<vmem>> -> memref<8x128xi32, #tpu.memory_space<vmem>>
        %dma_start3A_52 = arith.constant 0 : i32
        %dma_start3A_53 = tpu.memref_slice %arg2[%run_scoped3A, %mul3A_42, %dma_start3A_52] : memref<2x1250x128xi32, #tpu.memory_space<hbm>> -> memref<1x8x128xi32, #tpu.memory_space<hbm>>
        %dma_start3A_54 = tpu.memref_squeeze %dma_start3A_53 : memref<1x8x128xi32, #tpu.memory_space<hbm>> -> memref<8x128xi32, #tpu.memory_space<hbm>>
        tpu.enqueue_dma source(%dma_start3A_54 : memref<8x128xi32, #tpu.memory_space<hbm>>) target(%dma_start3A_51 : memref<8x128xi32, #tpu.memory_space<vmem>>) target_semaphore(%run_scoped3A_43 : memref<!tpu.dma_semaphore, #tpu.memory_space<semaphore_mem>>)
        %dma_wait3A = arith.constant 0 : i32
        %dma_wait3A_55 = arith.constant 0 : i32
        %dma_wait3A_56 = tpu.memref_slice %arg5[%dma_wait3A, %dma_wait3A_55] : memref<40x128xi32, #tpu.memory_space<vmem>> -> memref<8x128xi32, #tpu.memory_space<vmem>>
        %dma_wait3A_57 = arith.constant 0 : i32
        %dma_wait3A_58 = tpu.memref_slice %arg2[%run_scoped3A, %mul3A_42, %dma_wait3A_57] : memref<2x1250x128xi32, #tpu.memory_space<hbm>> -> memref<1x8x128xi32, #tpu.memory_space<hbm>>
        %dma_wait3A_59 = tpu.memref_squeeze %dma_wait3A_58 : memref<1x8x128xi32, #tpu.memory_space<hbm>> -> memref<8x128xi32, #tpu.memory_space<hbm>>
        %dma_wait3A_60 = arith.constant 0 : i32
        %dma_wait3A_61 = arith.constant 0 : i32
        %dma_wait3A_62 = tpu.memref_slice %arg5[%dma_wait3A_60, %dma_wait3A_61] : memref<40x128xi32, #tpu.memory_space<vmem>> -> memref<8x128xi32, #tpu.memory_space<vmem>>
        %dma_wait3A_63 = arith.constant 0 : i32
        %dma_wait3A_64 = tpu.memref_slice %arg2[%run_scoped3A, %mul3A_42, %dma_wait3A_63] : memref<2x1250x128xi32, #tpu.memory_space<hbm>> -> memref<1x8x128xi32, #tpu.memory_space<hbm>>
        %dma_wait3A_65 = tpu.memref_squeeze %dma_wait3A_64 : memref<1x8x128xi32, #tpu.memory_space<hbm>> -> memref<8x128xi32, #tpu.memory_space<hbm>>
        tpu.wait_dma2 semaphore(%run_scoped3A_43 : memref<!tpu.dma_semaphore, #tpu.memory_space<semaphore_mem>>) src(%dma_wait3A_65 : memref<8x128xi32, #tpu.memory_space<hbm>>) dst(%dma_wait3A_62 : memref<8x128xi32, #tpu.memory_space<vmem>>)
        tpu.yield
      }) : () -> ()
      "tpu.region"() ({
        %run_scoped3A_43 = tpu.sem_alloc : memref<!tpu.dma_semaphore, #tpu.memory_space<semaphore_mem>>
        %dma_start3A = arith.constant 8 : i32
        %dma_start3A_44 = arith.constant 0 : i32
        %dma_start3A_45 = tpu.memref_slice %arg5[%dma_start3A, %dma_start3A_44] : memref<40x128xi32, #tpu.memory_space<vmem>> -> memref<32x128xi32, #tpu.memory_space<vmem>>
        %dma_start3A_46 = arith.constant 8 : i32
        %dma_start3A_47 = arith.constant 0 : i32
        %dma_start3A_48 = tpu.memref_slice %arg5[%dma_start3A_46, %dma_start3A_47] : memref<40x128xi32, #tpu.memory_space<vmem>> -> memref<32x128xi32, #tpu.memory_space<vmem>>
        tpu.enqueue_dma source(%arg3 : memref<32x128xi32, #tpu.memory_space<hbm>>) target(%dma_start3A_48 : memref<32x128xi32, #tpu.memory_space<vmem>>) target_semaphore(%run_scoped3A_43 : memref<!tpu.dma_semaphore, #tpu.memory_space<semaphore_mem>>)
        %dma_wait3A = arith.constant 8 : i32
        %dma_wait3A_49 = arith.constant 0 : i32
        %dma_wait3A_50 = tpu.memref_slice %arg5[%dma_wait3A, %dma_wait3A_49] : memref<40x128xi32, #tpu.memory_space<vmem>> -> memref<32x128xi32, #tpu.memory_space<vmem>>
        %dma_wait3A_51 = arith.constant 8 : i32
        %dma_wait3A_52 = arith.constant 0 : i32
        %dma_wait3A_53 = tpu.memref_slice %arg5[%dma_wait3A_51, %dma_wait3A_52] : memref<40x128xi32, #tpu.memory_space<vmem>> -> memref<32x128xi32, #tpu.memory_space<vmem>>
        tpu.wait_dma2 semaphore(%run_scoped3A_43 : memref<!tpu.dma_semaphore, #tpu.memory_space<semaphore_mem>>) src(%arg3 : memref<32x128xi32, #tpu.memory_space<hbm>>) dst(%dma_wait3A_53 : memref<32x128xi32, #tpu.memory_space<vmem>>)
        tpu.yield
      }) : () -> ()
    } else {
    }
    %barrier3A = arith.constant 0 : index
    tpu.barrier barrier_id(%barrier3A)
    %scan3A_27 = arith.constant 0 : i32
    %scan3A_28 = arith.constant 0 : i32
    %scan3A_29 = arith.constant 40 : i32
    %scan3A_30 = arith.addi %scan3A_28, %scan3A_29 : i32
    %scan3A_31 = arith.constant 1 : i32
    scf.for %scan3A_41 = %scan3A_28 to %scan3A_30 step %scan3A_31  : i32 {
      "tpu.region"() ({
        %run_scoped3A = tpu.sem_alloc : memref<!tpu.dma_semaphore, #tpu.memory_space<semaphore_mem>>
        %dma_start3A = arith.constant 0 : i32
        %dma_start3A_42 = tpu.memref_slice %arg5[%scan3A_41, %dma_start3A] : memref<40x128xi32, #tpu.memory_space<vmem>> -> memref<1x128xi32, #tpu.memory_space<vmem>>
        %dma_start3A_43 = tpu.memref_squeeze %dma_start3A_42 : memref<1x128xi32, #tpu.memory_space<vmem>> -> memref<128xi32, #tpu.memory_space<vmem>>
        %dma_start3A_44 = arith.constant 0 : i32
        %dma_start3A_45 = arith.constant 0 : i32
        %dma_start3A_46 = tpu.memref_slice %arg8[%dma_start3A_44, %dma_start3A_45] : memref<10240x128xf32, #tpu.memory_space<vmem_shared>> -> memref<10240x128xf32, #tpu.memory_space<vmem_shared>>
        tpu.enqueue_indirect_dma source(%arg6 : memref<128x128xf32, #tpu.memory_space<vmem>>) target(%dma_start3A_46 : memref<10240x128xf32, #tpu.memory_space<vmem_shared>>) offsets(%dma_start3A_43 : memref<128xi32, #tpu.memory_space<vmem>>) semaphore(%run_scoped3A : memref<!tpu.dma_semaphore, #tpu.memory_space<semaphore_mem>>) {add = true}
        %dma_wait3A = arith.constant 0 : i32
        %dma_wait3A_47 = tpu.memref_slice %arg5[%scan3A_41, %dma_wait3A] : memref<40x128xi32, #tpu.memory_space<vmem>> -> memref<1x128xi32, #tpu.memory_space<vmem>>
        %dma_wait3A_48 = tpu.memref_squeeze %dma_wait3A_47 : memref<1x128xi32, #tpu.memory_space<vmem>> -> memref<128xi32, #tpu.memory_space<vmem>>
        %dma_wait3A_49 = arith.constant 0 : i32
        %dma_wait3A_50 = arith.constant 0 : i32
        %dma_wait3A_51 = tpu.memref_slice %arg8[%dma_wait3A_49, %dma_wait3A_50] : memref<10240x128xf32, #tpu.memory_space<vmem_shared>> -> memref<10240x128xf32, #tpu.memory_space<vmem_shared>>
        tpu.wait_indirect_dma semaphore(%run_scoped3A : memref<!tpu.dma_semaphore, #tpu.memory_space<semaphore_mem>>) src(%arg6 : memref<128x128xf32, #tpu.memory_space<vmem>>) dst(%dma_wait3A_51 : memref<10240x128xf32, #tpu.memory_space<vmem_shared>>)
        tpu.yield
      }) : () -> ()
    }
    %scan3A_32 = arith.constant 40 : i32
    %barrier3A_33 = arith.constant 0 : index
    tpu.barrier barrier_id(%barrier3A_33)
    %mul3A_34 = arith.constant 640 : i32
    %mul3A_35 = arith.muli %arg1, %mul3A_34 : i32
    %mul3A_36 = arith.constant 10240 : i32
    %mul3A_37 = arith.muli %arg0, %mul3A_36 : i32
    %mul3A_38 = arith.constant 640 : i32
    %mul3A_39 = arith.muli %arg1, %mul3A_38 : i32
    %add3A_40 = arith.addi %mul3A_37, %mul3A_39 : i32
    "tpu.region"() ({
      %run_scoped3A = tpu.sem_alloc : memref<!tpu.dma_semaphore, #tpu.memory_space<semaphore_mem>>
      %dma_start3A = arith.constant 0 : i32
      %dma_start3A_41 = tpu.memref_slice %arg4[%add3A_40, %dma_start3A] : memref<20480x128xf32, #tpu.memory_space<hbm>> -> memref<640x128xf32, #tpu.memory_space<hbm>>
      %dma_start3A_42 = arith.constant 0 : i32
      %dma_start3A_43 = tpu.memref_slice %arg8[%mul3A_35, %dma_start3A_42] : memref<10240x128xf32, #tpu.memory_space<vmem_shared>> -> memref<640x128xf32, #tpu.memory_space<vmem_shared>>
      tpu.enqueue_dma source(%dma_start3A_43 : memref<640x128xf32, #tpu.memory_space<vmem_shared>>) target(%dma_start3A_41 : memref<640x128xf32, #tpu.memory_space<hbm>>) target_semaphore(%run_scoped3A : memref<!tpu.dma_semaphore, #tpu.memory_space<semaphore_mem>>)
      %dma_wait3A = arith.constant 0 : i32
      %dma_wait3A_44 = tpu.memref_slice %arg4[%add3A_40, %dma_wait3A] : memref<20480x128xf32, #tpu.memory_space<hbm>> -> memref<640x128xf32, #tpu.memory_space<hbm>>
      %dma_wait3A_45 = arith.constant 0 : i32
      %dma_wait3A_46 = tpu.memref_slice %arg8[%mul3A_35, %dma_wait3A_45] : memref<10240x128xf32, #tpu.memory_space<vmem_shared>> -> memref<640x128xf32, #tpu.memory_space<vmem_shared>>
      tpu.wait_dma2 semaphore(%run_scoped3A : memref<!tpu.dma_semaphore, #tpu.memory_space<semaphore_mem>>) src(%dma_wait3A_46 : memref<640x128xf32, #tpu.memory_space<vmem_shared>>) dst(%dma_wait3A_44 : memref<640x128xf32, #tpu.memory_space<hbm>>)
      tpu.yield
    }) : () -> ()
    return
  }
}

#map = affine_map<(d0, d1) -> (0, 0)>
#map1 = affine_map<(d0, d1) -> (0, 0, 0)>
module attributes {stable_mosaic.version = 14 : i64} {
  func.func @agg_kernel(%arg0: i32, %arg1: i32, %arg2: memref<10000x128xf32, #tpu.memory_space<hbm>>, %arg3: memref<2x1250x128xi32, #tpu.memory_space<hbm>>, %arg4: memref<32x128xi32, #tpu.memory_space<hbm>>, %arg5: memref<32x128xi32, #tpu.memory_space<hbm>>, %arg6: memref<20480x128xf32, #tpu.memory_space<hbm>>, %arg7: memref<40x128xi32, #tpu.memory_space<vmem>>, %arg8: memref<40x128xi32, #tpu.memory_space<vmem>>, %arg9: memref<256x128xf32, #tpu.memory_space<vmem>>, %arg10: memref<32x128xf32, #tpu.memory_space<vmem>>, %arg11: memref<10240x128xf32, #tpu.memory_space<vmem_shared>>, %arg12: memref<!tpu.dma_semaphore, #tpu.memory_space<semaphore_mem>>, %arg13: memref<!tpu.dma_semaphore, #tpu.memory_space<semaphore_mem>>) attributes {dimension_semantics = [#tpu.dimension_semantics<core_parallel>, #tpu.dimension_semantics<subcore_parallel>], iteration_bounds = array<i64: 2, 16>, scalar_prefetch = 0 : i64, scratch_operands = 7 : i64, tpu.core_type = #tpu.core_type<sc_vector_subcore>, window_params = [{transform_indices = #map}, {transform_indices = #map1}, {transform_indices = #map}, {transform_indices = #map}, {transform_indices = #map}]} {
    %mul3A = arith.constant 16 : i32
    %mul3A_0 = arith.muli %arg0, %mul3A : i32
    %add3A = arith.addi %mul3A_0, %arg1 : i32
    %lt3A = arith.constant 31 : i32
    %lt3A_1 = arith.cmpi slt, %add3A, %lt3A : i32
    %convert_element_type3A = arith.extui %lt3A_1 : i1 to i32
    %cond3A = arith.constant 0 : i32
    %cond3A_2 = arith.cmpi ne, %convert_element_type3A, %cond3A : i32
    scf.if %cond3A_2 {
      %mul3A_81 = arith.constant 40 : i32
      %mul3A_82 = arith.muli %add3A, %mul3A_81 : i32
      %run_scoped3A = arith.constant 0 : i32
      "tpu.region"() ({
        %run_scoped3A_83 = tpu.sem_alloc : memref<!tpu.dma_semaphore, #tpu.memory_space<semaphore_mem>>
        %dma_start3A_84 = arith.constant 0 : i32
        %dma_start3A_85 = tpu.memref_slice %arg3[%run_scoped3A, %mul3A_82, %dma_start3A_84] : memref<2x1250x128xi32, #tpu.memory_space<hbm>> -> memref<1x40x128xi32, #tpu.memory_space<hbm>>
        %dma_start3A_86 = tpu.memref_squeeze %dma_start3A_85 : memref<1x40x128xi32, #tpu.memory_space<hbm>> -> memref<40x128xi32, #tpu.memory_space<hbm>>
        %dma_start3A_87 = arith.constant 0 : i32
        %dma_start3A_88 = tpu.memref_slice %arg3[%run_scoped3A, %mul3A_82, %dma_start3A_87] : memref<2x1250x128xi32, #tpu.memory_space<hbm>> -> memref<1x40x128xi32, #tpu.memory_space<hbm>>
        %dma_start3A_89 = tpu.memref_squeeze %dma_start3A_88 : memref<1x40x128xi32, #tpu.memory_space<hbm>> -> memref<40x128xi32, #tpu.memory_space<hbm>>
        tpu.enqueue_dma source(%dma_start3A_89 : memref<40x128xi32, #tpu.memory_space<hbm>>) target(%arg7 : memref<40x128xi32, #tpu.memory_space<vmem>>) target_semaphore(%run_scoped3A_83 : memref<!tpu.dma_semaphore, #tpu.memory_space<semaphore_mem>>)
        %dma_wait3A_90 = arith.constant 0 : i32
        %dma_wait3A_91 = tpu.memref_slice %arg3[%run_scoped3A, %mul3A_82, %dma_wait3A_90] : memref<2x1250x128xi32, #tpu.memory_space<hbm>> -> memref<1x40x128xi32, #tpu.memory_space<hbm>>
        %dma_wait3A_92 = tpu.memref_squeeze %dma_wait3A_91 : memref<1x40x128xi32, #tpu.memory_space<hbm>> -> memref<40x128xi32, #tpu.memory_space<hbm>>
        %dma_wait3A_93 = arith.constant 0 : i32
        %dma_wait3A_94 = tpu.memref_slice %arg3[%run_scoped3A, %mul3A_82, %dma_wait3A_93] : memref<2x1250x128xi32, #tpu.memory_space<hbm>> -> memref<1x40x128xi32, #tpu.memory_space<hbm>>
        %dma_wait3A_95 = tpu.memref_squeeze %dma_wait3A_94 : memref<1x40x128xi32, #tpu.memory_space<hbm>> -> memref<40x128xi32, #tpu.memory_space<hbm>>
        tpu.wait_dma2 semaphore(%run_scoped3A_83 : memref<!tpu.dma_semaphore, #tpu.memory_space<semaphore_mem>>) src(%dma_wait3A_95 : memref<40x128xi32, #tpu.memory_space<hbm>>) dst(%arg7 : memref<40x128xi32, #tpu.memory_space<vmem>>)
        tpu.yield
      }) : () -> ()
    } else {
    }
    %eq3A = arith.constant 31 : i32
    %eq3A_3 = arith.cmpi eq, %add3A, %eq3A : i32
    %convert_element_type3A_4 = arith.extui %eq3A_3 : i1 to i32
    %cond3A_5 = arith.constant 0 : i32
    %cond3A_6 = arith.cmpi ne, %convert_element_type3A_4, %cond3A_5 : i32
    scf.if %cond3A_6 {
      %mul3A_81 = arith.constant 40 : i32
      %mul3A_82 = arith.muli %add3A, %mul3A_81 : i32
      %run_scoped3A = arith.constant 0 : i32
      "tpu.region"() ({
        %run_scoped3A_83 = tpu.sem_alloc : memref<!tpu.dma_semaphore, #tpu.memory_space<semaphore_mem>>
        %dma_start3A_84 = arith.constant 0 : i32
        %dma_start3A_85 = arith.constant 0 : i32
        %dma_start3A_86 = tpu.memref_slice %arg7[%dma_start3A_84, %dma_start3A_85] : memref<40x128xi32, #tpu.memory_space<vmem>> -> memref<8x128xi32, #tpu.memory_space<vmem>>
        %dma_start3A_87 = arith.constant 0 : i32
        %dma_start3A_88 = tpu.memref_slice %arg3[%run_scoped3A, %mul3A_82, %dma_start3A_87] : memref<2x1250x128xi32, #tpu.memory_space<hbm>> -> memref<1x8x128xi32, #tpu.memory_space<hbm>>
        %dma_start3A_89 = tpu.memref_squeeze %dma_start3A_88 : memref<1x8x128xi32, #tpu.memory_space<hbm>> -> memref<8x128xi32, #tpu.memory_space<hbm>>
        %dma_start3A_90 = arith.constant 0 : i32
        %dma_start3A_91 = arith.constant 0 : i32
        %dma_start3A_92 = tpu.memref_slice %arg7[%dma_start3A_90, %dma_start3A_91] : memref<40x128xi32, #tpu.memory_space<vmem>> -> memref<8x128xi32, #tpu.memory_space<vmem>>
        %dma_start3A_93 = arith.constant 0 : i32
        %dma_start3A_94 = tpu.memref_slice %arg3[%run_scoped3A, %mul3A_82, %dma_start3A_93] : memref<2x1250x128xi32, #tpu.memory_space<hbm>> -> memref<1x8x128xi32, #tpu.memory_space<hbm>>
        %dma_start3A_95 = tpu.memref_squeeze %dma_start3A_94 : memref<1x8x128xi32, #tpu.memory_space<hbm>> -> memref<8x128xi32, #tpu.memory_space<hbm>>
        tpu.enqueue_dma source(%dma_start3A_95 : memref<8x128xi32, #tpu.memory_space<hbm>>) target(%dma_start3A_92 : memref<8x128xi32, #tpu.memory_space<vmem>>) target_semaphore(%run_scoped3A_83 : memref<!tpu.dma_semaphore, #tpu.memory_space<semaphore_mem>>)
        %dma_wait3A_96 = arith.constant 0 : i32
        %dma_wait3A_97 = arith.constant 0 : i32
        %dma_wait3A_98 = tpu.memref_slice %arg7[%dma_wait3A_96, %dma_wait3A_97] : memref<40x128xi32, #tpu.memory_space<vmem>> -> memref<8x128xi32, #tpu.memory_space<vmem>>
        %dma_wait3A_99 = arith.constant 0 : i32
        %dma_wait3A_100 = tpu.memref_slice %arg3[%run_scoped3A, %mul3A_82, %dma_wait3A_99] : memref<2x1250x128xi32, #tpu.memory_space<hbm>> -> memref<1x8x128xi32, #tpu.memory_space<hbm>>
        %dma_wait3A_101 = tpu.memref_squeeze %dma_wait3A_100 : memref<1x8x128xi32, #tpu.memory_space<hbm>> -> memref<8x128xi32, #tpu.memory_space<hbm>>
        %dma_wait3A_102 = arith.constant 0 : i32
        %dma_wait3A_103 = arith.constant 0 : i32
        %dma_wait3A_104 = tpu.memref_slice %arg7[%dma_wait3A_102, %dma_wait3A_103] : memref<40x128xi32, #tpu.memory_space<vmem>> -> memref<8x128xi32, #tpu.memory_space<vmem>>
        %dma_wait3A_105 = arith.constant 0 : i32
        %dma_wait3A_106 = tpu.memref_slice %arg3[%run_scoped3A, %mul3A_82, %dma_wait3A_105] : memref<2x1250x128xi32, #tpu.memory_space<hbm>> -> memref<1x8x128xi32, #tpu.memory_space<hbm>>
        %dma_wait3A_107 = tpu.memref_squeeze %dma_wait3A_106 : memref<1x8x128xi32, #tpu.memory_space<hbm>> -> memref<8x128xi32, #tpu.memory_space<hbm>>
        tpu.wait_dma2 semaphore(%run_scoped3A_83 : memref<!tpu.dma_semaphore, #tpu.memory_space<semaphore_mem>>) src(%dma_wait3A_107 : memref<8x128xi32, #tpu.memory_space<hbm>>) dst(%dma_wait3A_104 : memref<8x128xi32, #tpu.memory_space<vmem>>)
        tpu.yield
      }) : () -> ()
      "tpu.region"() ({
        %run_scoped3A_83 = tpu.sem_alloc : memref<!tpu.dma_semaphore, #tpu.memory_space<semaphore_mem>>
        %dma_start3A_84 = arith.constant 8 : i32
        %dma_start3A_85 = arith.constant 0 : i32
        %dma_start3A_86 = tpu.memref_slice %arg7[%dma_start3A_84, %dma_start3A_85] : memref<40x128xi32, #tpu.memory_space<vmem>> -> memref<32x128xi32, #tpu.memory_space<vmem>>
        %dma_start3A_87 = arith.constant 8 : i32
        %dma_start3A_88 = arith.constant 0 : i32
        %dma_start3A_89 = tpu.memref_slice %arg7[%dma_start3A_87, %dma_start3A_88] : memref<40x128xi32, #tpu.memory_space<vmem>> -> memref<32x128xi32, #tpu.memory_space<vmem>>
        tpu.enqueue_dma source(%arg4 : memref<32x128xi32, #tpu.memory_space<hbm>>) target(%dma_start3A_89 : memref<32x128xi32, #tpu.memory_space<vmem>>) target_semaphore(%run_scoped3A_83 : memref<!tpu.dma_semaphore, #tpu.memory_space<semaphore_mem>>)
        %dma_wait3A_90 = arith.constant 8 : i32
        %dma_wait3A_91 = arith.constant 0 : i32
        %dma_wait3A_92 = tpu.memref_slice %arg7[%dma_wait3A_90, %dma_wait3A_91] : memref<40x128xi32, #tpu.memory_space<vmem>> -> memref<32x128xi32, #tpu.memory_space<vmem>>
        %dma_wait3A_93 = arith.constant 8 : i32
        %dma_wait3A_94 = arith.constant 0 : i32
        %dma_wait3A_95 = tpu.memref_slice %arg7[%dma_wait3A_93, %dma_wait3A_94] : memref<40x128xi32, #tpu.memory_space<vmem>> -> memref<32x128xi32, #tpu.memory_space<vmem>>
        tpu.wait_dma2 semaphore(%run_scoped3A_83 : memref<!tpu.dma_semaphore, #tpu.memory_space<semaphore_mem>>) src(%arg4 : memref<32x128xi32, #tpu.memory_space<hbm>>) dst(%dma_wait3A_95 : memref<32x128xi32, #tpu.memory_space<vmem>>)
        tpu.yield
      }) : () -> ()
    } else {
    }
    %lt3A_7 = arith.constant 31 : i32
    %lt3A_8 = arith.cmpi slt, %add3A, %lt3A_7 : i32
    %convert_element_type3A_9 = arith.extui %lt3A_8 : i1 to i32
    %cond3A_10 = arith.constant 0 : i32
    %cond3A_11 = arith.cmpi ne, %convert_element_type3A_9, %cond3A_10 : i32
    scf.if %cond3A_11 {
      %mul3A_81 = arith.constant 40 : i32
      %mul3A_82 = arith.muli %add3A, %mul3A_81 : i32
      %run_scoped3A = arith.constant 1 : i32
      "tpu.region"() ({
        %run_scoped3A_83 = tpu.sem_alloc : memref<!tpu.dma_semaphore, #tpu.memory_space<semaphore_mem>>
        %dma_start3A_84 = arith.constant 0 : i32
        %dma_start3A_85 = tpu.memref_slice %arg3[%run_scoped3A, %mul3A_82, %dma_start3A_84] : memref<2x1250x128xi32, #tpu.memory_space<hbm>> -> memref<1x40x128xi32, #tpu.memory_space<hbm>>
        %dma_start3A_86 = tpu.memref_squeeze %dma_start3A_85 : memref<1x40x128xi32, #tpu.memory_space<hbm>> -> memref<40x128xi32, #tpu.memory_space<hbm>>
        %dma_start3A_87 = arith.constant 0 : i32
        %dma_start3A_88 = tpu.memref_slice %arg3[%run_scoped3A, %mul3A_82, %dma_start3A_87] : memref<2x1250x128xi32, #tpu.memory_space<hbm>> -> memref<1x40x128xi32, #tpu.memory_space<hbm>>
        %dma_start3A_89 = tpu.memref_squeeze %dma_start3A_88 : memref<1x40x128xi32, #tpu.memory_space<hbm>> -> memref<40x128xi32, #tpu.memory_space<hbm>>
        tpu.enqueue_dma source(%dma_start3A_89 : memref<40x128xi32, #tpu.memory_space<hbm>>) target(%arg8 : memref<40x128xi32, #tpu.memory_space<vmem>>) target_semaphore(%run_scoped3A_83 : memref<!tpu.dma_semaphore, #tpu.memory_space<semaphore_mem>>)
        %dma_wait3A_90 = arith.constant 0 : i32
        %dma_wait3A_91 = tpu.memref_slice %arg3[%run_scoped3A, %mul3A_82, %dma_wait3A_90] : memref<2x1250x128xi32, #tpu.memory_space<hbm>> -> memref<1x40x128xi32, #tpu.memory_space<hbm>>
        %dma_wait3A_92 = tpu.memref_squeeze %dma_wait3A_91 : memref<1x40x128xi32, #tpu.memory_space<hbm>> -> memref<40x128xi32, #tpu.memory_space<hbm>>
        %dma_wait3A_93 = arith.constant 0 : i32
        %dma_wait3A_94 = tpu.memref_slice %arg3[%run_scoped3A, %mul3A_82, %dma_wait3A_93] : memref<2x1250x128xi32, #tpu.memory_space<hbm>> -> memref<1x40x128xi32, #tpu.memory_space<hbm>>
        %dma_wait3A_95 = tpu.memref_squeeze %dma_wait3A_94 : memref<1x40x128xi32, #tpu.memory_space<hbm>> -> memref<40x128xi32, #tpu.memory_space<hbm>>
        tpu.wait_dma2 semaphore(%run_scoped3A_83 : memref<!tpu.dma_semaphore, #tpu.memory_space<semaphore_mem>>) src(%dma_wait3A_95 : memref<40x128xi32, #tpu.memory_space<hbm>>) dst(%arg8 : memref<40x128xi32, #tpu.memory_space<vmem>>)
        tpu.yield
      }) : () -> ()
    } else {
    }
    %eq3A_12 = arith.constant 31 : i32
    %eq3A_13 = arith.cmpi eq, %add3A, %eq3A_12 : i32
    %convert_element_type3A_14 = arith.extui %eq3A_13 : i1 to i32
    %cond3A_15 = arith.constant 0 : i32
    %cond3A_16 = arith.cmpi ne, %convert_element_type3A_14, %cond3A_15 : i32
    scf.if %cond3A_16 {
      %mul3A_81 = arith.constant 40 : i32
      %mul3A_82 = arith.muli %add3A, %mul3A_81 : i32
      %run_scoped3A = arith.constant 1 : i32
      "tpu.region"() ({
        %run_scoped3A_83 = tpu.sem_alloc : memref<!tpu.dma_semaphore, #tpu.memory_space<semaphore_mem>>
        %dma_start3A_84 = arith.constant 0 : i32
        %dma_start3A_85 = arith.constant 0 : i32
        %dma_start3A_86 = tpu.memref_slice %arg8[%dma_start3A_84, %dma_start3A_85] : memref<40x128xi32, #tpu.memory_space<vmem>> -> memref<8x128xi32, #tpu.memory_space<vmem>>
        %dma_start3A_87 = arith.constant 0 : i32
        %dma_start3A_88 = tpu.memref_slice %arg3[%run_scoped3A, %mul3A_82, %dma_start3A_87] : memref<2x1250x128xi32, #tpu.memory_space<hbm>> -> memref<1x8x128xi32, #tpu.memory_space<hbm>>
        %dma_start3A_89 = tpu.memref_squeeze %dma_start3A_88 : memref<1x8x128xi32, #tpu.memory_space<hbm>> -> memref<8x128xi32, #tpu.memory_space<hbm>>
        %dma_start3A_90 = arith.constant 0 : i32
        %dma_start3A_91 = arith.constant 0 : i32
        %dma_start3A_92 = tpu.memref_slice %arg8[%dma_start3A_90, %dma_start3A_91] : memref<40x128xi32, #tpu.memory_space<vmem>> -> memref<8x128xi32, #tpu.memory_space<vmem>>
        %dma_start3A_93 = arith.constant 0 : i32
        %dma_start3A_94 = tpu.memref_slice %arg3[%run_scoped3A, %mul3A_82, %dma_start3A_93] : memref<2x1250x128xi32, #tpu.memory_space<hbm>> -> memref<1x8x128xi32, #tpu.memory_space<hbm>>
        %dma_start3A_95 = tpu.memref_squeeze %dma_start3A_94 : memref<1x8x128xi32, #tpu.memory_space<hbm>> -> memref<8x128xi32, #tpu.memory_space<hbm>>
        tpu.enqueue_dma source(%dma_start3A_95 : memref<8x128xi32, #tpu.memory_space<hbm>>) target(%dma_start3A_92 : memref<8x128xi32, #tpu.memory_space<vmem>>) target_semaphore(%run_scoped3A_83 : memref<!tpu.dma_semaphore, #tpu.memory_space<semaphore_mem>>)
        %dma_wait3A_96 = arith.constant 0 : i32
        %dma_wait3A_97 = arith.constant 0 : i32
        %dma_wait3A_98 = tpu.memref_slice %arg8[%dma_wait3A_96, %dma_wait3A_97] : memref<40x128xi32, #tpu.memory_space<vmem>> -> memref<8x128xi32, #tpu.memory_space<vmem>>
        %dma_wait3A_99 = arith.constant 0 : i32
        %dma_wait3A_100 = tpu.memref_slice %arg3[%run_scoped3A, %mul3A_82, %dma_wait3A_99] : memref<2x1250x128xi32, #tpu.memory_space<hbm>> -> memref<1x8x128xi32, #tpu.memory_space<hbm>>
        %dma_wait3A_101 = tpu.memref_squeeze %dma_wait3A_100 : memref<1x8x128xi32, #tpu.memory_space<hbm>> -> memref<8x128xi32, #tpu.memory_space<hbm>>
        %dma_wait3A_102 = arith.constant 0 : i32
        %dma_wait3A_103 = arith.constant 0 : i32
        %dma_wait3A_104 = tpu.memref_slice %arg8[%dma_wait3A_102, %dma_wait3A_103] : memref<40x128xi32, #tpu.memory_space<vmem>> -> memref<8x128xi32, #tpu.memory_space<vmem>>
        %dma_wait3A_105 = arith.constant 0 : i32
        %dma_wait3A_106 = tpu.memref_slice %arg3[%run_scoped3A, %mul3A_82, %dma_wait3A_105] : memref<2x1250x128xi32, #tpu.memory_space<hbm>> -> memref<1x8x128xi32, #tpu.memory_space<hbm>>
        %dma_wait3A_107 = tpu.memref_squeeze %dma_wait3A_106 : memref<1x8x128xi32, #tpu.memory_space<hbm>> -> memref<8x128xi32, #tpu.memory_space<hbm>>
        tpu.wait_dma2 semaphore(%run_scoped3A_83 : memref<!tpu.dma_semaphore, #tpu.memory_space<semaphore_mem>>) src(%dma_wait3A_107 : memref<8x128xi32, #tpu.memory_space<hbm>>) dst(%dma_wait3A_104 : memref<8x128xi32, #tpu.memory_space<vmem>>)
        tpu.yield
      }) : () -> ()
      "tpu.region"() ({
        %run_scoped3A_83 = tpu.sem_alloc : memref<!tpu.dma_semaphore, #tpu.memory_space<semaphore_mem>>
        %dma_start3A_84 = arith.constant 8 : i32
        %dma_start3A_85 = arith.constant 0 : i32
        %dma_start3A_86 = tpu.memref_slice %arg8[%dma_start3A_84, %dma_start3A_85] : memref<40x128xi32, #tpu.memory_space<vmem>> -> memref<32x128xi32, #tpu.memory_space<vmem>>
        %dma_start3A_87 = arith.constant 8 : i32
        %dma_start3A_88 = arith.constant 0 : i32
        %dma_start3A_89 = tpu.memref_slice %arg8[%dma_start3A_87, %dma_start3A_88] : memref<40x128xi32, #tpu.memory_space<vmem>> -> memref<32x128xi32, #tpu.memory_space<vmem>>
        tpu.enqueue_dma source(%arg5 : memref<32x128xi32, #tpu.memory_space<hbm>>) target(%dma_start3A_89 : memref<32x128xi32, #tpu.memory_space<vmem>>) target_semaphore(%run_scoped3A_83 : memref<!tpu.dma_semaphore, #tpu.memory_space<semaphore_mem>>)
        %dma_wait3A_90 = arith.constant 8 : i32
        %dma_wait3A_91 = arith.constant 0 : i32
        %dma_wait3A_92 = tpu.memref_slice %arg8[%dma_wait3A_90, %dma_wait3A_91] : memref<40x128xi32, #tpu.memory_space<vmem>> -> memref<32x128xi32, #tpu.memory_space<vmem>>
        %dma_wait3A_93 = arith.constant 8 : i32
        %dma_wait3A_94 = arith.constant 0 : i32
        %dma_wait3A_95 = tpu.memref_slice %arg8[%dma_wait3A_93, %dma_wait3A_94] : memref<40x128xi32, #tpu.memory_space<vmem>> -> memref<32x128xi32, #tpu.memory_space<vmem>>
        tpu.wait_dma2 semaphore(%run_scoped3A_83 : memref<!tpu.dma_semaphore, #tpu.memory_space<semaphore_mem>>) src(%arg5 : memref<32x128xi32, #tpu.memory_space<hbm>>) dst(%dma_wait3A_95 : memref<32x128xi32, #tpu.memory_space<vmem>>)
        tpu.yield
      }) : () -> ()
    } else {
    }
    %dma_start3A = arith.constant 0 : i32
    %dma_start3A_17 = arith.constant 0 : i32
    %dma_start3A_18 = arith.constant 0 : i32
    %dma_start3A_19 = tpu.memref_slice %arg9[%dma_start3A_17, %dma_start3A_18] : memref<256x128xf32, #tpu.memory_space<vmem>> -> memref<128x128xf32, #tpu.memory_space<vmem>>
    %dma_start3A_20 = arith.constant 0 : i32
    %dma_start3A_21 = tpu.memref_slice %arg7[%dma_start3A, %dma_start3A_20] : memref<40x128xi32, #tpu.memory_space<vmem>> -> memref<1x128xi32, #tpu.memory_space<vmem>>
    %dma_start3A_22 = tpu.memref_squeeze %dma_start3A_21 : memref<1x128xi32, #tpu.memory_space<vmem>> -> memref<128xi32, #tpu.memory_space<vmem>>
    %dma_start3A_23 = arith.constant 0 : i32
    %dma_start3A_24 = arith.constant 0 : i32
    %dma_start3A_25 = tpu.memref_slice %arg2[%dma_start3A_23, %dma_start3A_24] : memref<10000x128xf32, #tpu.memory_space<hbm>> -> memref<10000x128xf32, #tpu.memory_space<hbm>>
    tpu.enqueue_indirect_dma source(%dma_start3A_25 : memref<10000x128xf32, #tpu.memory_space<hbm>>) target(%dma_start3A_19 : memref<128x128xf32, #tpu.memory_space<vmem>>) offsets(%dma_start3A_22 : memref<128xi32, #tpu.memory_space<vmem>>) semaphore(%arg12 : memref<!tpu.dma_semaphore, #tpu.memory_space<semaphore_mem>>)
    %dma_start3A_26 = arith.constant 1 : i32
    %dma_start3A_27 = arith.constant 128 : i32
    %dma_start3A_28 = arith.constant 0 : i32
    %dma_start3A_29 = tpu.memref_slice %arg9[%dma_start3A_27, %dma_start3A_28] : memref<256x128xf32, #tpu.memory_space<vmem>> -> memref<128x128xf32, #tpu.memory_space<vmem>>
    %dma_start3A_30 = arith.constant 0 : i32
    %dma_start3A_31 = tpu.memref_slice %arg7[%dma_start3A_26, %dma_start3A_30] : memref<40x128xi32, #tpu.memory_space<vmem>> -> memref<1x128xi32, #tpu.memory_space<vmem>>
    %dma_start3A_32 = tpu.memref_squeeze %dma_start3A_31 : memref<1x128xi32, #tpu.memory_space<vmem>> -> memref<128xi32, #tpu.memory_space<vmem>>
    %dma_start3A_33 = arith.constant 0 : i32
    %dma_start3A_34 = arith.constant 0 : i32
    %dma_start3A_35 = tpu.memref_slice %arg2[%dma_start3A_33, %dma_start3A_34] : memref<10000x128xf32, #tpu.memory_space<hbm>> -> memref<10000x128xf32, #tpu.memory_space<hbm>>
    tpu.enqueue_indirect_dma source(%dma_start3A_35 : memref<10000x128xf32, #tpu.memory_space<hbm>>) target(%dma_start3A_29 : memref<128x128xf32, #tpu.memory_space<vmem>>) offsets(%dma_start3A_32 : memref<128xi32, #tpu.memory_space<vmem>>) semaphore(%arg13 : memref<!tpu.dma_semaphore, #tpu.memory_space<semaphore_mem>>)
    %broadcast_in_dim3A = arith.constant 0.000000e+00 : f32
    %broadcast_in_dim3A_36 = vector.broadcast %broadcast_in_dim3A : f32 to vector<16xf32>
    %scan3A = arith.constant 0 : i32
    %scan3A_37 = arith.constant 0 : i32
    %scan3A_38 = arith.constant 32 : i32
    %scan3A_39 = arith.addi %scan3A_37, %scan3A_38 : i32
    %scan3A_40 = arith.constant 1 : i32
    scf.for %scan3A_81 = %scan3A_37 to %scan3A_39 step %scan3A_40  : i32 {
      %swap3A = arith.index_cast %scan3A_81 : i32 to index
      %swap3A_82 = arith.constant 0 : index
      %swap3A_83 = tpu.vector_load %arg10[%swap3A, %swap3A_82] {strides = array<i32>} : memref<32x128xf32, #tpu.memory_space<vmem>>, vector<1x16xf32>,
      %swap3A_84 = vector.shape_cast %swap3A_83 : vector<1x16xf32> to vector<16xf32>
      %swap3A_85 = vector.shape_cast %broadcast_in_dim3A_36 : vector<16xf32> to vector<1x16xf32>
      tpu.vector_store %arg10[%swap3A, %swap3A_82], %swap3A_85 {strides = array<i32>} : memref<32x128xf32, #tpu.memory_space<vmem>>, vector<1x16xf32>,
      %swap3A_86 = arith.index_cast %scan3A_81 : i32 to index
      %swap3A_87 = arith.constant 16 : index
      %swap3A_88 = tpu.vector_load %arg10[%swap3A_86, %swap3A_87] {strides = array<i32>} : memref<32x128xf32, #tpu.memory_space<vmem>>, vector<1x16xf32>,
      %swap3A_89 = vector.shape_cast %swap3A_88 : vector<1x16xf32> to vector<16xf32>
      %swap3A_90 = vector.shape_cast %broadcast_in_dim3A_36 : vector<16xf32> to vector<1x16xf32>
      tpu.vector_store %arg10[%swap3A_86, %swap3A_87], %swap3A_90 {strides = array<i32>} : memref<32x128xf32, #tpu.memory_space<vmem>>, vector<1x16xf32>,
      %swap3A_91 = arith.index_cast %scan3A_81 : i32 to index
      %swap3A_92 = arith.constant 32 : index
      %swap3A_93 = tpu.vector_load %arg10[%swap3A_91, %swap3A_92] {strides = array<i32>} : memref<32x128xf32, #tpu.memory_space<vmem>>, vector<1x16xf32>,
      %swap3A_94 = vector.shape_cast %swap3A_93 : vector<1x16xf32> to vector<16xf32>
      %swap3A_95 = vector.shape_cast %broadcast_in_dim3A_36 : vector<16xf32> to vector<1x16xf32>
      tpu.vector_store %arg10[%swap3A_91, %swap3A_92], %swap3A_95 {strides = array<i32>} : memref<32x128xf32, #tpu.memory_space<vmem>>, vector<1x16xf32>,
      %swap3A_96 = arith.index_cast %scan3A_81 : i32 to index
      %swap3A_97 = arith.constant 48 : index
      %swap3A_98 = tpu.vector_load %arg10[%swap3A_96, %swap3A_97] {strides = array<i32>} : memref<32x128xf32, #tpu.memory_space<vmem>>, vector<1x16xf32>,
      %swap3A_99 = vector.shape_cast %swap3A_98 : vector<1x16xf32> to vector<16xf32>
      %swap3A_100 = vector.shape_cast %broadcast_in_dim3A_36 : vector<16xf32> to vector<1x16xf32>
      tpu.vector_store %arg10[%swap3A_96, %swap3A_97], %swap3A_100 {strides = array<i32>} : memref<32x128xf32, #tpu.memory_space<vmem>>, vector<1x16xf32>,
      %swap3A_101 = arith.index_cast %scan3A_81 : i32 to index
      %swap3A_102 = arith.constant 64 : index
      %swap3A_103 = tpu.vector_load %arg10[%swap3A_101, %swap3A_102] {strides = array<i32>} : memref<32x128xf32, #tpu.memory_space<vmem>>, vector<1x16xf32>,
      %swap3A_104 = vector.shape_cast %swap3A_103 : vector<1x16xf32> to vector<16xf32>
      %swap3A_105 = vector.shape_cast %broadcast_in_dim3A_36 : vector<16xf32> to vector<1x16xf32>
      tpu.vector_store %arg10[%swap3A_101, %swap3A_102], %swap3A_105 {strides = array<i32>} : memref<32x128xf32, #tpu.memory_space<vmem>>, vector<1x16xf32>,
      %swap3A_106 = arith.index_cast %scan3A_81 : i32 to index
      %swap3A_107 = arith.constant 80 : index
      %swap3A_108 = tpu.vector_load %arg10[%swap3A_106, %swap3A_107] {strides = array<i32>} : memref<32x128xf32, #tpu.memory_space<vmem>>, vector<1x16xf32>,
      %swap3A_109 = vector.shape_cast %swap3A_108 : vector<1x16xf32> to vector<16xf32>
      %swap3A_110 = vector.shape_cast %broadcast_in_dim3A_36 : vector<16xf32> to vector<1x16xf32>
      tpu.vector_store %arg10[%swap3A_106, %swap3A_107], %swap3A_110 {strides = array<i32>} : memref<32x128xf32, #tpu.memory_space<vmem>>, vector<1x16xf32>,
      %swap3A_111 = arith.index_cast %scan3A_81 : i32 to index
      %swap3A_112 = arith.constant 96 : index
      %swap3A_113 = tpu.vector_load %arg10[%swap3A_111, %swap3A_112] {strides = array<i32>} : memref<32x128xf32, #tpu.memory_space<vmem>>, vector<1x16xf32>,
      %swap3A_114 = vector.shape_cast %swap3A_113 : vector<1x16xf32> to vector<16xf32>
      %swap3A_115 = vector.shape_cast %broadcast_in_dim3A_36 : vector<16xf32> to vector<1x16xf32>
      tpu.vector_store %arg10[%swap3A_111, %swap3A_112], %swap3A_115 {strides = array<i32>} : memref<32x128xf32, #tpu.memory_space<vmem>>, vector<1x16xf32>,
      %swap3A_116 = arith.index_cast %scan3A_81 : i32 to index
      %swap3A_117 = arith.constant 112 : index
      %swap3A_118 = tpu.vector_load %arg10[%swap3A_116, %swap3A_117] {strides = array<i32>} : memref<32x128xf32, #tpu.memory_space<vmem>>, vector<1x16xf32>,
      %swap3A_119 = vector.shape_cast %swap3A_118 : vector<1x16xf32> to vector<16xf32>
      %swap3A_120 = vector.shape_cast %broadcast_in_dim3A_36 : vector<16xf32> to vector<1x16xf32>
      tpu.vector_store %arg10[%swap3A_116, %swap3A_117], %swap3A_120 {strides = array<i32>} : memref<32x128xf32, #tpu.memory_space<vmem>>, vector<1x16xf32>,
    }
    %scan3A_41 = arith.constant 32 : i32
    %scan3A_42 = arith.constant 0 : i32
    %scan3A_43 = arith.constant 0 : i32
    %scan3A_44 = arith.constant 20 : i32
    %scan3A_45 = arith.addi %scan3A_43, %scan3A_44 : i32
    %scan3A_46 = arith.constant 1 : i32
    scf.for %scan3A_81 = %scan3A_43 to %scan3A_45 step %scan3A_46  : i32 {
      %mul3A_82 = arith.constant 640 : i32
      %mul3A_83 = arith.muli %arg1, %mul3A_82 : i32
      %mul3A_84 = arith.constant 32 : i32
      %mul3A_85 = arith.muli %scan3A_81, %mul3A_84 : i32
      %add3A_86 = arith.addi %mul3A_83, %mul3A_85 : i32
      "tpu.region"() ({
        %run_scoped3A = tpu.sem_alloc : memref<!tpu.dma_semaphore, #tpu.memory_space<semaphore_mem>>
        %dma_start3A_87 = arith.constant 0 : i32
        %dma_start3A_88 = tpu.memref_slice %arg11[%add3A_86, %dma_start3A_87] : memref<10240x128xf32, #tpu.memory_space<vmem_shared>> -> memref<32x128xf32, #tpu.memory_space<vmem_shared>>
        %dma_start3A_89 = arith.constant 0 : i32
        %dma_start3A_90 = tpu.memref_slice %arg11[%add3A_86, %dma_start3A_89] : memref<10240x128xf32, #tpu.memory_space<vmem_shared>> -> memref<32x128xf32, #tpu.memory_space<vmem_shared>>
        tpu.enqueue_dma source(%arg10 : memref<32x128xf32, #tpu.memory_space<vmem>>) target(%dma_start3A_90 : memref<32x128xf32, #tpu.memory_space<vmem_shared>>) target_semaphore(%run_scoped3A : memref<!tpu.dma_semaphore, #tpu.memory_space<semaphore_mem>>)
        %dma_wait3A_91 = arith.constant 0 : i32
        %dma_wait3A_92 = tpu.memref_slice %arg11[%add3A_86, %dma_wait3A_91] : memref<10240x128xf32, #tpu.memory_space<vmem_shared>> -> memref<32x128xf32, #tpu.memory_space<vmem_shared>>
        %dma_wait3A_93 = arith.constant 0 : i32
        %dma_wait3A_94 = tpu.memref_slice %arg11[%add3A_86, %dma_wait3A_93] : memref<10240x128xf32, #tpu.memory_space<vmem_shared>> -> memref<32x128xf32, #tpu.memory_space<vmem_shared>>
        tpu.wait_dma2 semaphore(%run_scoped3A : memref<!tpu.dma_semaphore, #tpu.memory_space<semaphore_mem>>) src(%arg10 : memref<32x128xf32, #tpu.memory_space<vmem>>) dst(%dma_wait3A_94 : memref<32x128xf32, #tpu.memory_space<vmem_shared>>)
        tpu.yield
      }) : () -> ()
    }
    %scan3A_47 = arith.constant 20 : i32
    %barrier3A = arith.constant 0 : index
    tpu.barrier barrier_id(%barrier3A)
    %scan3A_48 = arith.constant 0 : i32
    %scan3A_49 = arith.constant 0 : i32
    %scan3A_50 = arith.constant 20 : i32
    %scan3A_51 = arith.addi %scan3A_49, %scan3A_50 : i32
    %scan3A_52 = arith.constant 1 : i32
    scf.for %scan3A_81 = %scan3A_49 to %scan3A_51 step %scan3A_52  : i32 {
      %mul3A_82 = arith.constant 2 : i32
      %mul3A_83 = arith.muli %mul3A_82, %scan3A_81 : i32
      %dma_wait3A_84 = arith.constant 0 : i32
      %dma_wait3A_85 = arith.constant 0 : i32
      %dma_wait3A_86 = arith.constant 0 : i32
      %dma_wait3A_87 = tpu.memref_slice %arg9[%dma_wait3A_85, %dma_wait3A_86] : memref<256x128xf32, #tpu.memory_space<vmem>> -> memref<128x128xf32, #tpu.memory_space<vmem>>
      %dma_wait3A_88 = arith.constant 0 : i32
      %dma_wait3A_89 = tpu.memref_slice %arg7[%dma_wait3A_84, %dma_wait3A_88] : memref<40x128xi32, #tpu.memory_space<vmem>> -> memref<1x128xi32, #tpu.memory_space<vmem>>
      %dma_wait3A_90 = tpu.memref_squeeze %dma_wait3A_89 : memref<1x128xi32, #tpu.memory_space<vmem>> -> memref<128xi32, #tpu.memory_space<vmem>>
      %dma_wait3A_91 = arith.constant 0 : i32
      %dma_wait3A_92 = arith.constant 0 : i32
      %dma_wait3A_93 = tpu.memref_slice %arg2[%dma_wait3A_91, %dma_wait3A_92] : memref<10000x128xf32, #tpu.memory_space<hbm>> -> memref<10000x128xf32, #tpu.memory_space<hbm>>
      tpu.wait_indirect_dma semaphore(%arg12 : memref<!tpu.dma_semaphore, #tpu.memory_space<semaphore_mem>>) src(%dma_wait3A_93 : memref<10000x128xf32, #tpu.memory_space<hbm>>) dst(%dma_wait3A_87 : memref<128x128xf32, #tpu.memory_space<vmem>>)
      "tpu.region"() ({
        %run_scoped3A = tpu.sem_alloc : memref<!tpu.dma_semaphore, #tpu.memory_space<semaphore_mem>>
        %dma_start3A_131 = arith.constant 0 : i32
        %dma_start3A_132 = arith.constant 0 : i32
        %dma_start3A_133 = tpu.memref_slice %arg9[%dma_start3A_131, %dma_start3A_132] : memref<256x128xf32, #tpu.memory_space<vmem>> -> memref<128x128xf32, #tpu.memory_space<vmem>>
        %dma_start3A_134 = arith.constant 0 : i32
        %dma_start3A_135 = tpu.memref_slice %arg8[%mul3A_83, %dma_start3A_134] : memref<40x128xi32, #tpu.memory_space<vmem>> -> memref<1x128xi32, #tpu.memory_space<vmem>>
        %dma_start3A_136 = tpu.memref_squeeze %dma_start3A_135 : memref<1x128xi32, #tpu.memory_space<vmem>> -> memref<128xi32, #tpu.memory_space<vmem>>
        %dma_start3A_137 = arith.constant 0 : i32
        %dma_start3A_138 = arith.constant 0 : i32
        %dma_start3A_139 = tpu.memref_slice %arg11[%dma_start3A_137, %dma_start3A_138] : memref<10240x128xf32, #tpu.memory_space<vmem_shared>> -> memref<10240x128xf32, #tpu.memory_space<vmem_shared>>
        tpu.enqueue_indirect_dma source(%dma_start3A_133 : memref<128x128xf32, #tpu.memory_space<vmem>>) target(%dma_start3A_139 : memref<10240x128xf32, #tpu.memory_space<vmem_shared>>) offsets(%dma_start3A_136 : memref<128xi32, #tpu.memory_space<vmem>>) semaphore(%run_scoped3A : memref<!tpu.dma_semaphore, #tpu.memory_space<semaphore_mem>>) {add = true}
        %dma_wait3A_140 = arith.constant 0 : i32
        %dma_wait3A_141 = arith.constant 0 : i32
        %dma_wait3A_142 = tpu.memref_slice %arg9[%dma_wait3A_140, %dma_wait3A_141] : memref<256x128xf32, #tpu.memory_space<vmem>> -> memref<128x128xf32, #tpu.memory_space<vmem>>
        %dma_wait3A_143 = arith.constant 0 : i32
        %dma_wait3A_144 = tpu.memref_slice %arg8[%mul3A_83, %dma_wait3A_143] : memref<40x128xi32, #tpu.memory_space<vmem>> -> memref<1x128xi32, #tpu.memory_space<vmem>>
        %dma_wait3A_145 = tpu.memref_squeeze %dma_wait3A_144 : memref<1x128xi32, #tpu.memory_space<vmem>> -> memref<128xi32, #tpu.memory_space<vmem>>
        %dma_wait3A_146 = arith.constant 0 : i32
        %dma_wait3A_147 = arith.constant 0 : i32
        %dma_wait3A_148 = tpu.memref_slice %arg11[%dma_wait3A_146, %dma_wait3A_147] : memref<10240x128xf32, #tpu.memory_space<vmem_shared>> -> memref<10240x128xf32, #tpu.memory_space<vmem_shared>>
        tpu.wait_indirect_dma semaphore(%run_scoped3A : memref<!tpu.dma_semaphore, #tpu.memory_space<semaphore_mem>>) src(%dma_wait3A_142 : memref<128x128xf32, #tpu.memory_space<vmem>>) dst(%dma_wait3A_148 : memref<10240x128xf32, #tpu.memory_space<vmem_shared>>)
        tpu.yield
      }) : () -> ()
      %add3A_94 = arith.constant 2 : i32
      %add3A_95 = arith.addi %mul3A_83, %add3A_94 : i32
      %rem3A = arith.constant 40 : i32
      %rem3A_96 = arith.remsi %add3A_95, %rem3A : i32
      %dma_start3A_97 = arith.constant 0 : i32
      %dma_start3A_98 = arith.constant 0 : i32
      %dma_start3A_99 = tpu.memref_slice %arg9[%dma_start3A_97, %dma_start3A_98] : memref<256x128xf32, #tpu.memory_space<vmem>> -> memref<128x128xf32, #tpu.memory_space<vmem>>
      %dma_start3A_100 = arith.constant 0 : i32
      %dma_start3A_101 = tpu.memref_slice %arg7[%rem3A_96, %dma_start3A_100] : memref<40x128xi32, #tpu.memory_space<vmem>> -> memref<1x128xi32, #tpu.memory_space<vmem>>
      %dma_start3A_102 = tpu.memref_squeeze %dma_start3A_101 : memref<1x128xi32, #tpu.memory_space<vmem>> -> memref<128xi32, #tpu.memory_space<vmem>>
      %dma_start3A_103 = arith.constant 0 : i32
      %dma_start3A_104 = arith.constant 0 : i32
      %dma_start3A_105 = tpu.memref_slice %arg2[%dma_start3A_103, %dma_start3A_104] : memref<10000x128xf32, #tpu.memory_space<hbm>> -> memref<10000x128xf32, #tpu.memory_space<hbm>>
      tpu.enqueue_indirect_dma source(%dma_start3A_105 : memref<10000x128xf32, #tpu.memory_space<hbm>>) target(%dma_start3A_99 : memref<128x128xf32, #tpu.memory_space<vmem>>) offsets(%dma_start3A_102 : memref<128xi32, #tpu.memory_space<vmem>>) semaphore(%arg12 : memref<!tpu.dma_semaphore, #tpu.memory_space<semaphore_mem>>)
      %dma_wait3A_106 = arith.constant 0 : i32
      %dma_wait3A_107 = arith.constant 128 : i32
      %dma_wait3A_108 = arith.constant 0 : i32
      %dma_wait3A_109 = tpu.memref_slice %arg9[%dma_wait3A_107, %dma_wait3A_108] : memref<256x128xf32, #tpu.memory_space<vmem>> -> memref<128x128xf32, #tpu.memory_space<vmem>>
      %dma_wait3A_110 = arith.constant 0 : i32
      %dma_wait3A_111 = tpu.memref_slice %arg7[%dma_wait3A_106, %dma_wait3A_110] : memref<40x128xi32, #tpu.memory_space<vmem>> -> memref<1x128xi32, #tpu.memory_space<vmem>>
      %dma_wait3A_112 = tpu.memref_squeeze %dma_wait3A_111 : memref<1x128xi32, #tpu.memory_space<vmem>> -> memref<128xi32, #tpu.memory_space<vmem>>
      %dma_wait3A_113 = arith.constant 0 : i32
      %dma_wait3A_114 = arith.constant 0 : i32
      %dma_wait3A_115 = tpu.memref_slice %arg2[%dma_wait3A_113, %dma_wait3A_114] : memref<10000x128xf32, #tpu.memory_space<hbm>> -> memref<10000x128xf32, #tpu.memory_space<hbm>>
      tpu.wait_indirect_dma semaphore(%arg13 : memref<!tpu.dma_semaphore, #tpu.memory_space<semaphore_mem>>) src(%dma_wait3A_115 : memref<10000x128xf32, #tpu.memory_space<hbm>>) dst(%dma_wait3A_109 : memref<128x128xf32, #tpu.memory_space<vmem>>)
      %add3A_116 = arith.constant 1 : i32
      %add3A_117 = arith.addi %mul3A_83, %add3A_116 : i32
      "tpu.region"() ({
        %run_scoped3A = tpu.sem_alloc : memref<!tpu.dma_semaphore, #tpu.memory_space<semaphore_mem>>
        %dma_start3A_131 = arith.constant 128 : i32
        %dma_start3A_132 = arith.constant 0 : i32
        %dma_start3A_133 = tpu.memref_slice %arg9[%dma_start3A_131, %dma_start3A_132] : memref<256x128xf32, #tpu.memory_space<vmem>> -> memref<128x128xf32, #tpu.memory_space<vmem>>
        %dma_start3A_134 = arith.constant 0 : i32
        %dma_start3A_135 = tpu.memref_slice %arg8[%add3A_117, %dma_start3A_134] : memref<40x128xi32, #tpu.memory_space<vmem>> -> memref<1x128xi32, #tpu.memory_space<vmem>>
        %dma_start3A_136 = tpu.memref_squeeze %dma_start3A_135 : memref<1x128xi32, #tpu.memory_space<vmem>> -> memref<128xi32, #tpu.memory_space<vmem>>
        %dma_start3A_137 = arith.constant 0 : i32
        %dma_start3A_138 = arith.constant 0 : i32
        %dma_start3A_139 = tpu.memref_slice %arg11[%dma_start3A_137, %dma_start3A_138] : memref<10240x128xf32, #tpu.memory_space<vmem_shared>> -> memref<10240x128xf32, #tpu.memory_space<vmem_shared>>
        tpu.enqueue_indirect_dma source(%dma_start3A_133 : memref<128x128xf32, #tpu.memory_space<vmem>>) target(%dma_start3A_139 : memref<10240x128xf32, #tpu.memory_space<vmem_shared>>) offsets(%dma_start3A_136 : memref<128xi32, #tpu.memory_space<vmem>>) semaphore(%run_scoped3A : memref<!tpu.dma_semaphore, #tpu.memory_space<semaphore_mem>>) {add = true}
        %dma_wait3A_140 = arith.constant 128 : i32
        %dma_wait3A_141 = arith.constant 0 : i32
        %dma_wait3A_142 = tpu.memref_slice %arg9[%dma_wait3A_140, %dma_wait3A_141] : memref<256x128xf32, #tpu.memory_space<vmem>> -> memref<128x128xf32, #tpu.memory_space<vmem>>
        %dma_wait3A_143 = arith.constant 0 : i32
        %dma_wait3A_144 = tpu.memref_slice %arg8[%add3A_117, %dma_wait3A_143] : memref<40x128xi32, #tpu.memory_space<vmem>> -> memref<1x128xi32, #tpu.memory_space<vmem>>
        %dma_wait3A_145 = tpu.memref_squeeze %dma_wait3A_144 : memref<1x128xi32, #tpu.memory_space<vmem>> -> memref<128xi32, #tpu.memory_space<vmem>>
        %dma_wait3A_146 = arith.constant 0 : i32
        %dma_wait3A_147 = arith.constant 0 : i32
        %dma_wait3A_148 = tpu.memref_slice %arg11[%dma_wait3A_146, %dma_wait3A_147] : memref<10240x128xf32, #tpu.memory_space<vmem_shared>> -> memref<10240x128xf32, #tpu.memory_space<vmem_shared>>
        tpu.wait_indirect_dma semaphore(%run_scoped3A : memref<!tpu.dma_semaphore, #tpu.memory_space<semaphore_mem>>) src(%dma_wait3A_142 : memref<128x128xf32, #tpu.memory_space<vmem>>) dst(%dma_wait3A_148 : memref<10240x128xf32, #tpu.memory_space<vmem_shared>>)
        tpu.yield
      }) : () -> ()
      %add3A_118 = arith.constant 3 : i32
      %add3A_119 = arith.addi %mul3A_83, %add3A_118 : i32
      %rem3A_120 = arith.constant 40 : i32
      %rem3A_121 = arith.remsi %add3A_119, %rem3A_120 : i32
      %dma_start3A_122 = arith.constant 128 : i32
      %dma_start3A_123 = arith.constant 0 : i32
      %dma_start3A_124 = tpu.memref_slice %arg9[%dma_start3A_122, %dma_start3A_123] : memref<256x128xf32, #tpu.memory_space<vmem>> -> memref<128x128xf32, #tpu.memory_space<vmem>>
      %dma_start3A_125 = arith.constant 0 : i32
      %dma_start3A_126 = tpu.memref_slice %arg7[%rem3A_121, %dma_start3A_125] : memref<40x128xi32, #tpu.memory_space<vmem>> -> memref<1x128xi32, #tpu.memory_space<vmem>>
      %dma_start3A_127 = tpu.memref_squeeze %dma_start3A_126 : memref<1x128xi32, #tpu.memory_space<vmem>> -> memref<128xi32, #tpu.memory_space<vmem>>
      %dma_start3A_128 = arith.constant 0 : i32
      %dma_start3A_129 = arith.constant 0 : i32
      %dma_start3A_130 = tpu.memref_slice %arg2[%dma_start3A_128, %dma_start3A_129] : memref<10000x128xf32, #tpu.memory_space<hbm>> -> memref<10000x128xf32, #tpu.memory_space<hbm>>
      tpu.enqueue_indirect_dma source(%dma_start3A_130 : memref<10000x128xf32, #tpu.memory_space<hbm>>) target(%dma_start3A_124 : memref<128x128xf32, #tpu.memory_space<vmem>>) offsets(%dma_start3A_127 : memref<128xi32, #tpu.memory_space<vmem>>) semaphore(%arg13 : memref<!tpu.dma_semaphore, #tpu.memory_space<semaphore_mem>>)
    }
    %scan3A_53 = arith.constant 20 : i32
    %dma_wait3A = arith.constant 0 : i32
    %dma_wait3A_54 = arith.constant 0 : i32
    %dma_wait3A_55 = arith.constant 0 : i32
    %dma_wait3A_56 = tpu.memref_slice %arg9[%dma_wait3A_54, %dma_wait3A_55] : memref<256x128xf32, #tpu.memory_space<vmem>> -> memref<128x128xf32, #tpu.memory_space<vmem>>
    %dma_wait3A_57 = arith.constant 0 : i32
    %dma_wait3A_58 = tpu.memref_slice %arg7[%dma_wait3A, %dma_wait3A_57] : memref<40x128xi32, #tpu.memory_space<vmem>> -> memref<1x128xi32, #tpu.memory_space<vmem>>
    %dma_wait3A_59 = tpu.memref_squeeze %dma_wait3A_58 : memref<1x128xi32, #tpu.memory_space<vmem>> -> memref<128xi32, #tpu.memory_space<vmem>>
    %dma_wait3A_60 = arith.constant 0 : i32
    %dma_wait3A_61 = arith.constant 0 : i32
    %dma_wait3A_62 = tpu.memref_slice %arg2[%dma_wait3A_60, %dma_wait3A_61] : memref<10000x128xf32, #tpu.memory_space<hbm>> -> memref<10000x128xf32, #tpu.memory_space<hbm>>
    tpu.wait_indirect_dma semaphore(%arg12 : memref<!tpu.dma_semaphore, #tpu.memory_space<semaphore_mem>>) src(%dma_wait3A_62 : memref<10000x128xf32, #tpu.memory_space<hbm>>) dst(%dma_wait3A_56 : memref<128x128xf32, #tpu.memory_space<vmem>>)
    %dma_wait3A_63 = arith.constant 0 : i32
    %dma_wait3A_64 = arith.constant 128 : i32
    %dma_wait3A_65 = arith.constant 0 : i32
    %dma_wait3A_66 = tpu.memref_slice %arg9[%dma_wait3A_64, %dma_wait3A_65] : memref<256x128xf32, #tpu.memory_space<vmem>> -> memref<128x128xf32, #tpu.memory_space<vmem>>
    %dma_wait3A_67 = arith.constant 0 : i32
    %dma_wait3A_68 = tpu.memref_slice %arg7[%dma_wait3A_63, %dma_wait3A_67] : memref<40x128xi32, #tpu.memory_space<vmem>> -> memref<1x128xi32, #tpu.memory_space<vmem>>
    %dma_wait3A_69 = tpu.memref_squeeze %dma_wait3A_68 : memref<1x128xi32, #tpu.memory_space<vmem>> -> memref<128xi32, #tpu.memory_space<vmem>>
    %dma_wait3A_70 = arith.constant 0 : i32
    %dma_wait3A_71 = arith.constant 0 : i32
    %dma_wait3A_72 = tpu.memref_slice %arg2[%dma_wait3A_70, %dma_wait3A_71] : memref<10000x128xf32, #tpu.memory_space<hbm>> -> memref<10000x128xf32, #tpu.memory_space<hbm>>
    tpu.wait_indirect_dma semaphore(%arg13 : memref<!tpu.dma_semaphore, #tpu.memory_space<semaphore_mem>>) src(%dma_wait3A_72 : memref<10000x128xf32, #tpu.memory_space<hbm>>) dst(%dma_wait3A_66 : memref<128x128xf32, #tpu.memory_space<vmem>>)
    %barrier3A_73 = arith.constant 0 : index
    tpu.barrier barrier_id(%barrier3A_73)
    %mul3A_74 = arith.constant 640 : i32
    %mul3A_75 = arith.muli %arg1, %mul3A_74 : i32
    %mul3A_76 = arith.constant 10240 : i32
    %mul3A_77 = arith.muli %arg0, %mul3A_76 : i32
    %mul3A_78 = arith.constant 640 : i32
    %mul3A_79 = arith.muli %arg1, %mul3A_78 : i32
    %add3A_80 = arith.addi %mul3A_77, %mul3A_79 : i32
    "tpu.region"() ({
      %run_scoped3A = tpu.sem_alloc : memref<!tpu.dma_semaphore, #tpu.memory_space<semaphore_mem>>
      %dma_start3A_81 = arith.constant 0 : i32
      %dma_start3A_82 = tpu.memref_slice %arg6[%add3A_80, %dma_start3A_81] : memref<20480x128xf32, #tpu.memory_space<hbm>> -> memref<640x128xf32, #tpu.memory_space<hbm>>
      %dma_start3A_83 = arith.constant 0 : i32
      %dma_start3A_84 = tpu.memref_slice %arg11[%mul3A_75, %dma_start3A_83] : memref<10240x128xf32, #tpu.memory_space<vmem_shared>> -> memref<640x128xf32, #tpu.memory_space<vmem_shared>>
      tpu.enqueue_dma source(%dma_start3A_84 : memref<640x128xf32, #tpu.memory_space<vmem_shared>>) target(%dma_start3A_82 : memref<640x128xf32, #tpu.memory_space<hbm>>) target_semaphore(%run_scoped3A : memref<!tpu.dma_semaphore, #tpu.memory_space<semaphore_mem>>)
      %dma_wait3A_85 = arith.constant 0 : i32
      %dma_wait3A_86 = tpu.memref_slice %arg6[%add3A_80, %dma_wait3A_85] : memref<20480x128xf32, #tpu.memory_space<hbm>> -> memref<640x128xf32, #tpu.memory_space<hbm>>
      %dma_wait3A_87 = arith.constant 0 : i32
      %dma_wait3A_88 = tpu.memref_slice %arg11[%mul3A_75, %dma_wait3A_87] : memref<10240x128xf32, #tpu.memory_space<vmem_shared>> -> memref<640x128xf32, #tpu.memory_space<vmem_shared>>
      tpu.wait_dma2 semaphore(%run_scoped3A : memref<!tpu.dma_semaphore, #tpu.memory_space<semaphore_mem>>) src(%dma_wait3A_88 : memref<640x128xf32, #tpu.memory_space<vmem_shared>>) dst(%dma_wait3A_86 : memref<640x128xf32, #tpu.memory_space<hbm>>)
      tpu.yield
    }) : () -> ()
    return
  }
}

#map = affine_map<(d0, d1) -> (0, 0)>
#map1 = affine_map<(d0, d1) -> (0, 0, 0)>
module attributes {stable_mosaic.version = 14 : i64} {
  func.func @agg_kernel(%arg0: i32, %arg1: i32, %arg2: memref<10000x128xf32, #tpu.memory_space<hbm>>, %arg3: memref<2x1250x128xi32, #tpu.memory_space<hbm>>, %arg4: memref<32x128xi32, #tpu.memory_space<hbm>>, %arg5: memref<32x128xi32, #tpu.memory_space<hbm>>, %arg6: memref<20480x128xf32, #tpu.memory_space<hbm>>, %arg7: memref<40x128xi32, #tpu.memory_space<vmem>>, %arg8: memref<40x128xi32, #tpu.memory_space<vmem>>, %arg9: memref<256x128xf32, #tpu.memory_space<vmem>>, %arg10: memref<32x128xf32, #tpu.memory_space<vmem>>, %arg11: memref<10240x128xf32, #tpu.memory_space<vmem_shared>>, %arg12: memref<!tpu.dma_semaphore, #tpu.memory_space<semaphore_mem>>, %arg13: memref<!tpu.dma_semaphore, #tpu.memory_space<semaphore_mem>>) attributes {dimension_semantics = [#tpu.dimension_semantics<core_parallel>, #tpu.dimension_semantics<subcore_parallel>], iteration_bounds = array<i64: 2, 16>, scalar_prefetch = 0 : i64, scratch_operands = 7 : i64, tpu.core_type = #tpu.core_type<sc_vector_subcore>, window_params = [{transform_indices = #map}, {transform_indices = #map1}, {transform_indices = #map}, {transform_indices = #map}, {transform_indices = #map}]} {
    %mul3A = arith.constant 16 : i32
    %mul3A_0 = arith.muli %arg0, %mul3A : i32
    %add3A = arith.addi %mul3A_0, %arg1 : i32
    %lt3A = arith.constant 31 : i32
    %lt3A_1 = arith.cmpi slt, %add3A, %lt3A : i32
    %convert_element_type3A = arith.extui %lt3A_1 : i1 to i32
    %cond3A = arith.constant 0 : i32
    %cond3A_2 = arith.cmpi ne, %convert_element_type3A, %cond3A : i32
    scf.if %cond3A_2 {
      %mul3A_81 = arith.constant 40 : i32
      %mul3A_82 = arith.muli %add3A, %mul3A_81 : i32
      %run_scoped3A = arith.constant 0 : i32
      "tpu.region"() ({
        %run_scoped3A_83 = tpu.sem_alloc : memref<!tpu.dma_semaphore, #tpu.memory_space<semaphore_mem>>
        %dma_start3A_84 = arith.constant 0 : i32
        %dma_start3A_85 = tpu.memref_slice %arg3[%run_scoped3A, %mul3A_82, %dma_start3A_84] : memref<2x1250x128xi32, #tpu.memory_space<hbm>> -> memref<1x40x128xi32, #tpu.memory_space<hbm>>
        %dma_start3A_86 = tpu.memref_squeeze %dma_start3A_85 : memref<1x40x128xi32, #tpu.memory_space<hbm>> -> memref<40x128xi32, #tpu.memory_space<hbm>>
        %dma_start3A_87 = arith.constant 0 : i32
        %dma_start3A_88 = tpu.memref_slice %arg3[%run_scoped3A, %mul3A_82, %dma_start3A_87] : memref<2x1250x128xi32, #tpu.memory_space<hbm>> -> memref<1x40x128xi32, #tpu.memory_space<hbm>>
        %dma_start3A_89 = tpu.memref_squeeze %dma_start3A_88 : memref<1x40x128xi32, #tpu.memory_space<hbm>> -> memref<40x128xi32, #tpu.memory_space<hbm>>
        tpu.enqueue_dma source(%dma_start3A_89 : memref<40x128xi32, #tpu.memory_space<hbm>>) target(%arg7 : memref<40x128xi32, #tpu.memory_space<vmem>>) target_semaphore(%run_scoped3A_83 : memref<!tpu.dma_semaphore, #tpu.memory_space<semaphore_mem>>)
        %dma_wait3A_90 = arith.constant 0 : i32
        %dma_wait3A_91 = tpu.memref_slice %arg3[%run_scoped3A, %mul3A_82, %dma_wait3A_90] : memref<2x1250x128xi32, #tpu.memory_space<hbm>> -> memref<1x40x128xi32, #tpu.memory_space<hbm>>
        %dma_wait3A_92 = tpu.memref_squeeze %dma_wait3A_91 : memref<1x40x128xi32, #tpu.memory_space<hbm>> -> memref<40x128xi32, #tpu.memory_space<hbm>>
        %dma_wait3A_93 = arith.constant 0 : i32
        %dma_wait3A_94 = tpu.memref_slice %arg3[%run_scoped3A, %mul3A_82, %dma_wait3A_93] : memref<2x1250x128xi32, #tpu.memory_space<hbm>> -> memref<1x40x128xi32, #tpu.memory_space<hbm>>
        %dma_wait3A_95 = tpu.memref_squeeze %dma_wait3A_94 : memref<1x40x128xi32, #tpu.memory_space<hbm>> -> memref<40x128xi32, #tpu.memory_space<hbm>>
        tpu.wait_dma2 semaphore(%run_scoped3A_83 : memref<!tpu.dma_semaphore, #tpu.memory_space<semaphore_mem>>) src(%dma_wait3A_95 : memref<40x128xi32, #tpu.memory_space<hbm>>) dst(%arg7 : memref<40x128xi32, #tpu.memory_space<vmem>>)
        tpu.yield
      }) : () -> ()
    } else {
    }
    %eq3A = arith.constant 31 : i32
    %eq3A_3 = arith.cmpi eq, %add3A, %eq3A : i32
    %convert_element_type3A_4 = arith.extui %eq3A_3 : i1 to i32
    %cond3A_5 = arith.constant 0 : i32
    %cond3A_6 = arith.cmpi ne, %convert_element_type3A_4, %cond3A_5 : i32
    scf.if %cond3A_6 {
      %mul3A_81 = arith.constant 40 : i32
      %mul3A_82 = arith.muli %add3A, %mul3A_81 : i32
      %run_scoped3A = arith.constant 0 : i32
      "tpu.region"() ({
        %run_scoped3A_83 = tpu.sem_alloc : memref<!tpu.dma_semaphore, #tpu.memory_space<semaphore_mem>>
        %dma_start3A_84 = arith.constant 0 : i32
        %dma_start3A_85 = arith.constant 0 : i32
        %dma_start3A_86 = tpu.memref_slice %arg7[%dma_start3A_84, %dma_start3A_85] : memref<40x128xi32, #tpu.memory_space<vmem>> -> memref<8x128xi32, #tpu.memory_space<vmem>>
        %dma_start3A_87 = arith.constant 0 : i32
        %dma_start3A_88 = tpu.memref_slice %arg3[%run_scoped3A, %mul3A_82, %dma_start3A_87] : memref<2x1250x128xi32, #tpu.memory_space<hbm>> -> memref<1x8x128xi32, #tpu.memory_space<hbm>>
        %dma_start3A_89 = tpu.memref_squeeze %dma_start3A_88 : memref<1x8x128xi32, #tpu.memory_space<hbm>> -> memref<8x128xi32, #tpu.memory_space<hbm>>
        %dma_start3A_90 = arith.constant 0 : i32
        %dma_start3A_91 = arith.constant 0 : i32
        %dma_start3A_92 = tpu.memref_slice %arg7[%dma_start3A_90, %dma_start3A_91] : memref<40x128xi32, #tpu.memory_space<vmem>> -> memref<8x128xi32, #tpu.memory_space<vmem>>
        %dma_start3A_93 = arith.constant 0 : i32
        %dma_start3A_94 = tpu.memref_slice %arg3[%run_scoped3A, %mul3A_82, %dma_start3A_93] : memref<2x1250x128xi32, #tpu.memory_space<hbm>> -> memref<1x8x128xi32, #tpu.memory_space<hbm>>
        %dma_start3A_95 = tpu.memref_squeeze %dma_start3A_94 : memref<1x8x128xi32, #tpu.memory_space<hbm>> -> memref<8x128xi32, #tpu.memory_space<hbm>>
        tpu.enqueue_dma source(%dma_start3A_95 : memref<8x128xi32, #tpu.memory_space<hbm>>) target(%dma_start3A_92 : memref<8x128xi32, #tpu.memory_space<vmem>>) target_semaphore(%run_scoped3A_83 : memref<!tpu.dma_semaphore, #tpu.memory_space<semaphore_mem>>)
        %dma_wait3A_96 = arith.constant 0 : i32
        %dma_wait3A_97 = arith.constant 0 : i32
        %dma_wait3A_98 = tpu.memref_slice %arg7[%dma_wait3A_96, %dma_wait3A_97] : memref<40x128xi32, #tpu.memory_space<vmem>> -> memref<8x128xi32, #tpu.memory_space<vmem>>
        %dma_wait3A_99 = arith.constant 0 : i32
        %dma_wait3A_100 = tpu.memref_slice %arg3[%run_scoped3A, %mul3A_82, %dma_wait3A_99] : memref<2x1250x128xi32, #tpu.memory_space<hbm>> -> memref<1x8x128xi32, #tpu.memory_space<hbm>>
        %dma_wait3A_101 = tpu.memref_squeeze %dma_wait3A_100 : memref<1x8x128xi32, #tpu.memory_space<hbm>> -> memref<8x128xi32, #tpu.memory_space<hbm>>
        %dma_wait3A_102 = arith.constant 0 : i32
        %dma_wait3A_103 = arith.constant 0 : i32
        %dma_wait3A_104 = tpu.memref_slice %arg7[%dma_wait3A_102, %dma_wait3A_103] : memref<40x128xi32, #tpu.memory_space<vmem>> -> memref<8x128xi32, #tpu.memory_space<vmem>>
        %dma_wait3A_105 = arith.constant 0 : i32
        %dma_wait3A_106 = tpu.memref_slice %arg3[%run_scoped3A, %mul3A_82, %dma_wait3A_105] : memref<2x1250x128xi32, #tpu.memory_space<hbm>> -> memref<1x8x128xi32, #tpu.memory_space<hbm>>
        %dma_wait3A_107 = tpu.memref_squeeze %dma_wait3A_106 : memref<1x8x128xi32, #tpu.memory_space<hbm>> -> memref<8x128xi32, #tpu.memory_space<hbm>>
        tpu.wait_dma2 semaphore(%run_scoped3A_83 : memref<!tpu.dma_semaphore, #tpu.memory_space<semaphore_mem>>) src(%dma_wait3A_107 : memref<8x128xi32, #tpu.memory_space<hbm>>) dst(%dma_wait3A_104 : memref<8x128xi32, #tpu.memory_space<vmem>>)
        tpu.yield
      }) : () -> ()
      "tpu.region"() ({
        %run_scoped3A_83 = tpu.sem_alloc : memref<!tpu.dma_semaphore, #tpu.memory_space<semaphore_mem>>
        %dma_start3A_84 = arith.constant 8 : i32
        %dma_start3A_85 = arith.constant 0 : i32
        %dma_start3A_86 = tpu.memref_slice %arg7[%dma_start3A_84, %dma_start3A_85] : memref<40x128xi32, #tpu.memory_space<vmem>> -> memref<32x128xi32, #tpu.memory_space<vmem>>
        %dma_start3A_87 = arith.constant 8 : i32
        %dma_start3A_88 = arith.constant 0 : i32
        %dma_start3A_89 = tpu.memref_slice %arg7[%dma_start3A_87, %dma_start3A_88] : memref<40x128xi32, #tpu.memory_space<vmem>> -> memref<32x128xi32, #tpu.memory_space<vmem>>
        tpu.enqueue_dma source(%arg4 : memref<32x128xi32, #tpu.memory_space<hbm>>) target(%dma_start3A_89 : memref<32x128xi32, #tpu.memory_space<vmem>>) target_semaphore(%run_scoped3A_83 : memref<!tpu.dma_semaphore, #tpu.memory_space<semaphore_mem>>)
        %dma_wait3A_90 = arith.constant 8 : i32
        %dma_wait3A_91 = arith.constant 0 : i32
        %dma_wait3A_92 = tpu.memref_slice %arg7[%dma_wait3A_90, %dma_wait3A_91] : memref<40x128xi32, #tpu.memory_space<vmem>> -> memref<32x128xi32, #tpu.memory_space<vmem>>
        %dma_wait3A_93 = arith.constant 8 : i32
        %dma_wait3A_94 = arith.constant 0 : i32
        %dma_wait3A_95 = tpu.memref_slice %arg7[%dma_wait3A_93, %dma_wait3A_94] : memref<40x128xi32, #tpu.memory_space<vmem>> -> memref<32x128xi32, #tpu.memory_space<vmem>>
        tpu.wait_dma2 semaphore(%run_scoped3A_83 : memref<!tpu.dma_semaphore, #tpu.memory_space<semaphore_mem>>) src(%arg4 : memref<32x128xi32, #tpu.memory_space<hbm>>) dst(%dma_wait3A_95 : memref<32x128xi32, #tpu.memory_space<vmem>>)
        tpu.yield
      }) : () -> ()
    } else {
    }
    %lt3A_7 = arith.constant 31 : i32
    %lt3A_8 = arith.cmpi slt, %add3A, %lt3A_7 : i32
    %convert_element_type3A_9 = arith.extui %lt3A_8 : i1 to i32
    %cond3A_10 = arith.constant 0 : i32
    %cond3A_11 = arith.cmpi ne, %convert_element_type3A_9, %cond3A_10 : i32
    scf.if %cond3A_11 {
      %mul3A_81 = arith.constant 40 : i32
      %mul3A_82 = arith.muli %add3A, %mul3A_81 : i32
      %run_scoped3A = arith.constant 1 : i32
      "tpu.region"() ({
        %run_scoped3A_83 = tpu.sem_alloc : memref<!tpu.dma_semaphore, #tpu.memory_space<semaphore_mem>>
        %dma_start3A_84 = arith.constant 0 : i32
        %dma_start3A_85 = tpu.memref_slice %arg3[%run_scoped3A, %mul3A_82, %dma_start3A_84] : memref<2x1250x128xi32, #tpu.memory_space<hbm>> -> memref<1x40x128xi32, #tpu.memory_space<hbm>>
        %dma_start3A_86 = tpu.memref_squeeze %dma_start3A_85 : memref<1x40x128xi32, #tpu.memory_space<hbm>> -> memref<40x128xi32, #tpu.memory_space<hbm>>
        %dma_start3A_87 = arith.constant 0 : i32
        %dma_start3A_88 = tpu.memref_slice %arg3[%run_scoped3A, %mul3A_82, %dma_start3A_87] : memref<2x1250x128xi32, #tpu.memory_space<hbm>> -> memref<1x40x128xi32, #tpu.memory_space<hbm>>
        %dma_start3A_89 = tpu.memref_squeeze %dma_start3A_88 : memref<1x40x128xi32, #tpu.memory_space<hbm>> -> memref<40x128xi32, #tpu.memory_space<hbm>>
        tpu.enqueue_dma source(%dma_start3A_89 : memref<40x128xi32, #tpu.memory_space<hbm>>) target(%arg8 : memref<40x128xi32, #tpu.memory_space<vmem>>) target_semaphore(%run_scoped3A_83 : memref<!tpu.dma_semaphore, #tpu.memory_space<semaphore_mem>>)
        %dma_wait3A_90 = arith.constant 0 : i32
        %dma_wait3A_91 = tpu.memref_slice %arg3[%run_scoped3A, %mul3A_82, %dma_wait3A_90] : memref<2x1250x128xi32, #tpu.memory_space<hbm>> -> memref<1x40x128xi32, #tpu.memory_space<hbm>>
        %dma_wait3A_92 = tpu.memref_squeeze %dma_wait3A_91 : memref<1x40x128xi32, #tpu.memory_space<hbm>> -> memref<40x128xi32, #tpu.memory_space<hbm>>
        %dma_wait3A_93 = arith.constant 0 : i32
        %dma_wait3A_94 = tpu.memref_slice %arg3[%run_scoped3A, %mul3A_82, %dma_wait3A_93] : memref<2x1250x128xi32, #tpu.memory_space<hbm>> -> memref<1x40x128xi32, #tpu.memory_space<hbm>>
        %dma_wait3A_95 = tpu.memref_squeeze %dma_wait3A_94 : memref<1x40x128xi32, #tpu.memory_space<hbm>> -> memref<40x128xi32, #tpu.memory_space<hbm>>
        tpu.wait_dma2 semaphore(%run_scoped3A_83 : memref<!tpu.dma_semaphore, #tpu.memory_space<semaphore_mem>>) src(%dma_wait3A_95 : memref<40x128xi32, #tpu.memory_space<hbm>>) dst(%arg8 : memref<40x128xi32, #tpu.memory_space<vmem>>)
        tpu.yield
      }) : () -> ()
    } else {
    }
    %eq3A_12 = arith.constant 31 : i32
    %eq3A_13 = arith.cmpi eq, %add3A, %eq3A_12 : i32
    %convert_element_type3A_14 = arith.extui %eq3A_13 : i1 to i32
    %cond3A_15 = arith.constant 0 : i32
    %cond3A_16 = arith.cmpi ne, %convert_element_type3A_14, %cond3A_15 : i32
    scf.if %cond3A_16 {
      %mul3A_81 = arith.constant 40 : i32
      %mul3A_82 = arith.muli %add3A, %mul3A_81 : i32
      %run_scoped3A = arith.constant 1 : i32
      "tpu.region"() ({
        %run_scoped3A_83 = tpu.sem_alloc : memref<!tpu.dma_semaphore, #tpu.memory_space<semaphore_mem>>
        %dma_start3A_84 = arith.constant 0 : i32
        %dma_start3A_85 = arith.constant 0 : i32
        %dma_start3A_86 = tpu.memref_slice %arg8[%dma_start3A_84, %dma_start3A_85] : memref<40x128xi32, #tpu.memory_space<vmem>> -> memref<8x128xi32, #tpu.memory_space<vmem>>
        %dma_start3A_87 = arith.constant 0 : i32
        %dma_start3A_88 = tpu.memref_slice %arg3[%run_scoped3A, %mul3A_82, %dma_start3A_87] : memref<2x1250x128xi32, #tpu.memory_space<hbm>> -> memref<1x8x128xi32, #tpu.memory_space<hbm>>
        %dma_start3A_89 = tpu.memref_squeeze %dma_start3A_88 : memref<1x8x128xi32, #tpu.memory_space<hbm>> -> memref<8x128xi32, #tpu.memory_space<hbm>>
        %dma_start3A_90 = arith.constant 0 : i32
        %dma_start3A_91 = arith.constant 0 : i32
        %dma_start3A_92 = tpu.memref_slice %arg8[%dma_start3A_90, %dma_start3A_91] : memref<40x128xi32, #tpu.memory_space<vmem>> -> memref<8x128xi32, #tpu.memory_space<vmem>>
        %dma_start3A_93 = arith.constant 0 : i32
        %dma_start3A_94 = tpu.memref_slice %arg3[%run_scoped3A, %mul3A_82, %dma_start3A_93] : memref<2x1250x128xi32, #tpu.memory_space<hbm>> -> memref<1x8x128xi32, #tpu.memory_space<hbm>>
        %dma_start3A_95 = tpu.memref_squeeze %dma_start3A_94 : memref<1x8x128xi32, #tpu.memory_space<hbm>> -> memref<8x128xi32, #tpu.memory_space<hbm>>
        tpu.enqueue_dma source(%dma_start3A_95 : memref<8x128xi32, #tpu.memory_space<hbm>>) target(%dma_start3A_92 : memref<8x128xi32, #tpu.memory_space<vmem>>) target_semaphore(%run_scoped3A_83 : memref<!tpu.dma_semaphore, #tpu.memory_space<semaphore_mem>>)
        %dma_wait3A_96 = arith.constant 0 : i32
        %dma_wait3A_97 = arith.constant 0 : i32
        %dma_wait3A_98 = tpu.memref_slice %arg8[%dma_wait3A_96, %dma_wait3A_97] : memref<40x128xi32, #tpu.memory_space<vmem>> -> memref<8x128xi32, #tpu.memory_space<vmem>>
        %dma_wait3A_99 = arith.constant 0 : i32
        %dma_wait3A_100 = tpu.memref_slice %arg3[%run_scoped3A, %mul3A_82, %dma_wait3A_99] : memref<2x1250x128xi32, #tpu.memory_space<hbm>> -> memref<1x8x128xi32, #tpu.memory_space<hbm>>
        %dma_wait3A_101 = tpu.memref_squeeze %dma_wait3A_100 : memref<1x8x128xi32, #tpu.memory_space<hbm>> -> memref<8x128xi32, #tpu.memory_space<hbm>>
        %dma_wait3A_102 = arith.constant 0 : i32
        %dma_wait3A_103 = arith.constant 0 : i32
        %dma_wait3A_104 = tpu.memref_slice %arg8[%dma_wait3A_102, %dma_wait3A_103] : memref<40x128xi32, #tpu.memory_space<vmem>> -> memref<8x128xi32, #tpu.memory_space<vmem>>
        %dma_wait3A_105 = arith.constant 0 : i32
        %dma_wait3A_106 = tpu.memref_slice %arg3[%run_scoped3A, %mul3A_82, %dma_wait3A_105] : memref<2x1250x128xi32, #tpu.memory_space<hbm>> -> memref<1x8x128xi32, #tpu.memory_space<hbm>>
        %dma_wait3A_107 = tpu.memref_squeeze %dma_wait3A_106 : memref<1x8x128xi32, #tpu.memory_space<hbm>> -> memref<8x128xi32, #tpu.memory_space<hbm>>
        tpu.wait_dma2 semaphore(%run_scoped3A_83 : memref<!tpu.dma_semaphore, #tpu.memory_space<semaphore_mem>>) src(%dma_wait3A_107 : memref<8x128xi32, #tpu.memory_space<hbm>>) dst(%dma_wait3A_104 : memref<8x128xi32, #tpu.memory_space<vmem>>)
        tpu.yield
      }) : () -> ()
      "tpu.region"() ({
        %run_scoped3A_83 = tpu.sem_alloc : memref<!tpu.dma_semaphore, #tpu.memory_space<semaphore_mem>>
        %dma_start3A_84 = arith.constant 8 : i32
        %dma_start3A_85 = arith.constant 0 : i32
        %dma_start3A_86 = tpu.memref_slice %arg8[%dma_start3A_84, %dma_start3A_85] : memref<40x128xi32, #tpu.memory_space<vmem>> -> memref<32x128xi32, #tpu.memory_space<vmem>>
        %dma_start3A_87 = arith.constant 8 : i32
        %dma_start3A_88 = arith.constant 0 : i32
        %dma_start3A_89 = tpu.memref_slice %arg8[%dma_start3A_87, %dma_start3A_88] : memref<40x128xi32, #tpu.memory_space<vmem>> -> memref<32x128xi32, #tpu.memory_space<vmem>>
        tpu.enqueue_dma source(%arg5 : memref<32x128xi32, #tpu.memory_space<hbm>>) target(%dma_start3A_89 : memref<32x128xi32, #tpu.memory_space<vmem>>) target_semaphore(%run_scoped3A_83 : memref<!tpu.dma_semaphore, #tpu.memory_space<semaphore_mem>>)
        %dma_wait3A_90 = arith.constant 8 : i32
        %dma_wait3A_91 = arith.constant 0 : i32
        %dma_wait3A_92 = tpu.memref_slice %arg8[%dma_wait3A_90, %dma_wait3A_91] : memref<40x128xi32, #tpu.memory_space<vmem>> -> memref<32x128xi32, #tpu.memory_space<vmem>>
        %dma_wait3A_93 = arith.constant 8 : i32
        %dma_wait3A_94 = arith.constant 0 : i32
        %dma_wait3A_95 = tpu.memref_slice %arg8[%dma_wait3A_93, %dma_wait3A_94] : memref<40x128xi32, #tpu.memory_space<vmem>> -> memref<32x128xi32, #tpu.memory_space<vmem>>
        tpu.wait_dma2 semaphore(%run_scoped3A_83 : memref<!tpu.dma_semaphore, #tpu.memory_space<semaphore_mem>>) src(%arg5 : memref<32x128xi32, #tpu.memory_space<hbm>>) dst(%dma_wait3A_95 : memref<32x128xi32, #tpu.memory_space<vmem>>)
        tpu.yield
      }) : () -> ()
    } else {
    }
    %dma_start3A = arith.constant 0 : i32
    %dma_start3A_17 = arith.constant 0 : i32
    %dma_start3A_18 = arith.constant 0 : i32
    %dma_start3A_19 = tpu.memref_slice %arg9[%dma_start3A_17, %dma_start3A_18] : memref<256x128xf32, #tpu.memory_space<vmem>> -> memref<128x128xf32, #tpu.memory_space<vmem>>
    %dma_start3A_20 = arith.constant 0 : i32
    %dma_start3A_21 = tpu.memref_slice %arg7[%dma_start3A, %dma_start3A_20] : memref<40x128xi32, #tpu.memory_space<vmem>> -> memref<1x128xi32, #tpu.memory_space<vmem>>
    %dma_start3A_22 = tpu.memref_squeeze %dma_start3A_21 : memref<1x128xi32, #tpu.memory_space<vmem>> -> memref<128xi32, #tpu.memory_space<vmem>>
    %dma_start3A_23 = arith.constant 0 : i32
    %dma_start3A_24 = arith.constant 0 : i32
    %dma_start3A_25 = tpu.memref_slice %arg2[%dma_start3A_23, %dma_start3A_24] : memref<10000x128xf32, #tpu.memory_space<hbm>> -> memref<10000x128xf32, #tpu.memory_space<hbm>>
    tpu.enqueue_indirect_dma source(%dma_start3A_25 : memref<10000x128xf32, #tpu.memory_space<hbm>>) target(%dma_start3A_19 : memref<128x128xf32, #tpu.memory_space<vmem>>) offsets(%dma_start3A_22 : memref<128xi32, #tpu.memory_space<vmem>>) semaphore(%arg12 : memref<!tpu.dma_semaphore, #tpu.memory_space<semaphore_mem>>)
    %dma_start3A_26 = arith.constant 1 : i32
    %dma_start3A_27 = arith.constant 128 : i32
    %dma_start3A_28 = arith.constant 0 : i32
    %dma_start3A_29 = tpu.memref_slice %arg9[%dma_start3A_27, %dma_start3A_28] : memref<256x128xf32, #tpu.memory_space<vmem>> -> memref<128x128xf32, #tpu.memory_space<vmem>>
    %dma_start3A_30 = arith.constant 0 : i32
    %dma_start3A_31 = tpu.memref_slice %arg7[%dma_start3A_26, %dma_start3A_30] : memref<40x128xi32, #tpu.memory_space<vmem>> -> memref<1x128xi32, #tpu.memory_space<vmem>>
    %dma_start3A_32 = tpu.memref_squeeze %dma_start3A_31 : memref<1x128xi32, #tpu.memory_space<vmem>> -> memref<128xi32, #tpu.memory_space<vmem>>
    %dma_start3A_33 = arith.constant 0 : i32
    %dma_start3A_34 = arith.constant 0 : i32
    %dma_start3A_35 = tpu.memref_slice %arg2[%dma_start3A_33, %dma_start3A_34] : memref<10000x128xf32, #tpu.memory_space<hbm>> -> memref<10000x128xf32, #tpu.memory_space<hbm>>
    tpu.enqueue_indirect_dma source(%dma_start3A_35 : memref<10000x128xf32, #tpu.memory_space<hbm>>) target(%dma_start3A_29 : memref<128x128xf32, #tpu.memory_space<vmem>>) offsets(%dma_start3A_32 : memref<128xi32, #tpu.memory_space<vmem>>) semaphore(%arg13 : memref<!tpu.dma_semaphore, #tpu.memory_space<semaphore_mem>>)
    %broadcast_in_dim3A = arith.constant 0.000000e+00 : f32
    %broadcast_in_dim3A_36 = vector.broadcast %broadcast_in_dim3A : f32 to vector<16xf32>
    %scan3A = arith.constant 0 : i32
    %scan3A_37 = arith.constant 0 : i32
    %scan3A_38 = arith.constant 32 : i32
    %scan3A_39 = arith.addi %scan3A_37, %scan3A_38 : i32
    %scan3A_40 = arith.constant 1 : i32
    scf.for %scan3A_81 = %scan3A_37 to %scan3A_39 step %scan3A_40  : i32 {
      %swap3A = arith.index_cast %scan3A_81 : i32 to index
      %swap3A_82 = arith.constant 0 : index
      %swap3A_83 = tpu.vector_load %arg10[%swap3A, %swap3A_82] {strides = array<i32>} : memref<32x128xf32, #tpu.memory_space<vmem>>, vector<1x16xf32>,
      %swap3A_84 = vector.shape_cast %swap3A_83 : vector<1x16xf32> to vector<16xf32>
      %swap3A_85 = vector.shape_cast %broadcast_in_dim3A_36 : vector<16xf32> to vector<1x16xf32>
      tpu.vector_store %arg10[%swap3A, %swap3A_82], %swap3A_85 {strides = array<i32>} : memref<32x128xf32, #tpu.memory_space<vmem>>, vector<1x16xf32>,
      %swap3A_86 = arith.index_cast %scan3A_81 : i32 to index
      %swap3A_87 = arith.constant 16 : index
      %swap3A_88 = tpu.vector_load %arg10[%swap3A_86, %swap3A_87] {strides = array<i32>} : memref<32x128xf32, #tpu.memory_space<vmem>>, vector<1x16xf32>,
      %swap3A_89 = vector.shape_cast %swap3A_88 : vector<1x16xf32> to vector<16xf32>
      %swap3A_90 = vector.shape_cast %broadcast_in_dim3A_36 : vector<16xf32> to vector<1x16xf32>
      tpu.vector_store %arg10[%swap3A_86, %swap3A_87], %swap3A_90 {strides = array<i32>} : memref<32x128xf32, #tpu.memory_space<vmem>>, vector<1x16xf32>,
      %swap3A_91 = arith.index_cast %scan3A_81 : i32 to index
      %swap3A_92 = arith.constant 32 : index
      %swap3A_93 = tpu.vector_load %arg10[%swap3A_91, %swap3A_92] {strides = array<i32>} : memref<32x128xf32, #tpu.memory_space<vmem>>, vector<1x16xf32>,
      %swap3A_94 = vector.shape_cast %swap3A_93 : vector<1x16xf32> to vector<16xf32>
      %swap3A_95 = vector.shape_cast %broadcast_in_dim3A_36 : vector<16xf32> to vector<1x16xf32>
      tpu.vector_store %arg10[%swap3A_91, %swap3A_92], %swap3A_95 {strides = array<i32>} : memref<32x128xf32, #tpu.memory_space<vmem>>, vector<1x16xf32>,
      %swap3A_96 = arith.index_cast %scan3A_81 : i32 to index
      %swap3A_97 = arith.constant 48 : index
      %swap3A_98 = tpu.vector_load %arg10[%swap3A_96, %swap3A_97] {strides = array<i32>} : memref<32x128xf32, #tpu.memory_space<vmem>>, vector<1x16xf32>,
      %swap3A_99 = vector.shape_cast %swap3A_98 : vector<1x16xf32> to vector<16xf32>
      %swap3A_100 = vector.shape_cast %broadcast_in_dim3A_36 : vector<16xf32> to vector<1x16xf32>
      tpu.vector_store %arg10[%swap3A_96, %swap3A_97], %swap3A_100 {strides = array<i32>} : memref<32x128xf32, #tpu.memory_space<vmem>>, vector<1x16xf32>,
      %swap3A_101 = arith.index_cast %scan3A_81 : i32 to index
      %swap3A_102 = arith.constant 64 : index
      %swap3A_103 = tpu.vector_load %arg10[%swap3A_101, %swap3A_102] {strides = array<i32>} : memref<32x128xf32, #tpu.memory_space<vmem>>, vector<1x16xf32>,
      %swap3A_104 = vector.shape_cast %swap3A_103 : vector<1x16xf32> to vector<16xf32>
      %swap3A_105 = vector.shape_cast %broadcast_in_dim3A_36 : vector<16xf32> to vector<1x16xf32>
      tpu.vector_store %arg10[%swap3A_101, %swap3A_102], %swap3A_105 {strides = array<i32>} : memref<32x128xf32, #tpu.memory_space<vmem>>, vector<1x16xf32>,
      %swap3A_106 = arith.index_cast %scan3A_81 : i32 to index
      %swap3A_107 = arith.constant 80 : index
      %swap3A_108 = tpu.vector_load %arg10[%swap3A_106, %swap3A_107] {strides = array<i32>} : memref<32x128xf32, #tpu.memory_space<vmem>>, vector<1x16xf32>,
      %swap3A_109 = vector.shape_cast %swap3A_108 : vector<1x16xf32> to vector<16xf32>
      %swap3A_110 = vector.shape_cast %broadcast_in_dim3A_36 : vector<16xf32> to vector<1x16xf32>
      tpu.vector_store %arg10[%swap3A_106, %swap3A_107], %swap3A_110 {strides = array<i32>} : memref<32x128xf32, #tpu.memory_space<vmem>>, vector<1x16xf32>,
      %swap3A_111 = arith.index_cast %scan3A_81 : i32 to index
      %swap3A_112 = arith.constant 96 : index
      %swap3A_113 = tpu.vector_load %arg10[%swap3A_111, %swap3A_112] {strides = array<i32>} : memref<32x128xf32, #tpu.memory_space<vmem>>, vector<1x16xf32>,
      %swap3A_114 = vector.shape_cast %swap3A_113 : vector<1x16xf32> to vector<16xf32>
      %swap3A_115 = vector.shape_cast %broadcast_in_dim3A_36 : vector<16xf32> to vector<1x16xf32>
      tpu.vector_store %arg10[%swap3A_111, %swap3A_112], %swap3A_115 {strides = array<i32>} : memref<32x128xf32, #tpu.memory_space<vmem>>, vector<1x16xf32>,
      %swap3A_116 = arith.index_cast %scan3A_81 : i32 to index
      %swap3A_117 = arith.constant 112 : index
      %swap3A_118 = tpu.vector_load %arg10[%swap3A_116, %swap3A_117] {strides = array<i32>} : memref<32x128xf32, #tpu.memory_space<vmem>>, vector<1x16xf32>,
      %swap3A_119 = vector.shape_cast %swap3A_118 : vector<1x16xf32> to vector<16xf32>
      %swap3A_120 = vector.shape_cast %broadcast_in_dim3A_36 : vector<16xf32> to vector<1x16xf32>
      tpu.vector_store %arg10[%swap3A_116, %swap3A_117], %swap3A_120 {strides = array<i32>} : memref<32x128xf32, #tpu.memory_space<vmem>>, vector<1x16xf32>,
    }
    %scan3A_41 = arith.constant 32 : i32
    %scan3A_42 = arith.constant 0 : i32
    %scan3A_43 = arith.constant 0 : i32
    %scan3A_44 = arith.constant 20 : i32
    %scan3A_45 = arith.addi %scan3A_43, %scan3A_44 : i32
    %scan3A_46 = arith.constant 1 : i32
    scf.for %scan3A_81 = %scan3A_43 to %scan3A_45 step %scan3A_46  : i32 {
      %mul3A_82 = arith.constant 640 : i32
      %mul3A_83 = arith.muli %arg1, %mul3A_82 : i32
      %mul3A_84 = arith.constant 32 : i32
      %mul3A_85 = arith.muli %scan3A_81, %mul3A_84 : i32
      %add3A_86 = arith.addi %mul3A_83, %mul3A_85 : i32
      "tpu.region"() ({
        %run_scoped3A = tpu.sem_alloc : memref<!tpu.dma_semaphore, #tpu.memory_space<semaphore_mem>>
        %dma_start3A_87 = arith.constant 0 : i32
        %dma_start3A_88 = tpu.memref_slice %arg11[%add3A_86, %dma_start3A_87] : memref<10240x128xf32, #tpu.memory_space<vmem_shared>> -> memref<32x128xf32, #tpu.memory_space<vmem_shared>>
        %dma_start3A_89 = arith.constant 0 : i32
        %dma_start3A_90 = tpu.memref_slice %arg11[%add3A_86, %dma_start3A_89] : memref<10240x128xf32, #tpu.memory_space<vmem_shared>> -> memref<32x128xf32, #tpu.memory_space<vmem_shared>>
        tpu.enqueue_dma source(%arg10 : memref<32x128xf32, #tpu.memory_space<vmem>>) target(%dma_start3A_90 : memref<32x128xf32, #tpu.memory_space<vmem_shared>>) target_semaphore(%run_scoped3A : memref<!tpu.dma_semaphore, #tpu.memory_space<semaphore_mem>>)
        %dma_wait3A_91 = arith.constant 0 : i32
        %dma_wait3A_92 = tpu.memref_slice %arg11[%add3A_86, %dma_wait3A_91] : memref<10240x128xf32, #tpu.memory_space<vmem_shared>> -> memref<32x128xf32, #tpu.memory_space<vmem_shared>>
        %dma_wait3A_93 = arith.constant 0 : i32
        %dma_wait3A_94 = tpu.memref_slice %arg11[%add3A_86, %dma_wait3A_93] : memref<10240x128xf32, #tpu.memory_space<vmem_shared>> -> memref<32x128xf32, #tpu.memory_space<vmem_shared>>
        tpu.wait_dma2 semaphore(%run_scoped3A : memref<!tpu.dma_semaphore, #tpu.memory_space<semaphore_mem>>) src(%arg10 : memref<32x128xf32, #tpu.memory_space<vmem>>) dst(%dma_wait3A_94 : memref<32x128xf32, #tpu.memory_space<vmem_shared>>)
        tpu.yield
      }) : () -> ()
    }
    %scan3A_47 = arith.constant 20 : i32
    %barrier3A = arith.constant 0 : index
    tpu.barrier barrier_id(%barrier3A)
    %scan3A_48 = arith.constant 0 : i32
    %scan3A_49 = arith.constant 0 : i32
    %scan3A_50 = arith.constant 20 : i32
    %scan3A_51 = arith.addi %scan3A_49, %scan3A_50 : i32
    %scan3A_52 = arith.constant 1 : i32
    scf.for %scan3A_81 = %scan3A_49 to %scan3A_51 step %scan3A_52  : i32 {
      %mul3A_82 = arith.constant 2 : i32
      %mul3A_83 = arith.muli %mul3A_82, %scan3A_81 : i32
      %dma_wait3A_84 = arith.constant 0 : i32
      %dma_wait3A_85 = arith.constant 0 : i32
      %dma_wait3A_86 = arith.constant 0 : i32
      %dma_wait3A_87 = tpu.memref_slice %arg9[%dma_wait3A_85, %dma_wait3A_86] : memref<256x128xf32, #tpu.memory_space<vmem>> -> memref<128x128xf32, #tpu.memory_space<vmem>>
      %dma_wait3A_88 = arith.constant 0 : i32
      %dma_wait3A_89 = tpu.memref_slice %arg7[%dma_wait3A_84, %dma_wait3A_88] : memref<40x128xi32, #tpu.memory_space<vmem>> -> memref<1x128xi32, #tpu.memory_space<vmem>>
      %dma_wait3A_90 = tpu.memref_squeeze %dma_wait3A_89 : memref<1x128xi32, #tpu.memory_space<vmem>> -> memref<128xi32, #tpu.memory_space<vmem>>
      %dma_wait3A_91 = arith.constant 0 : i32
      %dma_wait3A_92 = arith.constant 0 : i32
      %dma_wait3A_93 = tpu.memref_slice %arg2[%dma_wait3A_91, %dma_wait3A_92] : memref<10000x128xf32, #tpu.memory_space<hbm>> -> memref<10000x128xf32, #tpu.memory_space<hbm>>
      tpu.wait_indirect_dma semaphore(%arg12 : memref<!tpu.dma_semaphore, #tpu.memory_space<semaphore_mem>>) src(%dma_wait3A_93 : memref<10000x128xf32, #tpu.memory_space<hbm>>) dst(%dma_wait3A_87 : memref<128x128xf32, #tpu.memory_space<vmem>>)
      "tpu.region"() ({
        %run_scoped3A = tpu.sem_alloc : memref<!tpu.dma_semaphore, #tpu.memory_space<semaphore_mem>>
        %dma_start3A_131 = arith.constant 0 : i32
        %dma_start3A_132 = arith.constant 0 : i32
        %dma_start3A_133 = tpu.memref_slice %arg9[%dma_start3A_131, %dma_start3A_132] : memref<256x128xf32, #tpu.memory_space<vmem>> -> memref<128x128xf32, #tpu.memory_space<vmem>>
        %dma_start3A_134 = arith.constant 0 : i32
        %dma_start3A_135 = tpu.memref_slice %arg8[%mul3A_83, %dma_start3A_134] : memref<40x128xi32, #tpu.memory_space<vmem>> -> memref<1x128xi32, #tpu.memory_space<vmem>>
        %dma_start3A_136 = tpu.memref_squeeze %dma_start3A_135 : memref<1x128xi32, #tpu.memory_space<vmem>> -> memref<128xi32, #tpu.memory_space<vmem>>
        %dma_start3A_137 = arith.constant 0 : i32
        %dma_start3A_138 = arith.constant 0 : i32
        %dma_start3A_139 = tpu.memref_slice %arg11[%dma_start3A_137, %dma_start3A_138] : memref<10240x128xf32, #tpu.memory_space<vmem_shared>> -> memref<10240x128xf32, #tpu.memory_space<vmem_shared>>
        tpu.enqueue_indirect_dma source(%dma_start3A_133 : memref<128x128xf32, #tpu.memory_space<vmem>>) target(%dma_start3A_139 : memref<10240x128xf32, #tpu.memory_space<vmem_shared>>) offsets(%dma_start3A_136 : memref<128xi32, #tpu.memory_space<vmem>>) semaphore(%run_scoped3A : memref<!tpu.dma_semaphore, #tpu.memory_space<semaphore_mem>>) {add = true}
        %dma_wait3A_140 = arith.constant 0 : i32
        %dma_wait3A_141 = arith.constant 0 : i32
        %dma_wait3A_142 = tpu.memref_slice %arg9[%dma_wait3A_140, %dma_wait3A_141] : memref<256x128xf32, #tpu.memory_space<vmem>> -> memref<128x128xf32, #tpu.memory_space<vmem>>
        %dma_wait3A_143 = arith.constant 0 : i32
        %dma_wait3A_144 = tpu.memref_slice %arg8[%mul3A_83, %dma_wait3A_143] : memref<40x128xi32, #tpu.memory_space<vmem>> -> memref<1x128xi32, #tpu.memory_space<vmem>>
        %dma_wait3A_145 = tpu.memref_squeeze %dma_wait3A_144 : memref<1x128xi32, #tpu.memory_space<vmem>> -> memref<128xi32, #tpu.memory_space<vmem>>
        %dma_wait3A_146 = arith.constant 0 : i32
        %dma_wait3A_147 = arith.constant 0 : i32
        %dma_wait3A_148 = tpu.memref_slice %arg11[%dma_wait3A_146, %dma_wait3A_147] : memref<10240x128xf32, #tpu.memory_space<vmem_shared>> -> memref<10240x128xf32, #tpu.memory_space<vmem_shared>>
        tpu.wait_indirect_dma semaphore(%run_scoped3A : memref<!tpu.dma_semaphore, #tpu.memory_space<semaphore_mem>>) src(%dma_wait3A_142 : memref<128x128xf32, #tpu.memory_space<vmem>>) dst(%dma_wait3A_148 : memref<10240x128xf32, #tpu.memory_space<vmem_shared>>)
        tpu.yield
      }) : () -> ()
      %add3A_94 = arith.constant 2 : i32
      %add3A_95 = arith.addi %mul3A_83, %add3A_94 : i32
      %rem3A = arith.constant 40 : i32
      %rem3A_96 = arith.remsi %add3A_95, %rem3A : i32
      %dma_start3A_97 = arith.constant 0 : i32
      %dma_start3A_98 = arith.constant 0 : i32
      %dma_start3A_99 = tpu.memref_slice %arg9[%dma_start3A_97, %dma_start3A_98] : memref<256x128xf32, #tpu.memory_space<vmem>> -> memref<128x128xf32, #tpu.memory_space<vmem>>
      %dma_start3A_100 = arith.constant 0 : i32
      %dma_start3A_101 = tpu.memref_slice %arg7[%rem3A_96, %dma_start3A_100] : memref<40x128xi32, #tpu.memory_space<vmem>> -> memref<1x128xi32, #tpu.memory_space<vmem>>
      %dma_start3A_102 = tpu.memref_squeeze %dma_start3A_101 : memref<1x128xi32, #tpu.memory_space<vmem>> -> memref<128xi32, #tpu.memory_space<vmem>>
      %dma_start3A_103 = arith.constant 0 : i32
      %dma_start3A_104 = arith.constant 0 : i32
      %dma_start3A_105 = tpu.memref_slice %arg2[%dma_start3A_103, %dma_start3A_104] : memref<10000x128xf32, #tpu.memory_space<hbm>> -> memref<10000x128xf32, #tpu.memory_space<hbm>>
      tpu.enqueue_indirect_dma source(%dma_start3A_105 : memref<10000x128xf32, #tpu.memory_space<hbm>>) target(%dma_start3A_99 : memref<128x128xf32, #tpu.memory_space<vmem>>) offsets(%dma_start3A_102 : memref<128xi32, #tpu.memory_space<vmem>>) semaphore(%arg12 : memref<!tpu.dma_semaphore, #tpu.memory_space<semaphore_mem>>)
      %dma_wait3A_106 = arith.constant 0 : i32
      %dma_wait3A_107 = arith.constant 128 : i32
      %dma_wait3A_108 = arith.constant 0 : i32
      %dma_wait3A_109 = tpu.memref_slice %arg9[%dma_wait3A_107, %dma_wait3A_108] : memref<256x128xf32, #tpu.memory_space<vmem>> -> memref<128x128xf32, #tpu.memory_space<vmem>>
      %dma_wait3A_110 = arith.constant 0 : i32
      %dma_wait3A_111 = tpu.memref_slice %arg7[%dma_wait3A_106, %dma_wait3A_110] : memref<40x128xi32, #tpu.memory_space<vmem>> -> memref<1x128xi32, #tpu.memory_space<vmem>>
      %dma_wait3A_112 = tpu.memref_squeeze %dma_wait3A_111 : memref<1x128xi32, #tpu.memory_space<vmem>> -> memref<128xi32, #tpu.memory_space<vmem>>
      %dma_wait3A_113 = arith.constant 0 : i32
      %dma_wait3A_114 = arith.constant 0 : i32
      %dma_wait3A_115 = tpu.memref_slice %arg2[%dma_wait3A_113, %dma_wait3A_114] : memref<10000x128xf32, #tpu.memory_space<hbm>> -> memref<10000x128xf32, #tpu.memory_space<hbm>>
      tpu.wait_indirect_dma semaphore(%arg13 : memref<!tpu.dma_semaphore, #tpu.memory_space<semaphore_mem>>) src(%dma_wait3A_115 : memref<10000x128xf32, #tpu.memory_space<hbm>>) dst(%dma_wait3A_109 : memref<128x128xf32, #tpu.memory_space<vmem>>)
      %add3A_116 = arith.constant 1 : i32
      %add3A_117 = arith.addi %mul3A_83, %add3A_116 : i32
      "tpu.region"() ({
        %run_scoped3A = tpu.sem_alloc : memref<!tpu.dma_semaphore, #tpu.memory_space<semaphore_mem>>
        %dma_start3A_131 = arith.constant 128 : i32
        %dma_start3A_132 = arith.constant 0 : i32
        %dma_start3A_133 = tpu.memref_slice %arg9[%dma_start3A_131, %dma_start3A_132] : memref<256x128xf32, #tpu.memory_space<vmem>> -> memref<128x128xf32, #tpu.memory_space<vmem>>
        %dma_start3A_134 = arith.constant 0 : i32
        %dma_start3A_135 = tpu.memref_slice %arg8[%add3A_117, %dma_start3A_134] : memref<40x128xi32, #tpu.memory_space<vmem>> -> memref<1x128xi32, #tpu.memory_space<vmem>>
        %dma_start3A_136 = tpu.memref_squeeze %dma_start3A_135 : memref<1x128xi32, #tpu.memory_space<vmem>> -> memref<128xi32, #tpu.memory_space<vmem>>
        %dma_start3A_137 = arith.constant 0 : i32
        %dma_start3A_138 = arith.constant 0 : i32
        %dma_start3A_139 = tpu.memref_slice %arg11[%dma_start3A_137, %dma_start3A_138] : memref<10240x128xf32, #tpu.memory_space<vmem_shared>> -> memref<10240x128xf32, #tpu.memory_space<vmem_shared>>
        tpu.enqueue_indirect_dma source(%dma_start3A_133 : memref<128x128xf32, #tpu.memory_space<vmem>>) target(%dma_start3A_139 : memref<10240x128xf32, #tpu.memory_space<vmem_shared>>) offsets(%dma_start3A_136 : memref<128xi32, #tpu.memory_space<vmem>>) semaphore(%run_scoped3A : memref<!tpu.dma_semaphore, #tpu.memory_space<semaphore_mem>>) {add = true}
        %dma_wait3A_140 = arith.constant 128 : i32
        %dma_wait3A_141 = arith.constant 0 : i32
        %dma_wait3A_142 = tpu.memref_slice %arg9[%dma_wait3A_140, %dma_wait3A_141] : memref<256x128xf32, #tpu.memory_space<vmem>> -> memref<128x128xf32, #tpu.memory_space<vmem>>
        %dma_wait3A_143 = arith.constant 0 : i32
        %dma_wait3A_144 = tpu.memref_slice %arg8[%add3A_117, %dma_wait3A_143] : memref<40x128xi32, #tpu.memory_space<vmem>> -> memref<1x128xi32, #tpu.memory_space<vmem>>
        %dma_wait3A_145 = tpu.memref_squeeze %dma_wait3A_144 : memref<1x128xi32, #tpu.memory_space<vmem>> -> memref<128xi32, #tpu.memory_space<vmem>>
        %dma_wait3A_146 = arith.constant 0 : i32
        %dma_wait3A_147 = arith.constant 0 : i32
        %dma_wait3A_148 = tpu.memref_slice %arg11[%dma_wait3A_146, %dma_wait3A_147] : memref<10240x128xf32, #tpu.memory_space<vmem_shared>> -> memref<10240x128xf32, #tpu.memory_space<vmem_shared>>
        tpu.wait_indirect_dma semaphore(%run_scoped3A : memref<!tpu.dma_semaphore, #tpu.memory_space<semaphore_mem>>) src(%dma_wait3A_142 : memref<128x128xf32, #tpu.memory_space<vmem>>) dst(%dma_wait3A_148 : memref<10240x128xf32, #tpu.memory_space<vmem_shared>>)
        tpu.yield
      }) : () -> ()
      %add3A_118 = arith.constant 3 : i32
      %add3A_119 = arith.addi %mul3A_83, %add3A_118 : i32
      %rem3A_120 = arith.constant 40 : i32
      %rem3A_121 = arith.remsi %add3A_119, %rem3A_120 : i32
      %dma_start3A_122 = arith.constant 128 : i32
      %dma_start3A_123 = arith.constant 0 : i32
      %dma_start3A_124 = tpu.memref_slice %arg9[%dma_start3A_122, %dma_start3A_123] : memref<256x128xf32, #tpu.memory_space<vmem>> -> memref<128x128xf32, #tpu.memory_space<vmem>>
      %dma_start3A_125 = arith.constant 0 : i32
      %dma_start3A_126 = tpu.memref_slice %arg7[%rem3A_121, %dma_start3A_125] : memref<40x128xi32, #tpu.memory_space<vmem>> -> memref<1x128xi32, #tpu.memory_space<vmem>>
      %dma_start3A_127 = tpu.memref_squeeze %dma_start3A_126 : memref<1x128xi32, #tpu.memory_space<vmem>> -> memref<128xi32, #tpu.memory_space<vmem>>
      %dma_start3A_128 = arith.constant 0 : i32
      %dma_start3A_129 = arith.constant 0 : i32
      %dma_start3A_130 = tpu.memref_slice %arg2[%dma_start3A_128, %dma_start3A_129] : memref<10000x128xf32, #tpu.memory_space<hbm>> -> memref<10000x128xf32, #tpu.memory_space<hbm>>
      tpu.enqueue_indirect_dma source(%dma_start3A_130 : memref<10000x128xf32, #tpu.memory_space<hbm>>) target(%dma_start3A_124 : memref<128x128xf32, #tpu.memory_space<vmem>>) offsets(%dma_start3A_127 : memref<128xi32, #tpu.memory_space<vmem>>) semaphore(%arg13 : memref<!tpu.dma_semaphore, #tpu.memory_space<semaphore_mem>>)
    }
    %scan3A_53 = arith.constant 20 : i32
    %dma_wait3A = arith.constant 0 : i32
    %dma_wait3A_54 = arith.constant 0 : i32
    %dma_wait3A_55 = arith.constant 0 : i32
    %dma_wait3A_56 = tpu.memref_slice %arg9[%dma_wait3A_54, %dma_wait3A_55] : memref<256x128xf32, #tpu.memory_space<vmem>> -> memref<128x128xf32, #tpu.memory_space<vmem>>
    %dma_wait3A_57 = arith.constant 0 : i32
    %dma_wait3A_58 = tpu.memref_slice %arg7[%dma_wait3A, %dma_wait3A_57] : memref<40x128xi32, #tpu.memory_space<vmem>> -> memref<1x128xi32, #tpu.memory_space<vmem>>
    %dma_wait3A_59 = tpu.memref_squeeze %dma_wait3A_58 : memref<1x128xi32, #tpu.memory_space<vmem>> -> memref<128xi32, #tpu.memory_space<vmem>>
    %dma_wait3A_60 = arith.constant 0 : i32
    %dma_wait3A_61 = arith.constant 0 : i32
    %dma_wait3A_62 = tpu.memref_slice %arg2[%dma_wait3A_60, %dma_wait3A_61] : memref<10000x128xf32, #tpu.memory_space<hbm>> -> memref<10000x128xf32, #tpu.memory_space<hbm>>
    tpu.wait_indirect_dma semaphore(%arg12 : memref<!tpu.dma_semaphore, #tpu.memory_space<semaphore_mem>>) src(%dma_wait3A_62 : memref<10000x128xf32, #tpu.memory_space<hbm>>) dst(%dma_wait3A_56 : memref<128x128xf32, #tpu.memory_space<vmem>>)
    %dma_wait3A_63 = arith.constant 0 : i32
    %dma_wait3A_64 = arith.constant 128 : i32
    %dma_wait3A_65 = arith.constant 0 : i32
    %dma_wait3A_66 = tpu.memref_slice %arg9[%dma_wait3A_64, %dma_wait3A_65] : memref<256x128xf32, #tpu.memory_space<vmem>> -> memref<128x128xf32, #tpu.memory_space<vmem>>
    %dma_wait3A_67 = arith.constant 0 : i32
    %dma_wait3A_68 = tpu.memref_slice %arg7[%dma_wait3A_63, %dma_wait3A_67] : memref<40x128xi32, #tpu.memory_space<vmem>> -> memref<1x128xi32, #tpu.memory_space<vmem>>
    %dma_wait3A_69 = tpu.memref_squeeze %dma_wait3A_68 : memref<1x128xi32, #tpu.memory_space<vmem>> -> memref<128xi32, #tpu.memory_space<vmem>>
    %dma_wait3A_70 = arith.constant 0 : i32
    %dma_wait3A_71 = arith.constant 0 : i32
    %dma_wait3A_72 = tpu.memref_slice %arg2[%dma_wait3A_70, %dma_wait3A_71] : memref<10000x128xf32, #tpu.memory_space<hbm>> -> memref<10000x128xf32, #tpu.memory_space<hbm>>
    tpu.wait_indirect_dma semaphore(%arg13 : memref<!tpu.dma_semaphore, #tpu.memory_space<semaphore_mem>>) src(%dma_wait3A_72 : memref<10000x128xf32, #tpu.memory_space<hbm>>) dst(%dma_wait3A_66 : memref<128x128xf32, #tpu.memory_space<vmem>>)
    %barrier3A_73 = arith.constant 0 : index
    tpu.barrier barrier_id(%barrier3A_73)
    %mul3A_74 = arith.constant 640 : i32
    %mul3A_75 = arith.muli %arg1, %mul3A_74 : i32
    %mul3A_76 = arith.constant 10240 : i32
    %mul3A_77 = arith.muli %arg0, %mul3A_76 : i32
    %mul3A_78 = arith.constant 640 : i32
    %mul3A_79 = arith.muli %arg1, %mul3A_78 : i32
    %add3A_80 = arith.addi %mul3A_77, %mul3A_79 : i32
    "tpu.region"() ({
      %run_scoped3A = tpu.sem_alloc : memref<!tpu.dma_semaphore, #tpu.memory_space<semaphore_mem>>
      %dma_start3A_81 = arith.constant 0 : i32
      %dma_start3A_82 = tpu.memref_slice %arg6[%add3A_80, %dma_start3A_81] : memref<20480x128xf32, #tpu.memory_space<hbm>> -> memref<640x128xf32, #tpu.memory_space<hbm>>
      %dma_start3A_83 = arith.constant 0 : i32
      %dma_start3A_84 = tpu.memref_slice %arg11[%mul3A_75, %dma_start3A_83] : memref<10240x128xf32, #tpu.memory_space<vmem_shared>> -> memref<640x128xf32, #tpu.memory_space<vmem_shared>>
      tpu.enqueue_dma source(%dma_start3A_84 : memref<640x128xf32, #tpu.memory_space<vmem_shared>>) target(%dma_start3A_82 : memref<640x128xf32, #tpu.memory_space<hbm>>) target_semaphore(%run_scoped3A : memref<!tpu.dma_semaphore, #tpu.memory_space<semaphore_mem>>)
      %dma_wait3A_85 = arith.constant 0 : i32
      %dma_wait3A_86 = tpu.memref_slice %arg6[%add3A_80, %dma_wait3A_85] : memref<20480x128xf32, #tpu.memory_space<hbm>> -> memref<640x128xf32, #tpu.memory_space<hbm>>
      %dma_wait3A_87 = arith.constant 0 : i32
      %dma_wait3A_88 = tpu.memref_slice %arg11[%mul3A_75, %dma_wait3A_87] : memref<10240x128xf32, #tpu.memory_space<vmem_shared>> -> memref<640x128xf32, #tpu.memory_space<vmem_shared>>
      tpu.wait_dma2 semaphore(%run_scoped3A : memref<!tpu.dma_semaphore, #tpu.memory_space<semaphore_mem>>) src(%dma_wait3A_88 : memref<640x128xf32, #tpu.memory_space<vmem_shared>>) dst(%dma_wait3A_86 : memref<640x128xf32, #tpu.memory_space<hbm>>)
      tpu.yield
    }) : () -> ()
    return
  }
}

#map = affine_map<(d0, d1) -> (0, 0)>
#map1 = affine_map<(d0, d1) -> (0, 0, 0)>
module attributes {stable_mosaic.version = 14 : i64} {
  func.func @agg_kernel(%arg0: i32, %arg1: i32, %arg2: memref<10000x128xf32, #tpu.memory_space<hbm>>, %arg3: memref<2x1250x128xi32, #tpu.memory_space<hbm>>, %arg4: memref<32x128xi32, #tpu.memory_space<hbm>>, %arg5: memref<32x128xi32, #tpu.memory_space<hbm>>, %arg6: memref<20480x128xf32, #tpu.memory_space<hbm>>, %arg7: memref<40x128xi32, #tpu.memory_space<vmem>>, %arg8: memref<40x128xi32, #tpu.memory_space<vmem>>, %arg9: memref<256x128xf32, #tpu.memory_space<vmem>>, %arg10: memref<32x128xf32, #tpu.memory_space<vmem>>, %arg11: memref<10240x128xf32, #tpu.memory_space<vmem_shared>>, %arg12: memref<!tpu.dma_semaphore, #tpu.memory_space<semaphore_mem>>, %arg13: memref<!tpu.dma_semaphore, #tpu.memory_space<semaphore_mem>>) attributes {dimension_semantics = [#tpu.dimension_semantics<core_parallel>, #tpu.dimension_semantics<subcore_parallel>], iteration_bounds = array<i64: 2, 16>, scalar_prefetch = 0 : i64, scratch_operands = 7 : i64, tpu.core_type = #tpu.core_type<sc_vector_subcore>, window_params = [{transform_indices = #map}, {transform_indices = #map1}, {transform_indices = #map}, {transform_indices = #map}, {transform_indices = #map}]} {
    %mul3A = arith.constant 16 : i32
    %mul3A_0 = arith.muli %arg0, %mul3A : i32
    %add3A = arith.addi %mul3A_0, %arg1 : i32
    %lt3A = arith.constant 31 : i32
    %lt3A_1 = arith.cmpi slt, %add3A, %lt3A : i32
    %convert_element_type3A = arith.extui %lt3A_1 : i1 to i32
    %cond3A = arith.constant 0 : i32
    %cond3A_2 = arith.cmpi ne, %convert_element_type3A, %cond3A : i32
    scf.if %cond3A_2 {
      %mul3A_81 = arith.constant 40 : i32
      %mul3A_82 = arith.muli %add3A, %mul3A_81 : i32
      %run_scoped3A = arith.constant 0 : i32
      "tpu.region"() ({
        %run_scoped3A_83 = tpu.sem_alloc : memref<!tpu.dma_semaphore, #tpu.memory_space<semaphore_mem>>
        %dma_start3A_84 = arith.constant 0 : i32
        %dma_start3A_85 = tpu.memref_slice %arg3[%run_scoped3A, %mul3A_82, %dma_start3A_84] : memref<2x1250x128xi32, #tpu.memory_space<hbm>> -> memref<1x40x128xi32, #tpu.memory_space<hbm>>
        %dma_start3A_86 = tpu.memref_squeeze %dma_start3A_85 : memref<1x40x128xi32, #tpu.memory_space<hbm>> -> memref<40x128xi32, #tpu.memory_space<hbm>>
        %dma_start3A_87 = arith.constant 0 : i32
        %dma_start3A_88 = tpu.memref_slice %arg3[%run_scoped3A, %mul3A_82, %dma_start3A_87] : memref<2x1250x128xi32, #tpu.memory_space<hbm>> -> memref<1x40x128xi32, #tpu.memory_space<hbm>>
        %dma_start3A_89 = tpu.memref_squeeze %dma_start3A_88 : memref<1x40x128xi32, #tpu.memory_space<hbm>> -> memref<40x128xi32, #tpu.memory_space<hbm>>
        tpu.enqueue_dma source(%dma_start3A_89 : memref<40x128xi32, #tpu.memory_space<hbm>>) target(%arg7 : memref<40x128xi32, #tpu.memory_space<vmem>>) target_semaphore(%run_scoped3A_83 : memref<!tpu.dma_semaphore, #tpu.memory_space<semaphore_mem>>)
        %dma_wait3A_90 = arith.constant 0 : i32
        %dma_wait3A_91 = tpu.memref_slice %arg3[%run_scoped3A, %mul3A_82, %dma_wait3A_90] : memref<2x1250x128xi32, #tpu.memory_space<hbm>> -> memref<1x40x128xi32, #tpu.memory_space<hbm>>
        %dma_wait3A_92 = tpu.memref_squeeze %dma_wait3A_91 : memref<1x40x128xi32, #tpu.memory_space<hbm>> -> memref<40x128xi32, #tpu.memory_space<hbm>>
        %dma_wait3A_93 = arith.constant 0 : i32
        %dma_wait3A_94 = tpu.memref_slice %arg3[%run_scoped3A, %mul3A_82, %dma_wait3A_93] : memref<2x1250x128xi32, #tpu.memory_space<hbm>> -> memref<1x40x128xi32, #tpu.memory_space<hbm>>
        %dma_wait3A_95 = tpu.memref_squeeze %dma_wait3A_94 : memref<1x40x128xi32, #tpu.memory_space<hbm>> -> memref<40x128xi32, #tpu.memory_space<hbm>>
        tpu.wait_dma2 semaphore(%run_scoped3A_83 : memref<!tpu.dma_semaphore, #tpu.memory_space<semaphore_mem>>) src(%dma_wait3A_95 : memref<40x128xi32, #tpu.memory_space<hbm>>) dst(%arg7 : memref<40x128xi32, #tpu.memory_space<vmem>>)
        tpu.yield
      }) : () -> ()
    } else {
    }
    %eq3A = arith.constant 31 : i32
    %eq3A_3 = arith.cmpi eq, %add3A, %eq3A : i32
    %convert_element_type3A_4 = arith.extui %eq3A_3 : i1 to i32
    %cond3A_5 = arith.constant 0 : i32
    %cond3A_6 = arith.cmpi ne, %convert_element_type3A_4, %cond3A_5 : i32
    scf.if %cond3A_6 {
      %mul3A_81 = arith.constant 40 : i32
      %mul3A_82 = arith.muli %add3A, %mul3A_81 : i32
      %run_scoped3A = arith.constant 0 : i32
      "tpu.region"() ({
        %run_scoped3A_83 = tpu.sem_alloc : memref<!tpu.dma_semaphore, #tpu.memory_space<semaphore_mem>>
        %dma_start3A_84 = arith.constant 0 : i32
        %dma_start3A_85 = arith.constant 0 : i32
        %dma_start3A_86 = tpu.memref_slice %arg7[%dma_start3A_84, %dma_start3A_85] : memref<40x128xi32, #tpu.memory_space<vmem>> -> memref<8x128xi32, #tpu.memory_space<vmem>>
        %dma_start3A_87 = arith.constant 0 : i32
        %dma_start3A_88 = tpu.memref_slice %arg3[%run_scoped3A, %mul3A_82, %dma_start3A_87] : memref<2x1250x128xi32, #tpu.memory_space<hbm>> -> memref<1x8x128xi32, #tpu.memory_space<hbm>>
        %dma_start3A_89 = tpu.memref_squeeze %dma_start3A_88 : memref<1x8x128xi32, #tpu.memory_space<hbm>> -> memref<8x128xi32, #tpu.memory_space<hbm>>
        %dma_start3A_90 = arith.constant 0 : i32
        %dma_start3A_91 = arith.constant 0 : i32
        %dma_start3A_92 = tpu.memref_slice %arg7[%dma_start3A_90, %dma_start3A_91] : memref<40x128xi32, #tpu.memory_space<vmem>> -> memref<8x128xi32, #tpu.memory_space<vmem>>
        %dma_start3A_93 = arith.constant 0 : i32
        %dma_start3A_94 = tpu.memref_slice %arg3[%run_scoped3A, %mul3A_82, %dma_start3A_93] : memref<2x1250x128xi32, #tpu.memory_space<hbm>> -> memref<1x8x128xi32, #tpu.memory_space<hbm>>
        %dma_start3A_95 = tpu.memref_squeeze %dma_start3A_94 : memref<1x8x128xi32, #tpu.memory_space<hbm>> -> memref<8x128xi32, #tpu.memory_space<hbm>>
        tpu.enqueue_dma source(%dma_start3A_95 : memref<8x128xi32, #tpu.memory_space<hbm>>) target(%dma_start3A_92 : memref<8x128xi32, #tpu.memory_space<vmem>>) target_semaphore(%run_scoped3A_83 : memref<!tpu.dma_semaphore, #tpu.memory_space<semaphore_mem>>)
        %dma_wait3A_96 = arith.constant 0 : i32
        %dma_wait3A_97 = arith.constant 0 : i32
        %dma_wait3A_98 = tpu.memref_slice %arg7[%dma_wait3A_96, %dma_wait3A_97] : memref<40x128xi32, #tpu.memory_space<vmem>> -> memref<8x128xi32, #tpu.memory_space<vmem>>
        %dma_wait3A_99 = arith.constant 0 : i32
        %dma_wait3A_100 = tpu.memref_slice %arg3[%run_scoped3A, %mul3A_82, %dma_wait3A_99] : memref<2x1250x128xi32, #tpu.memory_space<hbm>> -> memref<1x8x128xi32, #tpu.memory_space<hbm>>
        %dma_wait3A_101 = tpu.memref_squeeze %dma_wait3A_100 : memref<1x8x128xi32, #tpu.memory_space<hbm>> -> memref<8x128xi32, #tpu.memory_space<hbm>>
        %dma_wait3A_102 = arith.constant 0 : i32
        %dma_wait3A_103 = arith.constant 0 : i32
        %dma_wait3A_104 = tpu.memref_slice %arg7[%dma_wait3A_102, %dma_wait3A_103] : memref<40x128xi32, #tpu.memory_space<vmem>> -> memref<8x128xi32, #tpu.memory_space<vmem>>
        %dma_wait3A_105 = arith.constant 0 : i32
        %dma_wait3A_106 = tpu.memref_slice %arg3[%run_scoped3A, %mul3A_82, %dma_wait3A_105] : memref<2x1250x128xi32, #tpu.memory_space<hbm>> -> memref<1x8x128xi32, #tpu.memory_space<hbm>>
        %dma_wait3A_107 = tpu.memref_squeeze %dma_wait3A_106 : memref<1x8x128xi32, #tpu.memory_space<hbm>> -> memref<8x128xi32, #tpu.memory_space<hbm>>
        tpu.wait_dma2 semaphore(%run_scoped3A_83 : memref<!tpu.dma_semaphore, #tpu.memory_space<semaphore_mem>>) src(%dma_wait3A_107 : memref<8x128xi32, #tpu.memory_space<hbm>>) dst(%dma_wait3A_104 : memref<8x128xi32, #tpu.memory_space<vmem>>)
        tpu.yield
      }) : () -> ()
      "tpu.region"() ({
        %run_scoped3A_83 = tpu.sem_alloc : memref<!tpu.dma_semaphore, #tpu.memory_space<semaphore_mem>>
        %dma_start3A_84 = arith.constant 8 : i32
        %dma_start3A_85 = arith.constant 0 : i32
        %dma_start3A_86 = tpu.memref_slice %arg7[%dma_start3A_84, %dma_start3A_85] : memref<40x128xi32, #tpu.memory_space<vmem>> -> memref<32x128xi32, #tpu.memory_space<vmem>>
        %dma_start3A_87 = arith.constant 8 : i32
        %dma_start3A_88 = arith.constant 0 : i32
        %dma_start3A_89 = tpu.memref_slice %arg7[%dma_start3A_87, %dma_start3A_88] : memref<40x128xi32, #tpu.memory_space<vmem>> -> memref<32x128xi32, #tpu.memory_space<vmem>>
        tpu.enqueue_dma source(%arg4 : memref<32x128xi32, #tpu.memory_space<hbm>>) target(%dma_start3A_89 : memref<32x128xi32, #tpu.memory_space<vmem>>) target_semaphore(%run_scoped3A_83 : memref<!tpu.dma_semaphore, #tpu.memory_space<semaphore_mem>>)
        %dma_wait3A_90 = arith.constant 8 : i32
        %dma_wait3A_91 = arith.constant 0 : i32
        %dma_wait3A_92 = tpu.memref_slice %arg7[%dma_wait3A_90, %dma_wait3A_91] : memref<40x128xi32, #tpu.memory_space<vmem>> -> memref<32x128xi32, #tpu.memory_space<vmem>>
        %dma_wait3A_93 = arith.constant 8 : i32
        %dma_wait3A_94 = arith.constant 0 : i32
        %dma_wait3A_95 = tpu.memref_slice %arg7[%dma_wait3A_93, %dma_wait3A_94] : memref<40x128xi32, #tpu.memory_space<vmem>> -> memref<32x128xi32, #tpu.memory_space<vmem>>
        tpu.wait_dma2 semaphore(%run_scoped3A_83 : memref<!tpu.dma_semaphore, #tpu.memory_space<semaphore_mem>>) src(%arg4 : memref<32x128xi32, #tpu.memory_space<hbm>>) dst(%dma_wait3A_95 : memref<32x128xi32, #tpu.memory_space<vmem>>)
        tpu.yield
      }) : () -> ()
    } else {
    }
    %lt3A_7 = arith.constant 31 : i32
    %lt3A_8 = arith.cmpi slt, %add3A, %lt3A_7 : i32
    %convert_element_type3A_9 = arith.extui %lt3A_8 : i1 to i32
    %cond3A_10 = arith.constant 0 : i32
    %cond3A_11 = arith.cmpi ne, %convert_element_type3A_9, %cond3A_10 : i32
    scf.if %cond3A_11 {
      %mul3A_81 = arith.constant 40 : i32
      %mul3A_82 = arith.muli %add3A, %mul3A_81 : i32
      %run_scoped3A = arith.constant 1 : i32
      "tpu.region"() ({
        %run_scoped3A_83 = tpu.sem_alloc : memref<!tpu.dma_semaphore, #tpu.memory_space<semaphore_mem>>
        %dma_start3A_84 = arith.constant 0 : i32
        %dma_start3A_85 = tpu.memref_slice %arg3[%run_scoped3A, %mul3A_82, %dma_start3A_84] : memref<2x1250x128xi32, #tpu.memory_space<hbm>> -> memref<1x40x128xi32, #tpu.memory_space<hbm>>
        %dma_start3A_86 = tpu.memref_squeeze %dma_start3A_85 : memref<1x40x128xi32, #tpu.memory_space<hbm>> -> memref<40x128xi32, #tpu.memory_space<hbm>>
        %dma_start3A_87 = arith.constant 0 : i32
        %dma_start3A_88 = tpu.memref_slice %arg3[%run_scoped3A, %mul3A_82, %dma_start3A_87] : memref<2x1250x128xi32, #tpu.memory_space<hbm>> -> memref<1x40x128xi32, #tpu.memory_space<hbm>>
        %dma_start3A_89 = tpu.memref_squeeze %dma_start3A_88 : memref<1x40x128xi32, #tpu.memory_space<hbm>> -> memref<40x128xi32, #tpu.memory_space<hbm>>
        tpu.enqueue_dma source(%dma_start3A_89 : memref<40x128xi32, #tpu.memory_space<hbm>>) target(%arg8 : memref<40x128xi32, #tpu.memory_space<vmem>>) target_semaphore(%run_scoped3A_83 : memref<!tpu.dma_semaphore, #tpu.memory_space<semaphore_mem>>)
        %dma_wait3A_90 = arith.constant 0 : i32
        %dma_wait3A_91 = tpu.memref_slice %arg3[%run_scoped3A, %mul3A_82, %dma_wait3A_90] : memref<2x1250x128xi32, #tpu.memory_space<hbm>> -> memref<1x40x128xi32, #tpu.memory_space<hbm>>
        %dma_wait3A_92 = tpu.memref_squeeze %dma_wait3A_91 : memref<1x40x128xi32, #tpu.memory_space<hbm>> -> memref<40x128xi32, #tpu.memory_space<hbm>>
        %dma_wait3A_93 = arith.constant 0 : i32
        %dma_wait3A_94 = tpu.memref_slice %arg3[%run_scoped3A, %mul3A_82, %dma_wait3A_93] : memref<2x1250x128xi32, #tpu.memory_space<hbm>> -> memref<1x40x128xi32, #tpu.memory_space<hbm>>
        %dma_wait3A_95 = tpu.memref_squeeze %dma_wait3A_94 : memref<1x40x128xi32, #tpu.memory_space<hbm>> -> memref<40x128xi32, #tpu.memory_space<hbm>>
        tpu.wait_dma2 semaphore(%run_scoped3A_83 : memref<!tpu.dma_semaphore, #tpu.memory_space<semaphore_mem>>) src(%dma_wait3A_95 : memref<40x128xi32, #tpu.memory_space<hbm>>) dst(%arg8 : memref<40x128xi32, #tpu.memory_space<vmem>>)
        tpu.yield
      }) : () -> ()
    } else {
    }
    %eq3A_12 = arith.constant 31 : i32
    %eq3A_13 = arith.cmpi eq, %add3A, %eq3A_12 : i32
    %convert_element_type3A_14 = arith.extui %eq3A_13 : i1 to i32
    %cond3A_15 = arith.constant 0 : i32
    %cond3A_16 = arith.cmpi ne, %convert_element_type3A_14, %cond3A_15 : i32
    scf.if %cond3A_16 {
      %mul3A_81 = arith.constant 40 : i32
      %mul3A_82 = arith.muli %add3A, %mul3A_81 : i32
      %run_scoped3A = arith.constant 1 : i32
      "tpu.region"() ({
        %run_scoped3A_83 = tpu.sem_alloc : memref<!tpu.dma_semaphore, #tpu.memory_space<semaphore_mem>>
        %dma_start3A_84 = arith.constant 0 : i32
        %dma_start3A_85 = arith.constant 0 : i32
        %dma_start3A_86 = tpu.memref_slice %arg8[%dma_start3A_84, %dma_start3A_85] : memref<40x128xi32, #tpu.memory_space<vmem>> -> memref<8x128xi32, #tpu.memory_space<vmem>>
        %dma_start3A_87 = arith.constant 0 : i32
        %dma_start3A_88 = tpu.memref_slice %arg3[%run_scoped3A, %mul3A_82, %dma_start3A_87] : memref<2x1250x128xi32, #tpu.memory_space<hbm>> -> memref<1x8x128xi32, #tpu.memory_space<hbm>>
        %dma_start3A_89 = tpu.memref_squeeze %dma_start3A_88 : memref<1x8x128xi32, #tpu.memory_space<hbm>> -> memref<8x128xi32, #tpu.memory_space<hbm>>
        %dma_start3A_90 = arith.constant 0 : i32
        %dma_start3A_91 = arith.constant 0 : i32
        %dma_start3A_92 = tpu.memref_slice %arg8[%dma_start3A_90, %dma_start3A_91] : memref<40x128xi32, #tpu.memory_space<vmem>> -> memref<8x128xi32, #tpu.memory_space<vmem>>
        %dma_start3A_93 = arith.constant 0 : i32
        %dma_start3A_94 = tpu.memref_slice %arg3[%run_scoped3A, %mul3A_82, %dma_start3A_93] : memref<2x1250x128xi32, #tpu.memory_space<hbm>> -> memref<1x8x128xi32, #tpu.memory_space<hbm>>
        %dma_start3A_95 = tpu.memref_squeeze %dma_start3A_94 : memref<1x8x128xi32, #tpu.memory_space<hbm>> -> memref<8x128xi32, #tpu.memory_space<hbm>>
        tpu.enqueue_dma source(%dma_start3A_95 : memref<8x128xi32, #tpu.memory_space<hbm>>) target(%dma_start3A_92 : memref<8x128xi32, #tpu.memory_space<vmem>>) target_semaphore(%run_scoped3A_83 : memref<!tpu.dma_semaphore, #tpu.memory_space<semaphore_mem>>)
        %dma_wait3A_96 = arith.constant 0 : i32
        %dma_wait3A_97 = arith.constant 0 : i32
        %dma_wait3A_98 = tpu.memref_slice %arg8[%dma_wait3A_96, %dma_wait3A_97] : memref<40x128xi32, #tpu.memory_space<vmem>> -> memref<8x128xi32, #tpu.memory_space<vmem>>
        %dma_wait3A_99 = arith.constant 0 : i32
        %dma_wait3A_100 = tpu.memref_slice %arg3[%run_scoped3A, %mul3A_82, %dma_wait3A_99] : memref<2x1250x128xi32, #tpu.memory_space<hbm>> -> memref<1x8x128xi32, #tpu.memory_space<hbm>>
        %dma_wait3A_101 = tpu.memref_squeeze %dma_wait3A_100 : memref<1x8x128xi32, #tpu.memory_space<hbm>> -> memref<8x128xi32, #tpu.memory_space<hbm>>
        %dma_wait3A_102 = arith.constant 0 : i32
        %dma_wait3A_103 = arith.constant 0 : i32
        %dma_wait3A_104 = tpu.memref_slice %arg8[%dma_wait3A_102, %dma_wait3A_103] : memref<40x128xi32, #tpu.memory_space<vmem>> -> memref<8x128xi32, #tpu.memory_space<vmem>>
        %dma_wait3A_105 = arith.constant 0 : i32
        %dma_wait3A_106 = tpu.memref_slice %arg3[%run_scoped3A, %mul3A_82, %dma_wait3A_105] : memref<2x1250x128xi32, #tpu.memory_space<hbm>> -> memref<1x8x128xi32, #tpu.memory_space<hbm>>
        %dma_wait3A_107 = tpu.memref_squeeze %dma_wait3A_106 : memref<1x8x128xi32, #tpu.memory_space<hbm>> -> memref<8x128xi32, #tpu.memory_space<hbm>>
        tpu.wait_dma2 semaphore(%run_scoped3A_83 : memref<!tpu.dma_semaphore, #tpu.memory_space<semaphore_mem>>) src(%dma_wait3A_107 : memref<8x128xi32, #tpu.memory_space<hbm>>) dst(%dma_wait3A_104 : memref<8x128xi32, #tpu.memory_space<vmem>>)
        tpu.yield
      }) : () -> ()
      "tpu.region"() ({
        %run_scoped3A_83 = tpu.sem_alloc : memref<!tpu.dma_semaphore, #tpu.memory_space<semaphore_mem>>
        %dma_start3A_84 = arith.constant 8 : i32
        %dma_start3A_85 = arith.constant 0 : i32
        %dma_start3A_86 = tpu.memref_slice %arg8[%dma_start3A_84, %dma_start3A_85] : memref<40x128xi32, #tpu.memory_space<vmem>> -> memref<32x128xi32, #tpu.memory_space<vmem>>
        %dma_start3A_87 = arith.constant 8 : i32
        %dma_start3A_88 = arith.constant 0 : i32
        %dma_start3A_89 = tpu.memref_slice %arg8[%dma_start3A_87, %dma_start3A_88] : memref<40x128xi32, #tpu.memory_space<vmem>> -> memref<32x128xi32, #tpu.memory_space<vmem>>
        tpu.enqueue_dma source(%arg5 : memref<32x128xi32, #tpu.memory_space<hbm>>) target(%dma_start3A_89 : memref<32x128xi32, #tpu.memory_space<vmem>>) target_semaphore(%run_scoped3A_83 : memref<!tpu.dma_semaphore, #tpu.memory_space<semaphore_mem>>)
        %dma_wait3A_90 = arith.constant 8 : i32
        %dma_wait3A_91 = arith.constant 0 : i32
        %dma_wait3A_92 = tpu.memref_slice %arg8[%dma_wait3A_90, %dma_wait3A_91] : memref<40x128xi32, #tpu.memory_space<vmem>> -> memref<32x128xi32, #tpu.memory_space<vmem>>
        %dma_wait3A_93 = arith.constant 8 : i32
        %dma_wait3A_94 = arith.constant 0 : i32
        %dma_wait3A_95 = tpu.memref_slice %arg8[%dma_wait3A_93, %dma_wait3A_94] : memref<40x128xi32, #tpu.memory_space<vmem>> -> memref<32x128xi32, #tpu.memory_space<vmem>>
        tpu.wait_dma2 semaphore(%run_scoped3A_83 : memref<!tpu.dma_semaphore, #tpu.memory_space<semaphore_mem>>) src(%arg5 : memref<32x128xi32, #tpu.memory_space<hbm>>) dst(%dma_wait3A_95 : memref<32x128xi32, #tpu.memory_space<vmem>>)
        tpu.yield
      }) : () -> ()
    } else {
    }
    %dma_start3A = arith.constant 0 : i32
    %dma_start3A_17 = arith.constant 0 : i32
    %dma_start3A_18 = arith.constant 0 : i32
    %dma_start3A_19 = tpu.memref_slice %arg9[%dma_start3A_17, %dma_start3A_18] : memref<256x128xf32, #tpu.memory_space<vmem>> -> memref<128x128xf32, #tpu.memory_space<vmem>>
    %dma_start3A_20 = arith.constant 0 : i32
    %dma_start3A_21 = tpu.memref_slice %arg7[%dma_start3A, %dma_start3A_20] : memref<40x128xi32, #tpu.memory_space<vmem>> -> memref<1x128xi32, #tpu.memory_space<vmem>>
    %dma_start3A_22 = tpu.memref_squeeze %dma_start3A_21 : memref<1x128xi32, #tpu.memory_space<vmem>> -> memref<128xi32, #tpu.memory_space<vmem>>
    %dma_start3A_23 = arith.constant 0 : i32
    %dma_start3A_24 = arith.constant 0 : i32
    %dma_start3A_25 = tpu.memref_slice %arg2[%dma_start3A_23, %dma_start3A_24] : memref<10000x128xf32, #tpu.memory_space<hbm>> -> memref<10000x128xf32, #tpu.memory_space<hbm>>
    tpu.enqueue_indirect_dma source(%dma_start3A_25 : memref<10000x128xf32, #tpu.memory_space<hbm>>) target(%dma_start3A_19 : memref<128x128xf32, #tpu.memory_space<vmem>>) offsets(%dma_start3A_22 : memref<128xi32, #tpu.memory_space<vmem>>) semaphore(%arg12 : memref<!tpu.dma_semaphore, #tpu.memory_space<semaphore_mem>>)
    %dma_start3A_26 = arith.constant 1 : i32
    %dma_start3A_27 = arith.constant 128 : i32
    %dma_start3A_28 = arith.constant 0 : i32
    %dma_start3A_29 = tpu.memref_slice %arg9[%dma_start3A_27, %dma_start3A_28] : memref<256x128xf32, #tpu.memory_space<vmem>> -> memref<128x128xf32, #tpu.memory_space<vmem>>
    %dma_start3A_30 = arith.constant 0 : i32
    %dma_start3A_31 = tpu.memref_slice %arg7[%dma_start3A_26, %dma_start3A_30] : memref<40x128xi32, #tpu.memory_space<vmem>> -> memref<1x128xi32, #tpu.memory_space<vmem>>
    %dma_start3A_32 = tpu.memref_squeeze %dma_start3A_31 : memref<1x128xi32, #tpu.memory_space<vmem>> -> memref<128xi32, #tpu.memory_space<vmem>>
    %dma_start3A_33 = arith.constant 0 : i32
    %dma_start3A_34 = arith.constant 0 : i32
    %dma_start3A_35 = tpu.memref_slice %arg2[%dma_start3A_33, %dma_start3A_34] : memref<10000x128xf32, #tpu.memory_space<hbm>> -> memref<10000x128xf32, #tpu.memory_space<hbm>>
    tpu.enqueue_indirect_dma source(%dma_start3A_35 : memref<10000x128xf32, #tpu.memory_space<hbm>>) target(%dma_start3A_29 : memref<128x128xf32, #tpu.memory_space<vmem>>) offsets(%dma_start3A_32 : memref<128xi32, #tpu.memory_space<vmem>>) semaphore(%arg13 : memref<!tpu.dma_semaphore, #tpu.memory_space<semaphore_mem>>)
    %broadcast_in_dim3A = arith.constant 0.000000e+00 : f32
    %broadcast_in_dim3A_36 = vector.broadcast %broadcast_in_dim3A : f32 to vector<16xf32>
    %scan3A = arith.constant 0 : i32
    %scan3A_37 = arith.constant 0 : i32
    %scan3A_38 = arith.constant 32 : i32
    %scan3A_39 = arith.addi %scan3A_37, %scan3A_38 : i32
    %scan3A_40 = arith.constant 1 : i32
    scf.for %scan3A_81 = %scan3A_37 to %scan3A_39 step %scan3A_40  : i32 {
      %swap3A = arith.index_cast %scan3A_81 : i32 to index
      %swap3A_82 = arith.constant 0 : index
      %swap3A_83 = tpu.vector_load %arg10[%swap3A, %swap3A_82] {strides = array<i32>} : memref<32x128xf32, #tpu.memory_space<vmem>>, vector<1x16xf32>,
      %swap3A_84 = vector.shape_cast %swap3A_83 : vector<1x16xf32> to vector<16xf32>
      %swap3A_85 = vector.shape_cast %broadcast_in_dim3A_36 : vector<16xf32> to vector<1x16xf32>
      tpu.vector_store %arg10[%swap3A, %swap3A_82], %swap3A_85 {strides = array<i32>} : memref<32x128xf32, #tpu.memory_space<vmem>>, vector<1x16xf32>,
      %swap3A_86 = arith.index_cast %scan3A_81 : i32 to index
      %swap3A_87 = arith.constant 16 : index
      %swap3A_88 = tpu.vector_load %arg10[%swap3A_86, %swap3A_87] {strides = array<i32>} : memref<32x128xf32, #tpu.memory_space<vmem>>, vector<1x16xf32>,
      %swap3A_89 = vector.shape_cast %swap3A_88 : vector<1x16xf32> to vector<16xf32>
      %swap3A_90 = vector.shape_cast %broadcast_in_dim3A_36 : vector<16xf32> to vector<1x16xf32>
      tpu.vector_store %arg10[%swap3A_86, %swap3A_87], %swap3A_90 {strides = array<i32>} : memref<32x128xf32, #tpu.memory_space<vmem>>, vector<1x16xf32>,
      %swap3A_91 = arith.index_cast %scan3A_81 : i32 to index
      %swap3A_92 = arith.constant 32 : index
      %swap3A_93 = tpu.vector_load %arg10[%swap3A_91, %swap3A_92] {strides = array<i32>} : memref<32x128xf32, #tpu.memory_space<vmem>>, vector<1x16xf32>,
      %swap3A_94 = vector.shape_cast %swap3A_93 : vector<1x16xf32> to vector<16xf32>
      %swap3A_95 = vector.shape_cast %broadcast_in_dim3A_36 : vector<16xf32> to vector<1x16xf32>
      tpu.vector_store %arg10[%swap3A_91, %swap3A_92], %swap3A_95 {strides = array<i32>} : memref<32x128xf32, #tpu.memory_space<vmem>>, vector<1x16xf32>,
      %swap3A_96 = arith.index_cast %scan3A_81 : i32 to index
      %swap3A_97 = arith.constant 48 : index
      %swap3A_98 = tpu.vector_load %arg10[%swap3A_96, %swap3A_97] {strides = array<i32>} : memref<32x128xf32, #tpu.memory_space<vmem>>, vector<1x16xf32>,
      %swap3A_99 = vector.shape_cast %swap3A_98 : vector<1x16xf32> to vector<16xf32>
      %swap3A_100 = vector.shape_cast %broadcast_in_dim3A_36 : vector<16xf32> to vector<1x16xf32>
      tpu.vector_store %arg10[%swap3A_96, %swap3A_97], %swap3A_100 {strides = array<i32>} : memref<32x128xf32, #tpu.memory_space<vmem>>, vector<1x16xf32>,
      %swap3A_101 = arith.index_cast %scan3A_81 : i32 to index
      %swap3A_102 = arith.constant 64 : index
      %swap3A_103 = tpu.vector_load %arg10[%swap3A_101, %swap3A_102] {strides = array<i32>} : memref<32x128xf32, #tpu.memory_space<vmem>>, vector<1x16xf32>,
      %swap3A_104 = vector.shape_cast %swap3A_103 : vector<1x16xf32> to vector<16xf32>
      %swap3A_105 = vector.shape_cast %broadcast_in_dim3A_36 : vector<16xf32> to vector<1x16xf32>
      tpu.vector_store %arg10[%swap3A_101, %swap3A_102], %swap3A_105 {strides = array<i32>} : memref<32x128xf32, #tpu.memory_space<vmem>>, vector<1x16xf32>,
      %swap3A_106 = arith.index_cast %scan3A_81 : i32 to index
      %swap3A_107 = arith.constant 80 : index
      %swap3A_108 = tpu.vector_load %arg10[%swap3A_106, %swap3A_107] {strides = array<i32>} : memref<32x128xf32, #tpu.memory_space<vmem>>, vector<1x16xf32>,
      %swap3A_109 = vector.shape_cast %swap3A_108 : vector<1x16xf32> to vector<16xf32>
      %swap3A_110 = vector.shape_cast %broadcast_in_dim3A_36 : vector<16xf32> to vector<1x16xf32>
      tpu.vector_store %arg10[%swap3A_106, %swap3A_107], %swap3A_110 {strides = array<i32>} : memref<32x128xf32, #tpu.memory_space<vmem>>, vector<1x16xf32>,
      %swap3A_111 = arith.index_cast %scan3A_81 : i32 to index
      %swap3A_112 = arith.constant 96 : index
      %swap3A_113 = tpu.vector_load %arg10[%swap3A_111, %swap3A_112] {strides = array<i32>} : memref<32x128xf32, #tpu.memory_space<vmem>>, vector<1x16xf32>,
      %swap3A_114 = vector.shape_cast %swap3A_113 : vector<1x16xf32> to vector<16xf32>
      %swap3A_115 = vector.shape_cast %broadcast_in_dim3A_36 : vector<16xf32> to vector<1x16xf32>
      tpu.vector_store %arg10[%swap3A_111, %swap3A_112], %swap3A_115 {strides = array<i32>} : memref<32x128xf32, #tpu.memory_space<vmem>>, vector<1x16xf32>,
      %swap3A_116 = arith.index_cast %scan3A_81 : i32 to index
      %swap3A_117 = arith.constant 112 : index
      %swap3A_118 = tpu.vector_load %arg10[%swap3A_116, %swap3A_117] {strides = array<i32>} : memref<32x128xf32, #tpu.memory_space<vmem>>, vector<1x16xf32>,
      %swap3A_119 = vector.shape_cast %swap3A_118 : vector<1x16xf32> to vector<16xf32>
      %swap3A_120 = vector.shape_cast %broadcast_in_dim3A_36 : vector<16xf32> to vector<1x16xf32>
      tpu.vector_store %arg10[%swap3A_116, %swap3A_117], %swap3A_120 {strides = array<i32>} : memref<32x128xf32, #tpu.memory_space<vmem>>, vector<1x16xf32>,
    }
    %scan3A_41 = arith.constant 32 : i32
    %scan3A_42 = arith.constant 0 : i32
    %scan3A_43 = arith.constant 0 : i32
    %scan3A_44 = arith.constant 20 : i32
    %scan3A_45 = arith.addi %scan3A_43, %scan3A_44 : i32
    %scan3A_46 = arith.constant 1 : i32
    scf.for %scan3A_81 = %scan3A_43 to %scan3A_45 step %scan3A_46  : i32 {
      %mul3A_82 = arith.constant 640 : i32
      %mul3A_83 = arith.muli %arg1, %mul3A_82 : i32
      %mul3A_84 = arith.constant 32 : i32
      %mul3A_85 = arith.muli %scan3A_81, %mul3A_84 : i32
      %add3A_86 = arith.addi %mul3A_83, %mul3A_85 : i32
      "tpu.region"() ({
        %run_scoped3A = tpu.sem_alloc : memref<!tpu.dma_semaphore, #tpu.memory_space<semaphore_mem>>
        %dma_start3A_87 = arith.constant 0 : i32
        %dma_start3A_88 = tpu.memref_slice %arg11[%add3A_86, %dma_start3A_87] : memref<10240x128xf32, #tpu.memory_space<vmem_shared>> -> memref<32x128xf32, #tpu.memory_space<vmem_shared>>
        %dma_start3A_89 = arith.constant 0 : i32
        %dma_start3A_90 = tpu.memref_slice %arg11[%add3A_86, %dma_start3A_89] : memref<10240x128xf32, #tpu.memory_space<vmem_shared>> -> memref<32x128xf32, #tpu.memory_space<vmem_shared>>
        tpu.enqueue_dma source(%arg10 : memref<32x128xf32, #tpu.memory_space<vmem>>) target(%dma_start3A_90 : memref<32x128xf32, #tpu.memory_space<vmem_shared>>) target_semaphore(%run_scoped3A : memref<!tpu.dma_semaphore, #tpu.memory_space<semaphore_mem>>)
        %dma_wait3A_91 = arith.constant 0 : i32
        %dma_wait3A_92 = tpu.memref_slice %arg11[%add3A_86, %dma_wait3A_91] : memref<10240x128xf32, #tpu.memory_space<vmem_shared>> -> memref<32x128xf32, #tpu.memory_space<vmem_shared>>
        %dma_wait3A_93 = arith.constant 0 : i32
        %dma_wait3A_94 = tpu.memref_slice %arg11[%add3A_86, %dma_wait3A_93] : memref<10240x128xf32, #tpu.memory_space<vmem_shared>> -> memref<32x128xf32, #tpu.memory_space<vmem_shared>>
        tpu.wait_dma2 semaphore(%run_scoped3A : memref<!tpu.dma_semaphore, #tpu.memory_space<semaphore_mem>>) src(%arg10 : memref<32x128xf32, #tpu.memory_space<vmem>>) dst(%dma_wait3A_94 : memref<32x128xf32, #tpu.memory_space<vmem_shared>>)
        tpu.yield
      }) : () -> ()
    }
    %scan3A_47 = arith.constant 20 : i32
    %barrier3A = arith.constant 0 : index
    tpu.barrier barrier_id(%barrier3A)
    %scan3A_48 = arith.constant 0 : i32
    %scan3A_49 = arith.constant 0 : i32
    %scan3A_50 = arith.constant 20 : i32
    %scan3A_51 = arith.addi %scan3A_49, %scan3A_50 : i32
    %scan3A_52 = arith.constant 1 : i32
    scf.for %scan3A_81 = %scan3A_49 to %scan3A_51 step %scan3A_52  : i32 {
      %mul3A_82 = arith.constant 2 : i32
      %mul3A_83 = arith.muli %mul3A_82, %scan3A_81 : i32
      %dma_wait3A_84 = arith.constant 0 : i32
      %dma_wait3A_85 = arith.constant 0 : i32
      %dma_wait3A_86 = arith.constant 0 : i32
      %dma_wait3A_87 = tpu.memref_slice %arg9[%dma_wait3A_85, %dma_wait3A_86] : memref<256x128xf32, #tpu.memory_space<vmem>> -> memref<128x128xf32, #tpu.memory_space<vmem>>
      %dma_wait3A_88 = arith.constant 0 : i32
      %dma_wait3A_89 = tpu.memref_slice %arg7[%dma_wait3A_84, %dma_wait3A_88] : memref<40x128xi32, #tpu.memory_space<vmem>> -> memref<1x128xi32, #tpu.memory_space<vmem>>
      %dma_wait3A_90 = tpu.memref_squeeze %dma_wait3A_89 : memref<1x128xi32, #tpu.memory_space<vmem>> -> memref<128xi32, #tpu.memory_space<vmem>>
      %dma_wait3A_91 = arith.constant 0 : i32
      %dma_wait3A_92 = arith.constant 0 : i32
      %dma_wait3A_93 = tpu.memref_slice %arg2[%dma_wait3A_91, %dma_wait3A_92] : memref<10000x128xf32, #tpu.memory_space<hbm>> -> memref<10000x128xf32, #tpu.memory_space<hbm>>
      tpu.wait_indirect_dma semaphore(%arg12 : memref<!tpu.dma_semaphore, #tpu.memory_space<semaphore_mem>>) src(%dma_wait3A_93 : memref<10000x128xf32, #tpu.memory_space<hbm>>) dst(%dma_wait3A_87 : memref<128x128xf32, #tpu.memory_space<vmem>>)
      "tpu.region"() ({
        %run_scoped3A = tpu.sem_alloc : memref<!tpu.dma_semaphore, #tpu.memory_space<semaphore_mem>>
        %dma_start3A_131 = arith.constant 0 : i32
        %dma_start3A_132 = arith.constant 0 : i32
        %dma_start3A_133 = tpu.memref_slice %arg9[%dma_start3A_131, %dma_start3A_132] : memref<256x128xf32, #tpu.memory_space<vmem>> -> memref<128x128xf32, #tpu.memory_space<vmem>>
        %dma_start3A_134 = arith.constant 0 : i32
        %dma_start3A_135 = tpu.memref_slice %arg8[%mul3A_83, %dma_start3A_134] : memref<40x128xi32, #tpu.memory_space<vmem>> -> memref<1x128xi32, #tpu.memory_space<vmem>>
        %dma_start3A_136 = tpu.memref_squeeze %dma_start3A_135 : memref<1x128xi32, #tpu.memory_space<vmem>> -> memref<128xi32, #tpu.memory_space<vmem>>
        %dma_start3A_137 = arith.constant 0 : i32
        %dma_start3A_138 = arith.constant 0 : i32
        %dma_start3A_139 = tpu.memref_slice %arg11[%dma_start3A_137, %dma_start3A_138] : memref<10240x128xf32, #tpu.memory_space<vmem_shared>> -> memref<10240x128xf32, #tpu.memory_space<vmem_shared>>
        tpu.enqueue_indirect_dma source(%dma_start3A_133 : memref<128x128xf32, #tpu.memory_space<vmem>>) target(%dma_start3A_139 : memref<10240x128xf32, #tpu.memory_space<vmem_shared>>) offsets(%dma_start3A_136 : memref<128xi32, #tpu.memory_space<vmem>>) semaphore(%run_scoped3A : memref<!tpu.dma_semaphore, #tpu.memory_space<semaphore_mem>>) {add = true}
        %dma_wait3A_140 = arith.constant 0 : i32
        %dma_wait3A_141 = arith.constant 0 : i32
        %dma_wait3A_142 = tpu.memref_slice %arg9[%dma_wait3A_140, %dma_wait3A_141] : memref<256x128xf32, #tpu.memory_space<vmem>> -> memref<128x128xf32, #tpu.memory_space<vmem>>
        %dma_wait3A_143 = arith.constant 0 : i32
        %dma_wait3A_144 = tpu.memref_slice %arg8[%mul3A_83, %dma_wait3A_143] : memref<40x128xi32, #tpu.memory_space<vmem>> -> memref<1x128xi32, #tpu.memory_space<vmem>>
        %dma_wait3A_145 = tpu.memref_squeeze %dma_wait3A_144 : memref<1x128xi32, #tpu.memory_space<vmem>> -> memref<128xi32, #tpu.memory_space<vmem>>
        %dma_wait3A_146 = arith.constant 0 : i32
        %dma_wait3A_147 = arith.constant 0 : i32
        %dma_wait3A_148 = tpu.memref_slice %arg11[%dma_wait3A_146, %dma_wait3A_147] : memref<10240x128xf32, #tpu.memory_space<vmem_shared>> -> memref<10240x128xf32, #tpu.memory_space<vmem_shared>>
        tpu.wait_indirect_dma semaphore(%run_scoped3A : memref<!tpu.dma_semaphore, #tpu.memory_space<semaphore_mem>>) src(%dma_wait3A_142 : memref<128x128xf32, #tpu.memory_space<vmem>>) dst(%dma_wait3A_148 : memref<10240x128xf32, #tpu.memory_space<vmem_shared>>)
        tpu.yield
      }) : () -> ()
      %add3A_94 = arith.constant 2 : i32
      %add3A_95 = arith.addi %mul3A_83, %add3A_94 : i32
      %rem3A = arith.constant 40 : i32
      %rem3A_96 = arith.remsi %add3A_95, %rem3A : i32
      %dma_start3A_97 = arith.constant 0 : i32
      %dma_start3A_98 = arith.constant 0 : i32
      %dma_start3A_99 = tpu.memref_slice %arg9[%dma_start3A_97, %dma_start3A_98] : memref<256x128xf32, #tpu.memory_space<vmem>> -> memref<128x128xf32, #tpu.memory_space<vmem>>
      %dma_start3A_100 = arith.constant 0 : i32
      %dma_start3A_101 = tpu.memref_slice %arg7[%rem3A_96, %dma_start3A_100] : memref<40x128xi32, #tpu.memory_space<vmem>> -> memref<1x128xi32, #tpu.memory_space<vmem>>
      %dma_start3A_102 = tpu.memref_squeeze %dma_start3A_101 : memref<1x128xi32, #tpu.memory_space<vmem>> -> memref<128xi32, #tpu.memory_space<vmem>>
      %dma_start3A_103 = arith.constant 0 : i32
      %dma_start3A_104 = arith.constant 0 : i32
      %dma_start3A_105 = tpu.memref_slice %arg2[%dma_start3A_103, %dma_start3A_104] : memref<10000x128xf32, #tpu.memory_space<hbm>> -> memref<10000x128xf32, #tpu.memory_space<hbm>>
      tpu.enqueue_indirect_dma source(%dma_start3A_105 : memref<10000x128xf32, #tpu.memory_space<hbm>>) target(%dma_start3A_99 : memref<128x128xf32, #tpu.memory_space<vmem>>) offsets(%dma_start3A_102 : memref<128xi32, #tpu.memory_space<vmem>>) semaphore(%arg12 : memref<!tpu.dma_semaphore, #tpu.memory_space<semaphore_mem>>)
      %dma_wait3A_106 = arith.constant 0 : i32
      %dma_wait3A_107 = arith.constant 128 : i32
      %dma_wait3A_108 = arith.constant 0 : i32
      %dma_wait3A_109 = tpu.memref_slice %arg9[%dma_wait3A_107, %dma_wait3A_108] : memref<256x128xf32, #tpu.memory_space<vmem>> -> memref<128x128xf32, #tpu.memory_space<vmem>>
      %dma_wait3A_110 = arith.constant 0 : i32
      %dma_wait3A_111 = tpu.memref_slice %arg7[%dma_wait3A_106, %dma_wait3A_110] : memref<40x128xi32, #tpu.memory_space<vmem>> -> memref<1x128xi32, #tpu.memory_space<vmem>>
      %dma_wait3A_112 = tpu.memref_squeeze %dma_wait3A_111 : memref<1x128xi32, #tpu.memory_space<vmem>> -> memref<128xi32, #tpu.memory_space<vmem>>
      %dma_wait3A_113 = arith.constant 0 : i32
      %dma_wait3A_114 = arith.constant 0 : i32
      %dma_wait3A_115 = tpu.memref_slice %arg2[%dma_wait3A_113, %dma_wait3A_114] : memref<10000x128xf32, #tpu.memory_space<hbm>> -> memref<10000x128xf32, #tpu.memory_space<hbm>>
      tpu.wait_indirect_dma semaphore(%arg13 : memref<!tpu.dma_semaphore, #tpu.memory_space<semaphore_mem>>) src(%dma_wait3A_115 : memref<10000x128xf32, #tpu.memory_space<hbm>>) dst(%dma_wait3A_109 : memref<128x128xf32, #tpu.memory_space<vmem>>)
      %add3A_116 = arith.constant 1 : i32
      %add3A_117 = arith.addi %mul3A_83, %add3A_116 : i32
      "tpu.region"() ({
        %run_scoped3A = tpu.sem_alloc : memref<!tpu.dma_semaphore, #tpu.memory_space<semaphore_mem>>
        %dma_start3A_131 = arith.constant 128 : i32
        %dma_start3A_132 = arith.constant 0 : i32
        %dma_start3A_133 = tpu.memref_slice %arg9[%dma_start3A_131, %dma_start3A_132] : memref<256x128xf32, #tpu.memory_space<vmem>> -> memref<128x128xf32, #tpu.memory_space<vmem>>
        %dma_start3A_134 = arith.constant 0 : i32
        %dma_start3A_135 = tpu.memref_slice %arg8[%add3A_117, %dma_start3A_134] : memref<40x128xi32, #tpu.memory_space<vmem>> -> memref<1x128xi32, #tpu.memory_space<vmem>>
        %dma_start3A_136 = tpu.memref_squeeze %dma_start3A_135 : memref<1x128xi32, #tpu.memory_space<vmem>> -> memref<128xi32, #tpu.memory_space<vmem>>
        %dma_start3A_137 = arith.constant 0 : i32
        %dma_start3A_138 = arith.constant 0 : i32
        %dma_start3A_139 = tpu.memref_slice %arg11[%dma_start3A_137, %dma_start3A_138] : memref<10240x128xf32, #tpu.memory_space<vmem_shared>> -> memref<10240x128xf32, #tpu.memory_space<vmem_shared>>
        tpu.enqueue_indirect_dma source(%dma_start3A_133 : memref<128x128xf32, #tpu.memory_space<vmem>>) target(%dma_start3A_139 : memref<10240x128xf32, #tpu.memory_space<vmem_shared>>) offsets(%dma_start3A_136 : memref<128xi32, #tpu.memory_space<vmem>>) semaphore(%run_scoped3A : memref<!tpu.dma_semaphore, #tpu.memory_space<semaphore_mem>>) {add = true}
        %dma_wait3A_140 = arith.constant 128 : i32
        %dma_wait3A_141 = arith.constant 0 : i32
        %dma_wait3A_142 = tpu.memref_slice %arg9[%dma_wait3A_140, %dma_wait3A_141] : memref<256x128xf32, #tpu.memory_space<vmem>> -> memref<128x128xf32, #tpu.memory_space<vmem>>
        %dma_wait3A_143 = arith.constant 0 : i32
        %dma_wait3A_144 = tpu.memref_slice %arg8[%add3A_117, %dma_wait3A_143] : memref<40x128xi32, #tpu.memory_space<vmem>> -> memref<1x128xi32, #tpu.memory_space<vmem>>
        %dma_wait3A_145 = tpu.memref_squeeze %dma_wait3A_144 : memref<1x128xi32, #tpu.memory_space<vmem>> -> memref<128xi32, #tpu.memory_space<vmem>>
        %dma_wait3A_146 = arith.constant 0 : i32
        %dma_wait3A_147 = arith.constant 0 : i32
        %dma_wait3A_148 = tpu.memref_slice %arg11[%dma_wait3A_146, %dma_wait3A_147] : memref<10240x128xf32, #tpu.memory_space<vmem_shared>> -> memref<10240x128xf32, #tpu.memory_space<vmem_shared>>
        tpu.wait_indirect_dma semaphore(%run_scoped3A : memref<!tpu.dma_semaphore, #tpu.memory_space<semaphore_mem>>) src(%dma_wait3A_142 : memref<128x128xf32, #tpu.memory_space<vmem>>) dst(%dma_wait3A_148 : memref<10240x128xf32, #tpu.memory_space<vmem_shared>>)
        tpu.yield
      }) : () -> ()
      %add3A_118 = arith.constant 3 : i32
      %add3A_119 = arith.addi %mul3A_83, %add3A_118 : i32
      %rem3A_120 = arith.constant 40 : i32
      %rem3A_121 = arith.remsi %add3A_119, %rem3A_120 : i32
      %dma_start3A_122 = arith.constant 128 : i32
      %dma_start3A_123 = arith.constant 0 : i32
      %dma_start3A_124 = tpu.memref_slice %arg9[%dma_start3A_122, %dma_start3A_123] : memref<256x128xf32, #tpu.memory_space<vmem>> -> memref<128x128xf32, #tpu.memory_space<vmem>>
      %dma_start3A_125 = arith.constant 0 : i32
      %dma_start3A_126 = tpu.memref_slice %arg7[%rem3A_121, %dma_start3A_125] : memref<40x128xi32, #tpu.memory_space<vmem>> -> memref<1x128xi32, #tpu.memory_space<vmem>>
      %dma_start3A_127 = tpu.memref_squeeze %dma_start3A_126 : memref<1x128xi32, #tpu.memory_space<vmem>> -> memref<128xi32, #tpu.memory_space<vmem>>
      %dma_start3A_128 = arith.constant 0 : i32
      %dma_start3A_129 = arith.constant 0 : i32
      %dma_start3A_130 = tpu.memref_slice %arg2[%dma_start3A_128, %dma_start3A_129] : memref<10000x128xf32, #tpu.memory_space<hbm>> -> memref<10000x128xf32, #tpu.memory_space<hbm>>
      tpu.enqueue_indirect_dma source(%dma_start3A_130 : memref<10000x128xf32, #tpu.memory_space<hbm>>) target(%dma_start3A_124 : memref<128x128xf32, #tpu.memory_space<vmem>>) offsets(%dma_start3A_127 : memref<128xi32, #tpu.memory_space<vmem>>) semaphore(%arg13 : memref<!tpu.dma_semaphore, #tpu.memory_space<semaphore_mem>>)
    }
    %scan3A_53 = arith.constant 20 : i32
    %dma_wait3A = arith.constant 0 : i32
    %dma_wait3A_54 = arith.constant 0 : i32
    %dma_wait3A_55 = arith.constant 0 : i32
    %dma_wait3A_56 = tpu.memref_slice %arg9[%dma_wait3A_54, %dma_wait3A_55] : memref<256x128xf32, #tpu.memory_space<vmem>> -> memref<128x128xf32, #tpu.memory_space<vmem>>
    %dma_wait3A_57 = arith.constant 0 : i32
    %dma_wait3A_58 = tpu.memref_slice %arg7[%dma_wait3A, %dma_wait3A_57] : memref<40x128xi32, #tpu.memory_space<vmem>> -> memref<1x128xi32, #tpu.memory_space<vmem>>
    %dma_wait3A_59 = tpu.memref_squeeze %dma_wait3A_58 : memref<1x128xi32, #tpu.memory_space<vmem>> -> memref<128xi32, #tpu.memory_space<vmem>>
    %dma_wait3A_60 = arith.constant 0 : i32
    %dma_wait3A_61 = arith.constant 0 : i32
    %dma_wait3A_62 = tpu.memref_slice %arg2[%dma_wait3A_60, %dma_wait3A_61] : memref<10000x128xf32, #tpu.memory_space<hbm>> -> memref<10000x128xf32, #tpu.memory_space<hbm>>
    tpu.wait_indirect_dma semaphore(%arg12 : memref<!tpu.dma_semaphore, #tpu.memory_space<semaphore_mem>>) src(%dma_wait3A_62 : memref<10000x128xf32, #tpu.memory_space<hbm>>) dst(%dma_wait3A_56 : memref<128x128xf32, #tpu.memory_space<vmem>>)
    %dma_wait3A_63 = arith.constant 0 : i32
    %dma_wait3A_64 = arith.constant 128 : i32
    %dma_wait3A_65 = arith.constant 0 : i32
    %dma_wait3A_66 = tpu.memref_slice %arg9[%dma_wait3A_64, %dma_wait3A_65] : memref<256x128xf32, #tpu.memory_space<vmem>> -> memref<128x128xf32, #tpu.memory_space<vmem>>
    %dma_wait3A_67 = arith.constant 0 : i32
    %dma_wait3A_68 = tpu.memref_slice %arg7[%dma_wait3A_63, %dma_wait3A_67] : memref<40x128xi32, #tpu.memory_space<vmem>> -> memref<1x128xi32, #tpu.memory_space<vmem>>
    %dma_wait3A_69 = tpu.memref_squeeze %dma_wait3A_68 : memref<1x128xi32, #tpu.memory_space<vmem>> -> memref<128xi32, #tpu.memory_space<vmem>>
    %dma_wait3A_70 = arith.constant 0 : i32
    %dma_wait3A_71 = arith.constant 0 : i32
    %dma_wait3A_72 = tpu.memref_slice %arg2[%dma_wait3A_70, %dma_wait3A_71] : memref<10000x128xf32, #tpu.memory_space<hbm>> -> memref<10000x128xf32, #tpu.memory_space<hbm>>
    tpu.wait_indirect_dma semaphore(%arg13 : memref<!tpu.dma_semaphore, #tpu.memory_space<semaphore_mem>>) src(%dma_wait3A_72 : memref<10000x128xf32, #tpu.memory_space<hbm>>) dst(%dma_wait3A_66 : memref<128x128xf32, #tpu.memory_space<vmem>>)
    %barrier3A_73 = arith.constant 0 : index
    tpu.barrier barrier_id(%barrier3A_73)
    %mul3A_74 = arith.constant 640 : i32
    %mul3A_75 = arith.muli %arg1, %mul3A_74 : i32
    %mul3A_76 = arith.constant 10240 : i32
    %mul3A_77 = arith.muli %arg0, %mul3A_76 : i32
    %mul3A_78 = arith.constant 640 : i32
    %mul3A_79 = arith.muli %arg1, %mul3A_78 : i32
    %add3A_80 = arith.addi %mul3A_77, %mul3A_79 : i32
    "tpu.region"() ({
      %run_scoped3A = tpu.sem_alloc : memref<!tpu.dma_semaphore, #tpu.memory_space<semaphore_mem>>
      %dma_start3A_81 = arith.constant 0 : i32
      %dma_start3A_82 = tpu.memref_slice %arg6[%add3A_80, %dma_start3A_81] : memref<20480x128xf32, #tpu.memory_space<hbm>> -> memref<640x128xf32, #tpu.memory_space<hbm>>
      %dma_start3A_83 = arith.constant 0 : i32
      %dma_start3A_84 = tpu.memref_slice %arg11[%mul3A_75, %dma_start3A_83] : memref<10240x128xf32, #tpu.memory_space<vmem_shared>> -> memref<640x128xf32, #tpu.memory_space<vmem_shared>>
      tpu.enqueue_dma source(%dma_start3A_84 : memref<640x128xf32, #tpu.memory_space<vmem_shared>>) target(%dma_start3A_82 : memref<640x128xf32, #tpu.memory_space<hbm>>) target_semaphore(%run_scoped3A : memref<!tpu.dma_semaphore, #tpu.memory_space<semaphore_mem>>)
      %dma_wait3A_85 = arith.constant 0 : i32
      %dma_wait3A_86 = tpu.memref_slice %arg6[%add3A_80, %dma_wait3A_85] : memref<20480x128xf32, #tpu.memory_space<hbm>> -> memref<640x128xf32, #tpu.memory_space<hbm>>
      %dma_wait3A_87 = arith.constant 0 : i32
      %dma_wait3A_88 = tpu.memref_slice %arg11[%mul3A_75, %dma_wait3A_87] : memref<10240x128xf32, #tpu.memory_space<vmem_shared>> -> memref<640x128xf32, #tpu.memory_space<vmem_shared>>
      tpu.wait_dma2 semaphore(%run_scoped3A : memref<!tpu.dma_semaphore, #tpu.memory_space<semaphore_mem>>) src(%dma_wait3A_88 : memref<640x128xf32, #tpu.memory_space<vmem_shared>>) dst(%dma_wait3A_86 : memref<640x128xf32, #tpu.memory_space<hbm>>)
      tpu.yield
    }) : () -> ()
    return
  }
}

#map = affine_map<(d0, d1) -> (0, 0)>
#map1 = affine_map<(d0, d1) -> (0, 0, 0)>
module attributes {stable_mosaic.version = 14 : i64} {
  func.func @agg_kernel(%arg0: i32, %arg1: i32, %arg2: memref<10000x128xf32, #tpu.memory_space<hbm>>, %arg3: memref<2x1250x128xi32, #tpu.memory_space<hbm>>, %arg4: memref<32x128xi32, #tpu.memory_space<hbm>>, %arg5: memref<32x128xi32, #tpu.memory_space<hbm>>, %arg6: memref<20480x128xf32, #tpu.memory_space<hbm>>, %arg7: memref<40x128xi32, #tpu.memory_space<vmem>>, %arg8: memref<40x128xi32, #tpu.memory_space<vmem>>, %arg9: memref<256x128xf32, #tpu.memory_space<vmem>>, %arg10: memref<32x128xf32, #tpu.memory_space<vmem>>, %arg11: memref<10240x128xf32, #tpu.memory_space<vmem_shared>>, %arg12: memref<!tpu.dma_semaphore, #tpu.memory_space<semaphore_mem>>, %arg13: memref<!tpu.dma_semaphore, #tpu.memory_space<semaphore_mem>>) attributes {dimension_semantics = [#tpu.dimension_semantics<core_parallel>, #tpu.dimension_semantics<subcore_parallel>], iteration_bounds = array<i64: 2, 16>, scalar_prefetch = 0 : i64, scratch_operands = 7 : i64, tpu.core_type = #tpu.core_type<sc_vector_subcore>, window_params = [{transform_indices = #map}, {transform_indices = #map1}, {transform_indices = #map}, {transform_indices = #map}, {transform_indices = #map}]} {
    %mul3A = arith.constant 16 : i32
    %mul3A_0 = arith.muli %arg0, %mul3A : i32
    %add3A = arith.addi %mul3A_0, %arg1 : i32
    %lt3A = arith.constant 31 : i32
    %lt3A_1 = arith.cmpi slt, %add3A, %lt3A : i32
    %convert_element_type3A = arith.extui %lt3A_1 : i1 to i32
    %cond3A = arith.constant 0 : i32
    %cond3A_2 = arith.cmpi ne, %convert_element_type3A, %cond3A : i32
    scf.if %cond3A_2 {
      %mul3A_81 = arith.constant 40 : i32
      %mul3A_82 = arith.muli %add3A, %mul3A_81 : i32
      %run_scoped3A = arith.constant 0 : i32
      "tpu.region"() ({
        %run_scoped3A_83 = tpu.sem_alloc : memref<!tpu.dma_semaphore, #tpu.memory_space<semaphore_mem>>
        %dma_start3A_84 = arith.constant 0 : i32
        %dma_start3A_85 = tpu.memref_slice %arg3[%run_scoped3A, %mul3A_82, %dma_start3A_84] : memref<2x1250x128xi32, #tpu.memory_space<hbm>> -> memref<1x40x128xi32, #tpu.memory_space<hbm>>
        %dma_start3A_86 = tpu.memref_squeeze %dma_start3A_85 : memref<1x40x128xi32, #tpu.memory_space<hbm>> -> memref<40x128xi32, #tpu.memory_space<hbm>>
        %dma_start3A_87 = arith.constant 0 : i32
        %dma_start3A_88 = tpu.memref_slice %arg3[%run_scoped3A, %mul3A_82, %dma_start3A_87] : memref<2x1250x128xi32, #tpu.memory_space<hbm>> -> memref<1x40x128xi32, #tpu.memory_space<hbm>>
        %dma_start3A_89 = tpu.memref_squeeze %dma_start3A_88 : memref<1x40x128xi32, #tpu.memory_space<hbm>> -> memref<40x128xi32, #tpu.memory_space<hbm>>
        tpu.enqueue_dma source(%dma_start3A_89 : memref<40x128xi32, #tpu.memory_space<hbm>>) target(%arg7 : memref<40x128xi32, #tpu.memory_space<vmem>>) target_semaphore(%run_scoped3A_83 : memref<!tpu.dma_semaphore, #tpu.memory_space<semaphore_mem>>)
        %dma_wait3A_90 = arith.constant 0 : i32
        %dma_wait3A_91 = tpu.memref_slice %arg3[%run_scoped3A, %mul3A_82, %dma_wait3A_90] : memref<2x1250x128xi32, #tpu.memory_space<hbm>> -> memref<1x40x128xi32, #tpu.memory_space<hbm>>
        %dma_wait3A_92 = tpu.memref_squeeze %dma_wait3A_91 : memref<1x40x128xi32, #tpu.memory_space<hbm>> -> memref<40x128xi32, #tpu.memory_space<hbm>>
        %dma_wait3A_93 = arith.constant 0 : i32
        %dma_wait3A_94 = tpu.memref_slice %arg3[%run_scoped3A, %mul3A_82, %dma_wait3A_93] : memref<2x1250x128xi32, #tpu.memory_space<hbm>> -> memref<1x40x128xi32, #tpu.memory_space<hbm>>
        %dma_wait3A_95 = tpu.memref_squeeze %dma_wait3A_94 : memref<1x40x128xi32, #tpu.memory_space<hbm>> -> memref<40x128xi32, #tpu.memory_space<hbm>>
        tpu.wait_dma2 semaphore(%run_scoped3A_83 : memref<!tpu.dma_semaphore, #tpu.memory_space<semaphore_mem>>) src(%dma_wait3A_95 : memref<40x128xi32, #tpu.memory_space<hbm>>) dst(%arg7 : memref<40x128xi32, #tpu.memory_space<vmem>>)
        tpu.yield
      }) : () -> ()
    } else {
    }
    %eq3A = arith.constant 31 : i32
    %eq3A_3 = arith.cmpi eq, %add3A, %eq3A : i32
    %convert_element_type3A_4 = arith.extui %eq3A_3 : i1 to i32
    %cond3A_5 = arith.constant 0 : i32
    %cond3A_6 = arith.cmpi ne, %convert_element_type3A_4, %cond3A_5 : i32
    scf.if %cond3A_6 {
      %mul3A_81 = arith.constant 40 : i32
      %mul3A_82 = arith.muli %add3A, %mul3A_81 : i32
      %run_scoped3A = arith.constant 0 : i32
      "tpu.region"() ({
        %run_scoped3A_83 = tpu.sem_alloc : memref<!tpu.dma_semaphore, #tpu.memory_space<semaphore_mem>>
        %dma_start3A_84 = arith.constant 0 : i32
        %dma_start3A_85 = arith.constant 0 : i32
        %dma_start3A_86 = tpu.memref_slice %arg7[%dma_start3A_84, %dma_start3A_85] : memref<40x128xi32, #tpu.memory_space<vmem>> -> memref<8x128xi32, #tpu.memory_space<vmem>>
        %dma_start3A_87 = arith.constant 0 : i32
        %dma_start3A_88 = tpu.memref_slice %arg3[%run_scoped3A, %mul3A_82, %dma_start3A_87] : memref<2x1250x128xi32, #tpu.memory_space<hbm>> -> memref<1x8x128xi32, #tpu.memory_space<hbm>>
        %dma_start3A_89 = tpu.memref_squeeze %dma_start3A_88 : memref<1x8x128xi32, #tpu.memory_space<hbm>> -> memref<8x128xi32, #tpu.memory_space<hbm>>
        %dma_start3A_90 = arith.constant 0 : i32
        %dma_start3A_91 = arith.constant 0 : i32
        %dma_start3A_92 = tpu.memref_slice %arg7[%dma_start3A_90, %dma_start3A_91] : memref<40x128xi32, #tpu.memory_space<vmem>> -> memref<8x128xi32, #tpu.memory_space<vmem>>
        %dma_start3A_93 = arith.constant 0 : i32
        %dma_start3A_94 = tpu.memref_slice %arg3[%run_scoped3A, %mul3A_82, %dma_start3A_93] : memref<2x1250x128xi32, #tpu.memory_space<hbm>> -> memref<1x8x128xi32, #tpu.memory_space<hbm>>
        %dma_start3A_95 = tpu.memref_squeeze %dma_start3A_94 : memref<1x8x128xi32, #tpu.memory_space<hbm>> -> memref<8x128xi32, #tpu.memory_space<hbm>>
        tpu.enqueue_dma source(%dma_start3A_95 : memref<8x128xi32, #tpu.memory_space<hbm>>) target(%dma_start3A_92 : memref<8x128xi32, #tpu.memory_space<vmem>>) target_semaphore(%run_scoped3A_83 : memref<!tpu.dma_semaphore, #tpu.memory_space<semaphore_mem>>)
        %dma_wait3A_96 = arith.constant 0 : i32
        %dma_wait3A_97 = arith.constant 0 : i32
        %dma_wait3A_98 = tpu.memref_slice %arg7[%dma_wait3A_96, %dma_wait3A_97] : memref<40x128xi32, #tpu.memory_space<vmem>> -> memref<8x128xi32, #tpu.memory_space<vmem>>
        %dma_wait3A_99 = arith.constant 0 : i32
        %dma_wait3A_100 = tpu.memref_slice %arg3[%run_scoped3A, %mul3A_82, %dma_wait3A_99] : memref<2x1250x128xi32, #tpu.memory_space<hbm>> -> memref<1x8x128xi32, #tpu.memory_space<hbm>>
        %dma_wait3A_101 = tpu.memref_squeeze %dma_wait3A_100 : memref<1x8x128xi32, #tpu.memory_space<hbm>> -> memref<8x128xi32, #tpu.memory_space<hbm>>
        %dma_wait3A_102 = arith.constant 0 : i32
        %dma_wait3A_103 = arith.constant 0 : i32
        %dma_wait3A_104 = tpu.memref_slice %arg7[%dma_wait3A_102, %dma_wait3A_103] : memref<40x128xi32, #tpu.memory_space<vmem>> -> memref<8x128xi32, #tpu.memory_space<vmem>>
        %dma_wait3A_105 = arith.constant 0 : i32
        %dma_wait3A_106 = tpu.memref_slice %arg3[%run_scoped3A, %mul3A_82, %dma_wait3A_105] : memref<2x1250x128xi32, #tpu.memory_space<hbm>> -> memref<1x8x128xi32, #tpu.memory_space<hbm>>
        %dma_wait3A_107 = tpu.memref_squeeze %dma_wait3A_106 : memref<1x8x128xi32, #tpu.memory_space<hbm>> -> memref<8x128xi32, #tpu.memory_space<hbm>>
        tpu.wait_dma2 semaphore(%run_scoped3A_83 : memref<!tpu.dma_semaphore, #tpu.memory_space<semaphore_mem>>) src(%dma_wait3A_107 : memref<8x128xi32, #tpu.memory_space<hbm>>) dst(%dma_wait3A_104 : memref<8x128xi32, #tpu.memory_space<vmem>>)
        tpu.yield
      }) : () -> ()
      "tpu.region"() ({
        %run_scoped3A_83 = tpu.sem_alloc : memref<!tpu.dma_semaphore, #tpu.memory_space<semaphore_mem>>
        %dma_start3A_84 = arith.constant 8 : i32
        %dma_start3A_85 = arith.constant 0 : i32
        %dma_start3A_86 = tpu.memref_slice %arg7[%dma_start3A_84, %dma_start3A_85] : memref<40x128xi32, #tpu.memory_space<vmem>> -> memref<32x128xi32, #tpu.memory_space<vmem>>
        %dma_start3A_87 = arith.constant 8 : i32
        %dma_start3A_88 = arith.constant 0 : i32
        %dma_start3A_89 = tpu.memref_slice %arg7[%dma_start3A_87, %dma_start3A_88] : memref<40x128xi32, #tpu.memory_space<vmem>> -> memref<32x128xi32, #tpu.memory_space<vmem>>
        tpu.enqueue_dma source(%arg4 : memref<32x128xi32, #tpu.memory_space<hbm>>) target(%dma_start3A_89 : memref<32x128xi32, #tpu.memory_space<vmem>>) target_semaphore(%run_scoped3A_83 : memref<!tpu.dma_semaphore, #tpu.memory_space<semaphore_mem>>)
        %dma_wait3A_90 = arith.constant 8 : i32
        %dma_wait3A_91 = arith.constant 0 : i32
        %dma_wait3A_92 = tpu.memref_slice %arg7[%dma_wait3A_90, %dma_wait3A_91] : memref<40x128xi32, #tpu.memory_space<vmem>> -> memref<32x128xi32, #tpu.memory_space<vmem>>
        %dma_wait3A_93 = arith.constant 8 : i32
        %dma_wait3A_94 = arith.constant 0 : i32
        %dma_wait3A_95 = tpu.memref_slice %arg7[%dma_wait3A_93, %dma_wait3A_94] : memref<40x128xi32, #tpu.memory_space<vmem>> -> memref<32x128xi32, #tpu.memory_space<vmem>>
        tpu.wait_dma2 semaphore(%run_scoped3A_83 : memref<!tpu.dma_semaphore, #tpu.memory_space<semaphore_mem>>) src(%arg4 : memref<32x128xi32, #tpu.memory_space<hbm>>) dst(%dma_wait3A_95 : memref<32x128xi32, #tpu.memory_space<vmem>>)
        tpu.yield
      }) : () -> ()
    } else {
    }
    %lt3A_7 = arith.constant 31 : i32
    %lt3A_8 = arith.cmpi slt, %add3A, %lt3A_7 : i32
    %convert_element_type3A_9 = arith.extui %lt3A_8 : i1 to i32
    %cond3A_10 = arith.constant 0 : i32
    %cond3A_11 = arith.cmpi ne, %convert_element_type3A_9, %cond3A_10 : i32
    scf.if %cond3A_11 {
      %mul3A_81 = arith.constant 40 : i32
      %mul3A_82 = arith.muli %add3A, %mul3A_81 : i32
      %run_scoped3A = arith.constant 1 : i32
      "tpu.region"() ({
        %run_scoped3A_83 = tpu.sem_alloc : memref<!tpu.dma_semaphore, #tpu.memory_space<semaphore_mem>>
        %dma_start3A_84 = arith.constant 0 : i32
        %dma_start3A_85 = tpu.memref_slice %arg3[%run_scoped3A, %mul3A_82, %dma_start3A_84] : memref<2x1250x128xi32, #tpu.memory_space<hbm>> -> memref<1x40x128xi32, #tpu.memory_space<hbm>>
        %dma_start3A_86 = tpu.memref_squeeze %dma_start3A_85 : memref<1x40x128xi32, #tpu.memory_space<hbm>> -> memref<40x128xi32, #tpu.memory_space<hbm>>
        %dma_start3A_87 = arith.constant 0 : i32
        %dma_start3A_88 = tpu.memref_slice %arg3[%run_scoped3A, %mul3A_82, %dma_start3A_87] : memref<2x1250x128xi32, #tpu.memory_space<hbm>> -> memref<1x40x128xi32, #tpu.memory_space<hbm>>
        %dma_start3A_89 = tpu.memref_squeeze %dma_start3A_88 : memref<1x40x128xi32, #tpu.memory_space<hbm>> -> memref<40x128xi32, #tpu.memory_space<hbm>>
        tpu.enqueue_dma source(%dma_start3A_89 : memref<40x128xi32, #tpu.memory_space<hbm>>) target(%arg8 : memref<40x128xi32, #tpu.memory_space<vmem>>) target_semaphore(%run_scoped3A_83 : memref<!tpu.dma_semaphore, #tpu.memory_space<semaphore_mem>>)
        %dma_wait3A_90 = arith.constant 0 : i32
        %dma_wait3A_91 = tpu.memref_slice %arg3[%run_scoped3A, %mul3A_82, %dma_wait3A_90] : memref<2x1250x128xi32, #tpu.memory_space<hbm>> -> memref<1x40x128xi32, #tpu.memory_space<hbm>>
        %dma_wait3A_92 = tpu.memref_squeeze %dma_wait3A_91 : memref<1x40x128xi32, #tpu.memory_space<hbm>> -> memref<40x128xi32, #tpu.memory_space<hbm>>
        %dma_wait3A_93 = arith.constant 0 : i32
        %dma_wait3A_94 = tpu.memref_slice %arg3[%run_scoped3A, %mul3A_82, %dma_wait3A_93] : memref<2x1250x128xi32, #tpu.memory_space<hbm>> -> memref<1x40x128xi32, #tpu.memory_space<hbm>>
        %dma_wait3A_95 = tpu.memref_squeeze %dma_wait3A_94 : memref<1x40x128xi32, #tpu.memory_space<hbm>> -> memref<40x128xi32, #tpu.memory_space<hbm>>
        tpu.wait_dma2 semaphore(%run_scoped3A_83 : memref<!tpu.dma_semaphore, #tpu.memory_space<semaphore_mem>>) src(%dma_wait3A_95 : memref<40x128xi32, #tpu.memory_space<hbm>>) dst(%arg8 : memref<40x128xi32, #tpu.memory_space<vmem>>)
        tpu.yield
      }) : () -> ()
    } else {
    }
    %eq3A_12 = arith.constant 31 : i32
    %eq3A_13 = arith.cmpi eq, %add3A, %eq3A_12 : i32
    %convert_element_type3A_14 = arith.extui %eq3A_13 : i1 to i32
    %cond3A_15 = arith.constant 0 : i32
    %cond3A_16 = arith.cmpi ne, %convert_element_type3A_14, %cond3A_15 : i32
    scf.if %cond3A_16 {
      %mul3A_81 = arith.constant 40 : i32
      %mul3A_82 = arith.muli %add3A, %mul3A_81 : i32
      %run_scoped3A = arith.constant 1 : i32
      "tpu.region"() ({
        %run_scoped3A_83 = tpu.sem_alloc : memref<!tpu.dma_semaphore, #tpu.memory_space<semaphore_mem>>
        %dma_start3A_84 = arith.constant 0 : i32
        %dma_start3A_85 = arith.constant 0 : i32
        %dma_start3A_86 = tpu.memref_slice %arg8[%dma_start3A_84, %dma_start3A_85] : memref<40x128xi32, #tpu.memory_space<vmem>> -> memref<8x128xi32, #tpu.memory_space<vmem>>
        %dma_start3A_87 = arith.constant 0 : i32
        %dma_start3A_88 = tpu.memref_slice %arg3[%run_scoped3A, %mul3A_82, %dma_start3A_87] : memref<2x1250x128xi32, #tpu.memory_space<hbm>> -> memref<1x8x128xi32, #tpu.memory_space<hbm>>
        %dma_start3A_89 = tpu.memref_squeeze %dma_start3A_88 : memref<1x8x128xi32, #tpu.memory_space<hbm>> -> memref<8x128xi32, #tpu.memory_space<hbm>>
        %dma_start3A_90 = arith.constant 0 : i32
        %dma_start3A_91 = arith.constant 0 : i32
        %dma_start3A_92 = tpu.memref_slice %arg8[%dma_start3A_90, %dma_start3A_91] : memref<40x128xi32, #tpu.memory_space<vmem>> -> memref<8x128xi32, #tpu.memory_space<vmem>>
        %dma_start3A_93 = arith.constant 0 : i32
        %dma_start3A_94 = tpu.memref_slice %arg3[%run_scoped3A, %mul3A_82, %dma_start3A_93] : memref<2x1250x128xi32, #tpu.memory_space<hbm>> -> memref<1x8x128xi32, #tpu.memory_space<hbm>>
        %dma_start3A_95 = tpu.memref_squeeze %dma_start3A_94 : memref<1x8x128xi32, #tpu.memory_space<hbm>> -> memref<8x128xi32, #tpu.memory_space<hbm>>
        tpu.enqueue_dma source(%dma_start3A_95 : memref<8x128xi32, #tpu.memory_space<hbm>>) target(%dma_start3A_92 : memref<8x128xi32, #tpu.memory_space<vmem>>) target_semaphore(%run_scoped3A_83 : memref<!tpu.dma_semaphore, #tpu.memory_space<semaphore_mem>>)
        %dma_wait3A_96 = arith.constant 0 : i32
        %dma_wait3A_97 = arith.constant 0 : i32
        %dma_wait3A_98 = tpu.memref_slice %arg8[%dma_wait3A_96, %dma_wait3A_97] : memref<40x128xi32, #tpu.memory_space<vmem>> -> memref<8x128xi32, #tpu.memory_space<vmem>>
        %dma_wait3A_99 = arith.constant 0 : i32
        %dma_wait3A_100 = tpu.memref_slice %arg3[%run_scoped3A, %mul3A_82, %dma_wait3A_99] : memref<2x1250x128xi32, #tpu.memory_space<hbm>> -> memref<1x8x128xi32, #tpu.memory_space<hbm>>
        %dma_wait3A_101 = tpu.memref_squeeze %dma_wait3A_100 : memref<1x8x128xi32, #tpu.memory_space<hbm>> -> memref<8x128xi32, #tpu.memory_space<hbm>>
        %dma_wait3A_102 = arith.constant 0 : i32
        %dma_wait3A_103 = arith.constant 0 : i32
        %dma_wait3A_104 = tpu.memref_slice %arg8[%dma_wait3A_102, %dma_wait3A_103] : memref<40x128xi32, #tpu.memory_space<vmem>> -> memref<8x128xi32, #tpu.memory_space<vmem>>
        %dma_wait3A_105 = arith.constant 0 : i32
        %dma_wait3A_106 = tpu.memref_slice %arg3[%run_scoped3A, %mul3A_82, %dma_wait3A_105] : memref<2x1250x128xi32, #tpu.memory_space<hbm>> -> memref<1x8x128xi32, #tpu.memory_space<hbm>>
        %dma_wait3A_107 = tpu.memref_squeeze %dma_wait3A_106 : memref<1x8x128xi32, #tpu.memory_space<hbm>> -> memref<8x128xi32, #tpu.memory_space<hbm>>
        tpu.wait_dma2 semaphore(%run_scoped3A_83 : memref<!tpu.dma_semaphore, #tpu.memory_space<semaphore_mem>>) src(%dma_wait3A_107 : memref<8x128xi32, #tpu.memory_space<hbm>>) dst(%dma_wait3A_104 : memref<8x128xi32, #tpu.memory_space<vmem>>)
        tpu.yield
      }) : () -> ()
      "tpu.region"() ({
        %run_scoped3A_83 = tpu.sem_alloc : memref<!tpu.dma_semaphore, #tpu.memory_space<semaphore_mem>>
        %dma_start3A_84 = arith.constant 8 : i32
        %dma_start3A_85 = arith.constant 0 : i32
        %dma_start3A_86 = tpu.memref_slice %arg8[%dma_start3A_84, %dma_start3A_85] : memref<40x128xi32, #tpu.memory_space<vmem>> -> memref<32x128xi32, #tpu.memory_space<vmem>>
        %dma_start3A_87 = arith.constant 8 : i32
        %dma_start3A_88 = arith.constant 0 : i32
        %dma_start3A_89 = tpu.memref_slice %arg8[%dma_start3A_87, %dma_start3A_88] : memref<40x128xi32, #tpu.memory_space<vmem>> -> memref<32x128xi32, #tpu.memory_space<vmem>>
        tpu.enqueue_dma source(%arg5 : memref<32x128xi32, #tpu.memory_space<hbm>>) target(%dma_start3A_89 : memref<32x128xi32, #tpu.memory_space<vmem>>) target_semaphore(%run_scoped3A_83 : memref<!tpu.dma_semaphore, #tpu.memory_space<semaphore_mem>>)
        %dma_wait3A_90 = arith.constant 8 : i32
        %dma_wait3A_91 = arith.constant 0 : i32
        %dma_wait3A_92 = tpu.memref_slice %arg8[%dma_wait3A_90, %dma_wait3A_91] : memref<40x128xi32, #tpu.memory_space<vmem>> -> memref<32x128xi32, #tpu.memory_space<vmem>>
        %dma_wait3A_93 = arith.constant 8 : i32
        %dma_wait3A_94 = arith.constant 0 : i32
        %dma_wait3A_95 = tpu.memref_slice %arg8[%dma_wait3A_93, %dma_wait3A_94] : memref<40x128xi32, #tpu.memory_space<vmem>> -> memref<32x128xi32, #tpu.memory_space<vmem>>
        tpu.wait_dma2 semaphore(%run_scoped3A_83 : memref<!tpu.dma_semaphore, #tpu.memory_space<semaphore_mem>>) src(%arg5 : memref<32x128xi32, #tpu.memory_space<hbm>>) dst(%dma_wait3A_95 : memref<32x128xi32, #tpu.memory_space<vmem>>)
        tpu.yield
      }) : () -> ()
    } else {
    }
    %dma_start3A = arith.constant 0 : i32
    %dma_start3A_17 = arith.constant 0 : i32
    %dma_start3A_18 = arith.constant 0 : i32
    %dma_start3A_19 = tpu.memref_slice %arg9[%dma_start3A_17, %dma_start3A_18] : memref<256x128xf32, #tpu.memory_space<vmem>> -> memref<128x128xf32, #tpu.memory_space<vmem>>
    %dma_start3A_20 = arith.constant 0 : i32
    %dma_start3A_21 = tpu.memref_slice %arg7[%dma_start3A, %dma_start3A_20] : memref<40x128xi32, #tpu.memory_space<vmem>> -> memref<1x128xi32, #tpu.memory_space<vmem>>
    %dma_start3A_22 = tpu.memref_squeeze %dma_start3A_21 : memref<1x128xi32, #tpu.memory_space<vmem>> -> memref<128xi32, #tpu.memory_space<vmem>>
    %dma_start3A_23 = arith.constant 0 : i32
    %dma_start3A_24 = arith.constant 0 : i32
    %dma_start3A_25 = tpu.memref_slice %arg2[%dma_start3A_23, %dma_start3A_24] : memref<10000x128xf32, #tpu.memory_space<hbm>> -> memref<10000x128xf32, #tpu.memory_space<hbm>>
    tpu.enqueue_indirect_dma source(%dma_start3A_25 : memref<10000x128xf32, #tpu.memory_space<hbm>>) target(%dma_start3A_19 : memref<128x128xf32, #tpu.memory_space<vmem>>) offsets(%dma_start3A_22 : memref<128xi32, #tpu.memory_space<vmem>>) semaphore(%arg12 : memref<!tpu.dma_semaphore, #tpu.memory_space<semaphore_mem>>)
    %dma_start3A_26 = arith.constant 1 : i32
    %dma_start3A_27 = arith.constant 128 : i32
    %dma_start3A_28 = arith.constant 0 : i32
    %dma_start3A_29 = tpu.memref_slice %arg9[%dma_start3A_27, %dma_start3A_28] : memref<256x128xf32, #tpu.memory_space<vmem>> -> memref<128x128xf32, #tpu.memory_space<vmem>>
    %dma_start3A_30 = arith.constant 0 : i32
    %dma_start3A_31 = tpu.memref_slice %arg7[%dma_start3A_26, %dma_start3A_30] : memref<40x128xi32, #tpu.memory_space<vmem>> -> memref<1x128xi32, #tpu.memory_space<vmem>>
    %dma_start3A_32 = tpu.memref_squeeze %dma_start3A_31 : memref<1x128xi32, #tpu.memory_space<vmem>> -> memref<128xi32, #tpu.memory_space<vmem>>
    %dma_start3A_33 = arith.constant 0 : i32
    %dma_start3A_34 = arith.constant 0 : i32
    %dma_start3A_35 = tpu.memref_slice %arg2[%dma_start3A_33, %dma_start3A_34] : memref<10000x128xf32, #tpu.memory_space<hbm>> -> memref<10000x128xf32, #tpu.memory_space<hbm>>
    tpu.enqueue_indirect_dma source(%dma_start3A_35 : memref<10000x128xf32, #tpu.memory_space<hbm>>) target(%dma_start3A_29 : memref<128x128xf32, #tpu.memory_space<vmem>>) offsets(%dma_start3A_32 : memref<128xi32, #tpu.memory_space<vmem>>) semaphore(%arg13 : memref<!tpu.dma_semaphore, #tpu.memory_space<semaphore_mem>>)
    %broadcast_in_dim3A = arith.constant 0.000000e+00 : f32
    %broadcast_in_dim3A_36 = vector.broadcast %broadcast_in_dim3A : f32 to vector<16xf32>
    %scan3A = arith.constant 0 : i32
    %scan3A_37 = arith.constant 0 : i32
    %scan3A_38 = arith.constant 32 : i32
    %scan3A_39 = arith.addi %scan3A_37, %scan3A_38 : i32
    %scan3A_40 = arith.constant 1 : i32
    scf.for %scan3A_81 = %scan3A_37 to %scan3A_39 step %scan3A_40  : i32 {
      %swap3A = arith.index_cast %scan3A_81 : i32 to index
      %swap3A_82 = arith.constant 0 : index
      %swap3A_83 = tpu.vector_load %arg10[%swap3A, %swap3A_82] {strides = array<i32>} : memref<32x128xf32, #tpu.memory_space<vmem>>, vector<1x16xf32>,
      %swap3A_84 = vector.shape_cast %swap3A_83 : vector<1x16xf32> to vector<16xf32>
      %swap3A_85 = vector.shape_cast %broadcast_in_dim3A_36 : vector<16xf32> to vector<1x16xf32>
      tpu.vector_store %arg10[%swap3A, %swap3A_82], %swap3A_85 {strides = array<i32>} : memref<32x128xf32, #tpu.memory_space<vmem>>, vector<1x16xf32>,
      %swap3A_86 = arith.index_cast %scan3A_81 : i32 to index
      %swap3A_87 = arith.constant 16 : index
      %swap3A_88 = tpu.vector_load %arg10[%swap3A_86, %swap3A_87] {strides = array<i32>} : memref<32x128xf32, #tpu.memory_space<vmem>>, vector<1x16xf32>,
      %swap3A_89 = vector.shape_cast %swap3A_88 : vector<1x16xf32> to vector<16xf32>
      %swap3A_90 = vector.shape_cast %broadcast_in_dim3A_36 : vector<16xf32> to vector<1x16xf32>
      tpu.vector_store %arg10[%swap3A_86, %swap3A_87], %swap3A_90 {strides = array<i32>} : memref<32x128xf32, #tpu.memory_space<vmem>>, vector<1x16xf32>,
      %swap3A_91 = arith.index_cast %scan3A_81 : i32 to index
      %swap3A_92 = arith.constant 32 : index
      %swap3A_93 = tpu.vector_load %arg10[%swap3A_91, %swap3A_92] {strides = array<i32>} : memref<32x128xf32, #tpu.memory_space<vmem>>, vector<1x16xf32>,
      %swap3A_94 = vector.shape_cast %swap3A_93 : vector<1x16xf32> to vector<16xf32>
      %swap3A_95 = vector.shape_cast %broadcast_in_dim3A_36 : vector<16xf32> to vector<1x16xf32>
      tpu.vector_store %arg10[%swap3A_91, %swap3A_92], %swap3A_95 {strides = array<i32>} : memref<32x128xf32, #tpu.memory_space<vmem>>, vector<1x16xf32>,
      %swap3A_96 = arith.index_cast %scan3A_81 : i32 to index
      %swap3A_97 = arith.constant 48 : index
      %swap3A_98 = tpu.vector_load %arg10[%swap3A_96, %swap3A_97] {strides = array<i32>} : memref<32x128xf32, #tpu.memory_space<vmem>>, vector<1x16xf32>,
      %swap3A_99 = vector.shape_cast %swap3A_98 : vector<1x16xf32> to vector<16xf32>
      %swap3A_100 = vector.shape_cast %broadcast_in_dim3A_36 : vector<16xf32> to vector<1x16xf32>
      tpu.vector_store %arg10[%swap3A_96, %swap3A_97], %swap3A_100 {strides = array<i32>} : memref<32x128xf32, #tpu.memory_space<vmem>>, vector<1x16xf32>,
      %swap3A_101 = arith.index_cast %scan3A_81 : i32 to index
      %swap3A_102 = arith.constant 64 : index
      %swap3A_103 = tpu.vector_load %arg10[%swap3A_101, %swap3A_102] {strides = array<i32>} : memref<32x128xf32, #tpu.memory_space<vmem>>, vector<1x16xf32>,
      %swap3A_104 = vector.shape_cast %swap3A_103 : vector<1x16xf32> to vector<16xf32>
      %swap3A_105 = vector.shape_cast %broadcast_in_dim3A_36 : vector<16xf32> to vector<1x16xf32>
      tpu.vector_store %arg10[%swap3A_101, %swap3A_102], %swap3A_105 {strides = array<i32>} : memref<32x128xf32, #tpu.memory_space<vmem>>, vector<1x16xf32>,
      %swap3A_106 = arith.index_cast %scan3A_81 : i32 to index
      %swap3A_107 = arith.constant 80 : index
      %swap3A_108 = tpu.vector_load %arg10[%swap3A_106, %swap3A_107] {strides = array<i32>} : memref<32x128xf32, #tpu.memory_space<vmem>>, vector<1x16xf32>,
      %swap3A_109 = vector.shape_cast %swap3A_108 : vector<1x16xf32> to vector<16xf32>
      %swap3A_110 = vector.shape_cast %broadcast_in_dim3A_36 : vector<16xf32> to vector<1x16xf32>
      tpu.vector_store %arg10[%swap3A_106, %swap3A_107], %swap3A_110 {strides = array<i32>} : memref<32x128xf32, #tpu.memory_space<vmem>>, vector<1x16xf32>,
      %swap3A_111 = arith.index_cast %scan3A_81 : i32 to index
      %swap3A_112 = arith.constant 96 : index
      %swap3A_113 = tpu.vector_load %arg10[%swap3A_111, %swap3A_112] {strides = array<i32>} : memref<32x128xf32, #tpu.memory_space<vmem>>, vector<1x16xf32>,
      %swap3A_114 = vector.shape_cast %swap3A_113 : vector<1x16xf32> to vector<16xf32>
      %swap3A_115 = vector.shape_cast %broadcast_in_dim3A_36 : vector<16xf32> to vector<1x16xf32>
      tpu.vector_store %arg10[%swap3A_111, %swap3A_112], %swap3A_115 {strides = array<i32>} : memref<32x128xf32, #tpu.memory_space<vmem>>, vector<1x16xf32>,
      %swap3A_116 = arith.index_cast %scan3A_81 : i32 to index
      %swap3A_117 = arith.constant 112 : index
      %swap3A_118 = tpu.vector_load %arg10[%swap3A_116, %swap3A_117] {strides = array<i32>} : memref<32x128xf32, #tpu.memory_space<vmem>>, vector<1x16xf32>,
      %swap3A_119 = vector.shape_cast %swap3A_118 : vector<1x16xf32> to vector<16xf32>
      %swap3A_120 = vector.shape_cast %broadcast_in_dim3A_36 : vector<16xf32> to vector<1x16xf32>
      tpu.vector_store %arg10[%swap3A_116, %swap3A_117], %swap3A_120 {strides = array<i32>} : memref<32x128xf32, #tpu.memory_space<vmem>>, vector<1x16xf32>,
    }
    %scan3A_41 = arith.constant 32 : i32
    %scan3A_42 = arith.constant 0 : i32
    %scan3A_43 = arith.constant 0 : i32
    %scan3A_44 = arith.constant 20 : i32
    %scan3A_45 = arith.addi %scan3A_43, %scan3A_44 : i32
    %scan3A_46 = arith.constant 1 : i32
    scf.for %scan3A_81 = %scan3A_43 to %scan3A_45 step %scan3A_46  : i32 {
      %mul3A_82 = arith.constant 640 : i32
      %mul3A_83 = arith.muli %arg1, %mul3A_82 : i32
      %mul3A_84 = arith.constant 32 : i32
      %mul3A_85 = arith.muli %scan3A_81, %mul3A_84 : i32
      %add3A_86 = arith.addi %mul3A_83, %mul3A_85 : i32
      "tpu.region"() ({
        %run_scoped3A = tpu.sem_alloc : memref<!tpu.dma_semaphore, #tpu.memory_space<semaphore_mem>>
        %dma_start3A_87 = arith.constant 0 : i32
        %dma_start3A_88 = tpu.memref_slice %arg11[%add3A_86, %dma_start3A_87] : memref<10240x128xf32, #tpu.memory_space<vmem_shared>> -> memref<32x128xf32, #tpu.memory_space<vmem_shared>>
        %dma_start3A_89 = arith.constant 0 : i32
        %dma_start3A_90 = tpu.memref_slice %arg11[%add3A_86, %dma_start3A_89] : memref<10240x128xf32, #tpu.memory_space<vmem_shared>> -> memref<32x128xf32, #tpu.memory_space<vmem_shared>>
        tpu.enqueue_dma source(%arg10 : memref<32x128xf32, #tpu.memory_space<vmem>>) target(%dma_start3A_90 : memref<32x128xf32, #tpu.memory_space<vmem_shared>>) target_semaphore(%run_scoped3A : memref<!tpu.dma_semaphore, #tpu.memory_space<semaphore_mem>>)
        %dma_wait3A_91 = arith.constant 0 : i32
        %dma_wait3A_92 = tpu.memref_slice %arg11[%add3A_86, %dma_wait3A_91] : memref<10240x128xf32, #tpu.memory_space<vmem_shared>> -> memref<32x128xf32, #tpu.memory_space<vmem_shared>>
        %dma_wait3A_93 = arith.constant 0 : i32
        %dma_wait3A_94 = tpu.memref_slice %arg11[%add3A_86, %dma_wait3A_93] : memref<10240x128xf32, #tpu.memory_space<vmem_shared>> -> memref<32x128xf32, #tpu.memory_space<vmem_shared>>
        tpu.wait_dma2 semaphore(%run_scoped3A : memref<!tpu.dma_semaphore, #tpu.memory_space<semaphore_mem>>) src(%arg10 : memref<32x128xf32, #tpu.memory_space<vmem>>) dst(%dma_wait3A_94 : memref<32x128xf32, #tpu.memory_space<vmem_shared>>)
        tpu.yield
      }) : () -> ()
    }
    %scan3A_47 = arith.constant 20 : i32
    %barrier3A = arith.constant 0 : index
    tpu.barrier barrier_id(%barrier3A)
    %scan3A_48 = arith.constant 0 : i32
    %scan3A_49 = arith.constant 0 : i32
    %scan3A_50 = arith.constant 20 : i32
    %scan3A_51 = arith.addi %scan3A_49, %scan3A_50 : i32
    %scan3A_52 = arith.constant 1 : i32
    scf.for %scan3A_81 = %scan3A_49 to %scan3A_51 step %scan3A_52  : i32 {
      %mul3A_82 = arith.constant 2 : i32
      %mul3A_83 = arith.muli %mul3A_82, %scan3A_81 : i32
      %dma_wait3A_84 = arith.constant 0 : i32
      %dma_wait3A_85 = arith.constant 0 : i32
      %dma_wait3A_86 = arith.constant 0 : i32
      %dma_wait3A_87 = tpu.memref_slice %arg9[%dma_wait3A_85, %dma_wait3A_86] : memref<256x128xf32, #tpu.memory_space<vmem>> -> memref<128x128xf32, #tpu.memory_space<vmem>>
      %dma_wait3A_88 = arith.constant 0 : i32
      %dma_wait3A_89 = tpu.memref_slice %arg7[%dma_wait3A_84, %dma_wait3A_88] : memref<40x128xi32, #tpu.memory_space<vmem>> -> memref<1x128xi32, #tpu.memory_space<vmem>>
      %dma_wait3A_90 = tpu.memref_squeeze %dma_wait3A_89 : memref<1x128xi32, #tpu.memory_space<vmem>> -> memref<128xi32, #tpu.memory_space<vmem>>
      %dma_wait3A_91 = arith.constant 0 : i32
      %dma_wait3A_92 = arith.constant 0 : i32
      %dma_wait3A_93 = tpu.memref_slice %arg2[%dma_wait3A_91, %dma_wait3A_92] : memref<10000x128xf32, #tpu.memory_space<hbm>> -> memref<10000x128xf32, #tpu.memory_space<hbm>>
      tpu.wait_indirect_dma semaphore(%arg12 : memref<!tpu.dma_semaphore, #tpu.memory_space<semaphore_mem>>) src(%dma_wait3A_93 : memref<10000x128xf32, #tpu.memory_space<hbm>>) dst(%dma_wait3A_87 : memref<128x128xf32, #tpu.memory_space<vmem>>)
      "tpu.region"() ({
        %run_scoped3A = tpu.sem_alloc : memref<!tpu.dma_semaphore, #tpu.memory_space<semaphore_mem>>
        %dma_start3A_131 = arith.constant 0 : i32
        %dma_start3A_132 = arith.constant 0 : i32
        %dma_start3A_133 = tpu.memref_slice %arg9[%dma_start3A_131, %dma_start3A_132] : memref<256x128xf32, #tpu.memory_space<vmem>> -> memref<128x128xf32, #tpu.memory_space<vmem>>
        %dma_start3A_134 = arith.constant 0 : i32
        %dma_start3A_135 = tpu.memref_slice %arg8[%mul3A_83, %dma_start3A_134] : memref<40x128xi32, #tpu.memory_space<vmem>> -> memref<1x128xi32, #tpu.memory_space<vmem>>
        %dma_start3A_136 = tpu.memref_squeeze %dma_start3A_135 : memref<1x128xi32, #tpu.memory_space<vmem>> -> memref<128xi32, #tpu.memory_space<vmem>>
        %dma_start3A_137 = arith.constant 0 : i32
        %dma_start3A_138 = arith.constant 0 : i32
        %dma_start3A_139 = tpu.memref_slice %arg11[%dma_start3A_137, %dma_start3A_138] : memref<10240x128xf32, #tpu.memory_space<vmem_shared>> -> memref<10240x128xf32, #tpu.memory_space<vmem_shared>>
        tpu.enqueue_indirect_dma source(%dma_start3A_133 : memref<128x128xf32, #tpu.memory_space<vmem>>) target(%dma_start3A_139 : memref<10240x128xf32, #tpu.memory_space<vmem_shared>>) offsets(%dma_start3A_136 : memref<128xi32, #tpu.memory_space<vmem>>) semaphore(%run_scoped3A : memref<!tpu.dma_semaphore, #tpu.memory_space<semaphore_mem>>) {add = true}
        %dma_wait3A_140 = arith.constant 0 : i32
        %dma_wait3A_141 = arith.constant 0 : i32
        %dma_wait3A_142 = tpu.memref_slice %arg9[%dma_wait3A_140, %dma_wait3A_141] : memref<256x128xf32, #tpu.memory_space<vmem>> -> memref<128x128xf32, #tpu.memory_space<vmem>>
        %dma_wait3A_143 = arith.constant 0 : i32
        %dma_wait3A_144 = tpu.memref_slice %arg8[%mul3A_83, %dma_wait3A_143] : memref<40x128xi32, #tpu.memory_space<vmem>> -> memref<1x128xi32, #tpu.memory_space<vmem>>
        %dma_wait3A_145 = tpu.memref_squeeze %dma_wait3A_144 : memref<1x128xi32, #tpu.memory_space<vmem>> -> memref<128xi32, #tpu.memory_space<vmem>>
        %dma_wait3A_146 = arith.constant 0 : i32
        %dma_wait3A_147 = arith.constant 0 : i32
        %dma_wait3A_148 = tpu.memref_slice %arg11[%dma_wait3A_146, %dma_wait3A_147] : memref<10240x128xf32, #tpu.memory_space<vmem_shared>> -> memref<10240x128xf32, #tpu.memory_space<vmem_shared>>
        tpu.wait_indirect_dma semaphore(%run_scoped3A : memref<!tpu.dma_semaphore, #tpu.memory_space<semaphore_mem>>) src(%dma_wait3A_142 : memref<128x128xf32, #tpu.memory_space<vmem>>) dst(%dma_wait3A_148 : memref<10240x128xf32, #tpu.memory_space<vmem_shared>>)
        tpu.yield
      }) : () -> ()
      %add3A_94 = arith.constant 2 : i32
      %add3A_95 = arith.addi %mul3A_83, %add3A_94 : i32
      %rem3A = arith.constant 40 : i32
      %rem3A_96 = arith.remsi %add3A_95, %rem3A : i32
      %dma_start3A_97 = arith.constant 0 : i32
      %dma_start3A_98 = arith.constant 0 : i32
      %dma_start3A_99 = tpu.memref_slice %arg9[%dma_start3A_97, %dma_start3A_98] : memref<256x128xf32, #tpu.memory_space<vmem>> -> memref<128x128xf32, #tpu.memory_space<vmem>>
      %dma_start3A_100 = arith.constant 0 : i32
      %dma_start3A_101 = tpu.memref_slice %arg7[%rem3A_96, %dma_start3A_100] : memref<40x128xi32, #tpu.memory_space<vmem>> -> memref<1x128xi32, #tpu.memory_space<vmem>>
      %dma_start3A_102 = tpu.memref_squeeze %dma_start3A_101 : memref<1x128xi32, #tpu.memory_space<vmem>> -> memref<128xi32, #tpu.memory_space<vmem>>
      %dma_start3A_103 = arith.constant 0 : i32
      %dma_start3A_104 = arith.constant 0 : i32
      %dma_start3A_105 = tpu.memref_slice %arg2[%dma_start3A_103, %dma_start3A_104] : memref<10000x128xf32, #tpu.memory_space<hbm>> -> memref<10000x128xf32, #tpu.memory_space<hbm>>
      tpu.enqueue_indirect_dma source(%dma_start3A_105 : memref<10000x128xf32, #tpu.memory_space<hbm>>) target(%dma_start3A_99 : memref<128x128xf32, #tpu.memory_space<vmem>>) offsets(%dma_start3A_102 : memref<128xi32, #tpu.memory_space<vmem>>) semaphore(%arg12 : memref<!tpu.dma_semaphore, #tpu.memory_space<semaphore_mem>>)
      %dma_wait3A_106 = arith.constant 0 : i32
      %dma_wait3A_107 = arith.constant 128 : i32
      %dma_wait3A_108 = arith.constant 0 : i32
      %dma_wait3A_109 = tpu.memref_slice %arg9[%dma_wait3A_107, %dma_wait3A_108] : memref<256x128xf32, #tpu.memory_space<vmem>> -> memref<128x128xf32, #tpu.memory_space<vmem>>
      %dma_wait3A_110 = arith.constant 0 : i32
      %dma_wait3A_111 = tpu.memref_slice %arg7[%dma_wait3A_106, %dma_wait3A_110] : memref<40x128xi32, #tpu.memory_space<vmem>> -> memref<1x128xi32, #tpu.memory_space<vmem>>
      %dma_wait3A_112 = tpu.memref_squeeze %dma_wait3A_111 : memref<1x128xi32, #tpu.memory_space<vmem>> -> memref<128xi32, #tpu.memory_space<vmem>>
      %dma_wait3A_113 = arith.constant 0 : i32
      %dma_wait3A_114 = arith.constant 0 : i32
      %dma_wait3A_115 = tpu.memref_slice %arg2[%dma_wait3A_113, %dma_wait3A_114] : memref<10000x128xf32, #tpu.memory_space<hbm>> -> memref<10000x128xf32, #tpu.memory_space<hbm>>
      tpu.wait_indirect_dma semaphore(%arg13 : memref<!tpu.dma_semaphore, #tpu.memory_space<semaphore_mem>>) src(%dma_wait3A_115 : memref<10000x128xf32, #tpu.memory_space<hbm>>) dst(%dma_wait3A_109 : memref<128x128xf32, #tpu.memory_space<vmem>>)
      %add3A_116 = arith.constant 1 : i32
      %add3A_117 = arith.addi %mul3A_83, %add3A_116 : i32
      "tpu.region"() ({
        %run_scoped3A = tpu.sem_alloc : memref<!tpu.dma_semaphore, #tpu.memory_space<semaphore_mem>>
        %dma_start3A_131 = arith.constant 128 : i32
        %dma_start3A_132 = arith.constant 0 : i32
        %dma_start3A_133 = tpu.memref_slice %arg9[%dma_start3A_131, %dma_start3A_132] : memref<256x128xf32, #tpu.memory_space<vmem>> -> memref<128x128xf32, #tpu.memory_space<vmem>>
        %dma_start3A_134 = arith.constant 0 : i32
        %dma_start3A_135 = tpu.memref_slice %arg8[%add3A_117, %dma_start3A_134] : memref<40x128xi32, #tpu.memory_space<vmem>> -> memref<1x128xi32, #tpu.memory_space<vmem>>
        %dma_start3A_136 = tpu.memref_squeeze %dma_start3A_135 : memref<1x128xi32, #tpu.memory_space<vmem>> -> memref<128xi32, #tpu.memory_space<vmem>>
        %dma_start3A_137 = arith.constant 0 : i32
        %dma_start3A_138 = arith.constant 0 : i32
        %dma_start3A_139 = tpu.memref_slice %arg11[%dma_start3A_137, %dma_start3A_138] : memref<10240x128xf32, #tpu.memory_space<vmem_shared>> -> memref<10240x128xf32, #tpu.memory_space<vmem_shared>>
        tpu.enqueue_indirect_dma source(%dma_start3A_133 : memref<128x128xf32, #tpu.memory_space<vmem>>) target(%dma_start3A_139 : memref<10240x128xf32, #tpu.memory_space<vmem_shared>>) offsets(%dma_start3A_136 : memref<128xi32, #tpu.memory_space<vmem>>) semaphore(%run_scoped3A : memref<!tpu.dma_semaphore, #tpu.memory_space<semaphore_mem>>) {add = true}
        %dma_wait3A_140 = arith.constant 128 : i32
        %dma_wait3A_141 = arith.constant 0 : i32
        %dma_wait3A_142 = tpu.memref_slice %arg9[%dma_wait3A_140, %dma_wait3A_141] : memref<256x128xf32, #tpu.memory_space<vmem>> -> memref<128x128xf32, #tpu.memory_space<vmem>>
        %dma_wait3A_143 = arith.constant 0 : i32
        %dma_wait3A_144 = tpu.memref_slice %arg8[%add3A_117, %dma_wait3A_143] : memref<40x128xi32, #tpu.memory_space<vmem>> -> memref<1x128xi32, #tpu.memory_space<vmem>>
        %dma_wait3A_145 = tpu.memref_squeeze %dma_wait3A_144 : memref<1x128xi32, #tpu.memory_space<vmem>> -> memref<128xi32, #tpu.memory_space<vmem>>
        %dma_wait3A_146 = arith.constant 0 : i32
        %dma_wait3A_147 = arith.constant 0 : i32
        %dma_wait3A_148 = tpu.memref_slice %arg11[%dma_wait3A_146, %dma_wait3A_147] : memref<10240x128xf32, #tpu.memory_space<vmem_shared>> -> memref<10240x128xf32, #tpu.memory_space<vmem_shared>>
        tpu.wait_indirect_dma semaphore(%run_scoped3A : memref<!tpu.dma_semaphore, #tpu.memory_space<semaphore_mem>>) src(%dma_wait3A_142 : memref<128x128xf32, #tpu.memory_space<vmem>>) dst(%dma_wait3A_148 : memref<10240x128xf32, #tpu.memory_space<vmem_shared>>)
        tpu.yield
      }) : () -> ()
      %add3A_118 = arith.constant 3 : i32
      %add3A_119 = arith.addi %mul3A_83, %add3A_118 : i32
      %rem3A_120 = arith.constant 40 : i32
      %rem3A_121 = arith.remsi %add3A_119, %rem3A_120 : i32
      %dma_start3A_122 = arith.constant 128 : i32
      %dma_start3A_123 = arith.constant 0 : i32
      %dma_start3A_124 = tpu.memref_slice %arg9[%dma_start3A_122, %dma_start3A_123] : memref<256x128xf32, #tpu.memory_space<vmem>> -> memref<128x128xf32, #tpu.memory_space<vmem>>
      %dma_start3A_125 = arith.constant 0 : i32
      %dma_start3A_126 = tpu.memref_slice %arg7[%rem3A_121, %dma_start3A_125] : memref<40x128xi32, #tpu.memory_space<vmem>> -> memref<1x128xi32, #tpu.memory_space<vmem>>
      %dma_start3A_127 = tpu.memref_squeeze %dma_start3A_126 : memref<1x128xi32, #tpu.memory_space<vmem>> -> memref<128xi32, #tpu.memory_space<vmem>>
      %dma_start3A_128 = arith.constant 0 : i32
      %dma_start3A_129 = arith.constant 0 : i32
      %dma_start3A_130 = tpu.memref_slice %arg2[%dma_start3A_128, %dma_start3A_129] : memref<10000x128xf32, #tpu.memory_space<hbm>> -> memref<10000x128xf32, #tpu.memory_space<hbm>>
      tpu.enqueue_indirect_dma source(%dma_start3A_130 : memref<10000x128xf32, #tpu.memory_space<hbm>>) target(%dma_start3A_124 : memref<128x128xf32, #tpu.memory_space<vmem>>) offsets(%dma_start3A_127 : memref<128xi32, #tpu.memory_space<vmem>>) semaphore(%arg13 : memref<!tpu.dma_semaphore, #tpu.memory_space<semaphore_mem>>)
    }
    %scan3A_53 = arith.constant 20 : i32
    %dma_wait3A = arith.constant 0 : i32
    %dma_wait3A_54 = arith.constant 0 : i32
    %dma_wait3A_55 = arith.constant 0 : i32
    %dma_wait3A_56 = tpu.memref_slice %arg9[%dma_wait3A_54, %dma_wait3A_55] : memref<256x128xf32, #tpu.memory_space<vmem>> -> memref<128x128xf32, #tpu.memory_space<vmem>>
    %dma_wait3A_57 = arith.constant 0 : i32
    %dma_wait3A_58 = tpu.memref_slice %arg7[%dma_wait3A, %dma_wait3A_57] : memref<40x128xi32, #tpu.memory_space<vmem>> -> memref<1x128xi32, #tpu.memory_space<vmem>>
    %dma_wait3A_59 = tpu.memref_squeeze %dma_wait3A_58 : memref<1x128xi32, #tpu.memory_space<vmem>> -> memref<128xi32, #tpu.memory_space<vmem>>
    %dma_wait3A_60 = arith.constant 0 : i32
    %dma_wait3A_61 = arith.constant 0 : i32
    %dma_wait3A_62 = tpu.memref_slice %arg2[%dma_wait3A_60, %dma_wait3A_61] : memref<10000x128xf32, #tpu.memory_space<hbm>> -> memref<10000x128xf32, #tpu.memory_space<hbm>>
    tpu.wait_indirect_dma semaphore(%arg12 : memref<!tpu.dma_semaphore, #tpu.memory_space<semaphore_mem>>) src(%dma_wait3A_62 : memref<10000x128xf32, #tpu.memory_space<hbm>>) dst(%dma_wait3A_56 : memref<128x128xf32, #tpu.memory_space<vmem>>)
    %dma_wait3A_63 = arith.constant 0 : i32
    %dma_wait3A_64 = arith.constant 128 : i32
    %dma_wait3A_65 = arith.constant 0 : i32
    %dma_wait3A_66 = tpu.memref_slice %arg9[%dma_wait3A_64, %dma_wait3A_65] : memref<256x128xf32, #tpu.memory_space<vmem>> -> memref<128x128xf32, #tpu.memory_space<vmem>>
    %dma_wait3A_67 = arith.constant 0 : i32
    %dma_wait3A_68 = tpu.memref_slice %arg7[%dma_wait3A_63, %dma_wait3A_67] : memref<40x128xi32, #tpu.memory_space<vmem>> -> memref<1x128xi32, #tpu.memory_space<vmem>>
    %dma_wait3A_69 = tpu.memref_squeeze %dma_wait3A_68 : memref<1x128xi32, #tpu.memory_space<vmem>> -> memref<128xi32, #tpu.memory_space<vmem>>
    %dma_wait3A_70 = arith.constant 0 : i32
    %dma_wait3A_71 = arith.constant 0 : i32
    %dma_wait3A_72 = tpu.memref_slice %arg2[%dma_wait3A_70, %dma_wait3A_71] : memref<10000x128xf32, #tpu.memory_space<hbm>> -> memref<10000x128xf32, #tpu.memory_space<hbm>>
    tpu.wait_indirect_dma semaphore(%arg13 : memref<!tpu.dma_semaphore, #tpu.memory_space<semaphore_mem>>) src(%dma_wait3A_72 : memref<10000x128xf32, #tpu.memory_space<hbm>>) dst(%dma_wait3A_66 : memref<128x128xf32, #tpu.memory_space<vmem>>)
    %barrier3A_73 = arith.constant 0 : index
    tpu.barrier barrier_id(%barrier3A_73)
    %mul3A_74 = arith.constant 640 : i32
    %mul3A_75 = arith.muli %arg1, %mul3A_74 : i32
    %mul3A_76 = arith.constant 10240 : i32
    %mul3A_77 = arith.muli %arg0, %mul3A_76 : i32
    %mul3A_78 = arith.constant 640 : i32
    %mul3A_79 = arith.muli %arg1, %mul3A_78 : i32
    %add3A_80 = arith.addi %mul3A_77, %mul3A_79 : i32
    "tpu.region"() ({
      %run_scoped3A = tpu.sem_alloc : memref<!tpu.dma_semaphore, #tpu.memory_space<semaphore_mem>>
      %dma_start3A_81 = arith.constant 0 : i32
      %dma_start3A_82 = tpu.memref_slice %arg6[%add3A_80, %dma_start3A_81] : memref<20480x128xf32, #tpu.memory_space<hbm>> -> memref<640x128xf32, #tpu.memory_space<hbm>>
      %dma_start3A_83 = arith.constant 0 : i32
      %dma_start3A_84 = tpu.memref_slice %arg11[%mul3A_75, %dma_start3A_83] : memref<10240x128xf32, #tpu.memory_space<vmem_shared>> -> memref<640x128xf32, #tpu.memory_space<vmem_shared>>
      tpu.enqueue_dma source(%dma_start3A_84 : memref<640x128xf32, #tpu.memory_space<vmem_shared>>) target(%dma_start3A_82 : memref<640x128xf32, #tpu.memory_space<hbm>>) target_semaphore(%run_scoped3A : memref<!tpu.dma_semaphore, #tpu.memory_space<semaphore_mem>>)
      %dma_wait3A_85 = arith.constant 0 : i32
      %dma_wait3A_86 = tpu.memref_slice %arg6[%add3A_80, %dma_wait3A_85] : memref<20480x128xf32, #tpu.memory_space<hbm>> -> memref<640x128xf32, #tpu.memory_space<hbm>>
      %dma_wait3A_87 = arith.constant 0 : i32
      %dma_wait3A_88 = tpu.memref_slice %arg11[%mul3A_75, %dma_wait3A_87] : memref<10240x128xf32, #tpu.memory_space<vmem_shared>> -> memref<640x128xf32, #tpu.memory_space<vmem_shared>>
      tpu.wait_dma2 semaphore(%run_scoped3A : memref<!tpu.dma_semaphore, #tpu.memory_space<semaphore_mem>>) src(%dma_wait3A_88 : memref<640x128xf32, #tpu.memory_space<vmem_shared>>) dst(%dma_wait3A_86 : memref<640x128xf32, #tpu.memory_space<hbm>>)
      tpu.yield
    }) : () -> ()
    return
  }
}

module attributes {stable_mosaic.version = 14 : i64} {
  func.func @_k_mid_body(%arg0: i32, %arg1: memref<512x128xf32, #tpu.memory_space<vmem>>, %arg2: memref<512x128xf32, #tpu.memory_space<vmem>>, %arg3: memref<512x128xf32, #tpu.memory_space<vmem>>, %arg4: memref<1x4x128xf32, #tpu.memory_space<vmem>>, %arg5: memref<1x128xf32, #tpu.memory_space<vmem>>, %arg6: memref<128x128xf32, #tpu.memory_space<vmem>>, %arg7: memref<512x128xf32, #tpu.memory_space<vmem>>) attributes {dimension_semantics = [#tpu.dimension_semantics<arbitrary>], iteration_bounds = array<i64: 20>, scalar_prefetch = 0 : i64, scratch_operands = 0 : i64, tpu.core_type = #tpu.core_type<tc>, window_params = [{transform_indices = @transform_0, window_bounds = array<i64: 512, 128>}, {transform_indices = @transform_1, window_bounds = array<i64: 512, 128>}, {transform_indices = @transform_2, window_bounds = array<i64: 512, 128>}, {transform_indices = @transform_3, window_bounds = array<i64: 1, 4, 128>}, {pipeline_mode = #tpu.pipeline_mode<synchronous>, transform_indices = @transform_4, window_bounds = array<i64: 1, 128>}, {pipeline_mode = #tpu.pipeline_mode<synchronous>, transform_indices = @transform_5, window_bounds = array<i64: 128, 128>}, {transform_indices = @transform_6, window_bounds = array<i64: 512, 128>}]} {
    %get3A = arith.constant 0 : index
    %get3A_0 = arith.constant 0 : index
    %get3A_1 = arith.constant 0 : index
    %get3A_2 = vector.load %arg4[%get3A, %get3A_0, %get3A_1] : memref<1x4x128xf32, #tpu.memory_space<vmem>>, vector<1x4x128xf32>
    %get3A_3 = vector.shape_cast %get3A_2 : vector<1x4x128xf32> to vector<4x128xf32>
    %broadcast_in_dim3A = vector.shape_cast %get3A_3 : vector<4x128xf32> to vector<4x1x128xf32>
    %broadcast_in_dim3A_4 = vector.shape_cast %broadcast_in_dim3A : vector<4x1x128xf32> to vector<4x1x128xf32>
    %broadcast_in_dim3A_5 = vector.broadcast %broadcast_in_dim3A_4 : vector<4x1x128xf32> to vector<4x128x128xf32>
    %reshape3A = vector.shape_cast %broadcast_in_dim3A_5 : vector<4x128x128xf32> to vector<512x128xf32>
    %iota3A = tpu.iota {dimensions = array<i32: 0>} : vector<512x128xi32>
    %iota3A_6 = tpu.iota {dimensions = array<i32: 1>} : vector<512x128xi32>
    %jit3A = arith.constant 128 : i32
    %eq3A = arith.constant 0 : i32
    %eq3A_7 = arith.cmpi eq, %jit3A, %eq3A : i32
    %jit3A_8 = arith.constant 1 : i32
    %select_n3A = arith.select %eq3A_7, %jit3A_8, %jit3A : i32
    %rem3A = vector.broadcast %select_n3A : i32 to vector<512x128xi32>
    %rem3A_9 = arith.remsi %iota3A, %rem3A : vector<512x128xi32>
    %ne3A = arith.constant 0 : i32
    %ne3A_10 = vector.broadcast %ne3A : i32 to vector<512x128xi32>
    %ne3A_11 = arith.cmpi ne, %rem3A_9, %ne3A_10 : vector<512x128xi32>
    %lt3A = arith.constant 0 : i32
    %lt3A_12 = vector.broadcast %lt3A : i32 to vector<512x128xi32>
    %lt3A_13 = arith.cmpi slt, %rem3A_9, %lt3A_12 : vector<512x128xi32>
    %lt3A_14 = arith.constant 0 : i32
    %lt3A_15 = arith.cmpi slt, %select_n3A, %lt3A_14 : i32
    %ne3A_16 = vector.broadcast %lt3A_15 : i1 to vector<512x128xi1>
    %ne3A_17 = vector.broadcast %ne3A_16 : vector<512x128xi1> to vector<512x128xi1>
    %ne3A_18 = arith.xori %lt3A_13, %ne3A_17 : vector<512x128xi1>
    %and3A = arith.andi %ne3A_18, %ne3A_11 : vector<512x128xi1>
    %add3A = vector.broadcast %select_n3A : i32 to vector<512x128xi32>
    %add3A_19 = arith.addi %rem3A_9, %add3A : vector<512x128xi32>
    %select_n3A_20 = arith.select %and3A, %add3A_19, %rem3A_9 : vector<512x128xi1>, vector<512x128xi32>
    %eq3A_21 = arith.cmpi eq, %select_n3A_20, %iota3A_6 : vector<512x128xi32>
    %jit3A_22 = arith.constant 0.000000e+00 : f32
    %broadcast_in_dim3A_23 = vector.broadcast %jit3A_22 : f32 to vector<512x128xf32>
    %select_n3A_24 = arith.select %eq3A_21, %reshape3A, %broadcast_in_dim3A_23 : vector<512x128xi1>, vector<512x128xf32>
    %reduce_sum3A = arith.constant dense<0.000000e+00> : vector<512xf32>
    %reduce_sum3A_25 = vector.multi_reduction <add>, %select_n3A_24, %reduce_sum3A [1] : vector<512x128xf32> to vector<512xf32>
    %broadcast_in_dim3A_26 = vector.shape_cast %reduce_sum3A_25 : vector<512xf32> to vector<512x1xf32>
    %get3A_27 = arith.constant 0 : index
    %get3A_28 = arith.constant 0 : index
    %get3A_29 = vector.load %arg1[%get3A_27, %get3A_28] : memref<512x128xf32, #tpu.memory_space<vmem>>, vector<512x128xf32>
    %get3A_30 = arith.constant 0 : index
    %get3A_31 = arith.constant 0 : index
    %get3A_32 = vector.load %arg2[%get3A_30, %get3A_31] : memref<512x128xf32, #tpu.memory_space<vmem>>, vector<512x128xf32>
    %add3A_33 = arith.addf %get3A_29, %get3A_32 : vector<512x128xf32>
    %get3A_34 = arith.constant 0 : index
    %get3A_35 = arith.constant 0 : index
    %get3A_36 = vector.load %arg3[%get3A_34, %get3A_35] : memref<512x128xf32, #tpu.memory_space<vmem>>, vector<512x128xf32>
    %add3A_37 = arith.addf %add3A_33, %get3A_36 : vector<512x128xf32>
    %mul3A = vector.broadcast %broadcast_in_dim3A_26 : vector<512x1xf32> to vector<512x128xf32>
    %mul3A_38 = arith.mulf %mul3A, %add3A_37 : vector<512x128xf32>
    %get3A_39 = arith.constant 0 : index
    %get3A_40 = arith.constant 0 : index
    %get3A_41 = vector.load %arg5[%get3A_39, %get3A_40] : memref<1x128xf32, #tpu.memory_space<vmem>>, vector<1x128xf32>
    %add3A_42 = vector.broadcast %get3A_41 : vector<1x128xf32> to vector<512x128xf32>
    %add3A_43 = arith.addf %mul3A_38, %add3A_42 : vector<512x128xf32>
    %max3A = arith.constant 0.000000e+00 : f32
    %max3A_44 = vector.broadcast %max3A : f32 to vector<512x128xf32>
    %max3A_45 = arith.maximumf %add3A_43, %max3A_44 : vector<512x128xf32>
    %get3A_46 = arith.constant 0 : index
    %get3A_47 = arith.constant 0 : index
    %get3A_48 = vector.load %arg6[%get3A_46, %get3A_47] : memref<128x128xf32, #tpu.memory_space<vmem>>, vector<128x128xf32>
    %dot_general3A = arith.constant dense<0.000000e+00> : vector<512x128xf32>
    %dot_general3A_49 = tpu.matmul %max3A_45, %get3A_48, %dot_general3A {dimension_numbers = #tpu.dot_dimension_numbers<[1], [0], [0], [1], [0, 0, 1, 1], [], []>, transpose_lhs_hint = false} : vector<512x128xf32>, vector<128x128xf32>, vector<512x128xf32> -> vector<512x128xf32>
    %mul3A_50 = vector.broadcast %broadcast_in_dim3A_26 : vector<512x1xf32> to vector<512x128xf32>
    %mul3A_51 = arith.mulf %mul3A_50, %dot_general3A_49 : vector<512x128xf32>
    %swap3A = arith.constant 0 : index
    %swap3A_52 = arith.constant 0 : index
    %swap3A_53 = vector.load %arg7[%swap3A, %swap3A_52] : memref<512x128xf32, #tpu.memory_space<vmem>>, vector<512x128xf32>
    tpu.vector_store %arg7[%swap3A, %swap3A_52], %mul3A_51 {strides = array<i32>} : memref<512x128xf32, #tpu.memory_space<vmem>>, vector<512x128xf32>,
    return
  }
  func.func @transform_0(%arg0: i32) -> (i32, i32) {
    %c0_i32 = arith.constant 0 : i32
    %c0_i32_0 = arith.constant 0 : i32
    return %arg0, %c0_i32 : i32, i32
  }
  func.func @transform_1(%arg0: i32) -> (i32, i32) {
    %add3A = arith.constant 20 : i32
    %add3A_0 = arith.addi %arg0, %add3A : i32
    %c0_i32 = arith.constant 0 : i32
    %c0_i32_1 = arith.constant 0 : i32
    return %add3A_0, %c0_i32 : i32, i32
  }
  func.func @transform_2(%arg0: i32) -> (i32, i32) {
    %c0_i32 = arith.constant 0 : i32
    %c0_i32_0 = arith.constant 0 : i32
    return %arg0, %c0_i32 : i32, i32
  }
  func.func @transform_3(%arg0: i32) -> (i32, i32, i32) {
    %c0_i32 = arith.constant 0 : i32
    %c0_i32_0 = arith.constant 0 : i32
    %c0_i32_1 = arith.constant 0 : i32
    return %arg0, %c0_i32, %c0_i32_0 : i32, i32, i32
  }
  func.func @transform_4(%arg0: i32) -> (i32, i32) {
    %c0_i32 = arith.constant 0 : i32
    %c0_i32_0 = arith.constant 0 : i32
    %c0_i32_1 = arith.constant 0 : i32
    return %c0_i32, %c0_i32_0 : i32, i32
  }
  func.func @transform_5(%arg0: i32) -> (i32, i32) {
    %c0_i32 = arith.constant 0 : i32
    %c0_i32_0 = arith.constant 0 : i32
    %c0_i32_1 = arith.constant 0 : i32
    return %c0_i32, %c0_i32_0 : i32, i32
  }
  func.func @transform_6(%arg0: i32) -> (i32, i32) {
    %c0_i32 = arith.constant 0 : i32
    %c0_i32_0 = arith.constant 0 : i32
    return %arg0, %c0_i32 : i32, i32
  }
}

module attributes {stable_mosaic.version = 14 : i64} {
  func.func @_k1_body(%arg0: i32, %arg1: memref<512x256xf32, #tpu.memory_space<vmem>>, %arg2: memref<256x128xf32, #tpu.memory_space<vmem>>, %arg3: memref<512x128xf32, #tpu.memory_space<vmem>>, %arg4: memref<512x128xf32, #tpu.memory_space<vmem>>, %arg5: memref<512x128xf32, #tpu.memory_space<vmem>>, %arg6: memref<1x4x128xf32, #tpu.memory_space<vmem>>) attributes {dimension_semantics = [#tpu.dimension_semantics<arbitrary>], iteration_bounds = array<i64: 20>, scalar_prefetch = 0 : i64, scratch_operands = 0 : i64, tpu.core_type = #tpu.core_type<tc>, window_params = [{transform_indices = @transform_0, window_bounds = array<i64: 512, 256>}, {pipeline_mode = #tpu.pipeline_mode<synchronous>, transform_indices = @transform_1, window_bounds = array<i64: 256, 128>}, {transform_indices = @transform_2, window_bounds = array<i64: 512, 128>}, {transform_indices = @transform_3, window_bounds = array<i64: 512, 128>}, {transform_indices = @transform_4, window_bounds = array<i64: 512, 128>}, {transform_indices = @transform_5, window_bounds = array<i64: 1, 4, 128>}]} {
    %get3A = arith.constant 0 : index
    %get3A_0 = arith.constant 0 : index
    %get3A_1 = vector.load %arg3[%get3A, %get3A_0] : memref<512x128xf32, #tpu.memory_space<vmem>>, vector<512x1xf32>
    %get3A_2 = arith.constant 0 : index
    %get3A_3 = arith.constant 0 : index
    %get3A_4 = vector.load %arg4[%get3A_2, %get3A_3] : memref<512x128xf32, #tpu.memory_space<vmem>>, vector<512x1xf32>
    %add3A = arith.addf %get3A_1, %get3A_4 : vector<512x1xf32>
    %add3A_5 = arith.constant 1.000000e+00 : f32
    %add3A_6 = vector.broadcast %add3A_5 : f32 to vector<512x1xf32>
    %add3A_7 = arith.addf %add3A, %add3A_6 : vector<512x1xf32>
    %rsqrt3A = math.rsqrt %add3A_7 : vector<512x1xf32>
    %get3A_8 = arith.constant 0 : index
    %get3A_9 = arith.constant 0 : index
    %get3A_10 = vector.load %arg1[%get3A_8, %get3A_9] : memref<512x256xf32, #tpu.memory_space<vmem>>, vector<512x256xf32>
    %get3A_11 = arith.constant 0 : index
    %get3A_12 = arith.constant 0 : index
    %get3A_13 = vector.load %arg2[%get3A_11, %get3A_12] : memref<256x128xf32, #tpu.memory_space<vmem>>, vector<256x128xf32>
    %dot_general3A = arith.constant dense<0.000000e+00> : vector<512x128xf32>
    %dot_general3A_14 = tpu.matmul %get3A_10, %get3A_13, %dot_general3A {dimension_numbers = #tpu.dot_dimension_numbers<[1], [0], [0], [1], [0, 0, 1, 1], [], []>, transpose_lhs_hint = false} : vector<512x256xf32>, vector<256x128xf32>, vector<512x128xf32> -> vector<512x128xf32>
    %mul3A = vector.broadcast %rsqrt3A : vector<512x1xf32> to vector<512x128xf32>
    %mul3A_15 = arith.mulf %mul3A, %dot_general3A_14 : vector<512x128xf32>
    %swap3A = arith.constant 0 : index
    %swap3A_16 = arith.constant 0 : index
    %swap3A_17 = vector.load %arg5[%swap3A, %swap3A_16] : memref<512x128xf32, #tpu.memory_space<vmem>>, vector<512x128xf32>
    tpu.vector_store %arg5[%swap3A, %swap3A_16], %mul3A_15 {strides = array<i32>} : memref<512x128xf32, #tpu.memory_space<vmem>>, vector<512x128xf32>,
    %get3A_18 = arith.constant 0 : index
    %get3A_19 = arith.constant 0 : index
    %get3A_20 = vector.load %arg3[%get3A_18, %get3A_19] : memref<512x128xf32, #tpu.memory_space<vmem>>, vector<512x128xf32>
    %get3A_21 = arith.constant 0 : index
    %get3A_22 = arith.constant 0 : index
    %get3A_23 = vector.load %arg4[%get3A_21, %get3A_22] : memref<512x128xf32, #tpu.memory_space<vmem>>, vector<512x128xf32>
    %add3A_24 = arith.addf %get3A_20, %get3A_23 : vector<512x128xf32>
    %add3A_25 = arith.constant 1.000000e+00 : f32
    %add3A_26 = vector.broadcast %add3A_25 : f32 to vector<512x128xf32>
    %add3A_27 = arith.addf %add3A_24, %add3A_26 : vector<512x128xf32>
    %rsqrt3A_28 = math.rsqrt %add3A_27 : vector<512x128xf32>
    %iota3A = tpu.iota {dimensions = array<i32: 0>} : vector<512x128xi32>
    %iota3A_29 = tpu.iota {dimensions = array<i32: 1>} : vector<512x128xi32>
    %jit3A = arith.constant 128 : i32
    %eq3A = arith.constant 0 : i32
    %eq3A_30 = arith.cmpi eq, %jit3A, %eq3A : i32
    %jit3A_31 = arith.constant 1 : i32
    %select_n3A = arith.select %eq3A_30, %jit3A_31, %jit3A : i32
    %rem3A = vector.broadcast %select_n3A : i32 to vector<512x128xi32>
    %rem3A_32 = arith.remsi %iota3A, %rem3A : vector<512x128xi32>
    %ne3A = arith.constant 0 : i32
    %ne3A_33 = vector.broadcast %ne3A : i32 to vector<512x128xi32>
    %ne3A_34 = arith.cmpi ne, %rem3A_32, %ne3A_33 : vector<512x128xi32>
    %lt3A = arith.constant 0 : i32
    %lt3A_35 = vector.broadcast %lt3A : i32 to vector<512x128xi32>
    %lt3A_36 = arith.cmpi slt, %rem3A_32, %lt3A_35 : vector<512x128xi32>
    %lt3A_37 = arith.constant 0 : i32
    %lt3A_38 = arith.cmpi slt, %select_n3A, %lt3A_37 : i32
    %ne3A_39 = vector.broadcast %lt3A_38 : i1 to vector<512x128xi1>
    %ne3A_40 = vector.broadcast %ne3A_39 : vector<512x128xi1> to vector<512x128xi1>
    %ne3A_41 = arith.xori %lt3A_36, %ne3A_40 : vector<512x128xi1>
    %and3A = arith.andi %ne3A_41, %ne3A_34 : vector<512x128xi1>
    %add3A_42 = vector.broadcast %select_n3A : i32 to vector<512x128xi32>
    %add3A_43 = arith.addi %rem3A_32, %add3A_42 : vector<512x128xi32>
    %select_n3A_44 = arith.select %and3A, %add3A_43, %rem3A_32 : vector<512x128xi1>, vector<512x128xi32>
    %eq3A_45 = arith.cmpi eq, %select_n3A_44, %iota3A_29 : vector<512x128xi32>
    %jit3A_46 = arith.constant 0.000000e+00 : f32
    %broadcast_in_dim3A = vector.broadcast %jit3A_46 : f32 to vector<512x128xf32>
    %select_n3A_47 = arith.select %eq3A_45, %rsqrt3A_28, %broadcast_in_dim3A : vector<512x128xi1>, vector<512x128xf32>
    %reshape3A = vector.shape_cast %select_n3A_47 : vector<512x128xf32> to vector<4x128x128xf32>
    %reduce_sum3A = arith.constant dense<0.000000e+00> : vector<4x128xf32>
    %reduce_sum3A_48 = vector.multi_reduction <add>, %reshape3A, %reduce_sum3A [1] : vector<4x128x128xf32> to vector<4x128xf32>
    %reshape3A_49 = vector.shape_cast %reduce_sum3A_48 : vector<4x128xf32> to vector<1x4x128xf32>
    %swap3A_50 = arith.constant 0 : index
    %swap3A_51 = arith.constant 0 : index
    %swap3A_52 = arith.constant 0 : index
    %swap3A_53 = vector.load %arg6[%swap3A_50, %swap3A_51, %swap3A_52] : memref<1x4x128xf32, #tpu.memory_space<vmem>>, vector<1x4x128xf32>
    tpu.vector_store %arg6[%swap3A_50, %swap3A_51, %swap3A_52], %reshape3A_49 {strides = array<i32>} : memref<1x4x128xf32, #tpu.memory_space<vmem>>, vector<1x4x128xf32>,
    return
  }
  func.func @transform_0(%arg0: i32) -> (i32, i32) {
    %c0_i32 = arith.constant 0 : i32
    %c0_i32_0 = arith.constant 0 : i32
    return %arg0, %c0_i32 : i32, i32
  }
  func.func @transform_1(%arg0: i32) -> (i32, i32) {
    %c0_i32 = arith.constant 0 : i32
    %c0_i32_0 = arith.constant 0 : i32
    %c0_i32_1 = arith.constant 0 : i32
    return %c0_i32, %c0_i32_0 : i32, i32
  }
  func.func @transform_2(%arg0: i32) -> (i32, i32) {
    %c0_i32 = arith.constant 0 : i32
    %c0_i32_0 = arith.constant 0 : i32
    return %arg0, %c0_i32 : i32, i32
  }
  func.func @transform_3(%arg0: i32) -> (i32, i32) {
    %add3A = arith.constant 20 : i32
    %add3A_0 = arith.addi %arg0, %add3A : i32
    %c0_i32 = arith.constant 0 : i32
    %c0_i32_1 = arith.constant 0 : i32
    return %add3A_0, %c0_i32 : i32, i32
  }
  func.func @transform_4(%arg0: i32) -> (i32, i32) {
    %c0_i32 = arith.constant 0 : i32
    %c0_i32_0 = arith.constant 0 : i32
    return %arg0, %c0_i32 : i32, i32
  }
  func.func @transform_5(%arg0: i32) -> (i32, i32, i32) {
    %c0_i32 = arith.constant 0 : i32
    %c0_i32_0 = arith.constant 0 : i32
    %c0_i32_1 = arith.constant 0 : i32
    return %arg0, %c0_i32, %c0_i32_0 : i32, i32, i32
  }
}

module attributes {stable_mosaic.version = 14 : i64} {
  func.func @_k_mid_split_body(%arg0: i32, %arg1: memref<512x128xf32, #tpu.memory_space<vmem>>, %arg2: memref<512x128xf32, #tpu.memory_space<vmem>>, %arg3: memref<512x128xf32, #tpu.memory_space<vmem>>, %arg4: memref<1x4x128xf32, #tpu.memory_space<vmem>>, %arg5: memref<1x128xf32, #tpu.memory_space<vmem>>, %arg6: memref<128x256xf32, #tpu.memory_space<vmem>>, %arg7: memref<512x128xf32, #tpu.memory_space<vmem>>, %arg8: memref<512x128xf32, #tpu.memory_space<vmem>>) attributes {dimension_semantics = [#tpu.dimension_semantics<arbitrary>], iteration_bounds = array<i64: 20>, scalar_prefetch = 0 : i64, scratch_operands = 0 : i64, tpu.core_type = #tpu.core_type<tc>, window_params = [{transform_indices = @transform_0, window_bounds = array<i64: 512, 128>}, {transform_indices = @transform_1, window_bounds = array<i64: 512, 128>}, {transform_indices = @transform_2, window_bounds = array<i64: 512, 128>}, {transform_indices = @transform_3, window_bounds = array<i64: 1, 4, 128>}, {pipeline_mode = #tpu.pipeline_mode<synchronous>, transform_indices = @transform_4, window_bounds = array<i64: 1, 128>}, {pipeline_mode = #tpu.pipeline_mode<synchronous>, transform_indices = @transform_5, window_bounds = array<i64: 128, 256>}, {transform_indices = @transform_6, window_bounds = array<i64: 512, 128>}, {transform_indices = @transform_7, window_bounds = array<i64: 512, 128>}]} {
    %get3A = arith.constant 0 : index
    %get3A_0 = arith.constant 0 : index
    %get3A_1 = arith.constant 0 : index
    %get3A_2 = vector.load %arg4[%get3A, %get3A_0, %get3A_1] : memref<1x4x128xf32, #tpu.memory_space<vmem>>, vector<1x4x128xf32>
    %get3A_3 = vector.shape_cast %get3A_2 : vector<1x4x128xf32> to vector<4x128xf32>
    %broadcast_in_dim3A = vector.shape_cast %get3A_3 : vector<4x128xf32> to vector<4x1x128xf32>
    %broadcast_in_dim3A_4 = vector.shape_cast %broadcast_in_dim3A : vector<4x1x128xf32> to vector<4x1x128xf32>
    %broadcast_in_dim3A_5 = vector.broadcast %broadcast_in_dim3A_4 : vector<4x1x128xf32> to vector<4x128x128xf32>
    %reshape3A = vector.shape_cast %broadcast_in_dim3A_5 : vector<4x128x128xf32> to vector<512x128xf32>
    %iota3A = tpu.iota {dimensions = array<i32: 0>} : vector<512x128xi32>
    %iota3A_6 = tpu.iota {dimensions = array<i32: 1>} : vector<512x128xi32>
    %jit3A = arith.constant 128 : i32
    %eq3A = arith.constant 0 : i32
    %eq3A_7 = arith.cmpi eq, %jit3A, %eq3A : i32
    %jit3A_8 = arith.constant 1 : i32
    %select_n3A = arith.select %eq3A_7, %jit3A_8, %jit3A : i32
    %rem3A = vector.broadcast %select_n3A : i32 to vector<512x128xi32>
    %rem3A_9 = arith.remsi %iota3A, %rem3A : vector<512x128xi32>
    %ne3A = arith.constant 0 : i32
    %ne3A_10 = vector.broadcast %ne3A : i32 to vector<512x128xi32>
    %ne3A_11 = arith.cmpi ne, %rem3A_9, %ne3A_10 : vector<512x128xi32>
    %lt3A = arith.constant 0 : i32
    %lt3A_12 = vector.broadcast %lt3A : i32 to vector<512x128xi32>
    %lt3A_13 = arith.cmpi slt, %rem3A_9, %lt3A_12 : vector<512x128xi32>
    %lt3A_14 = arith.constant 0 : i32
    %lt3A_15 = arith.cmpi slt, %select_n3A, %lt3A_14 : i32
    %ne3A_16 = vector.broadcast %lt3A_15 : i1 to vector<512x128xi1>
    %ne3A_17 = vector.broadcast %ne3A_16 : vector<512x128xi1> to vector<512x128xi1>
    %ne3A_18 = arith.xori %lt3A_13, %ne3A_17 : vector<512x128xi1>
    %and3A = arith.andi %ne3A_18, %ne3A_11 : vector<512x128xi1>
    %add3A = vector.broadcast %select_n3A : i32 to vector<512x128xi32>
    %add3A_19 = arith.addi %rem3A_9, %add3A : vector<512x128xi32>
    %select_n3A_20 = arith.select %and3A, %add3A_19, %rem3A_9 : vector<512x128xi1>, vector<512x128xi32>
    %eq3A_21 = arith.cmpi eq, %select_n3A_20, %iota3A_6 : vector<512x128xi32>
    %jit3A_22 = arith.constant 0.000000e+00 : f32
    %broadcast_in_dim3A_23 = vector.broadcast %jit3A_22 : f32 to vector<512x128xf32>
    %select_n3A_24 = arith.select %eq3A_21, %reshape3A, %broadcast_in_dim3A_23 : vector<512x128xi1>, vector<512x128xf32>
    %reduce_sum3A = arith.constant dense<0.000000e+00> : vector<512xf32>
    %reduce_sum3A_25 = vector.multi_reduction <add>, %select_n3A_24, %reduce_sum3A [1] : vector<512x128xf32> to vector<512xf32>
    %broadcast_in_dim3A_26 = vector.shape_cast %reduce_sum3A_25 : vector<512xf32> to vector<512x1xf32>
    %get3A_27 = arith.constant 0 : index
    %get3A_28 = arith.constant 0 : index
    %get3A_29 = vector.load %arg1[%get3A_27, %get3A_28] : memref<512x128xf32, #tpu.memory_space<vmem>>, vector<512x128xf32>
    %get3A_30 = arith.constant 0 : index
    %get3A_31 = arith.constant 0 : index
    %get3A_32 = vector.load %arg2[%get3A_30, %get3A_31] : memref<512x128xf32, #tpu.memory_space<vmem>>, vector<512x128xf32>
    %add3A_33 = arith.addf %get3A_29, %get3A_32 : vector<512x128xf32>
    %get3A_34 = arith.constant 0 : index
    %get3A_35 = arith.constant 0 : index
    %get3A_36 = vector.load %arg3[%get3A_34, %get3A_35] : memref<512x128xf32, #tpu.memory_space<vmem>>, vector<512x128xf32>
    %add3A_37 = arith.addf %add3A_33, %get3A_36 : vector<512x128xf32>
    %mul3A = vector.broadcast %broadcast_in_dim3A_26 : vector<512x1xf32> to vector<512x128xf32>
    %mul3A_38 = arith.mulf %mul3A, %add3A_37 : vector<512x128xf32>
    %get3A_39 = arith.constant 0 : index
    %get3A_40 = arith.constant 0 : index
    %get3A_41 = vector.load %arg5[%get3A_39, %get3A_40] : memref<1x128xf32, #tpu.memory_space<vmem>>, vector<1x128xf32>
    %add3A_42 = vector.broadcast %get3A_41 : vector<1x128xf32> to vector<512x128xf32>
    %add3A_43 = arith.addf %mul3A_38, %add3A_42 : vector<512x128xf32>
    %max3A = arith.constant 0.000000e+00 : f32
    %max3A_44 = vector.broadcast %max3A : f32 to vector<512x128xf32>
    %max3A_45 = arith.maximumf %add3A_43, %max3A_44 : vector<512x128xf32>
    %get3A_46 = arith.constant 0 : index
    %get3A_47 = arith.constant 0 : index
    %get3A_48 = vector.load %arg6[%get3A_46, %get3A_47] : memref<128x256xf32, #tpu.memory_space<vmem>>, vector<128x256xf32>
    %dot_general3A = arith.constant dense<0.000000e+00> : vector<512x256xf32>
    %dot_general3A_49 = tpu.matmul %max3A_45, %get3A_48, %dot_general3A {dimension_numbers = #tpu.dot_dimension_numbers<[1], [0], [0], [1], [0, 0, 1, 1], [], []>, transpose_lhs_hint = false} : vector<512x128xf32>, vector<128x256xf32>, vector<512x256xf32> -> vector<512x256xf32>
    %mul3A_50 = vector.broadcast %broadcast_in_dim3A_26 : vector<512x1xf32> to vector<512x256xf32>
    %mul3A_51 = arith.mulf %mul3A_50, %dot_general3A_49 : vector<512x256xf32>
    %slice3A = vector.extract_strided_slice %mul3A_51 {offsets = [0, 0], sizes = [512, 128], strides = [1, 1]} : vector<512x256xf32> to vector<512x128xf32>
    %swap3A = arith.constant 0 : index
    %swap3A_52 = arith.constant 0 : index
    %swap3A_53 = vector.load %arg7[%swap3A, %swap3A_52] : memref<512x128xf32, #tpu.memory_space<vmem>>, vector<512x128xf32>
    tpu.vector_store %arg7[%swap3A, %swap3A_52], %slice3A {strides = array<i32>} : memref<512x128xf32, #tpu.memory_space<vmem>>, vector<512x128xf32>,
    %slice3A_54 = vector.extract_strided_slice %mul3A_51 {offsets = [0, 128], sizes = [512, 128], strides = [1, 1]} : vector<512x256xf32> to vector<512x128xf32>
    %swap3A_55 = arith.constant 0 : index
    %swap3A_56 = arith.constant 0 : index
    %swap3A_57 = vector.load %arg8[%swap3A_55, %swap3A_56] : memref<512x128xf32, #tpu.memory_space<vmem>>, vector<512x128xf32>
    tpu.vector_store %arg8[%swap3A_55, %swap3A_56], %slice3A_54 {strides = array<i32>} : memref<512x128xf32, #tpu.memory_space<vmem>>, vector<512x128xf32>,
    return
  }
  func.func @transform_0(%arg0: i32) -> (i32, i32) {
    %c0_i32 = arith.constant 0 : i32
    %c0_i32_0 = arith.constant 0 : i32
    return %arg0, %c0_i32 : i32, i32
  }
  func.func @transform_1(%arg0: i32) -> (i32, i32) {
    %add3A = arith.constant 20 : i32
    %add3A_0 = arith.addi %arg0, %add3A : i32
    %c0_i32 = arith.constant 0 : i32
    %c0_i32_1 = arith.constant 0 : i32
    return %add3A_0, %c0_i32 : i32, i32
  }
  func.func @transform_2(%arg0: i32) -> (i32, i32) {
    %c0_i32 = arith.constant 0 : i32
    %c0_i32_0 = arith.constant 0 : i32
    return %arg0, %c0_i32 : i32, i32
  }
  func.func @transform_3(%arg0: i32) -> (i32, i32, i32) {
    %c0_i32 = arith.constant 0 : i32
    %c0_i32_0 = arith.constant 0 : i32
    %c0_i32_1 = arith.constant 0 : i32
    return %arg0, %c0_i32, %c0_i32_0 : i32, i32, i32
  }
  func.func @transform_4(%arg0: i32) -> (i32, i32) {
    %c0_i32 = arith.constant 0 : i32
    %c0_i32_0 = arith.constant 0 : i32
    %c0_i32_1 = arith.constant 0 : i32
    return %c0_i32, %c0_i32_0 : i32, i32
  }
  func.func @transform_5(%arg0: i32) -> (i32, i32) {
    %c0_i32 = arith.constant 0 : i32
    %c0_i32_0 = arith.constant 0 : i32
    %c0_i32_1 = arith.constant 0 : i32
    return %c0_i32, %c0_i32_0 : i32, i32
  }
  func.func @transform_6(%arg0: i32) -> (i32, i32) {
    %c0_i32 = arith.constant 0 : i32
    %c0_i32_0 = arith.constant 0 : i32
    return %arg0, %c0_i32 : i32, i32
  }
  func.func @transform_7(%arg0: i32) -> (i32, i32) {
    %c0_i32 = arith.constant 0 : i32
    %c0_i32_0 = arith.constant 0 : i32
    return %arg0, %c0_i32 : i32, i32
  }
}

module attributes {stable_mosaic.version = 14 : i64} {
  func.func @_k_final_body(%arg0: i32, %arg1: memref<512x128xf32, #tpu.memory_space<vmem>>, %arg2: memref<512x128xf32, #tpu.memory_space<vmem>>, %arg3: memref<512x128xf32, #tpu.memory_space<vmem>>, %arg4: memref<512x128xf32, #tpu.memory_space<vmem>>, %arg5: memref<512x128xf32, #tpu.memory_space<vmem>>, %arg6: memref<512x128xf32, #tpu.memory_space<vmem>>, %arg7: memref<1x4x128xf32, #tpu.memory_space<vmem>>, %arg8: memref<1x256xf32, #tpu.memory_space<vmem>>, %arg9: memref<512x256xf32, #tpu.memory_space<vmem>>) attributes {dimension_semantics = [#tpu.dimension_semantics<arbitrary>], iteration_bounds = array<i64: 20>, scalar_prefetch = 0 : i64, scratch_operands = 0 : i64, tpu.core_type = #tpu.core_type<tc>, window_params = [{transform_indices = @transform_0, window_bounds = array<i64: 512, 128>}, {transform_indices = @transform_1, window_bounds = array<i64: 512, 128>}, {transform_indices = @transform_2, window_bounds = array<i64: 512, 128>}, {transform_indices = @transform_3, window_bounds = array<i64: 512, 128>}, {transform_indices = @transform_4, window_bounds = array<i64: 512, 128>}, {transform_indices = @transform_5, window_bounds = array<i64: 512, 128>}, {transform_indices = @transform_6, window_bounds = array<i64: 1, 4, 128>}, {pipeline_mode = #tpu.pipeline_mode<synchronous>, transform_indices = @transform_7, window_bounds = array<i64: 1, 256>}, {transform_indices = @transform_8, window_bounds = array<i64: 512, 256>}]} {
    %get3A = arith.constant 0 : index
    %get3A_0 = arith.constant 0 : index
    %get3A_1 = arith.constant 0 : index
    %get3A_2 = vector.load %arg7[%get3A, %get3A_0, %get3A_1] : memref<1x4x128xf32, #tpu.memory_space<vmem>>, vector<1x4x128xf32>
    %get3A_3 = vector.shape_cast %get3A_2 : vector<1x4x128xf32> to vector<4x128xf32>
    %broadcast_in_dim3A = vector.shape_cast %get3A_3 : vector<4x128xf32> to vector<4x1x128xf32>
    %broadcast_in_dim3A_4 = vector.shape_cast %broadcast_in_dim3A : vector<4x1x128xf32> to vector<4x1x128xf32>
    %broadcast_in_dim3A_5 = vector.broadcast %broadcast_in_dim3A_4 : vector<4x1x128xf32> to vector<4x128x128xf32>
    %reshape3A = vector.shape_cast %broadcast_in_dim3A_5 : vector<4x128x128xf32> to vector<512x128xf32>
    %iota3A = tpu.iota {dimensions = array<i32: 0>} : vector<512x128xi32>
    %iota3A_6 = tpu.iota {dimensions = array<i32: 1>} : vector<512x128xi32>
    %jit3A = arith.constant 128 : i32
    %eq3A = arith.constant 0 : i32
    %eq3A_7 = arith.cmpi eq, %jit3A, %eq3A : i32
    %jit3A_8 = arith.constant 1 : i32
    %select_n3A = arith.select %eq3A_7, %jit3A_8, %jit3A : i32
    %rem3A = vector.broadcast %select_n3A : i32 to vector<512x128xi32>
    %rem3A_9 = arith.remsi %iota3A, %rem3A : vector<512x128xi32>
    %ne3A = arith.constant 0 : i32
    %ne3A_10 = vector.broadcast %ne3A : i32 to vector<512x128xi32>
    %ne3A_11 = arith.cmpi ne, %rem3A_9, %ne3A_10 : vector<512x128xi32>
    %lt3A = arith.constant 0 : i32
    %lt3A_12 = vector.broadcast %lt3A : i32 to vector<512x128xi32>
    %lt3A_13 = arith.cmpi slt, %rem3A_9, %lt3A_12 : vector<512x128xi32>
    %lt3A_14 = arith.constant 0 : i32
    %lt3A_15 = arith.cmpi slt, %select_n3A, %lt3A_14 : i32
    %ne3A_16 = vector.broadcast %lt3A_15 : i1 to vector<512x128xi1>
    %ne3A_17 = vector.broadcast %ne3A_16 : vector<512x128xi1> to vector<512x128xi1>
    %ne3A_18 = arith.xori %lt3A_13, %ne3A_17 : vector<512x128xi1>
    %and3A = arith.andi %ne3A_18, %ne3A_11 : vector<512x128xi1>
    %add3A = vector.broadcast %select_n3A : i32 to vector<512x128xi32>
    %add3A_19 = arith.addi %rem3A_9, %add3A : vector<512x128xi32>
    %select_n3A_20 = arith.select %and3A, %add3A_19, %rem3A_9 : vector<512x128xi1>, vector<512x128xi32>
    %eq3A_21 = arith.cmpi eq, %select_n3A_20, %iota3A_6 : vector<512x128xi32>
    %jit3A_22 = arith.constant 0.000000e+00 : f32
    %broadcast_in_dim3A_23 = vector.broadcast %jit3A_22 : f32 to vector<512x128xf32>
    %select_n3A_24 = arith.select %eq3A_21, %reshape3A, %broadcast_in_dim3A_23 : vector<512x128xi1>, vector<512x128xf32>
    %reduce_sum3A = arith.constant dense<0.000000e+00> : vector<512xf32>
    %reduce_sum3A_25 = vector.multi_reduction <add>, %select_n3A_24, %reduce_sum3A [1] : vector<512x128xf32> to vector<512xf32>
    %broadcast_in_dim3A_26 = vector.shape_cast %reduce_sum3A_25 : vector<512xf32> to vector<512x1xf32>
    %get3A_27 = arith.constant 0 : index
    %get3A_28 = arith.constant 0 : index
    %get3A_29 = vector.load %arg1[%get3A_27, %get3A_28] : memref<512x128xf32, #tpu.memory_space<vmem>>, vector<512x128xf32>
    %get3A_30 = arith.constant 0 : index
    %get3A_31 = arith.constant 0 : index
    %get3A_32 = vector.load %arg2[%get3A_30, %get3A_31] : memref<512x128xf32, #tpu.memory_space<vmem>>, vector<512x128xf32>
    %add3A_33 = arith.addf %get3A_29, %get3A_32 : vector<512x128xf32>
    %get3A_34 = arith.constant 0 : index
    %get3A_35 = arith.constant 0 : index
    %get3A_36 = vector.load %arg5[%get3A_34, %get3A_35] : memref<512x128xf32, #tpu.memory_space<vmem>>, vector<512x128xf32>
    %add3A_37 = arith.addf %add3A_33, %get3A_36 : vector<512x128xf32>
    %get3A_38 = arith.constant 0 : index
    %get3A_39 = arith.constant 0 : index
    %get3A_40 = vector.load %arg3[%get3A_38, %get3A_39] : memref<512x128xf32, #tpu.memory_space<vmem>>, vector<512x128xf32>
    %get3A_41 = arith.constant 0 : index
    %get3A_42 = arith.constant 0 : index
    %get3A_43 = vector.load %arg4[%get3A_41, %get3A_42] : memref<512x128xf32, #tpu.memory_space<vmem>>, vector<512x128xf32>
    %add3A_44 = arith.addf %get3A_40, %get3A_43 : vector<512x128xf32>
    %get3A_45 = arith.constant 0 : index
    %get3A_46 = arith.constant 0 : index
    %get3A_47 = vector.load %arg6[%get3A_45, %get3A_46] : memref<512x128xf32, #tpu.memory_space<vmem>>, vector<512x128xf32>
    %add3A_48 = arith.addf %add3A_44, %get3A_47 : vector<512x128xf32>
    %concatenate3A = tpu.concatenate %add3A_37, %add3A_48 in 1 : vector<512x128xf32>, vector<512x128xf32> -> vector<512x256xf32>
    %mul3A = vector.broadcast %broadcast_in_dim3A_26 : vector<512x1xf32> to vector<512x256xf32>
    %mul3A_49 = arith.mulf %mul3A, %concatenate3A : vector<512x256xf32>
    %get3A_50 = arith.constant 0 : index
    %get3A_51 = arith.constant 0 : index
    %get3A_52 = vector.load %arg8[%get3A_50, %get3A_51] : memref<1x256xf32, #tpu.memory_space<vmem>>, vector<1x256xf32>
    %add3A_53 = vector.broadcast %get3A_52 : vector<1x256xf32> to vector<512x256xf32>
    %add3A_54 = arith.addf %mul3A_49, %add3A_53 : vector<512x256xf32>
    %swap3A = arith.constant 0 : index
    %swap3A_55 = arith.constant 0 : index
    %swap3A_56 = vector.load %arg9[%swap3A, %swap3A_55] : memref<512x256xf32, #tpu.memory_space<vmem>>, vector<512x256xf32>
    tpu.vector_store %arg9[%swap3A, %swap3A_55], %add3A_54 {strides = array<i32>} : memref<512x256xf32, #tpu.memory_space<vmem>>, vector<512x256xf32>,
    return
  }
  func.func @transform_0(%arg0: i32) -> (i32, i32) {
    %c0_i32 = arith.constant 0 : i32
    %c0_i32_0 = arith.constant 0 : i32
    return %arg0, %c0_i32 : i32, i32
  }
  func.func @transform_1(%arg0: i32) -> (i32, i32) {
    %add3A = arith.constant 20 : i32
    %add3A_0 = arith.addi %arg0, %add3A : i32
    %c0_i32 = arith.constant 0 : i32
    %c0_i32_1 = arith.constant 0 : i32
    return %add3A_0, %c0_i32 : i32, i32
  }
  func.func @transform_2(%arg0: i32) -> (i32, i32) {
    %c0_i32 = arith.constant 0 : i32
    %c0_i32_0 = arith.constant 0 : i32
    return %arg0, %c0_i32 : i32, i32
  }
  func.func @transform_3(%arg0: i32) -> (i32, i32) {
    %add3A = arith.constant 20 : i32
    %add3A_0 = arith.addi %arg0, %add3A : i32
    %c0_i32 = arith.constant 0 : i32
    %c0_i32_1 = arith.constant 0 : i32
    return %add3A_0, %c0_i32 : i32, i32
  }
  func.func @transform_4(%arg0: i32) -> (i32, i32) {
    %c0_i32 = arith.constant 0 : i32
    %c0_i32_0 = arith.constant 0 : i32
    return %arg0, %c0_i32 : i32, i32
  }
  func.func @transform_5(%arg0: i32) -> (i32, i32) {
    %c0_i32 = arith.constant 0 : i32
    %c0_i32_0 = arith.constant 0 : i32
    return %arg0, %c0_i32 : i32, i32
  }
  func.func @transform_6(%arg0: i32) -> (i32, i32, i32) {
    %c0_i32 = arith.constant 0 : i32
    %c0_i32_0 = arith.constant 0 : i32
    %c0_i32_1 = arith.constant 0 : i32
    return %arg0, %c0_i32, %c0_i32_0 : i32, i32, i32
  }
  func.func @transform_7(%arg0: i32) -> (i32, i32) {
    %c0_i32 = arith.constant 0 : i32
    %c0_i32_0 = arith.constant 0 : i32
    %c0_i32_1 = arith.constant 0 : i32
    return %c0_i32, %c0_i32_0 : i32, i32
  }
  func.func @transform_8(%arg0: i32) -> (i32, i32) {
    %c0_i32 = arith.constant 0 : i32
    %c0_i32_0 = arith.constant 0 : i32
    return %arg0, %c0_i32 : i32, i32
  }
}

</mosaic_0001>

<sc_bundles>
// kernel: kernel.11.cloned.1.call-start
scs
__scs_entry_jumppad:
0x0: {  	(pc) =	sbr.rel $0x88, $3  }
0x1: {  	(tag) =	ssettag $0x0;
	lr =	simm.s32 $0x1  }
0x2: {  	[smem:$0x3F99] =	sst lr;
	_ =	strace $0xD0000000  }
0x3: {  	_ = 	snop  }
0x4: {  	_ = 	snop  }
0x5: {  	_ = 	snop  }
0x6: {  	_ = 	snop  }
0x7: {  	_ = 	snop  }
__scs_overlays_trampoline_lowered:
0x8: {  	[smem:$0x3FA8] =	sst s0  }
0x9: {  	[smem:$0x3FA9] =	sst s1  }
0xa: {  	[smem:$0x3FAA] =	sst s2  }
0xb: {  	[smem:$0x3FAB] =	sst s3  }
0xc: {  	[smem:$0x3FAC] =	sst s4  }
0xd: {  	[smem:$0x3FAD] =	sst s5  }
0xe: {  	[smem:$0x3FAE] =	sst s6  }
0xf: {  	[smem:$0x3FAF] =	sst s7  }
0x10: {  	[smem:$0x3FB0] =	sst s8  }
0x11: {  	[smem:$0x3FB1] =	sst s9;
	s0 =	simm.s32 @!p0 $0x0  }
0x12: {  	s1 =	sld [smem:$0x3F97];
	s0 =	simm.s32 @p0 $0x1  }
0x13: {  	[smem:$0x3FB2] =	sst s0;
	s0 =	simm.s32 @!p1 $0x0  }
0x14: {  	s2 =	sld [smem:$0x3F96];
	s0 =	simm.s32 @p1 $0x1  }
0x15: {  	[smem:$0x3FB3] =	sst s0;
	s0 =	simm.s32 @!p2 $0x0  }
0x16: {  	s3 =	sld [smem:$0x3FDB];
	s0 =	simm.s32 @p2 $0x1  }
0x17: {  	s4 =	simm.s32 $0x1BF5;
	[smem:$0x3FB5] =	sst s0  }
0x18: {  	s0 =	sld [smem:$0x3F98];
	_ =	swait.ge [sflag:s4], $0x0  }
0x19: {  	s7 =	sld [smem:$0x3F99]  }
0x1a: {  	s8 =	sadd.s32 $0xFFFFE003, lr  }
0x1b: {  	s9 =	sadd.s32 $0xFFFFFEF7, lr;
	s5 =	simm.s32 $0xFFFFFFFF;
	p2 =	slt.u32 s8, $0xFFFFF086  }
0x1c: {  	p1 =	slt.u32 s9, $0xF7A;
	s5 =	simm.s32 @!p2 $0x0  }
0x1d: {  	s5 =	simm.s32 @p1 $0x1;
	p0 =	seq.s32 s7, s2  }
0x1e: {  	s7 =	smul.u32 @!p0 $0xF7A, s2;
	p2 =	seq.s32 @!p0 s5, $0x0  }
0x1f: {  	s9 =	smul.u32 $0xF7A, s1;
	s8 =	simm.s32 @!p0 $0x1BF5;
	p2 =	por !p2, p0  }
0x20: {  	[sflag:s8] =	ssyncset.s32 @!p0 $0xFFFFF086;
	s6 =	sadd.s32 @!p0 s3, s7;
	s7 =	simm.s32 @!p0 $0x108  }
0x21: {  	s3 =	sadd.s32 s3, s9;
	s6 =	sadd.s32 @!p0 $0x88, s6;
	s7 =	simm.s32 @p2 $0x1082  }
0x22: {  	[simem:s7], [sflag:s8] =	dma.local @!p0 [hbm:s6], $0xF7A  }
0x23: {  	s9 =	sor.u32 $0xD0000000, s2;
	s6 =	simm.s32 $0x108;
	_ =	swait.ge @!p0 [sflag:s8], $0x0  }
0x24: {  	s3 =	sadd.s32 $0x88, s3;
	s6 =	simm.s32 @!p1 $0x1082;
	[sflag:s4] =	ssyncset.s32 $0xFFFFF086  }
0x25: {  	[simem:s6], [sflag:s4] =	dma.local [hbm:s3], $0xF7A  }
0x26: {  	[smem:$0x3F99] =	sst s1;
	(tag) =	ssettag s2;
	_ =	strace s9  }
0x27: {  	s1 =	sld [smem:$0x3FA9]  }
0x28: {  	s2 =	sld [smem:$0x3FAA]  }
0x29: {  	s4 =	sld [smem:$0x3FAC]  }
0x2a: {  	p0 =	seq.s32 s5, $0x0;
	s5 =	sld [smem:$0x3FAD]  }
0x2b: {  	s6 =	sld [smem:$0x3FAE]  }
0x2c: {  	s7 =	sld [smem:$0x3FAF]  }
0x2d: {  	s3 =	simm.s32 $0x108;
	s8 =	sld [smem:$0x3FB0]  }
0x2e: {  	s3 =	simm.s32 @!p0 $0x1082;
	s9 =	sld [smem:$0x3FB1]  }
0x2f: {  	lr =	sadd.s32 s0, s3;
	s0 =	sld [smem:$0x3FA8]  }
0x30: {  	s3 =	sld [smem:$0x3FAB]  }
0x31: {  	[smem:$0x3FB4] =	sst s10  }
0x32: {  	s10 =	sld [smem:$0x3FB2];
	_ =	sdelay $0x3  }
0x33: {  	p0 =	seq.s32 s10, $0x1;
	s10 =	sld [smem:$0x3FB4];
	_ =	sdelay $0x3  }
0x34: {  	[smem:$0x3FB4] =	sst s10  }
0x35: {  	s10 =	sld [smem:$0x3FB3];
	_ =	sdelay $0x3  }
0x36: {  	p1 =	seq.s32 s10, $0x1;
	s10 =	sld [smem:$0x3FB4];
	_ =	sdelay $0x3  }
0x37: {  	[smem:$0x3FB4] =	sst s10  }
0x38: {  	s10 =	sld [smem:$0x3FB5]  }
0x39: {  	_ = 	snop;
	(pc) =	sbr.ind lr, $3  }
0x3a: {  	_ = 	snop  }
0x3b: {  	_ = 	snop  }
0x3c: {  	p2 =	seq.s32 s10, $0x1;
	s10 =	sld [smem:$0x3FB4]  }
0x3d: {  	_ =	shalt  }
0x3e: {  	_ =	shalt  }
0x3f: {  	_ =	shalt  }
0x40: {  	_ =	shalt  }
0x41: {  	_ =	shalt  }
0x42: {  	_ =	shalt  }
0x43: {  	_ =	shalt  }
0x44: {  	_ =	shalt  }
0x45: {  	_ =	shalt  }
0x46: {  	_ =	shalt  }
0x47: {  	_ =	shalt  }
0x48: {  	_ =	shalt  }
0x49: {  	_ =	shalt  }
0x4a: {  	_ =	shalt  }
0x4b: {  	_ =	shalt  }
0x4c: {  	_ =	shalt  }
0x4d: {  	_ =	shalt  }
0x4e: {  	_ =	shalt  }
0x4f: {  	_ =	shalt  }
0x50: {  	_ =	shalt  }
0x51: {  	_ =	shalt  }
0x52: {  	_ =	shalt  }
0x53: {  	_ =	shalt  }
0x54: {  	_ =	shalt  }
0x55: {  	_ =	shalt  }
0x56: {  	_ =	shalt  }
0x57: {  	_ =	shalt  }
0x58: {  	_ =	shalt  }
0x59: {  	_ =	shalt  }
0x5a: {  	_ =	shalt  }
0x5b: {  	_ =	shalt  }
0x5c: {  	_ =	shalt  }
0x5d: {  	_ =	shalt  }
0x5e: {  	_ =	shalt  }
0x5f: {  	_ =	shalt  }
0x60: {  	_ =	shalt  }
0x61: {  	_ =	shalt  }
0x62: {  	_ =	shalt  }
0x63: {  	_ =	shalt  }
0x64: {  	_ =	shalt  }
0x65: {  	_ =	shalt  }
0x66: {  	_ =	shalt  }
0x67: {  	_ =	shalt  }
0x68: {  	_ =	shalt  }
0x69: {  	_ =	shalt  }
0x6a: {  	_ =	shalt  }
0x6b: {  	_ =	shalt  }
0x6c: {  	_ =	shalt  }
0x6d: {  	_ =	shalt  }
0x6e: {  	_ =	shalt  }
0x6f: {  	_ =	shalt  }
0x70: {  	_ =	shalt  }
0x71: {  	_ =	shalt  }
0x72: {  	_ =	shalt  }
0x73: {  	_ =	shalt  }
0x74: {  	_ =	shalt  }
0x75: {  	_ =	shalt  }
0x76: {  	_ =	shalt  }
0x77: {  	_ =	shalt  }
0x78: {  	_ =	shalt  }
0x79: {  	_ =	shalt  }
0x7a: {  	_ =	shalt  }
0x7b: {  	_ =	shalt  }
0x7c: {  	_ =	shalt  }
0x7d: {  	_ =	shalt  }
0x7e: {  	_ =	shalt  }
0x7f: {  	_ =	shalt  }
0x80: {  	_ =	shalt  }
0x81: {  	_ =	shalt  }
0x82: {  	_ =	shalt  }
0x83: {  	_ =	shalt  }
0x84: {  	_ =	shalt  }
0x85: {  	_ =	shalt  }
0x86: {  	_ =	shalt  }
0x87: {  	_ =	shalt  }
.Lfunc_end0:
.L_simem_size_0:
called_computation_lowered:
.L_overlay_start_0:
0x88: {  	s2 =	sld [smem:$0x3FD9]  }
0x89: {  	s3 =	sld [smem:$0x3FFE];
	_ =	sdelay $0x1  }
0x8a: {  	s1 =	srdreg.scid  }
0x8b: {  	s0 =	sand.u32 $0x1, s1  }
0x8c: {  	s16 =	sshll.u32 s0, $0xA;
	s2 =	sadd.s32 s3, s2  }
0x8d: {  	s2 =	sadd.s32 s2, s16  }
0x8e: {  	[smem:$0x3FC0] =	sst s2  }
0x8f: {  	_ = 	snop  }
0x90: {  	(tm) =	ssettm $0x1  }
0x91: {  	s17 =	sld [smem:$0x3FFB];
	_ =	sdelay $0x3  }
0x92: {  	_ =	strace s17  }
0x93: {  	s2 =	sld [smem:$0x3FFC];
	_ =	sdelay $0x3  }
0x94: {  	_ =	strace s2  }
0x95: {  	s2 =	sld [smem:$0x3FFD];
	_ =	sdelay $0x3  }
0x96: {  	_ =	strace s2  }
0x97: {  	_ =	strace $0x8FFFFFFF  }
0x98: {  	s18 =	sld [smem:$0x3FDB];
	_ =	sdelay $0x1  }
0x99: {  	s19 =	simm.s32 $_scs_section_size  }
0x9a: {  	s4 =	simm.s32 $_size__tile_overlayer_lowered;
	s5 =	simm.s32 $_tile_overlayer_lowered  }
0x9b: {  	s22 =	simm.s32 $0x1BFF;
	s21 =	sshll.u32 s5, $0x1;
	s2 =	sadd.s32 s19, s18  }
0x9c: {  	s6 =	simm.s32 $0x0;
	s20 =	sshll.u32 s4, $0x1;
	s4 =	sadd.s32 s21, s2  }
0x9d: {  	[timem:s6], [sflag:s22] =	dma.local [hbm:s4], s20  }
0x9e: {  	_ =	swait.ge [sflag:s22], s20  }
0x9f: {  	s3 =	ssub.s32 $0x0, s20;
	[sflag:s22] =	ssyncset.done $0x0  }
0xa0: {  	[sflag:s22] =	ssyncadd.s32 s3;
	_ =	sdelay $0x1  }
0xa1: {  	s23 =	simm.s32 $0x1B8B  }
0xa2: {  	_ =	swait.ge [sflag:s23], $0x1  }
0xa3: {  	[sflag:s23] =	ssyncset.done $0x0  }
0xa4: {  	s25 =	simm.s32 $0x1B8E;
	s24 =	sld [smem:$0x3FFE];
	[sflag:s23] =	ssyncadd.s32 $0xFFFFFFFF  }
0xa5: {  	s26 =	simm.s32 $execute0_lowered;
	[smem:$0x3FD2] =	sst s25  }
0xa6: {  	s4 =	sshll.u32 s26, $0x1;
	_ =	strace $0x80000046;
	[dreg:$0x1] =	wrdreg $0xFFFFFFFF  }
0xa7: {  	s28 =	simm.s32 $_size_execute0_lowered;
	s2 =	sadd.s32 s2, s4;
	[dreg:$0x0] =	wrdreg $0x0  }
0xa8: {  	s4 =	sshll.u32 s28, $0x1;
	[dreg:$0x2] =	wrdreg s2  }
0xa9: {  	[dreg:$0x3] =	wrdreg s4  }
0xaa: {  	[dreg:$0x4] =	wrdreg $0xC0  }
0xab: {  	_ =	task [dreg:s6], $0x5FFFF  }
0xac: {  	[dreg:$0x1] =	wrdreg $0xFFFFFFFF  }
0xad: {  	[dreg:$0x0] =	wrdreg $0x60  }
0xae: {  	[dreg:$0x2] =	wrdreg s24  }
0xaf: {  	[dreg:$0x3] =	wrdreg $0x74000  }
0xb0: {  	[dreg:$0x4] =	wrdreg $0x9  }
0xb1: {  	_ =	task.clear_ibuf [dreg:s6], $0x5FFFF;
	_ =	strace $0x90000046  }
0xb2: {  	s29 =	simm.s32 $0x9;
	_ =	strace $0x80000048  }
0xb3: {  	_ =	swait.ge [sflag:s29], $0x1  }
0xb4: {  	[sflag:s29] =	ssyncadd.s32 $0xFFFFFFFF  }
0xb5: {  	_ =	strace $0x90000048  }
0xb6: {  	_ =	sfence  }
0xb7: {  	s30 =	sld [smem:$0x0];
	_ =	sdelay $0x2  }
0xb8: {  	s31 =	sshll.u32 s1, $0xD;
	s1 =	sshrl.u32 s1, $0x2  }
0xb9: {  	s3 =	sand.u32 $0x4000, s31;
	s1 =	sadd.s32 s1, s30  }
0xba: {  	s0 =	sor.u32 s3, s0;
	s1 =	sshll.u32 s1, $0x11  }
0xbb: {  	s0 =	sor.u32 s1, s0  }
0xbc: {  	s0 =	sadd.s32 $0x8F2B, s0  }
0xbd: {  	[sflag:s0] =	ssyncadd.remote.s32 $0x1  }
0xbe: {  	_ =	sfence.sel $0xFFFF  }
0xbf: {  	[dreg:$0x0] =	wrdreg $0xFFFFFFFF;
	(pc) =	sbr.abs _section_cstart, $3  }
0xc0: {  	[dreg:$0x1] =	wrdreg $0xFFFFFFFF  }
0xc1: {  	_ =	task.clear_ibuf [dreg:s6], $0x2FFFF;
	_ =	strace $0x9FFFFFFF  }
0xc2: {  	(tm) =	ssettm $0x7FFFFFFF  }
0xc3: {  	_ =	shalt  }
tec
execute0_lowered:
.L_overlay_start_1:
0x0: {  	(tag) =	ssettag $0x1  }
0x1: {  	s7 =	rddreg [dreg:$0x0]  }
0x2: {  	s2 =	rddreg [dreg:$0x1]  }
0x3: {  	s1 =	srdreg.scid;
	s0 =	rddreg [dreg:$0x2]  }
0x4: {  	s3 =	simm.s32 $0x0;
	s20 =	simm.s32 $0x1;
	s5 =	sand.u32 $0x1, s1  }
0x5: {  	s21 =	simm.s32 $0x80;
	s1 =	stileid.u32;
	s4 =	smul.u32 $0x28000, s5  }
0x6: {  	s22 =	simm.s32 $0x1400;
	[smem:$0x7FF] =	sst s3;
	s6 =	smul.u32 $0x2800, s1  }
0x7: {  	s8 =	sshll.u32 s5, $0x4;
	s29 =	smul.u32 $0x50000, s1;
	s5 =	ssub.s32 $0x2, s5  }
0x8: {  	_ =	strace $0x80000047;
	s19 =	sor.u32 s1, s8;
	s30 =	sshrl.u32 s5, $0x1  }
0x9: {  	s6 =	sadd.s32 s6, s4;
	s9 =	smul.u32 $0x1400, s19;
	s4 =	sadd.s32 $0xEE00, s7  }
0xa: {  	s8 =	sshrl.u32 s29, $0x2;
	s11 =	ssub.s32 s5, s30;
	p0 =	seq.s32 s19, $0x1F  }
0xb: {  	s19 =	simm.s32 $0x5400;
	s10 =	sadd.s32 s6, s7;
	s5 =	sadd.s32 s8, s2  }
0xc: {  	s9 =	sshrl.u32 s9, $0x3;
	s8 =	sadd.s32 $0xF200, s10;
	s10 =	sadd.s32 $0x2000, s5  }
0xd: {  	s12 =	sadd.s32 $0x6000, s5;
	s13 =	sadd.s32 $0x8000, s5;
	s14 =	sadd.s32 $0xA000, s5  }
0xe: {  	s15 =	sadd.s32 $0xC000, s5;
	s16 =	sadd.s32 $0xE000, s5;
	s17 =	sadd.s32 $0x10000, s5  }
0xf: {  	s18 =	sadd.s32 $0x12000, s5;
	s31 =	sadd.s32 s7, s9;
	s7 =	sadd.s32 $0xEC00, s7  }
0x10: {  	v0 =	vimm.f32 $1.000000000e+00;
	v1 =	vimm.f32 $0.0e+00;
	s9 =	smax.u32 s11, $0x1;
	s11 =	sadd.s32 $0x4000, s5;
	s6 =	sadd.s32 $0x9E80, s31  }
.LBB2_1:
0x11: {  	s23 =	simm.s32 $0x0;
	s24 =	simm.s32 $0x200  }
.LBB2_2:
0x12: {  	p1 =	sne.s32 s24, $0xFE00;
	[tilespmem:s23+$0x1470] =	vst v0  }
0x13: {  	[tilespmem:s23+$0x1400] =	vst v0  }
0x14: {  	[tilespmem:s23+$0x1410] =	vst v0  }
.Ltmp0:
0x15: {  	[tilespmem:s23+$0x1420] =	vst v0;
	(pc) =	sbr.rel @p1 .LBB2_2-.Ltmp0, $4  }
0x16: {  	[tilespmem:s23+$0x1430] =	vst v0  }
0x17: {  	[tilespmem:s23+$0x1440] =	vst v0  }
0x18: {  	[tilespmem:s23+$0x1450] =	vst v0  }
0x19: {  	[tilespmem:s23+$0x1460] =	vst v0;
	s23 =	sshra.s32 s24, $0x2;
	s24 =	sadd.s32 $0x200, s24  }
0x1a: {  	[tilespmem:s23+$0x1470] =	vst v0  }
0x1b: {  	[tilespmem:s23+$0x1400] =	vst v0  }
0x1c: {  	[tilespmem:s23+$0x1410] =	vst v0  }
0x1d: {  	[tilespmem:s23+$0x1420] =	vst v0  }
0x1e: {  	[tilespmem:s23+$0x1430] =	vst v0  }
0x1f: {  	[tilespmem:s23+$0x1440] =	vst v0  }
0x20: {  	[tilespmem:s23+$0x1450] =	vst v0  }
0x21: {  	[tilespmem:s23+$0x1460] =	vst v0;
	s23 =	simm.s32 $0x0;
	s24 =	simm.s32 $0x200  }
.LBB2_4:
0x22: {  	p1 =	sne.s32 s24, $0x7E00;
	[tilespmem:s23+$0x5470] =	vst v1  }
0x23: {  	[tilespmem:s23+$0x5400] =	vst v1  }
0x24: {  	[tilespmem:s23+$0x5410] =	vst v1  }
.Ltmp1:
0x25: {  	[tilespmem:s23+$0x5420] =	vst v1;
	(pc) =	sbr.rel @p1 .LBB2_4-.Ltmp1, $4  }
0x26: {  	[tilespmem:s23+$0x5430] =	vst v1  }
0x27: {  	[tilespmem:s23+$0x5440] =	vst v1  }
0x28: {  	[tilespmem:s23+$0x5450] =	vst v1  }
0x29: {  	[tilespmem:s23+$0x5460] =	vst v1;
	s23 =	sshra.s32 s24, $0x2;
	s24 =	sadd.s32 $0x200, s24  }
0x2a: {  	[tilespmem:s23+$0x5470] =	vst v1  }
0x2b: {  	[tilespmem:s23+$0x5400] =	vst v1  }
0x2c: {  	[tilespmem:s23+$0x5410] =	vst v1  }
0x2d: {  	[tilespmem:s23+$0x5420] =	vst v1  }
0x2e: {  	[tilespmem:s23+$0x5430] =	vst v1  }
0x2f: {  	[tilespmem:s23+$0x5440] =	vst v1  }
0x30: {  	[tilespmem:s23+$0x5450] =	vst v1  }
0x31: {  	[tilespmem:s23+$0x5460] =	vst v1  }
0x32: {  	[spmem:s5] =	stream.linear.scatter [tilespmem:s19], [sflag:$0x1], $0x2000, $0x38;
	[tilespmem:$0x1B400] =	vst v63  }
0x33: {  	_ =	swait.ge [sflag:s20], $0x2000  }
0x34: {  	[sflag:s20] =	ssyncset.done $0x0  }
0x35: {  	[sflag:s20] =	ssyncadd.s32 $0xFFFFE000  }
0x36: {  	[spmem:s10] =	stream.linear.scatter [tilespmem:s19], [sflag:$0x1], $0x2000, $0x38;
	[tilespmem:$0x1B400] =	vst v63  }
0x37: {  	_ =	swait.ge [sflag:s20], $0x2000  }
0x38: {  	[sflag:s20] =	ssyncset.done $0x0  }
0x39: {  	[sflag:s20] =	ssyncadd.s32 $0xFFFFE000  }
0x3a: {  	[spmem:s11] =	stream.linear.scatter [tilespmem:s19], [sflag:$0x1], $0x2000, $0x38;
	[tilespmem:$0x1B400] =	vst v63  }
0x3b: {  	_ =	swait.ge [sflag:s20], $0x2000  }
0x3c: {  	[sflag:s20] =	ssyncset.done $0x0  }
0x3d: {  	[sflag:s20] =	ssyncadd.s32 $0xFFFFE000  }
0x3e: {  	[spmem:s12] =	stream.linear.scatter [tilespmem:s19], [sflag:$0x1], $0x2000, $0x38;
	[tilespmem:$0x1B400] =	vst v63  }
0x3f: {  	_ =	swait.ge [sflag:s20], $0x2000  }
0x40: {  	[sflag:s20] =	ssyncset.done $0x0  }
0x41: {  	[sflag:s20] =	ssyncadd.s32 $0xFFFFE000  }
0x42: {  	[spmem:s13] =	stream.linear.scatter [tilespmem:s19], [sflag:$0x1], $0x2000, $0x38;
	[tilespmem:$0x1B400] =	vst v63  }
0x43: {  	_ =	swait.ge [sflag:s20], $0x2000  }
0x44: {  	[sflag:s20] =	ssyncset.done $0x0  }
0x45: {  	[sflag:s20] =	ssyncadd.s32 $0xFFFFE000  }
0x46: {  	[spmem:s14] =	stream.linear.scatter [tilespmem:s19], [sflag:$0x1], $0x2000, $0x38;
	[tilespmem:$0x1B400] =	vst v63  }
0x47: {  	_ =	swait.ge [sflag:s20], $0x2000  }
0x48: {  	[sflag:s20] =	ssyncset.done $0x0  }
0x49: {  	[sflag:s20] =	ssyncadd.s32 $0xFFFFE000  }
0x4a: {  	[spmem:s15] =	stream.linear.scatter [tilespmem:s19], [sflag:$0x1], $0x2000, $0x38;
	[tilespmem:$0x1B400] =	vst v63  }
0x4b: {  	_ =	swait.ge [sflag:s20], $0x2000  }
0x4c: {  	[sflag:s20] =	ssyncset.done $0x0  }
0x4d: {  	[sflag:s20] =	ssyncadd.s32 $0xFFFFE000  }
0x4e: {  	[spmem:s16] =	stream.linear.scatter [tilespmem:s19], [sflag:$0x1], $0x2000, $0x38;
	[tilespmem:$0x1B400] =	vst v63  }
0x4f: {  	_ =	swait.ge [sflag:s20], $0x2000  }
0x50: {  	[sflag:s20] =	ssyncset.done $0x0  }
0x51: {  	[sflag:s20] =	ssyncadd.s32 $0xFFFFE000  }
0x52: {  	[spmem:s17] =	stream.linear.scatter [tilespmem:s19], [sflag:$0x1], $0x2000, $0x38;
	[tilespmem:$0x1B400] =	vst v63  }
0x53: {  	_ =	swait.ge [sflag:s20], $0x2000  }
0x54: {  	[sflag:s20] =	ssyncset.done $0x0  }
0x55: {  	[sflag:s20] =	ssyncadd.s32 $0xFFFFE000  }
0x56: {  	[spmem:s18] =	stream.linear.scatter [tilespmem:s19], [sflag:$0x1], $0x2000, $0x38;
	[tilespmem:$0x1B400] =	vst v63  }
0x57: {  	_ =	swait.ge [sflag:s20], $0x2000  }
0x58: {  	[sflag:s20] =	ssyncset.done $0x0  }
0x59: {  	s23 =	simm.s32 @p0 $0x0;
	s24 =	simm.s32 @p0 $0x1;
	[sflag:s20] =	ssyncadd.s32 $0xFFFFE000  }
0x5a: {  	[tilespmem:s23], [sflag:$0x1] =	stream.linear.gather @p0 [hbm4b:s7+s23], $0x400, $0x38;
	[tilespmem:$0x1B400] =	vst v63  }
0x5b: {  	_ =	swait.ge @p0 [sflag:s24], $0x400  }
0x5c: {  	[sflag:s24] =	ssyncset.done @p0 $0x0  }
0x5d: {  	s25 =	simm.s32 @p0 $0x400;
	[sflag:s24] =	ssyncadd.s32 @p0 $0xFFFFFC00  }
0x5e: {  	[tilespmem:s25], [sflag:$0x1] =	stream.linear.gather @p0 [hbm4b:s4+s23], $0x1000, $0x38;
	[tilespmem:$0x1B400] =	vst v63  }
0x5f: {  	_ =	swait.ge @p0 [sflag:s24], $0x1000  }
0x60: {  	[sflag:s24] =	ssyncset.done @p0 $0x0  }
0x61: {  	s23 =	simm.s32 @!p0 $0x0;
	[sflag:s24] =	ssyncadd.s32 @p0 $0xFFFFF000  }
0x62: {  	[tilespmem:s23], [sflag:$0x1] =	stream.linear.gather @!p0 [hbm4b:s6+s23], $0x1400, $0x38;
	[tilespmem:$0x1B400] =	vst v63  }
0x63: {  	s23 =	simm.s32 @!p0 $0x1  }
0x64: {  	_ =	swait.ge @!p0 [sflag:s23], $0x1400  }
0x65: {  	[sflag:s23] =	ssyncset.done @!p0 $0x0  }
0x66: {  	[sflag:s23] =	ssyncadd.s32 @!p0 $0xFFFFEC00  }
0x67: {  	s31 =	simm.s32 $0x0;
	[bflag:$0x0] =	sbarrier.arrive $0xFFFF  }
0x68: {  	[spmem:s2] =	stream.indirect.scatter.add.f32 [tilespmem:s22], [sflag:$0x1], $0x80, s31, s21, $0xb8;
	[tilespmem:$0x1B400] =	vst v63  }
0x69: {  	_ =	swait.ge [sflag:s20], $0x4000  }
0x6a: {  	s23 =	simm.s32 $0x200;
	[sflag:s20] =	ssyncset.done $0x0  }
.LBB2_6:
0x6b: {  	s24 =	sshra.s32 s23, $0x2;
	[sflag:s20] =	ssyncadd.s32 $0xFFFFC000;
	p1 =	sne.s32 s23, $0x4E00  }
0x6c: {  	[spmem:s2] =	stream.indirect.scatter.add.f32 [tilespmem:s22], [sflag:$0x1], $0x80, s24, s21, $0xb8;
	[tilespmem:$0x1B400] =	vst v63  }
.Ltmp2:
0x6d: {  	_ = 	snop;
	(pc) =	sbr.rel @p1 .LBB2_6-.Ltmp2, $4  }
0x6e: {  	_ = 	snop  }
0x6f: {  	s23 =	sadd.s32 $0x200, s23  }
0x70: {  	_ =	swait.ge [sflag:s20], $0x4000  }
0x71: {  	[sflag:s20] =	ssyncset.done $0x0  }
0x72: {  	[sflag:s20] =	ssyncadd.s32 $0xFFFFC000;
	s3 =	sadd.s32 $0x1, s3  }
0x73: {  	s23 =	sshll.u32 s1, $0x6;
	s24 =	sshrl.u32 s5, $0x3;
	p1 =	sne.s32 s3, s9  }
.Ltmp3:
0x74: {  	[bflag:$0x0] =	sbarrier.arrive $0xFFFF;
	s23 =	sor.u32 $0x1C01, s23;
	(pc) =	sbr.rel @p1 .LBB2_1-.Ltmp3, $4  }
0x75: {  	[hbm:s8], [sflag:s23] =	dma.local [spmem:s24], $0x2800  }
0x76: {  	_ =	swait.ge [sflag:s20], $0x2800  }
0x77: {  	[sflag:s20] =	ssyncset.done $0x0  }
0x78: {  	[sflag:s20] =	ssyncadd.s32 $0xFFFFD800  }
0x79: {  	_ =	sfence.sel $0x180000  }
0x7a: {  	[bflag:$0x0] =	sbarrier.arrive $0xFFFF  }
0x7b: {  	p0 =	sne.s32 s1, $0x0;
	_ =	strace $0x90000047  }
0x7c: {  	s0 =	sadd.s32 @!p0 $0x100000, s0;
	[bflag:$0x2] =	sbarrier.arrive $0xFFFF  }
0x7d: {  	[sflag:s0] =	ssyncadd.tile.s32 @!p0 $0x1;
	_ =	shalt  }
.Lfunc_end2:
_tile_overlayer_lowered:
.L_overlay_start_2:
0x7e: {  	(tag) =	ssettag $0x2  }
0x7f: {  	s0 =	rddreg [dreg:$0x0];
	s2 =	stileid.u32  }
0x80: {  	s1 =	rddreg [dreg:$0x1];
	p0 =	sne.s32 s2, $0x0  }
0x81: {  	s3 =	rddreg [dreg:$0x2];
	[bflag:$0x3] =	sbarrier.arrive $0xFFFF;
	s2 =	simm.s32 @!p0 $0x1C01  }
0x82: {  	[timem:s3], [sflag:s2] =	dma.local @!p0 [hbm:s0], s1  }
0x83: {  	s0 =	simm.s32 @!p0 $0x1  }
0x84: {  	_ =	swait.ge @!p0 [sflag:s0], s1  }
0x85: {  	s1 =	ssub.s32 @!p0 $0x0, s1;
	[sflag:s0] =	ssyncset.done @!p0 $0x0  }
0x86: {  	[sflag:s0] =	ssyncadd.s32 @!p0 s1  }
0x87: {  	[bflag:$0x3] =	sbarrier.arrive $0xFFFF  }
0x88: {  	_ =	shalt  }

// kernel: kernel.14.cloned.1.call-start
scs
__scs_entry_jumppad:
0x0: {  	(pc) =	sbr.rel $0x88, $3  }
0x1: {  	(tag) =	ssettag $0x0;
	lr =	simm.s32 $0x1  }
0x2: {  	[smem:$0x3F99] =	sst lr;
	_ =	strace $0xD0000000  }
0x3: {  	_ = 	snop  }
0x4: {  	_ = 	snop  }
0x5: {  	_ = 	snop  }
0x6: {  	_ = 	snop  }
0x7: {  	_ = 	snop  }
__scs_overlays_trampoline_lowered:
0x8: {  	[smem:$0x3FA8] =	sst s0  }
0x9: {  	[smem:$0x3FA9] =	sst s1  }
0xa: {  	[smem:$0x3FAA] =	sst s2  }
0xb: {  	[smem:$0x3FAB] =	sst s3  }
0xc: {  	[smem:$0x3FAC] =	sst s4  }
0xd: {  	[smem:$0x3FAD] =	sst s5  }
0xe: {  	[smem:$0x3FAE] =	sst s6  }
0xf: {  	[smem:$0x3FAF] =	sst s7  }
0x10: {  	[smem:$0x3FB0] =	sst s8  }
0x11: {  	[smem:$0x3FB1] =	sst s9;
	s0 =	simm.s32 @!p0 $0x0  }
0x12: {  	s1 =	sld [smem:$0x3F97];
	s0 =	simm.s32 @p0 $0x1  }
0x13: {  	[smem:$0x3FB2] =	sst s0;
	s0 =	simm.s32 @!p1 $0x0  }
0x14: {  	s2 =	sld [smem:$0x3F96];
	s0 =	simm.s32 @p1 $0x1  }
0x15: {  	[smem:$0x3FB3] =	sst s0;
	s0 =	simm.s32 @!p2 $0x0  }
0x16: {  	s3 =	sld [smem:$0x3FDB];
	s0 =	simm.s32 @p2 $0x1  }
0x17: {  	s4 =	simm.s32 $0x1BF5;
	[smem:$0x3FB5] =	sst s0  }
0x18: {  	s0 =	sld [smem:$0x3F98];
	_ =	swait.ge [sflag:s4], $0x0  }
0x19: {  	s7 =	sld [smem:$0x3F99]  }
0x1a: {  	s8 =	sadd.s32 $0xFFFFE003, lr  }
0x1b: {  	s9 =	sadd.s32 $0xFFFFFEF7, lr;
	s5 =	simm.s32 $0xFFFFFFFF;
	p2 =	slt.u32 s8, $0xFFFFF086  }
0x1c: {  	p1 =	slt.u32 s9, $0xF7A;
	s5 =	simm.s32 @!p2 $0x0  }
0x1d: {  	s5 =	simm.s32 @p1 $0x1;
	p0 =	seq.s32 s7, s2  }
0x1e: {  	s7 =	smul.u32 @!p0 $0xF7A, s2;
	p2 =	seq.s32 @!p0 s5, $0x0  }
0x1f: {  	s9 =	smul.u32 $0xF7A, s1;
	s8 =	simm.s32 @!p0 $0x1BF5;
	p2 =	por !p2, p0  }
0x20: {  	[sflag:s8] =	ssyncset.s32 @!p0 $0xFFFFF086;
	s6 =	sadd.s32 @!p0 s3, s7;
	s7 =	simm.s32 @!p0 $0x108  }
0x21: {  	s3 =	sadd.s32 s3, s9;
	s6 =	sadd.s32 @!p0 $0x88, s6;
	s7 =	simm.s32 @p2 $0x1082  }
0x22: {  	[simem:s7], [sflag:s8] =	dma.local @!p0 [hbm:s6], $0xF7A  }
0x23: {  	s9 =	sor.u32 $0xD0000000, s2;
	s6 =	simm.s32 $0x108;
	_ =	swait.ge @!p0 [sflag:s8], $0x0  }
0x24: {  	s3 =	sadd.s32 $0x88, s3;
	s6 =	simm.s32 @!p1 $0x1082;
	[sflag:s4] =	ssyncset.s32 $0xFFFFF086  }
0x25: {  	[simem:s6], [sflag:s4] =	dma.local [hbm:s3], $0xF7A  }
0x26: {  	[smem:$0x3F99] =	sst s1;
	(tag) =	ssettag s2;
	_ =	strace s9  }
0x27: {  	s1 =	sld [smem:$0x3FA9]  }
0x28: {  	s2 =	sld [smem:$0x3FAA]  }
0x29: {  	s4 =	sld [smem:$0x3FAC]  }
0x2a: {  	p0 =	seq.s32 s5, $0x0;
	s5 =	sld [smem:$0x3FAD]  }
0x2b: {  	s6 =	sld [smem:$0x3FAE]  }
0x2c: {  	s7 =	sld [smem:$0x3FAF]  }
0x2d: {  	s3 =	simm.s32 $0x108;
	s8 =	sld [smem:$0x3FB0]  }
0x2e: {  	s3 =	simm.s32 @!p0 $0x1082;
	s9 =	sld [smem:$0x3FB1]  }
0x2f: {  	lr =	sadd.s32 s0, s3;
	s0 =	sld [smem:$0x3FA8]  }
0x30: {  	s3 =	sld [smem:$0x3FAB]  }
0x31: {  	[smem:$0x3FB4] =	sst s10  }
0x32: {  	s10 =	sld [smem:$0x3FB2];
	_ =	sdelay $0x3  }
0x33: {  	p0 =	seq.s32 s10, $0x1;
	s10 =	sld [smem:$0x3FB4];
	_ =	sdelay $0x3  }
0x34: {  	[smem:$0x3FB4] =	sst s10  }
0x35: {  	s10 =	sld [smem:$0x3FB3];
	_ =	sdelay $0x3  }
0x36: {  	p1 =	seq.s32 s10, $0x1;
	s10 =	sld [smem:$0x3FB4];
	_ =	sdelay $0x3  }
0x37: {  	[smem:$0x3FB4] =	sst s10  }
0x38: {  	s10 =	sld [smem:$0x3FB5]  }
0x39: {  	_ = 	snop;
	(pc) =	sbr.ind lr, $3  }
0x3a: {  	_ = 	snop  }
0x3b: {  	_ = 	snop  }
0x3c: {  	p2 =	seq.s32 s10, $0x1;
	s10 =	sld [smem:$0x3FB4]  }
0x3d: {  	_ =	shalt  }
0x3e: {  	_ =	shalt  }
0x3f: {  	_ =	shalt  }
0x40: {  	_ =	shalt  }
0x41: {  	_ =	shalt  }
0x42: {  	_ =	shalt  }
0x43: {  	_ =	shalt  }
0x44: {  	_ =	shalt  }
0x45: {  	_ =	shalt  }
0x46: {  	_ =	shalt  }
0x47: {  	_ =	shalt  }
0x48: {  	_ =	shalt  }
0x49: {  	_ =	shalt  }
0x4a: {  	_ =	shalt  }
0x4b: {  	_ =	shalt  }
0x4c: {  	_ =	shalt  }
0x4d: {  	_ =	shalt  }
0x4e: {  	_ =	shalt  }
0x4f: {  	_ =	shalt  }
0x50: {  	_ =	shalt  }
0x51: {  	_ =	shalt  }
0x52: {  	_ =	shalt  }
0x53: {  	_ =	shalt  }
0x54: {  	_ =	shalt  }
0x55: {  	_ =	shalt  }
0x56: {  	_ =	shalt  }
0x57: {  	_ =	shalt  }
0x58: {  	_ =	shalt  }
0x59: {  	_ =	shalt  }
0x5a: {  	_ =	shalt  }
0x5b: {  	_ =	shalt  }
0x5c: {  	_ =	shalt  }
0x5d: {  	_ =	shalt  }
0x5e: {  	_ =	shalt  }
0x5f: {  	_ =	shalt  }
0x60: {  	_ =	shalt  }
0x61: {  	_ =	shalt  }
0x62: {  	_ =	shalt  }
0x63: {  	_ =	shalt  }
0x64: {  	_ =	shalt  }
0x65: {  	_ =	shalt  }
0x66: {  	_ =	shalt  }
0x67: {  	_ =	shalt  }
0x68: {  	_ =	shalt  }
0x69: {  	_ =	shalt  }
0x6a: {  	_ =	shalt  }
0x6b: {  	_ =	shalt  }
0x6c: {  	_ =	shalt  }
0x6d: {  	_ =	shalt  }
0x6e: {  	_ =	shalt  }
0x6f: {  	_ =	shalt  }
0x70: {  	_ =	shalt  }
0x71: {  	_ =	shalt  }
0x72: {  	_ =	shalt  }
0x73: {  	_ =	shalt  }
0x74: {  	_ =	shalt  }
0x75: {  	_ =	shalt  }
0x76: {  	_ =	shalt  }
0x77: {  	_ =	shalt  }
0x78: {  	_ =	shalt  }
0x79: {  	_ =	shalt  }
0x7a: {  	_ =	shalt  }
0x7b: {  	_ =	shalt  }
0x7c: {  	_ =	shalt  }
0x7d: {  	_ =	shalt  }
0x7e: {  	_ =	shalt  }
0x7f: {  	_ =	shalt  }
0x80: {  	_ =	shalt  }
0x81: {  	_ =	shalt  }
0x82: {  	_ =	shalt  }
0x83: {  	_ =	shalt  }
0x84: {  	_ =	shalt  }
0x85: {  	_ =	shalt  }
0x86: {  	_ =	shalt  }
0x87: {  	_ =	shalt  }
.Lfunc_end0:
.L_simem_size_0:
called_computation.1_lowered:
.L_overlay_start_0:
0x88: {  	s2 =	sld [smem:$0x3FD9]  }
0x89: {  	s3 =	sld [smem:$0x3FFE];
	_ =	sdelay $0x1  }
0x8a: {  	s1 =	srdreg.scid  }
0x8b: {  	s0 =	sand.u32 $0x1, s1  }
0x8c: {  	s17 =	sshll.u32 s0, $0xA;
	s2 =	sadd.s32 s3, s2  }
0x8d: {  	s2 =	sadd.s32 s2, s17  }
0x8e: {  	[smem:$0x3FC0] =	sst s2  }
0x8f: {  	_ = 	snop  }
0x90: {  	s2 =	sld [smem:$0x3FD0];
	(tm) =	ssettm $0x1  }
0x91: {  	s18 =	sld [smem:$0x3FFB];
	_ =	sdelay $0x3  }
0x92: {  	_ =	strace s18  }
0x93: {  	s3 =	sld [smem:$0x3FFC];
	_ =	sdelay $0x3  }
0x94: {  	_ =	strace s3  }
0x95: {  	s3 =	sld [smem:$0x3FFD];
	_ =	sdelay $0x3  }
0x96: {  	_ =	strace s3  }
0x97: {  	_ =	strace $0x8FFFFFFF  }
0x98: {  	s19 =	sld [smem:$0x3FDB];
	_ =	sdelay $0x1  }
0x99: {  	s4 =	simm.s32 $_scs_section_size  }
0x9a: {  	s5 =	simm.s32 $_size__tile_overlayer_lowered;
	s6 =	simm.s32 $_tile_overlayer_lowered  }
0x9b: {  	s22 =	simm.s32 $0x1BFF;
	s21 =	sshll.u32 s6, $0x1;
	s3 =	sadd.s32 s4, s19  }
0x9c: {  	s7 =	simm.s32 $0x0;
	s20 =	sshll.u32 s5, $0x1;
	s5 =	sadd.s32 s21, s3  }
0x9d: {  	[timem:s7], [sflag:s22] =	dma.local [hbm:s5], s20  }
0x9e: {  	_ =	swait.ge [sflag:s22], s20  }
0x9f: {  	s4 =	ssub.s32 $0x0, s20;
	[sflag:s22] =	ssyncset.done $0x0  }
0xa0: {  	[sflag:s22] =	ssyncadd.s32 s4;
	_ =	sdelay $0x1  }
0xa1: {  	s23 =	simm.s32 $0x1B8B  }
0xa2: {  	_ =	swait.ge [sflag:s23], $0x1  }
0xa3: {  	[sflag:s23] =	ssyncset.done $0x0  }
0xa4: {  	s25 =	simm.s32 $0x1B8E;
	s24 =	sld [smem:$0x3FFE];
	[sflag:s23] =	ssyncadd.s32 $0xFFFFFFFF  }
0xa5: {  	s26 =	simm.s32 $execute0_lowered;
	[smem:$0x3FD2] =	sst s25  }
0xa6: {  	s5 =	sshll.u32 s26, $0x1;
	_ =	strace $0x80000049;
	[dreg:$0x1] =	wrdreg $0xFFFFFFFF  }
0xa7: {  	s28 =	simm.s32 $_size_execute0_lowered;
	s3 =	sadd.s32 s3, s5;
	[dreg:$0x0] =	wrdreg $0x0  }
0xa8: {  	s5 =	sshll.u32 s28, $0x1;
	[dreg:$0x2] =	wrdreg s3  }
0xa9: {  	[dreg:$0x3] =	wrdreg s5  }
0xaa: {  	[dreg:$0x4] =	wrdreg $0xC0  }
0xab: {  	_ =	task [dreg:s7], $0x5FFFF  }
0xac: {  	[dreg:$0x1] =	wrdreg $0xFFFFFFFF  }
0xad: {  	[dreg:$0x0] =	wrdreg $0x60  }
0xae: {  	[dreg:$0x2] =	wrdreg s2  }
0xaf: {  	[dreg:$0x3] =	wrdreg s24  }
0xb0: {  	[dreg:$0x4] =	wrdreg $0xB8000  }
0xb1: {  	[dreg:$0x5] =	wrdreg $0x9  }
0xb2: {  	_ =	task.clear_ibuf [dreg:s7], $0x6FFFF;
	_ =	strace $0x90000049  }
0xb3: {  	s29 =	simm.s32 $0x9;
	_ =	strace $0x8000004B  }
0xb4: {  	_ =	swait.ge [sflag:s29], $0x1  }
0xb5: {  	[sflag:s29] =	ssyncadd.s32 $0xFFFFFFFF  }
0xb6: {  	_ =	strace $0x9000004B  }
0xb7: {  	_ =	sfence  }
0xb8: {  	s30 =	sld [smem:$0x0];
	_ =	sdelay $0x2  }
0xb9: {  	s31 =	sshll.u32 s1, $0xD;
	s1 =	sshrl.u32 s1, $0x2  }
0xba: {  	s3 =	sand.u32 $0x4000, s31;
	s1 =	sadd.s32 s1, s30  }
0xbb: {  	s0 =	sor.u32 s3, s0;
	s1 =	sshll.u32 s1, $0x11  }
0xbc: {  	s0 =	sor.u32 s1, s0  }
0xbd: {  	s0 =	sadd.s32 $0x8F2B, s0  }
0xbe: {  	[sflag:s0] =	ssyncadd.remote.s32 $0x1  }
0xbf: {  	_ =	sfence.sel $0xFFFF  }
0xc0: {  	[dreg:$0x0] =	wrdreg $0xFFFFFFFF;
	(pc) =	sbr.abs _section_cstart, $3  }
0xc1: {  	[dreg:$0x1] =	wrdreg $0xFFFFFFFF  }
0xc2: {  	_ =	task.clear_ibuf [dreg:s7], $0x2FFFF;
	_ =	strace $0x9FFFFFFF  }
0xc3: {  	(tm) =	ssettm $0x7FFFFFFF  }
tec
execute0_lowered:
.L_overlay_start_1:
0x0: {  	(tag) =	ssettag $0x1  }
0x1: {  	s1 =	rddreg [dreg:$0x0]  }
0x2: {  	s0 =	rddreg [dreg:$0x1]  }
0x3: {  	s2 =	rddreg [dreg:$0x2];
	s3 =	srdreg.scid  }
0x4: {  	s5 =	simm.s32 $0x0;
	s10 =	stileid.u32;
	s12 =	simm.s32 $0x0  }
0x5: {  	s3 =	sand.u32 $0x1, s3;
	[smem:$0x7FF] =	sst s5;
	s16 =	smul.u32 $0x2800, s10  }
0x6: {  	s7 =	sadd.s32 $0x5000, s0;
	s8 =	sadd.s32 $0xF000, s0;
	s18 =	sadd.s32 $0xEE00, s0  }
0x7: {  	s20 =	sadd.s32 $0x9D80, s0;
	_ =	strace $0x8000004A;
	[dreg:$0x4] =	wrdreg s8  }
0x8: {  	s4 =	smul.u32 $0x28000, s3;
	s6 =	sshll.u32 s3, $0x4;
	[dreg:$0x5] =	wrdreg s18  }
0x9: {  	s3 =	ssub.s32 $0x2, s3;
	s6 =	sor.u32 s10, s6;
	s10 =	smul.u32 $0x50000, s10  }
0xa: {  	[dreg:$0x8] =	wrdreg s20;
	s8 =	simm.s32 $0x3;
	s17 =	smul.u32 $0x1400, s6  }
0xb: {  	s9 =	sshrl.u32 s3, $0x1;
	s4 =	sadd.s32 s16, s4;
	s19 =	smul.u32 $0x280, s6  }
0xc: {  	s3 =	ssub.s32 s3, s9;
	p0 =	seq.s32 s6, $0x1F;
	s6 =	simm.s32 $0x6800  }
0xd: {  	s9 =	simm.s32 $0x1;
	s4 =	sadd.s32 s4, s0;
	s0 =	sadd.s32 $0xEC00, s0  }
0xe: {  	s21 =	sshrl.u32 s10, $0x2;
	s23 =	smax.u32 s3, $0x1;
	s10 =	simm.s32 $0x2  }
0xf: {  	s5 =	sshrl.u32 s17, $0x3;
	[dreg:$0x9] =	wrdreg s0;
	s11 =	sadd.s32 s21, s2  }
0x10: {  	s22 =	sadd.s32 $0xF200, s4;
	[dreg:$0xb] =	wrdreg s23;
	s4 =	simm.s32 $0x80  }
0x11: {  	s5 =	sadd.s32 s7, s5;
	s7 =	sadd.s32 s7, s19;
	[dreg:$0xa] =	wrdreg s22  }
0x12: {  	s24 =	sadd.s32 $0x1000, s11;
	s25 =	sadd.s32 $0x2000, s11;
	s26 =	sadd.s32 $0x3000, s11  }
0x13: {  	s17 =	sadd.s32 $0x4000, s11;
	s18 =	sadd.s32 $0x5000, s11;
	s19 =	sadd.s32 $0x6000, s11  }
0x14: {  	s20 =	sadd.s32 $0x7000, s11;
	s21 =	sadd.s32 $0x8000, s11;
	s22 =	sadd.s32 $0x9000, s11  }
0x15: {  	s23 =	sadd.s32 $0xA000, s11;
	s28 =	sadd.s32 $0xE000, s11;
	[dreg:$0x6] =	wrdreg s7  }
0x16: {  	s29 =	sadd.s32 $0xF000, s11;
	s30 =	sadd.s32 $0x10000, s11;
	[dreg:$0xc] =	wrdreg s24  }
0x17: {  	s31 =	sadd.s32 $0x11000, s11;
	s0 =	sadd.s32 $0x12000, s11;
	[dreg:$0xd] =	wrdreg s25  }
0x18: {  	s3 =	sadd.s32 $0x13000, s11;
	s5 =	sadd.s32 $0x4E80, s5;
	[dreg:$0xe] =	wrdreg s26  }
0x19: {  	s24 =	sadd.s32 $0xB000, s11;
	s25 =	sadd.s32 $0xC000, s11;
	s26 =	sadd.s32 $0xD000, s11  }
0x1a: {  	v0 =	vimm.f32 $0.0e+00;
	s7 =	simm.s32 $0xA800;
	[dreg:$0x7] =	wrdreg s5;
	s5 =	simm.s32 $0x2800  }
.LBB2_1:
0x1b: {  	s13 =	simm.s32 @p0 $0x0;
	s14 =	rddreg [dreg:$0x8]  }
0x1c: {  	[tilespmem:s13], [sflag:$0x3] =	stream.linear.gather @p0 [hbm4b:s14+s13], $0x400, $0x38;
	[tilespmem:$0x1F800] =	vst v63  }
0x1d: {  	s14 =	simm.s32 @p0 $0x3  }
0x1e: {  	_ =	swait.ge @p0 [sflag:s14], $0x400  }
0x1f: {  	[sflag:s14] =	ssyncset.done @p0 $0x0  }
0x20: {  	s15 =	simm.s32 @p0 $0x400;
	s16 =	rddreg [dreg:$0x4];
	[sflag:s14] =	ssyncadd.s32 @p0 $0xFFFFFC00  }
0x21: {  	[tilespmem:s15], [sflag:$0x3] =	stream.linear.gather @p0 [hbm4b:s16+s13], $0x1000, $0x38;
	[tilespmem:$0x1F800] =	vst v63  }
0x22: {  	_ =	swait.ge @p0 [sflag:s14], $0x1000  }
0x23: {  	[sflag:s14] =	ssyncset.done @p0 $0x0  }
0x24: {  	s15 =	simm.s32 @p0 $0x1400;
	s16 =	rddreg [dreg:$0x9];
	[sflag:s14] =	ssyncadd.s32 @p0 $0xFFFFF000  }
0x25: {  	[tilespmem:s15], [sflag:$0x3] =	stream.linear.gather @p0 [hbm4b:s16+s13], $0x400, $0x38;
	[tilespmem:$0x1F800] =	vst v63  }
0x26: {  	_ =	swait.ge @p0 [sflag:s14], $0x400  }
0x27: {  	[sflag:s14] =	ssyncset.done @p0 $0x0  }
0x28: {  	s15 =	simm.s32 @p0 $0x1800;
	s16 =	rddreg [dreg:$0x5];
	[sflag:s14] =	ssyncadd.s32 @p0 $0xFFFFFC00  }
0x29: {  	[tilespmem:s15], [sflag:$0x3] =	stream.linear.gather @p0 [hbm4b:s16+s13], $0x1000, $0x38;
	[tilespmem:$0x1F800] =	vst v63  }
0x2a: {  	_ =	swait.ge @p0 [sflag:s14], $0x1000  }
0x2b: {  	[sflag:s14] =	ssyncset.done @p0 $0x0  }
0x2c: {  	s13 =	simm.s32 @!p0 $0x0;
	[sflag:s14] =	ssyncadd.s32 @p0 $0xFFFFF000;
	s14 =	rddreg [dreg:$0x6]  }
0x2d: {  	[tilespmem:s13], [sflag:$0x3] =	stream.linear.gather @!p0 [hbm4b:s14+s13], $0x1400, $0x38;
	[tilespmem:$0x1F800] =	vst v63  }
0x2e: {  	s14 =	simm.s32 @!p0 $0x3  }
0x2f: {  	_ =	swait.ge @!p0 [sflag:s14], $0x1400  }
0x30: {  	[sflag:s14] =	ssyncset.done @!p0 $0x0  }
0x31: {  	s15 =	simm.s32 @!p0 $0x1400;
	s16 =	rddreg [dreg:$0x7];
	[sflag:s14] =	ssyncadd.s32 @!p0 $0xFFFFEC00  }
0x32: {  	[tilespmem:s15], [sflag:$0x3] =	stream.linear.gather @!p0 [hbm4b:s16+s13], $0x1400, $0x38;
	[tilespmem:$0x1F800] =	vst v63  }
0x33: {  	_ =	swait.ge @!p0 [sflag:s14], $0x1400  }
0x34: {  	[sflag:s14] =	ssyncset.done @!p0 $0x0  }
0x35: {  	s16 =	simm.s32 $0x0;
	[sflag:s14] =	ssyncadd.s32 @!p0 $0xFFFFEC00  }
0x36: {  	[tilespmem:s5], [sflag:$0x1] =	stream.indirect.gather [hbm4b:s1+s4], $0x80, s16, s4, $0xb8;
	[tilespmem:$0x1F800] =	vst v63  }
0x37: {  	s13 =	simm.s32 $0x0;
	s14 =	simm.s32 $0x200  }
0x38: {  	[tilespmem:s6], [sflag:$0x2] =	stream.indirect.gather [hbm4b:s1+s4], $0x80, s4, s4, $0xb8;
	[tilespmem:$0x1F800] =	vst v63  }
.LBB2_2:
0x39: {  	p1 =	seq.s32 s14, $0x3E00;
	[tilespmem:s13+$0xA870] =	vst v0  }
0x3a: {  	[tilespmem:s13+$0xA800] =	vst v0  }
0x3b: {  	[tilespmem:s13+$0xA810] =	vst v0  }
.Ltmp0:
0x3c: {  	[tilespmem:s13+$0xA820] =	vst v0;
	(pc) =	sbr.rel @!p1 .LBB2_2-.Ltmp0, $4  }
0x3d: {  	[tilespmem:s13+$0xA830] =	vst v0  }
0x3e: {  	[tilespmem:s13+$0xA840] =	vst v0  }
0x3f: {  	[tilespmem:s13+$0xA850] =	vst v0  }
0x40: {  	[tilespmem:s13+$0xA860] =	vst v0;
	s13 =	sshra.s32 s14, $0x2;
	s14 =	sadd.s32 $0x200, s14  }
0x41: {  	[tilespmem:s13+$0xA870] =	vst v0  }
0x42: {  	[tilespmem:s13+$0xA800] =	vst v0  }
0x43: {  	[tilespmem:s13+$0xA810] =	vst v0  }
0x44: {  	[tilespmem:s13+$0xA820] =	vst v0  }
0x45: {  	[tilespmem:s13+$0xA830] =	vst v0  }
0x46: {  	[tilespmem:s13+$0xA840] =	vst v0  }
0x47: {  	[tilespmem:s13+$0xA850] =	vst v0  }
0x48: {  	[tilespmem:s13+$0xA860] =	vst v0  }
0x49: {  	[spmem:s11] =	stream.linear.scatter [tilespmem:s7], [sflag:$0x3], $0x1000, $0x38;
	[tilespmem:$0x1F800] =	vst v63  }
0x4a: {  	_ =	swait.ge [sflag:s8], $0x1000  }
0x4b: {  	[sflag:s8] =	ssyncset.done $0x0  }
0x4c: {  	s14 =	rddreg [dreg:$0xc];
	[sflag:s8] =	ssyncadd.s32 $0xFFFFF000  }
0x4d: {  	[spmem:s14] =	stream.linear.scatter [tilespmem:s7], [sflag:$0x3], $0x1000, $0x38;
	[tilespmem:$0x1F800] =	vst v63  }
0x4e: {  	_ =	swait.ge [sflag:s8], $0x1000  }
0x4f: {  	[sflag:s8] =	ssyncset.done $0x0  }
0x50: {  	s15 =	rddreg [dreg:$0xd];
	[sflag:s8] =	ssyncadd.s32 $0xFFFFF000  }
0x51: {  	[spmem:s15] =	stream.linear.scatter [tilespmem:s7], [sflag:$0x3], $0x1000, $0x38;
	[tilespmem:$0x1F800] =	vst v63  }
0x52: {  	_ =	swait.ge [sflag:s8], $0x1000  }
0x53: {  	[sflag:s8] =	ssyncset.done $0x0  }
0x54: {  	s16 =	rddreg [dreg:$0xe];
	[sflag:s8] =	ssyncadd.s32 $0xFFFFF000  }
0x55: {  	[spmem:s16] =	stream.linear.scatter [tilespmem:s7], [sflag:$0x3], $0x1000, $0x38;
	[tilespmem:$0x1F800] =	vst v63  }
0x56: {  	_ =	swait.ge [sflag:s8], $0x1000  }
0x57: {  	[sflag:s8] =	ssyncset.done $0x0  }
0x58: {  	[sflag:s8] =	ssyncadd.s32 $0xFFFFF000  }
0x59: {  	[spmem:s17] =	stream.linear.scatter [tilespmem:s7], [sflag:$0x3], $0x1000, $0x38;
	[tilespmem:$0x1F800] =	vst v63  }
0x5a: {  	_ =	swait.ge [sflag:s8], $0x1000  }
0x5b: {  	[sflag:s8] =	ssyncset.done $0x0  }
0x5c: {  	[sflag:s8] =	ssyncadd.s32 $0xFFFFF000  }
0x5d: {  	[spmem:s18] =	stream.linear.scatter [tilespmem:s7], [sflag:$0x3], $0x1000, $0x38;
	[tilespmem:$0x1F800] =	vst v63  }
0x5e: {  	_ =	swait.ge [sflag:s8], $0x1000  }
0x5f: {  	[sflag:s8] =	ssyncset.done $0x0  }
0x60: {  	[sflag:s8] =	ssyncadd.s32 $0xFFFFF000  }
0x61: {  	[spmem:s19] =	stream.linear.scatter [tilespmem:s7], [sflag:$0x3], $0x1000, $0x38;
	[tilespmem:$0x1F800] =	vst v63  }
0x62: {  	_ =	swait.ge [sflag:s8], $0x1000  }
0x63: {  	[sflag:s8] =	ssyncset.done $0x0  }
0x64: {  	[sflag:s8] =	ssyncadd.s32 $0xFFFFF000  }
0x65: {  	[spmem:s20] =	stream.linear.scatter [tilespmem:s7], [sflag:$0x3], $0x1000, $0x38;
	[tilespmem:$0x1F800] =	vst v63  }
0x66: {  	_ =	swait.ge [sflag:s8], $0x1000  }
0x67: {  	[sflag:s8] =	ssyncset.done $0x0  }
0x68: {  	[sflag:s8] =	ssyncadd.s32 $0xFFFFF000  }
0x69: {  	[spmem:s21] =	stream.linear.scatter [tilespmem:s7], [sflag:$0x3], $0x1000, $0x38;
	[tilespmem:$0x1F800] =	vst v63  }
0x6a: {  	_ =	swait.ge [sflag:s8], $0x1000  }
0x6b: {  	[sflag:s8] =	ssyncset.done $0x0  }
0x6c: {  	[sflag:s8] =	ssyncadd.s32 $0xFFFFF000  }
0x6d: {  	[spmem:s22] =	stream.linear.scatter [tilespmem:s7], [sflag:$0x3], $0x1000, $0x38;
	[tilespmem:$0x1F800] =	vst v63  }
0x6e: {  	_ =	swait.ge [sflag:s8], $0x1000  }
0x6f: {  	[sflag:s8] =	ssyncset.done $0x0  }
0x70: {  	[sflag:s8] =	ssyncadd.s32 $0xFFFFF000  }
0x71: {  	[spmem:s23] =	stream.linear.scatter [tilespmem:s7], [sflag:$0x3], $0x1000, $0x38;
	[tilespmem:$0x1F800] =	vst v63  }
0x72: {  	_ =	swait.ge [sflag:s8], $0x1000  }
0x73: {  	[sflag:s8] =	ssyncset.done $0x0  }
0x74: {  	[sflag:s8] =	ssyncadd.s32 $0xFFFFF000  }
0x75: {  	[spmem:s24] =	stream.linear.scatter [tilespmem:s7], [sflag:$0x3], $0x1000, $0x38;
	[tilespmem:$0x1F800] =	vst v63  }
0x76: {  	_ =	swait.ge [sflag:s8], $0x1000  }
0x77: {  	[sflag:s8] =	ssyncset.done $0x0  }
0x78: {  	[sflag:s8] =	ssyncadd.s32 $0xFFFFF000  }
0x79: {  	[spmem:s25] =	stream.linear.scatter [tilespmem:s7], [sflag:$0x3], $0x1000, $0x38;
	[tilespmem:$0x1F800] =	vst v63  }
0x7a: {  	_ =	swait.ge [sflag:s8], $0x1000  }
0x7b: {  	[sflag:s8] =	ssyncset.done $0x0  }
0x7c: {  	[sflag:s8] =	ssyncadd.s32 $0xFFFFF000  }
0x7d: {  	[spmem:s26] =	stream.linear.scatter [tilespmem:s7], [sflag:$0x3], $0x1000, $0x38;
	[tilespmem:$0x1F800] =	vst v63  }
0x7e: {  	_ =	swait.ge [sflag:s8], $0x1000  }
0x7f: {  	[sflag:s8] =	ssyncset.done $0x0  }
0x80: {  	[sflag:s8] =	ssyncadd.s32 $0xFFFFF000  }
0x81: {  	[spmem:s28] =	stream.linear.scatter [tilespmem:s7], [sflag:$0x3], $0x1000, $0x38;
	[tilespmem:$0x1F800] =	vst v63  }
0x82: {  	_ =	swait.ge [sflag:s8], $0x1000  }
0x83: {  	[sflag:s8] =	ssyncset.done $0x0  }
0x84: {  	[sflag:s8] =	ssyncadd.s32 $0xFFFFF000  }
0x85: {  	[spmem:s29] =	stream.linear.scatter [tilespmem:s7], [sflag:$0x3], $0x1000, $0x38;
	[tilespmem:$0x1F800] =	vst v63  }
0x86: {  	_ =	swait.ge [sflag:s8], $0x1000  }
0x87: {  	[sflag:s8] =	ssyncset.done $0x0  }
0x88: {  	[sflag:s8] =	ssyncadd.s32 $0xFFFFF000  }
0x89: {  	[spmem:s30] =	stream.linear.scatter [tilespmem:s7], [sflag:$0x3], $0x1000, $0x38;
	[tilespmem:$0x1F800] =	vst v63  }
0x8a: {  	_ =	swait.ge [sflag:s8], $0x1000  }
0x8b: {  	[sflag:s8] =	ssyncset.done $0x0  }
0x8c: {  	[sflag:s8] =	ssyncadd.s32 $0xFFFFF000  }
0x8d: {  	[spmem:s31] =	stream.linear.scatter [tilespmem:s7], [sflag:$0x3], $0x1000, $0x38;
	[tilespmem:$0x1F800] =	vst v63  }
0x8e: {  	_ =	swait.ge [sflag:s8], $0x1000  }
0x8f: {  	[sflag:s8] =	ssyncset.done $0x0  }
0x90: {  	[sflag:s8] =	ssyncadd.s32 $0xFFFFF000  }
0x91: {  	[spmem:s0] =	stream.linear.scatter [tilespmem:s7], [sflag:$0x3], $0x1000, $0x38;
	[tilespmem:$0x1F800] =	vst v63  }
0x92: {  	_ =	swait.ge [sflag:s8], $0x1000  }
0x93: {  	[sflag:s8] =	ssyncset.done $0x0  }
0x94: {  	[sflag:s8] =	ssyncadd.s32 $0xFFFFF000  }
0x95: {  	[spmem:s3] =	stream.linear.scatter [tilespmem:s7], [sflag:$0x3], $0x1000, $0x38;
	[tilespmem:$0x1F800] =	vst v63  }
0x96: {  	_ =	swait.ge [sflag:s8], $0x1000  }
0x97: {  	[sflag:s8] =	ssyncset.done $0x0  }
0x98: {  	[sflag:s8] =	ssyncadd.s32 $0xFFFFF000  }
0x99: {  	[bflag:$0x0] =	sbarrier.arrive $0xFFFF  }
0x9a: {  	_ =	swait.ge [sflag:s9], $0x4000  }
0x9b: {  	[sflag:s9] =	ssyncset.done $0x0  }
0x9c: {  	s14 =	simm.s32 $0x1400;
	[sflag:s9] =	ssyncadd.s32 $0xFFFFC000  }
0x9d: {  	[spmem:s2] =	stream.indirect.scatter.add.f32 [tilespmem:s5], [sflag:$0x3], $0x80, s14, s4, $0xb8;
	[tilespmem:$0x1F800] =	vst v63  }
0x9e: {  	_ =	swait.ge [sflag:s8], $0x4000  }
0x9f: {  	[sflag:s8] =	ssyncset.done $0x0  }
0xa0: {  	s15 =	simm.s32 $0x100;
	[sflag:s8] =	ssyncadd.s32 $0xFFFFC000  }
0xa1: {  	[tilespmem:s5], [sflag:$0x1] =	stream.indirect.gather [hbm4b:s1+s4], $0x80, s15, s4, $0xb8;
	[tilespmem:$0x1F800] =	vst v63  }
0xa2: {  	_ =	swait.ge [sflag:s10], $0x4000  }
0xa3: {  	[sflag:s10] =	ssyncset.done $0x0  }
0xa4: {  	s16 =	simm.s32 $0x1480;
	[sflag:s10] =	ssyncadd.s32 $0xFFFFC000  }
0xa5: {  	[spmem:s2] =	stream.indirect.scatter.add.f32 [tilespmem:s6], [sflag:$0x3], $0x80, s16, s4, $0xb8;
	[tilespmem:$0x1F800] =	vst v63  }
0xa6: {  	_ =	swait.ge [sflag:s8], $0x4000  }
0xa7: {  	[sflag:s8] =	ssyncset.done $0x0  }
0xa8: {  	s13 =	simm.s32 $0x400;
	s14 =	simm.s32 $0x180;
	[sflag:s8] =	ssyncadd.s32 $0xFFFFC000  }
.LBB2_4:
0xa9: {  	[tilespmem:s6], [sflag:$0x2] =	stream.indirect.gather [hbm4b:s1+s4], $0x80, s14, s4, $0xb8;
	[tilespmem:$0x1F800] =	vst v63  }
0xaa: {  	s14 =	smov.u32 s13  }
0xab: {  	p1 =	sne.s32 s13, $0x4800;
	s13 =	sadd.s32 $0x400, s13;
	_ =	swait.ge [sflag:s9], $0x4000  }
0xac: {  	s14 =	sshra.s32 s14, $0x2;
	[sflag:s9] =	ssyncset.done $0x0  }
0xad: {  	s15 =	sadd.s32 $0x1400, s14;
	[sflag:s9] =	ssyncadd.s32 $0xFFFFC000  }
0xae: {  	[spmem:s2] =	stream.indirect.scatter.add.f32 [tilespmem:s5], [sflag:$0x3], $0x80, s15, s4, $0xb8;
	[tilespmem:$0x1F800] =	vst v63  }
0xaf: {  	_ =	swait.ge [sflag:s8], $0x4000  }
0xb0: {  	[sflag:s8] =	ssyncset.done $0x0  }
0xb1: {  	s15 =	sadd.s32 $0x100, s14;
	[sflag:s8] =	ssyncadd.s32 $0xFFFFC000  }
0xb2: {  	[tilespmem:s5], [sflag:$0x1] =	stream.indirect.gather [hbm4b:s1+s4], $0x80, s15, s4, $0xb8;
	[tilespmem:$0x1F800] =	vst v63  }
0xb3: {  	_ =	swait.ge [sflag:s10], $0x4000  }
0xb4: {  	[sflag:s10] =	ssyncset.done $0x0  }
.Ltmp1:
0xb5: {  	s15 =	sadd.s32 $0x1480, s14;
	[sflag:s10] =	ssyncadd.s32 $0xFFFFC000;
	(pc) =	sbr.rel @p1 .LBB2_4-.Ltmp1, $4  }
0xb6: {  	[spmem:s2] =	stream.indirect.scatter.add.f32 [tilespmem:s6], [sflag:$0x3], $0x80, s15, s4, $0xb8;
	[tilespmem:$0x1F800] =	vst v63  }
0xb7: {  	_ =	swait.ge [sflag:s8], $0x4000  }
0xb8: {  	[sflag:s8] =	ssyncset.done $0x0  }
0xb9: {  	s14 =	sadd.s32 $0x180, s14;
	[sflag:s8] =	ssyncadd.s32 $0xFFFFC000  }
0xba: {  	[tilespmem:s6], [sflag:$0x2] =	stream.indirect.gather [hbm4b:s1+s4], $0x80, s14, s4, $0xb8;
	[tilespmem:$0x1F800] =	vst v63  }
0xbb: {  	_ =	swait.ge [sflag:s9], $0x4000  }
0xbc: {  	[sflag:s9] =	ssyncset.done $0x0  }
0xbd: {  	s13 =	simm.s32 $0x2700;
	[sflag:s9] =	ssyncadd.s32 $0xFFFFC000  }
0xbe: {  	[spmem:s2] =	stream.indirect.scatter.add.f32 [tilespmem:s5], [sflag:$0x3], $0x80, s13, s4, $0xb8;
	[tilespmem:$0x1F800] =	vst v63  }
0xbf: {  	_ =	swait.ge [sflag:s8], $0x4000  }
0xc0: {  	[sflag:s8] =	ssyncset.done $0x0  }
0xc1: {  	s16 =	simm.s32 $0x0;
	[sflag:s8] =	ssyncadd.s32 $0xFFFFC000  }
0xc2: {  	[tilespmem:s5], [sflag:$0x1] =	stream.indirect.gather [hbm4b:s1+s4], $0x80, s16, s4, $0xb8;
	[tilespmem:$0x1F800] =	vst v63  }
0xc3: {  	_ =	swait.ge [sflag:s10], $0x4000  }
0xc4: {  	[sflag:s10] =	ssyncset.done $0x0  }
0xc5: {  	s14 =	simm.s32 $0x2780;
	[sflag:s10] =	ssyncadd.s32 $0xFFFFC000  }
0xc6: {  	[spmem:s2] =	stream.indirect.scatter.add.f32 [tilespmem:s6], [sflag:$0x3], $0x80, s14, s4, $0xb8;
	[tilespmem:$0x1F800] =	vst v63  }
0xc7: {  	_ =	swait.ge [sflag:s8], $0x4000  }
0xc8: {  	[sflag:s8] =	ssyncset.done $0x0  }
0xc9: {  	[sflag:s8] =	ssyncadd.s32 $0xFFFFC000  }
0xca: {  	[tilespmem:s6], [sflag:$0x2] =	stream.indirect.gather [hbm4b:s1+s4], $0x80, s4, s4, $0xb8;
	[tilespmem:$0x1F800] =	vst v63  }
0xcb: {  	_ =	swait.ge [sflag:s9], $0x4000  }
0xcc: {  	[sflag:s9] =	ssyncset.done $0x0  }
0xcd: {  	[sflag:s9] =	ssyncadd.s32 $0xFFFFC000  }
0xce: {  	_ =	swait.ge [sflag:s10], $0x4000  }
0xcf: {  	[sflag:s10] =	ssyncset.done $0x0  }
0xd0: {  	s15 =	stileid.u32;
	[sflag:s10] =	ssyncadd.s32 $0xFFFFC000  }
0xd1: {  	s13 =	sshll.u32 s15, $0x6;
	[bflag:$0x0] =	sbarrier.arrive $0xFFFF  }
0xd2: {  	s13 =	sor.u32 $0x1C03, s13;
	s16 =	sshrl.u32 s11, $0x3;
	s15 =	rddreg [dreg:$0xa]  }
0xd3: {  	[hbm:s15], [sflag:s13] =	dma.local [spmem:s16], $0x2800  }
0xd4: {  	_ =	swait.ge [sflag:s8], $0x2800  }
0xd5: {  	s12 =	sadd.s32 $0x1, s12;
	s16 =	rddreg [dreg:$0xb]  }
0xd6: {  	p1 =	sne.s32 s12, s16  }
.Ltmp2:
0xd7: {  	_ = 	snop;
	(pc) =	sbr.rel @p1 .LBB2_1-.Ltmp2, $3  }
0xd8: {  	_ =	sdelay $0x1  }
0xd9: {  	[sflag:s8] =	ssyncset.done $0x0  }
0xda: {  	[sflag:s8] =	ssyncadd.s32 $0xFFFFD800  }
0xdb: {  	_ =	sfence.sel $0x180000  }
0xdc: {  	[bflag:$0x0] =	sbarrier.arrive $0xFFFF  }
0xdd: {  	_ =	strace $0x9000004A  }
0xde: {  	s0 =	stileid.u32;
	[bflag:$0x2] =	sbarrier.arrive $0xFFFF  }
0xdf: {  	p0 =	sne.s32 s0, $0x0;
	s0 =	rddreg [dreg:$0x3]  }
0xe0: {  	s0 =	sadd.s32 @!p0 $0x100000, s0  }
0xe1: {  	[sflag:s0] =	ssyncadd.tile.s32 @!p0 $0x1;
	_ =	shalt  }
.Lfunc_end2:
_tile_overlayer_lowered:
.L_overlay_start_2:
0xe2: {  	(tag) =	ssettag $0x2  }
0xe3: {  	s0 =	rddreg [dreg:$0x0];
	s2 =	stileid.u32  }
0xe4: {  	s1 =	rddreg [dreg:$0x1];
	p0 =	sne.s32 s2, $0x0  }
0xe5: {  	s3 =	rddreg [dreg:$0x2];
	[bflag:$0x3] =	sbarrier.arrive $0xFFFF;
	s2 =	simm.s32 @!p0 $0x1C03  }
0xe6: {  	[timem:s3], [sflag:s2] =	dma.local @!p0 [hbm:s0], s1  }
0xe7: {  	s0 =	simm.s32 @!p0 $0x3  }
0xe8: {  	_ =	swait.ge @!p0 [sflag:s0], s1  }
0xe9: {  	s1 =	ssub.s32 @!p0 $0x0, s1;
	[sflag:s0] =	ssyncset.done @!p0 $0x0  }
0xea: {  	[sflag:s0] =	ssyncadd.s32 @!p0 s1  }
0xeb: {  	[bflag:$0x3] =	sbarrier.arrive $0xFFFF  }
0xec: {  	_ =	shalt  }

// kernel: kernel.17.cloned.1.call-start
scs
__scs_entry_jumppad:
0x0: {  	(pc) =	sbr.rel $0x88, $3  }
0x1: {  	(tag) =	ssettag $0x0;
	lr =	simm.s32 $0x1  }
0x2: {  	[smem:$0x3F99] =	sst lr;
	_ =	strace $0xD0000000  }
0x3: {  	_ = 	snop  }
0x4: {  	_ = 	snop  }
0x5: {  	_ = 	snop  }
0x6: {  	_ = 	snop  }
0x7: {  	_ = 	snop  }
__scs_overlays_trampoline_lowered:
0x8: {  	[smem:$0x3FA8] =	sst s0  }
0x9: {  	[smem:$0x3FA9] =	sst s1  }
0xa: {  	[smem:$0x3FAA] =	sst s2  }
0xb: {  	[smem:$0x3FAB] =	sst s3  }
0xc: {  	[smem:$0x3FAC] =	sst s4  }
0xd: {  	[smem:$0x3FAD] =	sst s5  }
0xe: {  	[smem:$0x3FAE] =	sst s6  }
0xf: {  	[smem:$0x3FAF] =	sst s7  }
0x10: {  	[smem:$0x3FB0] =	sst s8  }
0x11: {  	[smem:$0x3FB1] =	sst s9;
	s0 =	simm.s32 @!p0 $0x0  }
0x12: {  	s1 =	sld [smem:$0x3F97];
	s0 =	simm.s32 @p0 $0x1  }
0x13: {  	[smem:$0x3FB2] =	sst s0;
	s0 =	simm.s32 @!p1 $0x0  }
0x14: {  	s2 =	sld [smem:$0x3F96];
	s0 =	simm.s32 @p1 $0x1  }
0x15: {  	[smem:$0x3FB3] =	sst s0;
	s0 =	simm.s32 @!p2 $0x0  }
0x16: {  	s3 =	sld [smem:$0x3FDB];
	s0 =	simm.s32 @p2 $0x1  }
0x17: {  	s4 =	simm.s32 $0x1BF5;
	[smem:$0x3FB5] =	sst s0  }
0x18: {  	s0 =	sld [smem:$0x3F98];
	_ =	swait.ge [sflag:s4], $0x0  }
0x19: {  	s7 =	sld [smem:$0x3F99]  }
0x1a: {  	s8 =	sadd.s32 $0xFFFFE003, lr  }
0x1b: {  	s9 =	sadd.s32 $0xFFFFFEF7, lr;
	s5 =	simm.s32 $0xFFFFFFFF;
	p2 =	slt.u32 s8, $0xFFFFF086  }
0x1c: {  	p1 =	slt.u32 s9, $0xF7A;
	s5 =	simm.s32 @!p2 $0x0  }
0x1d: {  	s5 =	simm.s32 @p1 $0x1;
	p0 =	seq.s32 s7, s2  }
0x1e: {  	s7 =	smul.u32 @!p0 $0xF7A, s2;
	p2 =	seq.s32 @!p0 s5, $0x0  }
0x1f: {  	s9 =	smul.u32 $0xF7A, s1;
	s8 =	simm.s32 @!p0 $0x1BF5;
	p2 =	por !p2, p0  }
0x20: {  	[sflag:s8] =	ssyncset.s32 @!p0 $0xFFFFF086;
	s6 =	sadd.s32 @!p0 s3, s7;
	s7 =	simm.s32 @!p0 $0x108  }
0x21: {  	s3 =	sadd.s32 s3, s9;
	s6 =	sadd.s32 @!p0 $0x88, s6;
	s7 =	simm.s32 @p2 $0x1082  }
0x22: {  	[simem:s7], [sflag:s8] =	dma.local @!p0 [hbm:s6], $0xF7A  }
0x23: {  	s9 =	sor.u32 $0xD0000000, s2;
	s6 =	simm.s32 $0x108;
	_ =	swait.ge @!p0 [sflag:s8], $0x0  }
0x24: {  	s3 =	sadd.s32 $0x88, s3;
	s6 =	simm.s32 @!p1 $0x1082;
	[sflag:s4] =	ssyncset.s32 $0xFFFFF086  }
0x25: {  	[simem:s6], [sflag:s4] =	dma.local [hbm:s3], $0xF7A  }
0x26: {  	[smem:$0x3F99] =	sst s1;
	(tag) =	ssettag s2;
	_ =	strace s9  }
0x27: {  	s1 =	sld [smem:$0x3FA9]  }
0x28: {  	s2 =	sld [smem:$0x3FAA]  }
0x29: {  	s4 =	sld [smem:$0x3FAC]  }
0x2a: {  	p0 =	seq.s32 s5, $0x0;
	s5 =	sld [smem:$0x3FAD]  }
0x2b: {  	s6 =	sld [smem:$0x3FAE]  }
0x2c: {  	s7 =	sld [smem:$0x3FAF]  }
0x2d: {  	s3 =	simm.s32 $0x108;
	s8 =	sld [smem:$0x3FB0]  }
0x2e: {  	s3 =	simm.s32 @!p0 $0x1082;
	s9 =	sld [smem:$0x3FB1]  }
0x2f: {  	lr =	sadd.s32 s0, s3;
	s0 =	sld [smem:$0x3FA8]  }
0x30: {  	s3 =	sld [smem:$0x3FAB]  }
0x31: {  	[smem:$0x3FB4] =	sst s10  }
0x32: {  	s10 =	sld [smem:$0x3FB2];
	_ =	sdelay $0x3  }
0x33: {  	p0 =	seq.s32 s10, $0x1;
	s10 =	sld [smem:$0x3FB4];
	_ =	sdelay $0x3  }
0x34: {  	[smem:$0x3FB4] =	sst s10  }
0x35: {  	s10 =	sld [smem:$0x3FB3];
	_ =	sdelay $0x3  }
0x36: {  	p1 =	seq.s32 s10, $0x1;
	s10 =	sld [smem:$0x3FB4];
	_ =	sdelay $0x3  }
0x37: {  	[smem:$0x3FB4] =	sst s10  }
0x38: {  	s10 =	sld [smem:$0x3FB5]  }
0x39: {  	_ = 	snop;
	(pc) =	sbr.ind lr, $3  }
0x3a: {  	_ = 	snop  }
0x3b: {  	_ = 	snop  }
0x3c: {  	p2 =	seq.s32 s10, $0x1;
	s10 =	sld [smem:$0x3FB4]  }
0x3d: {  	_ =	shalt  }
0x3e: {  	_ =	shalt  }
0x3f: {  	_ =	shalt  }
0x40: {  	_ =	shalt  }
0x41: {  	_ =	shalt  }
0x42: {  	_ =	shalt  }
0x43: {  	_ =	shalt  }
0x44: {  	_ =	shalt  }
0x45: {  	_ =	shalt  }
0x46: {  	_ =	shalt  }
0x47: {  	_ =	shalt  }
0x48: {  	_ =	shalt  }
0x49: {  	_ =	shalt  }
0x4a: {  	_ =	shalt  }
0x4b: {  	_ =	shalt  }
0x4c: {  	_ =	shalt  }
0x4d: {  	_ =	shalt  }
0x4e: {  	_ =	shalt  }
0x4f: {  	_ =	shalt  }
0x50: {  	_ =	shalt  }
0x51: {  	_ =	shalt  }
0x52: {  	_ =	shalt  }
0x53: {  	_ =	shalt  }
0x54: {  	_ =	shalt  }
0x55: {  	_ =	shalt  }
0x56: {  	_ =	shalt  }
0x57: {  	_ =	shalt  }
0x58: {  	_ =	shalt  }
0x59: {  	_ =	shalt  }
0x5a: {  	_ =	shalt  }
0x5b: {  	_ =	shalt  }
0x5c: {  	_ =	shalt  }
0x5d: {  	_ =	shalt  }
0x5e: {  	_ =	shalt  }
0x5f: {  	_ =	shalt  }
0x60: {  	_ =	shalt  }
0x61: {  	_ =	shalt  }
0x62: {  	_ =	shalt  }
0x63: {  	_ =	shalt  }
0x64: {  	_ =	shalt  }
0x65: {  	_ =	shalt  }
0x66: {  	_ =	shalt  }
0x67: {  	_ =	shalt  }
0x68: {  	_ =	shalt  }
0x69: {  	_ =	shalt  }
0x6a: {  	_ =	shalt  }
0x6b: {  	_ =	shalt  }
0x6c: {  	_ =	shalt  }
0x6d: {  	_ =	shalt  }
0x6e: {  	_ =	shalt  }
0x6f: {  	_ =	shalt  }
0x70: {  	_ =	shalt  }
0x71: {  	_ =	shalt  }
0x72: {  	_ =	shalt  }
0x73: {  	_ =	shalt  }
0x74: {  	_ =	shalt  }
0x75: {  	_ =	shalt  }
0x76: {  	_ =	shalt  }
0x77: {  	_ =	shalt  }
0x78: {  	_ =	shalt  }
0x79: {  	_ =	shalt  }
0x7a: {  	_ =	shalt  }
0x7b: {  	_ =	shalt  }
0x7c: {  	_ =	shalt  }
0x7d: {  	_ =	shalt  }
0x7e: {  	_ =	shalt  }
0x7f: {  	_ =	shalt  }
0x80: {  	_ =	shalt  }
0x81: {  	_ =	shalt  }
0x82: {  	_ =	shalt  }
0x83: {  	_ =	shalt  }
0x84: {  	_ =	shalt  }
0x85: {  	_ =	shalt  }
0x86: {  	_ =	shalt  }
0x87: {  	_ =	shalt  }
.Lfunc_end0:
.L_simem_size_0:
called_computation.2_lowered:
.L_overlay_start_0:
0x88: {  	s2 =	sld [smem:$0x3FD9]  }
0x89: {  	s3 =	sld [smem:$0x3FFE];
	_ =	sdelay $0x1  }
0x8a: {  	s1 =	srdreg.scid  }
0x8b: {  	s0 =	sand.u32 $0x1, s1  }
0x8c: {  	s17 =	sshll.u32 s0, $0xA;
	s2 =	sadd.s32 s3, s2  }
0x8d: {  	s2 =	sadd.s32 s2, s17  }
0x8e: {  	[smem:$0x3FC0] =	sst s2  }
0x8f: {  	_ = 	snop  }
0x90: {  	s2 =	sld [smem:$0x3FD0];
	(tm) =	ssettm $0x1  }
0x91: {  	s18 =	sld [smem:$0x3FFB];
	_ =	sdelay $0x3  }
0x92: {  	_ =	strace s18  }
0x93: {  	s3 =	sld [smem:$0x3FFC];
	_ =	sdelay $0x3  }
0x94: {  	_ =	strace s3  }
0x95: {  	s3 =	sld [smem:$0x3FFD];
	_ =	sdelay $0x3  }
0x96: {  	_ =	strace s3  }
0x97: {  	_ =	strace $0x8FFFFFFF  }
0x98: {  	s19 =	sld [smem:$0x3FDB];
	_ =	sdelay $0x1  }
0x99: {  	s4 =	simm.s32 $_scs_section_size  }
0x9a: {  	s5 =	simm.s32 $_size__tile_overlayer_lowered;
	s6 =	simm.s32 $_tile_overlayer_lowered  }
0x9b: {  	s22 =	simm.s32 $0x1BFF;
	s21 =	sshll.u32 s6, $0x1;
	s3 =	sadd.s32 s4, s19  }
0x9c: {  	s7 =	simm.s32 $0x0;
	s20 =	sshll.u32 s5, $0x1;
	s5 =	sadd.s32 s21, s3  }
0x9d: {  	[timem:s7], [sflag:s22] =	dma.local [hbm:s5], s20  }
0x9e: {  	_ =	swait.ge [sflag:s22], s20  }
0x9f: {  	s4 =	ssub.s32 $0x0, s20;
	[sflag:s22] =	ssyncset.done $0x0  }
0xa0: {  	[sflag:s22] =	ssyncadd.s32 s4;
	_ =	sdelay $0x1  }
0xa1: {  	s23 =	simm.s32 $0x1B8B  }
0xa2: {  	_ =	swait.ge [sflag:s23], $0x1  }
0xa3: {  	[sflag:s23] =	ssyncset.done $0x0  }
0xa4: {  	s25 =	simm.s32 $0x1B8E;
	s24 =	sld [smem:$0x3FFE];
	[sflag:s23] =	ssyncadd.s32 $0xFFFFFFFF  }
0xa5: {  	s26 =	simm.s32 $execute0_lowered;
	[smem:$0x3FD2] =	sst s25  }
0xa6: {  	s5 =	sshll.u32 s26, $0x1;
	_ =	strace $0x8000004C;
	[dreg:$0x1] =	wrdreg $0xFFFFFFFF  }
0xa7: {  	s28 =	simm.s32 $_size_execute0_lowered;
	s3 =	sadd.s32 s3, s5;
	[dreg:$0x0] =	wrdreg $0x0  }
0xa8: {  	s5 =	sshll.u32 s28, $0x1;
	[dreg:$0x2] =	wrdreg s3  }
0xa9: {  	[dreg:$0x3] =	wrdreg s5  }
0xaa: {  	[dreg:$0x4] =	wrdreg $0xC0  }
0xab: {  	_ =	task [dreg:s7], $0x5FFFF  }
0xac: {  	[dreg:$0x1] =	wrdreg $0xFFFFFFFF  }
0xad: {  	[dreg:$0x0] =	wrdreg $0x60  }
0xae: {  	[dreg:$0x2] =	wrdreg s2  }
0xaf: {  	[dreg:$0x3] =	wrdreg s24  }
0xb0: {  	[dreg:$0x4] =	wrdreg $0xB8000  }
0xb1: {  	[dreg:$0x5] =	wrdreg $0x9  }
0xb2: {  	_ =	task.clear_ibuf [dreg:s7], $0x6FFFF;
	_ =	strace $0x9000004C  }
0xb3: {  	s29 =	simm.s32 $0x9;
	_ =	strace $0x8000004E  }
0xb4: {  	_ =	swait.ge [sflag:s29], $0x1  }
0xb5: {  	[sflag:s29] =	ssyncadd.s32 $0xFFFFFFFF  }
0xb6: {  	_ =	strace $0x9000004E  }
0xb7: {  	_ =	sfence  }
0xb8: {  	s30 =	sld [smem:$0x0];
	_ =	sdelay $0x2  }
0xb9: {  	s31 =	sshll.u32 s1, $0xD;
	s1 =	sshrl.u32 s1, $0x2  }
0xba: {  	s3 =	sand.u32 $0x4000, s31;
	s1 =	sadd.s32 s1, s30  }
0xbb: {  	s0 =	sor.u32 s3, s0;
	s1 =	sshll.u32 s1, $0x11  }
0xbc: {  	s0 =	sor.u32 s1, s0  }
0xbd: {  	s0 =	sadd.s32 $0x8F2B, s0  }
0xbe: {  	[sflag:s0] =	ssyncadd.remote.s32 $0x1  }
0xbf: {  	_ =	sfence.sel $0xFFFF  }
0xc0: {  	[dreg:$0x0] =	wrdreg $0xFFFFFFFF;
	(pc) =	sbr.abs _section_cstart, $3  }
0xc1: {  	[dreg:$0x1] =	wrdreg $0xFFFFFFFF  }
0xc2: {  	_ =	task.clear_ibuf [dreg:s7], $0x2FFFF;
	_ =	strace $0x9FFFFFFF  }
0xc3: {  	(tm) =	ssettm $0x7FFFFFFF  }
tec
execute0_lowered:
.L_overlay_start_1:
0x0: {  	(tag) =	ssettag $0x1  }
0x1: {  	s1 =	rddreg [dreg:$0x0]  }
0x2: {  	s0 =	rddreg [dreg:$0x1]  }
0x3: {  	s2 =	rddreg [dreg:$0x2];
	s3 =	srdreg.scid  }
0x4: {  	s5 =	simm.s32 $0x0;
	s10 =	stileid.u32;
	s12 =	simm.s32 $0x0  }
0x5: {  	s3 =	sand.u32 $0x1, s3;
	[smem:$0x7FF] =	sst s5;
	s16 =	smul.u32 $0x2800, s10  }
0x6: {  	s7 =	sadd.s32 $0x5000, s0;
	s8 =	sadd.s32 $0xF000, s0;
	s18 =	sadd.s32 $0xEE00, s0  }
0x7: {  	s20 =	sadd.s32 $0x9D80, s0;
	_ =	strace $0x8000004D;
	[dreg:$0x4] =	wrdreg s8  }
0x8: {  	s4 =	smul.u32 $0x28000, s3;
	s6 =	sshll.u32 s3, $0x4;
	[dreg:$0x5] =	wrdreg s18  }
0x9: {  	s3 =	ssub.s32 $0x2, s3;
	s6 =	sor.u32 s10, s6;
	s10 =	smul.u32 $0x50000, s10  }
0xa: {  	[dreg:$0x8] =	wrdreg s20;
	s8 =	simm.s32 $0x3;
	s17 =	smul.u32 $0x1400, s6  }
0xb: {  	s9 =	sshrl.u32 s3, $0x1;
	s4 =	sadd.s32 s16, s4;
	s19 =	smul.u32 $0x280, s6  }
0xc: {  	s3 =	ssub.s32 s3, s9;
	p0 =	seq.s32 s6, $0x1F;
	s6 =	simm.s32 $0x6800  }
0xd: {  	s9 =	simm.s32 $0x1;
	s4 =	sadd.s32 s4, s0;
	s0 =	sadd.s32 $0xEC00, s0  }
0xe: {  	s21 =	sshrl.u32 s10, $0x2;
	s23 =	smax.u32 s3, $0x1;
	s10 =	simm.s32 $0x2  }
0xf: {  	s5 =	sshrl.u32 s17, $0x3;
	[dreg:$0x9] =	wrdreg s0;
	s11 =	sadd.s32 s21, s2  }
0x10: {  	s22 =	sadd.s32 $0xF200, s4;
	[dreg:$0xb] =	wrdreg s23;
	s4 =	simm.s32 $0x80  }
0x11: {  	s5 =	sadd.s32 s7, s5;
	s7 =	sadd.s32 s7, s19;
	[dreg:$0xa] =	wrdreg s22  }
0x12: {  	s24 =	sadd.s32 $0x1000, s11;
	s25 =	sadd.s32 $0x2000, s11;
	s26 =	sadd.s32 $0x3000, s11  }
0x13: {  	s17 =	sadd.s32 $0x4000, s11;
	s18 =	sadd.s32 $0x5000, s11;
	s19 =	sadd.s32 $0x6000, s11  }
0x14: {  	s20 =	sadd.s32 $0x7000, s11;
	s21 =	sadd.s32 $0x8000, s11;
	s22 =	sadd.s32 $0x9000, s11  }
0x15: {  	s23 =	sadd.s32 $0xA000, s11;
	s28 =	sadd.s32 $0xE000, s11;
	[dreg:$0x6] =	wrdreg s7  }
0x16: {  	s29 =	sadd.s32 $0xF000, s11;
	s30 =	sadd.s32 $0x10000, s11;
	[dreg:$0xc] =	wrdreg s24  }
0x17: {  	s31 =	sadd.s32 $0x11000, s11;
	s0 =	sadd.s32 $0x12000, s11;
	[dreg:$0xd] =	wrdreg s25  }
0x18: {  	s3 =	sadd.s32 $0x13000, s11;
	s5 =	sadd.s32 $0x4E80, s5;
	[dreg:$0xe] =	wrdreg s26  }
0x19: {  	s24 =	sadd.s32 $0xB000, s11;
	s25 =	sadd.s32 $0xC000, s11;
	s26 =	sadd.s32 $0xD000, s11  }
0x1a: {  	v0 =	vimm.f32 $0.0e+00;
	s7 =	simm.s32 $0xA800;
	[dreg:$0x7] =	wrdreg s5;
	s5 =	simm.s32 $0x2800  }
.LBB2_1:
0x1b: {  	s13 =	simm.s32 @p0 $0x0;
	s14 =	rddreg [dreg:$0x8]  }
0x1c: {  	[tilespmem:s13], [sflag:$0x3] =	stream.linear.gather @p0 [hbm4b:s14+s13], $0x400, $0x38;
	[tilespmem:$0x1F800] =	vst v63  }
0x1d: {  	s14 =	simm.s32 @p0 $0x3  }
0x1e: {  	_ =	swait.ge @p0 [sflag:s14], $0x400  }
0x1f: {  	[sflag:s14] =	ssyncset.done @p0 $0x0  }
0x20: {  	s15 =	simm.s32 @p0 $0x400;
	s16 =	rddreg [dreg:$0x4];
	[sflag:s14] =	ssyncadd.s32 @p0 $0xFFFFFC00  }
0x21: {  	[tilespmem:s15], [sflag:$0x3] =	stream.linear.gather @p0 [hbm4b:s16+s13], $0x1000, $0x38;
	[tilespmem:$0x1F800] =	vst v63  }
0x22: {  	_ =	swait.ge @p0 [sflag:s14], $0x1000  }
0x23: {  	[sflag:s14] =	ssyncset.done @p0 $0x0  }
0x24: {  	s15 =	simm.s32 @p0 $0x1400;
	s16 =	rddreg [dreg:$0x9];
	[sflag:s14] =	ssyncadd.s32 @p0 $0xFFFFF000  }
0x25: {  	[tilespmem:s15], [sflag:$0x3] =	stream.linear.gather @p0 [hbm4b:s16+s13], $0x400, $0x38;
	[tilespmem:$0x1F800] =	vst v63  }
0x26: {  	_ =	swait.ge @p0 [sflag:s14], $0x400  }
0x27: {  	[sflag:s14] =	ssyncset.done @p0 $0x0  }
0x28: {  	s15 =	simm.s32 @p0 $0x1800;
	s16 =	rddreg [dreg:$0x5];
	[sflag:s14] =	ssyncadd.s32 @p0 $0xFFFFFC00  }
0x29: {  	[tilespmem:s15], [sflag:$0x3] =	stream.linear.gather @p0 [hbm4b:s16+s13], $0x1000, $0x38;
	[tilespmem:$0x1F800] =	vst v63  }
0x2a: {  	_ =	swait.ge @p0 [sflag:s14], $0x1000  }
0x2b: {  	[sflag:s14] =	ssyncset.done @p0 $0x0  }
0x2c: {  	s13 =	simm.s32 @!p0 $0x0;
	[sflag:s14] =	ssyncadd.s32 @p0 $0xFFFFF000;
	s14 =	rddreg [dreg:$0x6]  }
0x2d: {  	[tilespmem:s13], [sflag:$0x3] =	stream.linear.gather @!p0 [hbm4b:s14+s13], $0x1400, $0x38;
	[tilespmem:$0x1F800] =	vst v63  }
0x2e: {  	s14 =	simm.s32 @!p0 $0x3  }
0x2f: {  	_ =	swait.ge @!p0 [sflag:s14], $0x1400  }
0x30: {  	[sflag:s14] =	ssyncset.done @!p0 $0x0  }
0x31: {  	s15 =	simm.s32 @!p0 $0x1400;
	s16 =	rddreg [dreg:$0x7];
	[sflag:s14] =	ssyncadd.s32 @!p0 $0xFFFFEC00  }
0x32: {  	[tilespmem:s15], [sflag:$0x3] =	stream.linear.gather @!p0 [hbm4b:s16+s13], $0x1400, $0x38;
	[tilespmem:$0x1F800] =	vst v63  }
0x33: {  	_ =	swait.ge @!p0 [sflag:s14], $0x1400  }
0x34: {  	[sflag:s14] =	ssyncset.done @!p0 $0x0  }
0x35: {  	s16 =	simm.s32 $0x0;
	[sflag:s14] =	ssyncadd.s32 @!p0 $0xFFFFEC00  }
0x36: {  	[tilespmem:s5], [sflag:$0x1] =	stream.indirect.gather [hbm4b:s1+s4], $0x80, s16, s4, $0xb8;
	[tilespmem:$0x1F800] =	vst v63  }
0x37: {  	s13 =	simm.s32 $0x0;
	s14 =	simm.s32 $0x200  }
0x38: {  	[tilespmem:s6], [sflag:$0x2] =	stream.indirect.gather [hbm4b:s1+s4], $0x80, s4, s4, $0xb8;
	[tilespmem:$0x1F800] =	vst v63  }
.LBB2_2:
0x39: {  	p1 =	seq.s32 s14, $0x3E00;
	[tilespmem:s13+$0xA870] =	vst v0  }
0x3a: {  	[tilespmem:s13+$0xA800] =	vst v0  }
0x3b: {  	[tilespmem:s13+$0xA810] =	vst v0  }
.Ltmp0:
0x3c: {  	[tilespmem:s13+$0xA820] =	vst v0;
	(pc) =	sbr.rel @!p1 .LBB2_2-.Ltmp0, $4  }
0x3d: {  	[tilespmem:s13+$0xA830] =	vst v0  }
0x3e: {  	[tilespmem:s13+$0xA840] =	vst v0  }
0x3f: {  	[tilespmem:s13+$0xA850] =	vst v0  }
0x40: {  	[tilespmem:s13+$0xA860] =	vst v0;
	s13 =	sshra.s32 s14, $0x2;
	s14 =	sadd.s32 $0x200, s14  }
0x41: {  	[tilespmem:s13+$0xA870] =	vst v0  }
0x42: {  	[tilespmem:s13+$0xA800] =	vst v0  }
0x43: {  	[tilespmem:s13+$0xA810] =	vst v0  }
0x44: {  	[tilespmem:s13+$0xA820] =	vst v0  }
0x45: {  	[tilespmem:s13+$0xA830] =	vst v0  }
0x46: {  	[tilespmem:s13+$0xA840] =	vst v0  }
0x47: {  	[tilespmem:s13+$0xA850] =	vst v0  }
0x48: {  	[tilespmem:s13+$0xA860] =	vst v0  }
0x49: {  	[spmem:s11] =	stream.linear.scatter [tilespmem:s7], [sflag:$0x3], $0x1000, $0x38;
	[tilespmem:$0x1F800] =	vst v63  }
0x4a: {  	_ =	swait.ge [sflag:s8], $0x1000  }
0x4b: {  	[sflag:s8] =	ssyncset.done $0x0  }
0x4c: {  	s14 =	rddreg [dreg:$0xc];
	[sflag:s8] =	ssyncadd.s32 $0xFFFFF000  }
0x4d: {  	[spmem:s14] =	stream.linear.scatter [tilespmem:s7], [sflag:$0x3], $0x1000, $0x38;
	[tilespmem:$0x1F800] =	vst v63  }
0x4e: {  	_ =	swait.ge [sflag:s8], $0x1000  }
0x4f: {  	[sflag:s8] =	ssyncset.done $0x0  }
0x50: {  	s15 =	rddreg [dreg:$0xd];
	[sflag:s8] =	ssyncadd.s32 $0xFFFFF000  }
0x51: {  	[spmem:s15] =	stream.linear.scatter [tilespmem:s7], [sflag:$0x3], $0x1000, $0x38;
	[tilespmem:$0x1F800] =	vst v63  }
0x52: {  	_ =	swait.ge [sflag:s8], $0x1000  }
0x53: {  	[sflag:s8] =	ssyncset.done $0x0  }
0x54: {  	s16 =	rddreg [dreg:$0xe];
	[sflag:s8] =	ssyncadd.s32 $0xFFFFF000  }
0x55: {  	[spmem:s16] =	stream.linear.scatter [tilespmem:s7], [sflag:$0x3], $0x1000, $0x38;
	[tilespmem:$0x1F800] =	vst v63  }
0x56: {  	_ =	swait.ge [sflag:s8], $0x1000  }
0x57: {  	[sflag:s8] =	ssyncset.done $0x0  }
0x58: {  	[sflag:s8] =	ssyncadd.s32 $0xFFFFF000  }
0x59: {  	[spmem:s17] =	stream.linear.scatter [tilespmem:s7], [sflag:$0x3], $0x1000, $0x38;
	[tilespmem:$0x1F800] =	vst v63  }
0x5a: {  	_ =	swait.ge [sflag:s8], $0x1000  }
0x5b: {  	[sflag:s8] =	ssyncset.done $0x0  }
0x5c: {  	[sflag:s8] =	ssyncadd.s32 $0xFFFFF000  }
0x5d: {  	[spmem:s18] =	stream.linear.scatter [tilespmem:s7], [sflag:$0x3], $0x1000, $0x38;
	[tilespmem:$0x1F800] =	vst v63  }
0x5e: {  	_ =	swait.ge [sflag:s8], $0x1000  }
0x5f: {  	[sflag:s8] =	ssyncset.done $0x0  }
0x60: {  	[sflag:s8] =	ssyncadd.s32 $0xFFFFF000  }
0x61: {  	[spmem:s19] =	stream.linear.scatter [tilespmem:s7], [sflag:$0x3], $0x1000, $0x38;
	[tilespmem:$0x1F800] =	vst v63  }
0x62: {  	_ =	swait.ge [sflag:s8], $0x1000  }
0x63: {  	[sflag:s8] =	ssyncset.done $0x0  }
0x64: {  	[sflag:s8] =	ssyncadd.s32 $0xFFFFF000  }
0x65: {  	[spmem:s20] =	stream.linear.scatter [tilespmem:s7], [sflag:$0x3], $0x1000, $0x38;
	[tilespmem:$0x1F800] =	vst v63  }
0x66: {  	_ =	swait.ge [sflag:s8], $0x1000  }
0x67: {  	[sflag:s8] =	ssyncset.done $0x0  }
0x68: {  	[sflag:s8] =	ssyncadd.s32 $0xFFFFF000  }
0x69: {  	[spmem:s21] =	stream.linear.scatter [tilespmem:s7], [sflag:$0x3], $0x1000, $0x38;
	[tilespmem:$0x1F800] =	vst v63  }
0x6a: {  	_ =	swait.ge [sflag:s8], $0x1000  }
0x6b: {  	[sflag:s8] =	ssyncset.done $0x0  }
0x6c: {  	[sflag:s8] =	ssyncadd.s32 $0xFFFFF000  }
0x6d: {  	[spmem:s22] =	stream.linear.scatter [tilespmem:s7], [sflag:$0x3], $0x1000, $0x38;
	[tilespmem:$0x1F800] =	vst v63  }
0x6e: {  	_ =	swait.ge [sflag:s8], $0x1000  }
0x6f: {  	[sflag:s8] =	ssyncset.done $0x0  }
0x70: {  	[sflag:s8] =	ssyncadd.s32 $0xFFFFF000  }
0x71: {  	[spmem:s23] =	stream.linear.scatter [tilespmem:s7], [sflag:$0x3], $0x1000, $0x38;
	[tilespmem:$0x1F800] =	vst v63  }
0x72: {  	_ =	swait.ge [sflag:s8], $0x1000  }
0x73: {  	[sflag:s8] =	ssyncset.done $0x0  }
0x74: {  	[sflag:s8] =	ssyncadd.s32 $0xFFFFF000  }
0x75: {  	[spmem:s24] =	stream.linear.scatter [tilespmem:s7], [sflag:$0x3], $0x1000, $0x38;
	[tilespmem:$0x1F800] =	vst v63  }
0x76: {  	_ =	swait.ge [sflag:s8], $0x1000  }
0x77: {  	[sflag:s8] =	ssyncset.done $0x0  }
0x78: {  	[sflag:s8] =	ssyncadd.s32 $0xFFFFF000  }
0x79: {  	[spmem:s25] =	stream.linear.scatter [tilespmem:s7], [sflag:$0x3], $0x1000, $0x38;
	[tilespmem:$0x1F800] =	vst v63  }
0x7a: {  	_ =	swait.ge [sflag:s8], $0x1000  }
0x7b: {  	[sflag:s8] =	ssyncset.done $0x0  }
0x7c: {  	[sflag:s8] =	ssyncadd.s32 $0xFFFFF000  }
0x7d: {  	[spmem:s26] =	stream.linear.scatter [tilespmem:s7], [sflag:$0x3], $0x1000, $0x38;
	[tilespmem:$0x1F800] =	vst v63  }
0x7e: {  	_ =	swait.ge [sflag:s8], $0x1000  }
0x7f: {  	[sflag:s8] =	ssyncset.done $0x0  }
0x80: {  	[sflag:s8] =	ssyncadd.s32 $0xFFFFF000  }
0x81: {  	[spmem:s28] =	stream.linear.scatter [tilespmem:s7], [sflag:$0x3], $0x1000, $0x38;
	[tilespmem:$0x1F800] =	vst v63  }
0x82: {  	_ =	swait.ge [sflag:s8], $0x1000  }
0x83: {  	[sflag:s8] =	ssyncset.done $0x0  }
0x84: {  	[sflag:s8] =	ssyncadd.s32 $0xFFFFF000  }
0x85: {  	[spmem:s29] =	stream.linear.scatter [tilespmem:s7], [sflag:$0x3], $0x1000, $0x38;
	[tilespmem:$0x1F800] =	vst v63  }
0x86: {  	_ =	swait.ge [sflag:s8], $0x1000  }
0x87: {  	[sflag:s8] =	ssyncset.done $0x0  }
0x88: {  	[sflag:s8] =	ssyncadd.s32 $0xFFFFF000  }
0x89: {  	[spmem:s30] =	stream.linear.scatter [tilespmem:s7], [sflag:$0x3], $0x1000, $0x38;
	[tilespmem:$0x1F800] =	vst v63  }
0x8a: {  	_ =	swait.ge [sflag:s8], $0x1000  }
0x8b: {  	[sflag:s8] =	ssyncset.done $0x0  }
0x8c: {  	[sflag:s8] =	ssyncadd.s32 $0xFFFFF000  }
0x8d: {  	[spmem:s31] =	stream.linear.scatter [tilespmem:s7], [sflag:$0x3], $0x1000, $0x38;
	[tilespmem:$0x1F800] =	vst v63  }
0x8e: {  	_ =	swait.ge [sflag:s8], $0x1000  }
0x8f: {  	[sflag:s8] =	ssyncset.done $0x0  }
0x90: {  	[sflag:s8] =	ssyncadd.s32 $0xFFFFF000  }
0x91: {  	[spmem:s0] =	stream.linear.scatter [tilespmem:s7], [sflag:$0x3], $0x1000, $0x38;
	[tilespmem:$0x1F800] =	vst v63  }
0x92: {  	_ =	swait.ge [sflag:s8], $0x1000  }
0x93: {  	[sflag:s8] =	ssyncset.done $0x0  }
0x94: {  	[sflag:s8] =	ssyncadd.s32 $0xFFFFF000  }
0x95: {  	[spmem:s3] =	stream.linear.scatter [tilespmem:s7], [sflag:$0x3], $0x1000, $0x38;
	[tilespmem:$0x1F800] =	vst v63  }
0x96: {  	_ =	swait.ge [sflag:s8], $0x1000  }
0x97: {  	[sflag:s8] =	ssyncset.done $0x0  }
0x98: {  	[sflag:s8] =	ssyncadd.s32 $0xFFFFF000  }
0x99: {  	[bflag:$0x0] =	sbarrier.arrive $0xFFFF  }
0x9a: {  	_ =	swait.ge [sflag:s9], $0x4000  }
0x9b: {  	[sflag:s9] =	ssyncset.done $0x0  }
0x9c: {  	s14 =	simm.s32 $0x1400;
	[sflag:s9] =	ssyncadd.s32 $0xFFFFC000  }
0x9d: {  	[spmem:s2] =	stream.indirect.scatter.add.f32 [tilespmem:s5], [sflag:$0x3], $0x80, s14, s4, $0xb8;
	[tilespmem:$0x1F800] =	vst v63  }
0x9e: {  	_ =	swait.ge [sflag:s8], $0x4000  }
0x9f: {  	[sflag:s8] =	ssyncset.done $0x0  }
0xa0: {  	s15 =	simm.s32 $0x100;
	[sflag:s8] =	ssyncadd.s32 $0xFFFFC000  }
0xa1: {  	[tilespmem:s5], [sflag:$0x1] =	stream.indirect.gather [hbm4b:s1+s4], $0x80, s15, s4, $0xb8;
	[tilespmem:$0x1F800] =	vst v63  }
0xa2: {  	_ =	swait.ge [sflag:s10], $0x4000  }
0xa3: {  	[sflag:s10] =	ssyncset.done $0x0  }
0xa4: {  	s16 =	simm.s32 $0x1480;
	[sflag:s10] =	ssyncadd.s32 $0xFFFFC000  }
0xa5: {  	[spmem:s2] =	stream.indirect.scatter.add.f32 [tilespmem:s6], [sflag:$0x3], $0x80, s16, s4, $0xb8;
	[tilespmem:$0x1F800] =	vst v63  }
0xa6: {  	_ =	swait.ge [sflag:s8], $0x4000  }
0xa7: {  	[sflag:s8] =	ssyncset.done $0x0  }
0xa8: {  	s13 =	simm.s32 $0x400;
	s14 =	simm.s32 $0x180;
	[sflag:s8] =	ssyncadd.s32 $0xFFFFC000  }
.LBB2_4:
0xa9: {  	[tilespmem:s6], [sflag:$0x2] =	stream.indirect.gather [hbm4b:s1+s4], $0x80, s14, s4, $0xb8;
	[tilespmem:$0x1F800] =	vst v63  }
0xaa: {  	s14 =	smov.u32 s13  }
0xab: {  	p1 =	sne.s32 s13, $0x4800;
	s13 =	sadd.s32 $0x400, s13;
	_ =	swait.ge [sflag:s9], $0x4000  }
0xac: {  	s14 =	sshra.s32 s14, $0x2;
	[sflag:s9] =	ssyncset.done $0x0  }
0xad: {  	s15 =	sadd.s32 $0x1400, s14;
	[sflag:s9] =	ssyncadd.s32 $0xFFFFC000  }
0xae: {  	[spmem:s2] =	stream.indirect.scatter.add.f32 [tilespmem:s5], [sflag:$0x3], $0x80, s15, s4, $0xb8;
	[tilespmem:$0x1F800] =	vst v63  }
0xaf: {  	_ =	swait.ge [sflag:s8], $0x4000  }
0xb0: {  	[sflag:s8] =	ssyncset.done $0x0  }
0xb1: {  	s15 =	sadd.s32 $0x100, s14;
	[sflag:s8] =	ssyncadd.s32 $0xFFFFC000  }
0xb2: {  	[tilespmem:s5], [sflag:$0x1] =	stream.indirect.gather [hbm4b:s1+s4], $0x80, s15, s4, $0xb8;
	[tilespmem:$0x1F800] =	vst v63  }
0xb3: {  	_ =	swait.ge [sflag:s10], $0x4000  }
0xb4: {  	[sflag:s10] =	ssyncset.done $0x0  }
.Ltmp1:
0xb5: {  	s15 =	sadd.s32 $0x1480, s14;
	[sflag:s10] =	ssyncadd.s32 $0xFFFFC000;
	(pc) =	sbr.rel @p1 .LBB2_4-.Ltmp1, $4  }
0xb6: {  	[spmem:s2] =	stream.indirect.scatter.add.f32 [tilespmem:s6], [sflag:$0x3], $0x80, s15, s4, $0xb8;
	[tilespmem:$0x1F800] =	vst v63  }
0xb7: {  	_ =	swait.ge [sflag:s8], $0x4000  }
0xb8: {  	[sflag:s8] =	ssyncset.done $0x0  }
0xb9: {  	s14 =	sadd.s32 $0x180, s14;
	[sflag:s8] =	ssyncadd.s32 $0xFFFFC000  }
0xba: {  	[tilespmem:s6], [sflag:$0x2] =	stream.indirect.gather [hbm4b:s1+s4], $0x80, s14, s4, $0xb8;
	[tilespmem:$0x1F800] =	vst v63  }
0xbb: {  	_ =	swait.ge [sflag:s9], $0x4000  }
0xbc: {  	[sflag:s9] =	ssyncset.done $0x0  }
0xbd: {  	s13 =	simm.s32 $0x2700;
	[sflag:s9] =	ssyncadd.s32 $0xFFFFC000  }
0xbe: {  	[spmem:s2] =	stream.indirect.scatter.add.f32 [tilespmem:s5], [sflag:$0x3], $0x80, s13, s4, $0xb8;
	[tilespmem:$0x1F800] =	vst v63  }
0xbf: {  	_ =	swait.ge [sflag:s8], $0x4000  }
0xc0: {  	[sflag:s8] =	ssyncset.done $0x0  }
0xc1: {  	s16 =	simm.s32 $0x0;
	[sflag:s8] =	ssyncadd.s32 $0xFFFFC000  }
0xc2: {  	[tilespmem:s5], [sflag:$0x1] =	stream.indirect.gather [hbm4b:s1+s4], $0x80, s16, s4, $0xb8;
	[tilespmem:$0x1F800] =	vst v63  }
0xc3: {  	_ =	swait.ge [sflag:s10], $0x4000  }
0xc4: {  	[sflag:s10] =	ssyncset.done $0x0  }
0xc5: {  	s14 =	simm.s32 $0x2780;
	[sflag:s10] =	ssyncadd.s32 $0xFFFFC000  }
0xc6: {  	[spmem:s2] =	stream.indirect.scatter.add.f32 [tilespmem:s6], [sflag:$0x3], $0x80, s14, s4, $0xb8;
	[tilespmem:$0x1F800] =	vst v63  }
0xc7: {  	_ =	swait.ge [sflag:s8], $0x4000  }
0xc8: {  	[sflag:s8] =	ssyncset.done $0x0  }
0xc9: {  	[sflag:s8] =	ssyncadd.s32 $0xFFFFC000  }
0xca: {  	[tilespmem:s6], [sflag:$0x2] =	stream.indirect.gather [hbm4b:s1+s4], $0x80, s4, s4, $0xb8;
	[tilespmem:$0x1F800] =	vst v63  }
0xcb: {  	_ =	swait.ge [sflag:s9], $0x4000  }
0xcc: {  	[sflag:s9] =	ssyncset.done $0x0  }
0xcd: {  	[sflag:s9] =	ssyncadd.s32 $0xFFFFC000  }
0xce: {  	_ =	swait.ge [sflag:s10], $0x4000  }
0xcf: {  	[sflag:s10] =	ssyncset.done $0x0  }
0xd0: {  	s15 =	stileid.u32;
	[sflag:s10] =	ssyncadd.s32 $0xFFFFC000  }
0xd1: {  	s13 =	sshll.u32 s15, $0x6;
	[bflag:$0x0] =	sbarrier.arrive $0xFFFF  }
0xd2: {  	s13 =	sor.u32 $0x1C03, s13;
	s16 =	sshrl.u32 s11, $0x3;
	s15 =	rddreg [dreg:$0xa]  }
0xd3: {  	[hbm:s15], [sflag:s13] =	dma.local [spmem:s16], $0x2800  }
0xd4: {  	_ =	swait.ge [sflag:s8], $0x2800  }
0xd5: {  	s12 =	sadd.s32 $0x1, s12;
	s16 =	rddreg [dreg:$0xb]  }
0xd6: {  	p1 =	sne.s32 s12, s16  }
.Ltmp2:
0xd7: {  	_ = 	snop;
	(pc) =	sbr.rel @p1 .LBB2_1-.Ltmp2, $3  }
0xd8: {  	_ =	sdelay $0x1  }
0xd9: {  	[sflag:s8] =	ssyncset.done $0x0  }
0xda: {  	[sflag:s8] =	ssyncadd.s32 $0xFFFFD800  }
0xdb: {  	_ =	sfence.sel $0x180000  }
0xdc: {  	[bflag:$0x0] =	sbarrier.arrive $0xFFFF  }
0xdd: {  	_ =	strace $0x9000004D  }
0xde: {  	s0 =	stileid.u32;
	[bflag:$0x2] =	sbarrier.arrive $0xFFFF  }
0xdf: {  	p0 =	sne.s32 s0, $0x0;
	s0 =	rddreg [dreg:$0x3]  }
0xe0: {  	s0 =	sadd.s32 @!p0 $0x100000, s0  }
0xe1: {  	[sflag:s0] =	ssyncadd.tile.s32 @!p0 $0x1;
	_ =	shalt  }
.Lfunc_end2:
_tile_overlayer_lowered:
.L_overlay_start_2:
0xe2: {  	(tag) =	ssettag $0x2  }
0xe3: {  	s0 =	rddreg [dreg:$0x0];
	s2 =	stileid.u32  }
0xe4: {  	s1 =	rddreg [dreg:$0x1];
	p0 =	sne.s32 s2, $0x0  }
0xe5: {  	s3 =	rddreg [dreg:$0x2];
	[bflag:$0x3] =	sbarrier.arrive $0xFFFF;
	s2 =	simm.s32 @!p0 $0x1C03  }
0xe6: {  	[timem:s3], [sflag:s2] =	dma.local @!p0 [hbm:s0], s1  }
0xe7: {  	s0 =	simm.s32 @!p0 $0x3  }
0xe8: {  	_ =	swait.ge @!p0 [sflag:s0], s1  }
0xe9: {  	s1 =	ssub.s32 @!p0 $0x0, s1;
	[sflag:s0] =	ssyncset.done @!p0 $0x0  }
0xea: {  	[sflag:s0] =	ssyncadd.s32 @!p0 s1  }
0xeb: {  	[bflag:$0x3] =	sbarrier.arrive $0xFFFF  }
0xec: {  	_ =	shalt  }

// kernel: kernel.20.cloned.1.call-start
scs
__scs_entry_jumppad:
0x0: {  	(pc) =	sbr.rel $0x88, $3  }
0x1: {  	(tag) =	ssettag $0x0;
	lr =	simm.s32 $0x1  }
0x2: {  	[smem:$0x3F99] =	sst lr;
	_ =	strace $0xD0000000  }
0x3: {  	_ = 	snop  }
0x4: {  	_ = 	snop  }
0x5: {  	_ = 	snop  }
0x6: {  	_ = 	snop  }
0x7: {  	_ = 	snop  }
__scs_overlays_trampoline_lowered:
0x8: {  	[smem:$0x3FA8] =	sst s0  }
0x9: {  	[smem:$0x3FA9] =	sst s1  }
0xa: {  	[smem:$0x3FAA] =	sst s2  }
0xb: {  	[smem:$0x3FAB] =	sst s3  }
0xc: {  	[smem:$0x3FAC] =	sst s4  }
0xd: {  	[smem:$0x3FAD] =	sst s5  }
0xe: {  	[smem:$0x3FAE] =	sst s6  }
0xf: {  	[smem:$0x3FAF] =	sst s7  }
0x10: {  	[smem:$0x3FB0] =	sst s8  }
0x11: {  	[smem:$0x3FB1] =	sst s9;
	s0 =	simm.s32 @!p0 $0x0  }
0x12: {  	s1 =	sld [smem:$0x3F97];
	s0 =	simm.s32 @p0 $0x1  }
0x13: {  	[smem:$0x3FB2] =	sst s0;
	s0 =	simm.s32 @!p1 $0x0  }
0x14: {  	s2 =	sld [smem:$0x3F96];
	s0 =	simm.s32 @p1 $0x1  }
0x15: {  	[smem:$0x3FB3] =	sst s0;
	s0 =	simm.s32 @!p2 $0x0  }
0x16: {  	s3 =	sld [smem:$0x3FDB];
	s0 =	simm.s32 @p2 $0x1  }
0x17: {  	s4 =	simm.s32 $0x1BF5;
	[smem:$0x3FB5] =	sst s0  }
0x18: {  	s0 =	sld [smem:$0x3F98];
	_ =	swait.ge [sflag:s4], $0x0  }
0x19: {  	s7 =	sld [smem:$0x3F99]  }
0x1a: {  	s8 =	sadd.s32 $0xFFFFE003, lr  }
0x1b: {  	s9 =	sadd.s32 $0xFFFFFEF7, lr;
	s5 =	simm.s32 $0xFFFFFFFF;
	p2 =	slt.u32 s8, $0xFFFFF086  }
0x1c: {  	p1 =	slt.u32 s9, $0xF7A;
	s5 =	simm.s32 @!p2 $0x0  }
0x1d: {  	s5 =	simm.s32 @p1 $0x1;
	p0 =	seq.s32 s7, s2  }
0x1e: {  	s7 =	smul.u32 @!p0 $0xF7A, s2;
	p2 =	seq.s32 @!p0 s5, $0x0  }
0x1f: {  	s9 =	smul.u32 $0xF7A, s1;
	s8 =	simm.s32 @!p0 $0x1BF5;
	p2 =	por !p2, p0  }
0x20: {  	[sflag:s8] =	ssyncset.s32 @!p0 $0xFFFFF086;
	s6 =	sadd.s32 @!p0 s3, s7;
	s7 =	simm.s32 @!p0 $0x108  }
0x21: {  	s3 =	sadd.s32 s3, s9;
	s6 =	sadd.s32 @!p0 $0x88, s6;
	s7 =	simm.s32 @p2 $0x1082  }
0x22: {  	[simem:s7], [sflag:s8] =	dma.local @!p0 [hbm:s6], $0xF7A  }
0x23: {  	s9 =	sor.u32 $0xD0000000, s2;
	s6 =	simm.s32 $0x108;
	_ =	swait.ge @!p0 [sflag:s8], $0x0  }
0x24: {  	s3 =	sadd.s32 $0x88, s3;
	s6 =	simm.s32 @!p1 $0x1082;
	[sflag:s4] =	ssyncset.s32 $0xFFFFF086  }
0x25: {  	[simem:s6], [sflag:s4] =	dma.local [hbm:s3], $0xF7A  }
0x26: {  	[smem:$0x3F99] =	sst s1;
	(tag) =	ssettag s2;
	_ =	strace s9  }
0x27: {  	s1 =	sld [smem:$0x3FA9]  }
0x28: {  	s2 =	sld [smem:$0x3FAA]  }
0x29: {  	s4 =	sld [smem:$0x3FAC]  }
0x2a: {  	p0 =	seq.s32 s5, $0x0;
	s5 =	sld [smem:$0x3FAD]  }
0x2b: {  	s6 =	sld [smem:$0x3FAE]  }
0x2c: {  	s7 =	sld [smem:$0x3FAF]  }
0x2d: {  	s3 =	simm.s32 $0x108;
	s8 =	sld [smem:$0x3FB0]  }
0x2e: {  	s3 =	simm.s32 @!p0 $0x1082;
	s9 =	sld [smem:$0x3FB1]  }
0x2f: {  	lr =	sadd.s32 s0, s3;
	s0 =	sld [smem:$0x3FA8]  }
0x30: {  	s3 =	sld [smem:$0x3FAB]  }
0x31: {  	[smem:$0x3FB4] =	sst s10  }
0x32: {  	s10 =	sld [smem:$0x3FB2];
	_ =	sdelay $0x3  }
0x33: {  	p0 =	seq.s32 s10, $0x1;
	s10 =	sld [smem:$0x3FB4];
	_ =	sdelay $0x3  }
0x34: {  	[smem:$0x3FB4] =	sst s10  }
0x35: {  	s10 =	sld [smem:$0x3FB3];
	_ =	sdelay $0x3  }
0x36: {  	p1 =	seq.s32 s10, $0x1;
	s10 =	sld [smem:$0x3FB4];
	_ =	sdelay $0x3  }
0x37: {  	[smem:$0x3FB4] =	sst s10  }
0x38: {  	s10 =	sld [smem:$0x3FB5]  }
0x39: {  	_ = 	snop;
	(pc) =	sbr.ind lr, $3  }
0x3a: {  	_ = 	snop  }
0x3b: {  	_ = 	snop  }
0x3c: {  	p2 =	seq.s32 s10, $0x1;
	s10 =	sld [smem:$0x3FB4]  }
0x3d: {  	_ =	shalt  }
0x3e: {  	_ =	shalt  }
0x3f: {  	_ =	shalt  }
0x40: {  	_ =	shalt  }
0x41: {  	_ =	shalt  }
0x42: {  	_ =	shalt  }
0x43: {  	_ =	shalt  }
0x44: {  	_ =	shalt  }
0x45: {  	_ =	shalt  }
0x46: {  	_ =	shalt  }
0x47: {  	_ =	shalt  }
0x48: {  	_ =	shalt  }
0x49: {  	_ =	shalt  }
0x4a: {  	_ =	shalt  }
0x4b: {  	_ =	shalt  }
0x4c: {  	_ =	shalt  }
0x4d: {  	_ =	shalt  }
0x4e: {  	_ =	shalt  }
0x4f: {  	_ =	shalt  }
0x50: {  	_ =	shalt  }
0x51: {  	_ =	shalt  }
0x52: {  	_ =	shalt  }
0x53: {  	_ =	shalt  }
0x54: {  	_ =	shalt  }
0x55: {  	_ =	shalt  }
0x56: {  	_ =	shalt  }
0x57: {  	_ =	shalt  }
0x58: {  	_ =	shalt  }
0x59: {  	_ =	shalt  }
0x5a: {  	_ =	shalt  }
0x5b: {  	_ =	shalt  }
0x5c: {  	_ =	shalt  }
0x5d: {  	_ =	shalt  }
0x5e: {  	_ =	shalt  }
0x5f: {  	_ =	shalt  }
0x60: {  	_ =	shalt  }
0x61: {  	_ =	shalt  }
0x62: {  	_ =	shalt  }
0x63: {  	_ =	shalt  }
0x64: {  	_ =	shalt  }
0x65: {  	_ =	shalt  }
0x66: {  	_ =	shalt  }
0x67: {  	_ =	shalt  }
0x68: {  	_ =	shalt  }
0x69: {  	_ =	shalt  }
0x6a: {  	_ =	shalt  }
0x6b: {  	_ =	shalt  }
0x6c: {  	_ =	shalt  }
0x6d: {  	_ =	shalt  }
0x6e: {  	_ =	shalt  }
0x6f: {  	_ =	shalt  }
0x70: {  	_ =	shalt  }
0x71: {  	_ =	shalt  }
0x72: {  	_ =	shalt  }
0x73: {  	_ =	shalt  }
0x74: {  	_ =	shalt  }
0x75: {  	_ =	shalt  }
0x76: {  	_ =	shalt  }
0x77: {  	_ =	shalt  }
0x78: {  	_ =	shalt  }
0x79: {  	_ =	shalt  }
0x7a: {  	_ =	shalt  }
0x7b: {  	_ =	shalt  }
0x7c: {  	_ =	shalt  }
0x7d: {  	_ =	shalt  }
0x7e: {  	_ =	shalt  }
0x7f: {  	_ =	shalt  }
0x80: {  	_ =	shalt  }
0x81: {  	_ =	shalt  }
0x82: {  	_ =	shalt  }
0x83: {  	_ =	shalt  }
0x84: {  	_ =	shalt  }
0x85: {  	_ =	shalt  }
0x86: {  	_ =	shalt  }
0x87: {  	_ =	shalt  }
.Lfunc_end0:
.L_simem_size_0:
called_computation.3_lowered:
.L_overlay_start_0:
0x88: {  	s2 =	sld [smem:$0x3FD9]  }
0x89: {  	s3 =	sld [smem:$0x3FFE];
	_ =	sdelay $0x1  }
0x8a: {  	s1 =	srdreg.scid  }
0x8b: {  	s0 =	sand.u32 $0x1, s1  }
0x8c: {  	s17 =	sshll.u32 s0, $0xA;
	s2 =	sadd.s32 s3, s2  }
0x8d: {  	s2 =	sadd.s32 s2, s17  }
0x8e: {  	[smem:$0x3FC0] =	sst s2  }
0x8f: {  	_ = 	snop  }
0x90: {  	s2 =	sld [smem:$0x3FD0];
	(tm) =	ssettm $0x1  }
0x91: {  	s18 =	sld [smem:$0x3FFB];
	_ =	sdelay $0x3  }
0x92: {  	_ =	strace s18  }
0x93: {  	s3 =	sld [smem:$0x3FFC];
	_ =	sdelay $0x3  }
0x94: {  	_ =	strace s3  }
0x95: {  	s3 =	sld [smem:$0x3FFD];
	_ =	sdelay $0x3  }
0x96: {  	_ =	strace s3  }
0x97: {  	_ =	strace $0x8FFFFFFF  }
0x98: {  	s19 =	sld [smem:$0x3FDB];
	_ =	sdelay $0x1  }
0x99: {  	s4 =	simm.s32 $_scs_section_size  }
0x9a: {  	s5 =	simm.s32 $_size__tile_overlayer_lowered;
	s6 =	simm.s32 $_tile_overlayer_lowered  }
0x9b: {  	s22 =	simm.s32 $0x1BFF;
	s21 =	sshll.u32 s6, $0x1;
	s3 =	sadd.s32 s4, s19  }
0x9c: {  	s7 =	simm.s32 $0x0;
	s20 =	sshll.u32 s5, $0x1;
	s5 =	sadd.s32 s21, s3  }
0x9d: {  	[timem:s7], [sflag:s22] =	dma.local [hbm:s5], s20  }
0x9e: {  	_ =	swait.ge [sflag:s22], s20  }
0x9f: {  	s4 =	ssub.s32 $0x0, s20;
	[sflag:s22] =	ssyncset.done $0x0  }
0xa0: {  	[sflag:s22] =	ssyncadd.s32 s4;
	_ =	sdelay $0x1  }
0xa1: {  	s23 =	simm.s32 $0x1B8B  }
0xa2: {  	_ =	swait.ge [sflag:s23], $0x1  }
0xa3: {  	[sflag:s23] =	ssyncset.done $0x0  }
0xa4: {  	s25 =	simm.s32 $0x1B8E;
	s24 =	sld [smem:$0x3FFE];
	[sflag:s23] =	ssyncadd.s32 $0xFFFFFFFF  }
0xa5: {  	s26 =	simm.s32 $execute0_lowered;
	[smem:$0x3FD2] =	sst s25  }
0xa6: {  	s5 =	sshll.u32 s26, $0x1;
	_ =	strace $0x8000004F;
	[dreg:$0x1] =	wrdreg $0xFFFFFFFF  }
0xa7: {  	s28 =	simm.s32 $_size_execute0_lowered;
	s3 =	sadd.s32 s3, s5;
	[dreg:$0x0] =	wrdreg $0x0  }
0xa8: {  	s5 =	sshll.u32 s28, $0x1;
	[dreg:$0x2] =	wrdreg s3  }
0xa9: {  	[dreg:$0x3] =	wrdreg s5  }
0xaa: {  	[dreg:$0x4] =	wrdreg $0xC0  }
0xab: {  	_ =	task [dreg:s7], $0x5FFFF  }
0xac: {  	[dreg:$0x1] =	wrdreg $0xFFFFFFFF  }
0xad: {  	[dreg:$0x0] =	wrdreg $0x60  }
0xae: {  	[dreg:$0x2] =	wrdreg s2  }
0xaf: {  	[dreg:$0x3] =	wrdreg s24  }
0xb0: {  	[dreg:$0x4] =	wrdreg $0xB8000  }
0xb1: {  	[dreg:$0x5] =	wrdreg $0x9  }
0xb2: {  	_ =	task.clear_ibuf [dreg:s7], $0x6FFFF;
	_ =	strace $0x9000004F  }
0xb3: {  	s29 =	simm.s32 $0x9;
	_ =	strace $0x80000051  }
0xb4: {  	_ =	swait.ge [sflag:s29], $0x1  }
0xb5: {  	[sflag:s29] =	ssyncadd.s32 $0xFFFFFFFF  }
0xb6: {  	_ =	strace $0x90000051  }
0xb7: {  	_ =	sfence  }
0xb8: {  	s30 =	sld [smem:$0x0];
	_ =	sdelay $0x2  }
0xb9: {  	s31 =	sshll.u32 s1, $0xD;
	s1 =	sshrl.u32 s1, $0x2  }
0xba: {  	s3 =	sand.u32 $0x4000, s31;
	s1 =	sadd.s32 s1, s30  }
0xbb: {  	s0 =	sor.u32 s3, s0;
	s1 =	sshll.u32 s1, $0x11  }
0xbc: {  	s0 =	sor.u32 s1, s0  }
0xbd: {  	s0 =	sadd.s32 $0x8F2B, s0  }
0xbe: {  	[sflag:s0] =	ssyncadd.remote.s32 $0x1  }
0xbf: {  	_ =	sfence.sel $0xFFFF  }
0xc0: {  	[dreg:$0x0] =	wrdreg $0xFFFFFFFF;
	(pc) =	sbr.abs _section_cstart, $3  }
0xc1: {  	[dreg:$0x1] =	wrdreg $0xFFFFFFFF  }
0xc2: {  	_ =	task.clear_ibuf [dreg:s7], $0x2FFFF;
	_ =	strace $0x9FFFFFFF  }
0xc3: {  	(tm) =	ssettm $0x7FFFFFFF  }
tec
execute0_lowered:
.L_overlay_start_1:
0x0: {  	(tag) =	ssettag $0x1  }
0x1: {  	s1 =	rddreg [dreg:$0x0]  }
0x2: {  	s0 =	rddreg [dreg:$0x1]  }
0x3: {  	s2 =	rddreg [dreg:$0x2];
	s3 =	srdreg.scid  }
0x4: {  	s5 =	simm.s32 $0x0;
	s10 =	stileid.u32;
	s12 =	simm.s32 $0x0  }
0x5: {  	s3 =	sand.u32 $0x1, s3;
	[smem:$0x7FF] =	sst s5;
	s16 =	smul.u32 $0x2800, s10  }
0x6: {  	s7 =	sadd.s32 $0x5000, s0;
	s8 =	sadd.s32 $0xF000, s0;
	s18 =	sadd.s32 $0xEE00, s0  }
0x7: {  	s20 =	sadd.s32 $0x9D80, s0;
	_ =	strace $0x80000050;
	[dreg:$0x4] =	wrdreg s8  }
0x8: {  	s4 =	smul.u32 $0x28000, s3;
	s6 =	sshll.u32 s3, $0x4;
	[dreg:$0x5] =	wrdreg s18  }
0x9: {  	s3 =	ssub.s32 $0x2, s3;
	s6 =	sor.u32 s10, s6;
	s10 =	smul.u32 $0x50000, s10  }
0xa: {  	[dreg:$0x8] =	wrdreg s20;
	s8 =	simm.s32 $0x3;
	s17 =	smul.u32 $0x1400, s6  }
0xb: {  	s9 =	sshrl.u32 s3, $0x1;
	s4 =	sadd.s32 s16, s4;
	s19 =	smul.u32 $0x280, s6  }
0xc: {  	s3 =	ssub.s32 s3, s9;
	p0 =	seq.s32 s6, $0x1F;
	s6 =	simm.s32 $0x6800  }
0xd: {  	s9 =	simm.s32 $0x1;
	s4 =	sadd.s32 s4, s0;
	s0 =	sadd.s32 $0xEC00, s0  }
0xe: {  	s21 =	sshrl.u32 s10, $0x2;
	s23 =	smax.u32 s3, $0x1;
	s10 =	simm.s32 $0x2  }
0xf: {  	s5 =	sshrl.u32 s17, $0x3;
	[dreg:$0x9] =	wrdreg s0;
	s11 =	sadd.s32 s21, s2  }
0x10: {  	s22 =	sadd.s32 $0x36400, s4;
	[dreg:$0xb] =	wrdreg s23;
	s4 =	simm.s32 $0x80  }
0x11: {  	s5 =	sadd.s32 s7, s5;
	s7 =	sadd.s32 s7, s19;
	[dreg:$0xa] =	wrdreg s22  }
0x12: {  	s24 =	sadd.s32 $0x1000, s11;
	s25 =	sadd.s32 $0x2000, s11;
	s26 =	sadd.s32 $0x3000, s11  }
0x13: {  	s17 =	sadd.s32 $0x4000, s11;
	s18 =	sadd.s32 $0x5000, s11;
	s19 =	sadd.s32 $0x6000, s11  }
0x14: {  	s20 =	sadd.s32 $0x7000, s11;
	s21 =	sadd.s32 $0x8000, s11;
	s22 =	sadd.s32 $0x9000, s11  }
0x15: {  	s23 =	sadd.s32 $0xA000, s11;
	s28 =	sadd.s32 $0xE000, s11;
	[dreg:$0x6] =	wrdreg s7  }
0x16: {  	s29 =	sadd.s32 $0xF000, s11;
	s30 =	sadd.s32 $0x10000, s11;
	[dreg:$0xc] =	wrdreg s24  }
0x17: {  	s31 =	sadd.s32 $0x11000, s11;
	s0 =	sadd.s32 $0x12000, s11;
	[dreg:$0xd] =	wrdreg s25  }
0x18: {  	s3 =	sadd.s32 $0x13000, s11;
	s5 =	sadd.s32 $0x4E80, s5;
	[dreg:$0xe] =	wrdreg s26  }
0x19: {  	s24 =	sadd.s32 $0xB000, s11;
	s25 =	sadd.s32 $0xC000, s11;
	s26 =	sadd.s32 $0xD000, s11  }
0x1a: {  	v0 =	vimm.f32 $0.0e+00;
	s7 =	simm.s32 $0xA800;
	[dreg:$0x7] =	wrdreg s5;
	s5 =	simm.s32 $0x2800  }
.LBB2_1:
0x1b: {  	s13 =	simm.s32 @p0 $0x0;
	s14 =	rddreg [dreg:$0x8]  }
0x1c: {  	[tilespmem:s13], [sflag:$0x3] =	stream.linear.gather @p0 [hbm4b:s14+s13], $0x400, $0x38;
	[tilespmem:$0x1F800] =	vst v63  }
0x1d: {  	s14 =	simm.s32 @p0 $0x3  }
0x1e: {  	_ =	swait.ge @p0 [sflag:s14], $0x400  }
0x1f: {  	[sflag:s14] =	ssyncset.done @p0 $0x0  }
0x20: {  	s15 =	simm.s32 @p0 $0x400;
	s16 =	rddreg [dreg:$0x4];
	[sflag:s14] =	ssyncadd.s32 @p0 $0xFFFFFC00  }
0x21: {  	[tilespmem:s15], [sflag:$0x3] =	stream.linear.gather @p0 [hbm4b:s16+s13], $0x1000, $0x38;
	[tilespmem:$0x1F800] =	vst v63  }
0x22: {  	_ =	swait.ge @p0 [sflag:s14], $0x1000  }
0x23: {  	[sflag:s14] =	ssyncset.done @p0 $0x0  }
0x24: {  	s15 =	simm.s32 @p0 $0x1400;
	s16 =	rddreg [dreg:$0x9];
	[sflag:s14] =	ssyncadd.s32 @p0 $0xFFFFF000  }
0x25: {  	[tilespmem:s15], [sflag:$0x3] =	stream.linear.gather @p0 [hbm4b:s16+s13], $0x400, $0x38;
	[tilespmem:$0x1F800] =	vst v63  }
0x26: {  	_ =	swait.ge @p0 [sflag:s14], $0x400  }
0x27: {  	[sflag:s14] =	ssyncset.done @p0 $0x0  }
0x28: {  	s15 =	simm.s32 @p0 $0x1800;
	s16 =	rddreg [dreg:$0x5];
	[sflag:s14] =	ssyncadd.s32 @p0 $0xFFFFFC00  }
0x29: {  	[tilespmem:s15], [sflag:$0x3] =	stream.linear.gather @p0 [hbm4b:s16+s13], $0x1000, $0x38;
	[tilespmem:$0x1F800] =	vst v63  }
0x2a: {  	_ =	swait.ge @p0 [sflag:s14], $0x1000  }
0x2b: {  	[sflag:s14] =	ssyncset.done @p0 $0x0  }
0x2c: {  	s13 =	simm.s32 @!p0 $0x0;
	[sflag:s14] =	ssyncadd.s32 @p0 $0xFFFFF000;
	s14 =	rddreg [dreg:$0x6]  }
0x2d: {  	[tilespmem:s13], [sflag:$0x3] =	stream.linear.gather @!p0 [hbm4b:s14+s13], $0x1400, $0x38;
	[tilespmem:$0x1F800] =	vst v63  }
0x2e: {  	s14 =	simm.s32 @!p0 $0x3  }
0x2f: {  	_ =	swait.ge @!p0 [sflag:s14], $0x1400  }
0x30: {  	[sflag:s14] =	ssyncset.done @!p0 $0x0  }
0x31: {  	s15 =	simm.s32 @!p0 $0x1400;
	s16 =	rddreg [dreg:$0x7];
	[sflag:s14] =	ssyncadd.s32 @!p0 $0xFFFFEC00  }
0x32: {  	[tilespmem:s15], [sflag:$0x3] =	stream.linear.gather @!p0 [hbm4b:s16+s13], $0x1400, $0x38;
	[tilespmem:$0x1F800] =	vst v63  }
0x33: {  	_ =	swait.ge @!p0 [sflag:s14], $0x1400  }
0x34: {  	[sflag:s14] =	ssyncset.done @!p0 $0x0  }
0x35: {  	s16 =	simm.s32 $0x0;
	[sflag:s14] =	ssyncadd.s32 @!p0 $0xFFFFEC00  }
0x36: {  	[tilespmem:s5], [sflag:$0x1] =	stream.indirect.gather [hbm4b:s1+s4], $0x80, s16, s4, $0xb8;
	[tilespmem:$0x1F800] =	vst v63  }
0x37: {  	s13 =	simm.s32 $0x0;
	s14 =	simm.s32 $0x200  }
0x38: {  	[tilespmem:s6], [sflag:$0x2] =	stream.indirect.gather [hbm4b:s1+s4], $0x80, s4, s4, $0xb8;
	[tilespmem:$0x1F800] =	vst v63  }
.LBB2_2:
0x39: {  	p1 =	seq.s32 s14, $0x3E00;
	[tilespmem:s13+$0xA870] =	vst v0  }
0x3a: {  	[tilespmem:s13+$0xA800] =	vst v0  }
0x3b: {  	[tilespmem:s13+$0xA810] =	vst v0  }
.Ltmp0:
0x3c: {  	[tilespmem:s13+$0xA820] =	vst v0;
	(pc) =	sbr.rel @!p1 .LBB2_2-.Ltmp0, $4  }
0x3d: {  	[tilespmem:s13+$0xA830] =	vst v0  }
0x3e: {  	[tilespmem:s13+$0xA840] =	vst v0  }
0x3f: {  	[tilespmem:s13+$0xA850] =	vst v0  }
0x40: {  	[tilespmem:s13+$0xA860] =	vst v0;
	s13 =	sshra.s32 s14, $0x2;
	s14 =	sadd.s32 $0x200, s14  }
0x41: {  	[tilespmem:s13+$0xA870] =	vst v0  }
0x42: {  	[tilespmem:s13+$0xA800] =	vst v0  }
0x43: {  	[tilespmem:s13+$0xA810] =	vst v0  }
0x44: {  	[tilespmem:s13+$0xA820] =	vst v0  }
0x45: {  	[tilespmem:s13+$0xA830] =	vst v0  }
0x46: {  	[tilespmem:s13+$0xA840] =	vst v0  }
0x47: {  	[tilespmem:s13+$0xA850] =	vst v0  }
0x48: {  	[tilespmem:s13+$0xA860] =	vst v0  }
0x49: {  	[spmem:s11] =	stream.linear.scatter [tilespmem:s7], [sflag:$0x3], $0x1000, $0x38;
	[tilespmem:$0x1F800] =	vst v63  }
0x4a: {  	_ =	swait.ge [sflag:s8], $0x1000  }
0x4b: {  	[sflag:s8] =	ssyncset.done $0x0  }
0x4c: {  	s14 =	rddreg [dreg:$0xc];
	[sflag:s8] =	ssyncadd.s32 $0xFFFFF000  }
0x4d: {  	[spmem:s14] =	stream.linear.scatter [tilespmem:s7], [sflag:$0x3], $0x1000, $0x38;
	[tilespmem:$0x1F800] =	vst v63  }
0x4e: {  	_ =	swait.ge [sflag:s8], $0x1000  }
0x4f: {  	[sflag:s8] =	ssyncset.done $0x0  }
0x50: {  	s15 =	rddreg [dreg:$0xd];
	[sflag:s8] =	ssyncadd.s32 $0xFFFFF000  }
0x51: {  	[spmem:s15] =	stream.linear.scatter [tilespmem:s7], [sflag:$0x3], $0x1000, $0x38;
	[tilespmem:$0x1F800] =	vst v63  }
0x52: {  	_ =	swait.ge [sflag:s8], $0x1000  }
0x53: {  	[sflag:s8] =	ssyncset.done $0x0  }
0x54: {  	s16 =	rddreg [dreg:$0xe];
	[sflag:s8] =	ssyncadd.s32 $0xFFFFF000  }
0x55: {  	[spmem:s16] =	stream.linear.scatter [tilespmem:s7], [sflag:$0x3], $0x1000, $0x38;
	[tilespmem:$0x1F800] =	vst v63  }
0x56: {  	_ =	swait.ge [sflag:s8], $0x1000  }
0x57: {  	[sflag:s8] =	ssyncset.done $0x0  }
0x58: {  	[sflag:s8] =	ssyncadd.s32 $0xFFFFF000  }
0x59: {  	[spmem:s17] =	stream.linear.scatter [tilespmem:s7], [sflag:$0x3], $0x1000, $0x38;
	[tilespmem:$0x1F800] =	vst v63  }
0x5a: {  	_ =	swait.ge [sflag:s8], $0x1000  }
0x5b: {  	[sflag:s8] =	ssyncset.done $0x0  }
0x5c: {  	[sflag:s8] =	ssyncadd.s32 $0xFFFFF000  }
0x5d: {  	[spmem:s18] =	stream.linear.scatter [tilespmem:s7], [sflag:$0x3], $0x1000, $0x38;
	[tilespmem:$0x1F800] =	vst v63  }
0x5e: {  	_ =	swait.ge [sflag:s8], $0x1000  }
0x5f: {  	[sflag:s8] =	ssyncset.done $0x0  }
0x60: {  	[sflag:s8] =	ssyncadd.s32 $0xFFFFF000  }
0x61: {  	[spmem:s19] =	stream.linear.scatter [tilespmem:s7], [sflag:$0x3], $0x1000, $0x38;
	[tilespmem:$0x1F800] =	vst v63  }
0x62: {  	_ =	swait.ge [sflag:s8], $0x1000  }
0x63: {  	[sflag:s8] =	ssyncset.done $0x0  }
0x64: {  	[sflag:s8] =	ssyncadd.s32 $0xFFFFF000  }
0x65: {  	[spmem:s20] =	stream.linear.scatter [tilespmem:s7], [sflag:$0x3], $0x1000, $0x38;
	[tilespmem:$0x1F800] =	vst v63  }
0x66: {  	_ =	swait.ge [sflag:s8], $0x1000  }
0x67: {  	[sflag:s8] =	ssyncset.done $0x0  }
0x68: {  	[sflag:s8] =	ssyncadd.s32 $0xFFFFF000  }
0x69: {  	[spmem:s21] =	stream.linear.scatter [tilespmem:s7], [sflag:$0x3], $0x1000, $0x38;
	[tilespmem:$0x1F800] =	vst v63  }
0x6a: {  	_ =	swait.ge [sflag:s8], $0x1000  }
0x6b: {  	[sflag:s8] =	ssyncset.done $0x0  }
0x6c: {  	[sflag:s8] =	ssyncadd.s32 $0xFFFFF000  }
0x6d: {  	[spmem:s22] =	stream.linear.scatter [tilespmem:s7], [sflag:$0x3], $0x1000, $0x38;
	[tilespmem:$0x1F800] =	vst v63  }
0x6e: {  	_ =	swait.ge [sflag:s8], $0x1000  }
0x6f: {  	[sflag:s8] =	ssyncset.done $0x0  }
0x70: {  	[sflag:s8] =	ssyncadd.s32 $0xFFFFF000  }
0x71: {  	[spmem:s23] =	stream.linear.scatter [tilespmem:s7], [sflag:$0x3], $0x1000, $0x38;
	[tilespmem:$0x1F800] =	vst v63  }
0x72: {  	_ =	swait.ge [sflag:s8], $0x1000  }
0x73: {  	[sflag:s8] =	ssyncset.done $0x0  }
0x74: {  	[sflag:s8] =	ssyncadd.s32 $0xFFFFF000  }
0x75: {  	[spmem:s24] =	stream.linear.scatter [tilespmem:s7], [sflag:$0x3], $0x1000, $0x38;
	[tilespmem:$0x1F800] =	vst v63  }
0x76: {  	_ =	swait.ge [sflag:s8], $0x1000  }
0x77: {  	[sflag:s8] =	ssyncset.done $0x0  }
0x78: {  	[sflag:s8] =	ssyncadd.s32 $0xFFFFF000  }
0x79: {  	[spmem:s25] =	stream.linear.scatter [tilespmem:s7], [sflag:$0x3], $0x1000, $0x38;
	[tilespmem:$0x1F800] =	vst v63  }
0x7a: {  	_ =	swait.ge [sflag:s8], $0x1000  }
0x7b: {  	[sflag:s8] =	ssyncset.done $0x0  }
0x7c: {  	[sflag:s8] =	ssyncadd.s32 $0xFFFFF000  }
0x7d: {  	[spmem:s26] =	stream.linear.scatter [tilespmem:s7], [sflag:$0x3], $0x1000, $0x38;
	[tilespmem:$0x1F800] =	vst v63  }
0x7e: {  	_ =	swait.ge [sflag:s8], $0x1000  }
0x7f: {  	[sflag:s8] =	ssyncset.done $0x0  }
0x80: {  	[sflag:s8] =	ssyncadd.s32 $0xFFFFF000  }
0x81: {  	[spmem:s28] =	stream.linear.scatter [tilespmem:s7], [sflag:$0x3], $0x1000, $0x38;
	[tilespmem:$0x1F800] =	vst v63  }
0x82: {  	_ =	swait.ge [sflag:s8], $0x1000  }
0x83: {  	[sflag:s8] =	ssyncset.done $0x0  }
0x84: {  	[sflag:s8] =	ssyncadd.s32 $0xFFFFF000  }
0x85: {  	[spmem:s29] =	stream.linear.scatter [tilespmem:s7], [sflag:$0x3], $0x1000, $0x38;
	[tilespmem:$0x1F800] =	vst v63  }
0x86: {  	_ =	swait.ge [sflag:s8], $0x1000  }
0x87: {  	[sflag:s8] =	ssyncset.done $0x0  }
0x88: {  	[sflag:s8] =	ssyncadd.s32 $0xFFFFF000  }
0x89: {  	[spmem:s30] =	stream.linear.scatter [tilespmem:s7], [sflag:$0x3], $0x1000, $0x38;
	[tilespmem:$0x1F800] =	vst v63  }
0x8a: {  	_ =	swait.ge [sflag:s8], $0x1000  }
0x8b: {  	[sflag:s8] =	ssyncset.done $0x0  }
0x8c: {  	[sflag:s8] =	ssyncadd.s32 $0xFFFFF000  }
0x8d: {  	[spmem:s31] =	stream.linear.scatter [tilespmem:s7], [sflag:$0x3], $0x1000, $0x38;
	[tilespmem:$0x1F800] =	vst v63  }
0x8e: {  	_ =	swait.ge [sflag:s8], $0x1000  }
0x8f: {  	[sflag:s8] =	ssyncset.done $0x0  }
0x90: {  	[sflag:s8] =	ssyncadd.s32 $0xFFFFF000  }
0x91: {  	[spmem:s0] =	stream.linear.scatter [tilespmem:s7], [sflag:$0x3], $0x1000, $0x38;
	[tilespmem:$0x1F800] =	vst v63  }
0x92: {  	_ =	swait.ge [sflag:s8], $0x1000  }
0x93: {  	[sflag:s8] =	ssyncset.done $0x0  }
0x94: {  	[sflag:s8] =	ssyncadd.s32 $0xFFFFF000  }
0x95: {  	[spmem:s3] =	stream.linear.scatter [tilespmem:s7], [sflag:$0x3], $0x1000, $0x38;
	[tilespmem:$0x1F800] =	vst v63  }
0x96: {  	_ =	swait.ge [sflag:s8], $0x1000  }
0x97: {  	[sflag:s8] =	ssyncset.done $0x0  }
0x98: {  	[sflag:s8] =	ssyncadd.s32 $0xFFFFF000  }
0x99: {  	[bflag:$0x0] =	sbarrier.arrive $0xFFFF  }
0x9a: {  	_ =	swait.ge [sflag:s9], $0x4000  }
0x9b: {  	[sflag:s9] =	ssyncset.done $0x0  }
0x9c: {  	s14 =	simm.s32 $0x1400;
	[sflag:s9] =	ssyncadd.s32 $0xFFFFC000  }
0x9d: {  	[spmem:s2] =	stream.indirect.scatter.add.f32 [tilespmem:s5], [sflag:$0x3], $0x80, s14, s4, $0xb8;
	[tilespmem:$0x1F800] =	vst v63  }
0x9e: {  	_ =	swait.ge [sflag:s8], $0x4000  }
0x9f: {  	[sflag:s8] =	ssyncset.done $0x0  }
0xa0: {  	s15 =	simm.s32 $0x100;
	[sflag:s8] =	ssyncadd.s32 $0xFFFFC000  }
0xa1: {  	[tilespmem:s5], [sflag:$0x1] =	stream.indirect.gather [hbm4b:s1+s4], $0x80, s15, s4, $0xb8;
	[tilespmem:$0x1F800] =	vst v63  }
0xa2: {  	_ =	swait.ge [sflag:s10], $0x4000  }
0xa3: {  	[sflag:s10] =	ssyncset.done $0x0  }
0xa4: {  	s16 =	simm.s32 $0x1480;
	[sflag:s10] =	ssyncadd.s32 $0xFFFFC000  }
0xa5: {  	[spmem:s2] =	stream.indirect.scatter.add.f32 [tilespmem:s6], [sflag:$0x3], $0x80, s16, s4, $0xb8;
	[tilespmem:$0x1F800] =	vst v63  }
0xa6: {  	_ =	swait.ge [sflag:s8], $0x4000  }
0xa7: {  	[sflag:s8] =	ssyncset.done $0x0  }
0xa8: {  	s13 =	simm.s32 $0x400;
	s14 =	simm.s32 $0x180;
	[sflag:s8] =	ssyncadd.s32 $0xFFFFC000  }
.LBB2_4:
0xa9: {  	[tilespmem:s6], [sflag:$0x2] =	stream.indirect.gather [hbm4b:s1+s4], $0x80, s14, s4, $0xb8;
	[tilespmem:$0x1F800] =	vst v63  }
0xaa: {  	s14 =	smov.u32 s13  }
0xab: {  	p1 =	sne.s32 s13, $0x4800;
	s13 =	sadd.s32 $0x400, s13;
	_ =	swait.ge [sflag:s9], $0x4000  }
0xac: {  	s14 =	sshra.s32 s14, $0x2;
	[sflag:s9] =	ssyncset.done $0x0  }
0xad: {  	s15 =	sadd.s32 $0x1400, s14;
	[sflag:s9] =	ssyncadd.s32 $0xFFFFC000  }
0xae: {  	[spmem:s2] =	stream.indirect.scatter.add.f32 [tilespmem:s5], [sflag:$0x3], $0x80, s15, s4, $0xb8;
	[tilespmem:$0x1F800] =	vst v63  }
0xaf: {  	_ =	swait.ge [sflag:s8], $0x4000  }
0xb0: {  	[sflag:s8] =	ssyncset.done $0x0  }
0xb1: {  	s15 =	sadd.s32 $0x100, s14;
	[sflag:s8] =	ssyncadd.s32 $0xFFFFC000  }
0xb2: {  	[tilespmem:s5], [sflag:$0x1] =	stream.indirect.gather [hbm4b:s1+s4], $0x80, s15, s4, $0xb8;
	[tilespmem:$0x1F800] =	vst v63  }
0xb3: {  	_ =	swait.ge [sflag:s10], $0x4000  }
0xb4: {  	[sflag:s10] =	ssyncset.done $0x0  }
.Ltmp1:
0xb5: {  	s15 =	sadd.s32 $0x1480, s14;
	[sflag:s10] =	ssyncadd.s32 $0xFFFFC000;
	(pc) =	sbr.rel @p1 .LBB2_4-.Ltmp1, $4  }
0xb6: {  	[spmem:s2] =	stream.indirect.scatter.add.f32 [tilespmem:s6], [sflag:$0x3], $0x80, s15, s4, $0xb8;
	[tilespmem:$0x1F800] =	vst v63  }
0xb7: {  	_ =	swait.ge [sflag:s8], $0x4000  }
0xb8: {  	[sflag:s8] =	ssyncset.done $0x0  }
0xb9: {  	s14 =	sadd.s32 $0x180, s14;
	[sflag:s8] =	ssyncadd.s32 $0xFFFFC000  }
0xba: {  	[tilespmem:s6], [sflag:$0x2] =	stream.indirect.gather [hbm4b:s1+s4], $0x80, s14, s4, $0xb8;
	[tilespmem:$0x1F800] =	vst v63  }
0xbb: {  	_ =	swait.ge [sflag:s9], $0x4000  }
0xbc: {  	[sflag:s9] =	ssyncset.done $0x0  }
0xbd: {  	s13 =	simm.s32 $0x2700;
	[sflag:s9] =	ssyncadd.s32 $0xFFFFC000  }
0xbe: {  	[spmem:s2] =	stream.indirect.scatter.add.f32 [tilespmem:s5], [sflag:$0x3], $0x80, s13, s4, $0xb8;
	[tilespmem:$0x1F800] =	vst v63  }
0xbf: {  	_ =	swait.ge [sflag:s8], $0x4000  }
0xc0: {  	[sflag:s8] =	ssyncset.done $0x0  }
0xc1: {  	s16 =	simm.s32 $0x0;
	[sflag:s8] =	ssyncadd.s32 $0xFFFFC000  }
0xc2: {  	[tilespmem:s5], [sflag:$0x1] =	stream.indirect.gather [hbm4b:s1+s4], $0x80, s16, s4, $0xb8;
	[tilespmem:$0x1F800] =	vst v63  }
0xc3: {  	_ =	swait.ge [sflag:s10], $0x4000  }
0xc4: {  	[sflag:s10] =	ssyncset.done $0x0  }
0xc5: {  	s14 =	simm.s32 $0x2780;
	[sflag:s10] =	ssyncadd.s32 $0xFFFFC000  }
0xc6: {  	[spmem:s2] =	stream.indirect.scatter.add.f32 [tilespmem:s6], [sflag:$0x3], $0x80, s14, s4, $0xb8;
	[tilespmem:$0x1F800] =	vst v63  }
0xc7: {  	_ =	swait.ge [sflag:s8], $0x4000  }
0xc8: {  	[sflag:s8] =	ssyncset.done $0x0  }
0xc9: {  	[sflag:s8] =	ssyncadd.s32 $0xFFFFC000  }
0xca: {  	[tilespmem:s6], [sflag:$0x2] =	stream.indirect.gather [hbm4b:s1+s4], $0x80, s4, s4, $0xb8;
	[tilespmem:$0x1F800] =	vst v63  }
0xcb: {  	_ =	swait.ge [sflag:s9], $0x4000  }
0xcc: {  	[sflag:s9] =	ssyncset.done $0x0  }
0xcd: {  	[sflag:s9] =	ssyncadd.s32 $0xFFFFC000  }
0xce: {  	_ =	swait.ge [sflag:s10], $0x4000  }
0xcf: {  	[sflag:s10] =	ssyncset.done $0x0  }
0xd0: {  	s15 =	stileid.u32;
	[sflag:s10] =	ssyncadd.s32 $0xFFFFC000  }
0xd1: {  	s13 =	sshll.u32 s15, $0x6;
	[bflag:$0x0] =	sbarrier.arrive $0xFFFF  }
0xd2: {  	s13 =	sor.u32 $0x1C03, s13;
	s16 =	sshrl.u32 s11, $0x3;
	s15 =	rddreg [dreg:$0xa]  }
0xd3: {  	[hbm:s15], [sflag:s13] =	dma.local [spmem:s16], $0x2800  }
0xd4: {  	_ =	swait.ge [sflag:s8], $0x2800  }
0xd5: {  	s12 =	sadd.s32 $0x1, s12;
	s16 =	rddreg [dreg:$0xb]  }
0xd6: {  	p1 =	sne.s32 s12, s16  }
.Ltmp2:
0xd7: {  	_ = 	snop;
	(pc) =	sbr.rel @p1 .LBB2_1-.Ltmp2, $3  }
0xd8: {  	_ =	sdelay $0x1  }
0xd9: {  	[sflag:s8] =	ssyncset.done $0x0  }
0xda: {  	[sflag:s8] =	ssyncadd.s32 $0xFFFFD800  }
0xdb: {  	_ =	sfence.sel $0x180000  }
0xdc: {  	[bflag:$0x0] =	sbarrier.arrive $0xFFFF  }
0xdd: {  	_ =	strace $0x90000050  }
0xde: {  	s0 =	stileid.u32;
	[bflag:$0x2] =	sbarrier.arrive $0xFFFF  }
0xdf: {  	p0 =	sne.s32 s0, $0x0;
	s0 =	rddreg [dreg:$0x3]  }
0xe0: {  	s0 =	sadd.s32 @!p0 $0x100000, s0  }
0xe1: {  	[sflag:s0] =	ssyncadd.tile.s32 @!p0 $0x1;
	_ =	shalt  }
.Lfunc_end2:
_tile_overlayer_lowered:
.L_overlay_start_2:
0xe2: {  	(tag) =	ssettag $0x2  }
0xe3: {  	s0 =	rddreg [dreg:$0x0];
	s2 =	stileid.u32  }
0xe4: {  	s1 =	rddreg [dreg:$0x1];
	p0 =	sne.s32 s2, $0x0  }
0xe5: {  	s3 =	rddreg [dreg:$0x2];
	[bflag:$0x3] =	sbarrier.arrive $0xFFFF;
	s2 =	simm.s32 @!p0 $0x1C03  }
0xe6: {  	[timem:s3], [sflag:s2] =	dma.local @!p0 [hbm:s0], s1  }
0xe7: {  	s0 =	simm.s32 @!p0 $0x3  }
0xe8: {  	_ =	swait.ge @!p0 [sflag:s0], s1  }
0xe9: {  	s1 =	ssub.s32 @!p0 $0x0, s1;
	[sflag:s0] =	ssyncset.done @!p0 $0x0  }
0xea: {  	[sflag:s0] =	ssyncadd.s32 @!p0 s1  }
0xeb: {  	[bflag:$0x3] =	sbarrier.arrive $0xFFFF  }
0xec: {  	_ =	shalt  }

// kernel: kernel.23.cloned.1.call-start
scs
__scs_entry_jumppad:
0x0: {  	(pc) =	sbr.rel $0x88, $3  }
0x1: {  	(tag) =	ssettag $0x0;
	lr =	simm.s32 $0x1  }
0x2: {  	[smem:$0x3F99] =	sst lr;
	_ =	strace $0xD0000000  }
0x3: {  	_ = 	snop  }
0x4: {  	_ = 	snop  }
0x5: {  	_ = 	snop  }
0x6: {  	_ = 	snop  }
0x7: {  	_ = 	snop  }
__scs_overlays_trampoline_lowered:
0x8: {  	[smem:$0x3FA8] =	sst s0  }
0x9: {  	[smem:$0x3FA9] =	sst s1  }
0xa: {  	[smem:$0x3FAA] =	sst s2  }
0xb: {  	[smem:$0x3FAB] =	sst s3  }
0xc: {  	[smem:$0x3FAC] =	sst s4  }
0xd: {  	[smem:$0x3FAD] =	sst s5  }
0xe: {  	[smem:$0x3FAE] =	sst s6  }
0xf: {  	[smem:$0x3FAF] =	sst s7  }
0x10: {  	[smem:$0x3FB0] =	sst s8  }
0x11: {  	[smem:$0x3FB1] =	sst s9;
	s0 =	simm.s32 @!p0 $0x0  }
0x12: {  	s1 =	sld [smem:$0x3F97];
	s0 =	simm.s32 @p0 $0x1  }
0x13: {  	[smem:$0x3FB2] =	sst s0;
	s0 =	simm.s32 @!p1 $0x0  }
0x14: {  	s2 =	sld [smem:$0x3F96];
	s0 =	simm.s32 @p1 $0x1  }
0x15: {  	[smem:$0x3FB3] =	sst s0;
	s0 =	simm.s32 @!p2 $0x0  }
0x16: {  	s3 =	sld [smem:$0x3FDB];
	s0 =	simm.s32 @p2 $0x1  }
0x17: {  	s4 =	simm.s32 $0x1BF5;
	[smem:$0x3FB5] =	sst s0  }
0x18: {  	s0 =	sld [smem:$0x3F98];
	_ =	swait.ge [sflag:s4], $0x0  }
0x19: {  	s7 =	sld [smem:$0x3F99]  }
0x1a: {  	s8 =	sadd.s32 $0xFFFFE003, lr  }
0x1b: {  	s9 =	sadd.s32 $0xFFFFFEF7, lr;
	s5 =	simm.s32 $0xFFFFFFFF;
	p2 =	slt.u32 s8, $0xFFFFF086  }
0x1c: {  	p1 =	slt.u32 s9, $0xF7A;
	s5 =	simm.s32 @!p2 $0x0  }
0x1d: {  	s5 =	simm.s32 @p1 $0x1;
	p0 =	seq.s32 s7, s2  }
0x1e: {  	s7 =	smul.u32 @!p0 $0xF7A, s2;
	p2 =	seq.s32 @!p0 s5, $0x0  }
0x1f: {  	s9 =	smul.u32 $0xF7A, s1;
	s8 =	simm.s32 @!p0 $0x1BF5;
	p2 =	por !p2, p0  }
0x20: {  	[sflag:s8] =	ssyncset.s32 @!p0 $0xFFFFF086;
	s6 =	sadd.s32 @!p0 s3, s7;
	s7 =	simm.s32 @!p0 $0x108  }
0x21: {  	s3 =	sadd.s32 s3, s9;
	s6 =	sadd.s32 @!p0 $0x88, s6;
	s7 =	simm.s32 @p2 $0x1082  }
0x22: {  	[simem:s7], [sflag:s8] =	dma.local @!p0 [hbm:s6], $0xF7A  }
0x23: {  	s9 =	sor.u32 $0xD0000000, s2;
	s6 =	simm.s32 $0x108;
	_ =	swait.ge @!p0 [sflag:s8], $0x0  }
0x24: {  	s3 =	sadd.s32 $0x88, s3;
	s6 =	simm.s32 @!p1 $0x1082;
	[sflag:s4] =	ssyncset.s32 $0xFFFFF086  }
0x25: {  	[simem:s6], [sflag:s4] =	dma.local [hbm:s3], $0xF7A  }
0x26: {  	[smem:$0x3F99] =	sst s1;
	(tag) =	ssettag s2;
	_ =	strace s9  }
0x27: {  	s1 =	sld [smem:$0x3FA9]  }
0x28: {  	s2 =	sld [smem:$0x3FAA]  }
0x29: {  	s4 =	sld [smem:$0x3FAC]  }
0x2a: {  	p0 =	seq.s32 s5, $0x0;
	s5 =	sld [smem:$0x3FAD]  }
0x2b: {  	s6 =	sld [smem:$0x3FAE]  }
0x2c: {  	s7 =	sld [smem:$0x3FAF]  }
0x2d: {  	s3 =	simm.s32 $0x108;
	s8 =	sld [smem:$0x3FB0]  }
0x2e: {  	s3 =	simm.s32 @!p0 $0x1082;
	s9 =	sld [smem:$0x3FB1]  }
0x2f: {  	lr =	sadd.s32 s0, s3;
	s0 =	sld [smem:$0x3FA8]  }
0x30: {  	s3 =	sld [smem:$0x3FAB]  }
0x31: {  	[smem:$0x3FB4] =	sst s10  }
0x32: {  	s10 =	sld [smem:$0x3FB2];
	_ =	sdelay $0x3  }
0x33: {  	p0 =	seq.s32 s10, $0x1;
	s10 =	sld [smem:$0x3FB4];
	_ =	sdelay $0x3  }
0x34: {  	[smem:$0x3FB4] =	sst s10  }
0x35: {  	s10 =	sld [smem:$0x3FB3];
	_ =	sdelay $0x3  }
0x36: {  	p1 =	seq.s32 s10, $0x1;
	s10 =	sld [smem:$0x3FB4];
	_ =	sdelay $0x3  }
0x37: {  	[smem:$0x3FB4] =	sst s10  }
0x38: {  	s10 =	sld [smem:$0x3FB5]  }
0x39: {  	_ = 	snop;
	(pc) =	sbr.ind lr, $3  }
0x3a: {  	_ = 	snop  }
0x3b: {  	_ = 	snop  }
0x3c: {  	p2 =	seq.s32 s10, $0x1;
	s10 =	sld [smem:$0x3FB4]  }
0x3d: {  	_ =	shalt  }
0x3e: {  	_ =	shalt  }
0x3f: {  	_ =	shalt  }
0x40: {  	_ =	shalt  }
0x41: {  	_ =	shalt  }
0x42: {  	_ =	shalt  }
0x43: {  	_ =	shalt  }
0x44: {  	_ =	shalt  }
0x45: {  	_ =	shalt  }
0x46: {  	_ =	shalt  }
0x47: {  	_ =	shalt  }
0x48: {  	_ =	shalt  }
0x49: {  	_ =	shalt  }
0x4a: {  	_ =	shalt  }
0x4b: {  	_ =	shalt  }
0x4c: {  	_ =	shalt  }
0x4d: {  	_ =	shalt  }
0x4e: {  	_ =	shalt  }
0x4f: {  	_ =	shalt  }
0x50: {  	_ =	shalt  }
0x51: {  	_ =	shalt  }
0x52: {  	_ =	shalt  }
0x53: {  	_ =	shalt  }
0x54: {  	_ =	shalt  }
0x55: {  	_ =	shalt  }
0x56: {  	_ =	shalt  }
0x57: {  	_ =	shalt  }
0x58: {  	_ =	shalt  }
0x59: {  	_ =	shalt  }
0x5a: {  	_ =	shalt  }
0x5b: {  	_ =	shalt  }
0x5c: {  	_ =	shalt  }
0x5d: {  	_ =	shalt  }
0x5e: {  	_ =	shalt  }
0x5f: {  	_ =	shalt  }
0x60: {  	_ =	shalt  }
0x61: {  	_ =	shalt  }
0x62: {  	_ =	shalt  }
0x63: {  	_ =	shalt  }
0x64: {  	_ =	shalt  }
0x65: {  	_ =	shalt  }
0x66: {  	_ =	shalt  }
0x67: {  	_ =	shalt  }
0x68: {  	_ =	shalt  }
0x69: {  	_ =	shalt  }
0x6a: {  	_ =	shalt  }
0x6b: {  	_ =	shalt  }
0x6c: {  	_ =	shalt  }
0x6d: {  	_ =	shalt  }
0x6e: {  	_ =	shalt  }
0x6f: {  	_ =	shalt  }
0x70: {  	_ =	shalt  }
0x71: {  	_ =	shalt  }
0x72: {  	_ =	shalt  }
0x73: {  	_ =	shalt  }
0x74: {  	_ =	shalt  }
0x75: {  	_ =	shalt  }
0x76: {  	_ =	shalt  }
0x77: {  	_ =	shalt  }
0x78: {  	_ =	shalt  }
0x79: {  	_ =	shalt  }
0x7a: {  	_ =	shalt  }
0x7b: {  	_ =	shalt  }
0x7c: {  	_ =	shalt  }
0x7d: {  	_ =	shalt  }
0x7e: {  	_ =	shalt  }
0x7f: {  	_ =	shalt  }
0x80: {  	_ =	shalt  }
0x81: {  	_ =	shalt  }
0x82: {  	_ =	shalt  }
0x83: {  	_ =	shalt  }
0x84: {  	_ =	shalt  }
0x85: {  	_ =	shalt  }
0x86: {  	_ =	shalt  }
0x87: {  	_ =	shalt  }
.Lfunc_end0:
.L_simem_size_0:
called_computation.4_lowered:
.L_overlay_start_0:
0x88: {  	s2 =	sld [smem:$0x3FD9]  }
0x89: {  	s3 =	sld [smem:$0x3FFE];
	_ =	sdelay $0x1  }
0x8a: {  	s1 =	srdreg.scid  }
0x8b: {  	s0 =	sand.u32 $0x1, s1  }
0x8c: {  	s17 =	sshll.u32 s0, $0xA;
	s2 =	sadd.s32 s3, s2  }
0x8d: {  	s2 =	sadd.s32 s2, s17  }
0x8e: {  	[smem:$0x3FC0] =	sst s2  }
0x8f: {  	_ = 	snop  }
0x90: {  	(tm) =	ssettm $0x1  }
0x91: {  	s18 =	sld [smem:$0x3FFB];
	_ =	sdelay $0x3  }
0x92: {  	_ =	strace s18  }
0x93: {  	s2 =	sld [smem:$0x3FFC];
	_ =	sdelay $0x3  }
0x94: {  	_ =	strace s2  }
0x95: {  	s2 =	sld [smem:$0x3FFD];
	_ =	sdelay $0x3  }
0x96: {  	_ =	strace s2  }
0x97: {  	_ =	strace $0x8FFFFFFF  }
0x98: {  	s19 =	sld [smem:$0x3FDB];
	_ =	sdelay $0x1  }
0x99: {  	s20 =	simm.s32 $_scs_section_size  }
0x9a: {  	s4 =	simm.s32 $_size__tile_overlayer_lowered;
	s5 =	simm.s32 $_tile_overlayer_lowered  }
0x9b: {  	s6 =	simm.s32 $0x1BFF;
	s21 =	sshll.u32 s5, $0x1;
	s3 =	sadd.s32 s20, s19  }
0x9c: {  	s22 =	simm.s32 $0x0;
	s4 =	sshll.u32 s4, $0x1;
	s5 =	sadd.s32 s21, s3  }
0x9d: {  	[timem:s22], [sflag:s6] =	dma.local [hbm:s5], s4  }
0x9e: {  	_ =	swait.ge [sflag:s6], s4  }
0x9f: {  	s4 =	ssub.s32 $0x0, s4;
	[sflag:s6] =	ssyncset.done $0x0  }
0xa0: {  	[sflag:s6] =	ssyncadd.s32 s4;
	_ =	sdelay $0x1  }
0xa1: {  	s23 =	simm.s32 $0x1B8B  }
0xa2: {  	_ =	swait.ge [sflag:s23], $0x1  }
0xa3: {  	[sflag:s23] =	ssyncset.done $0x0  }
0xa4: {  	[sflag:s23] =	ssyncadd.s32 $0xFFFFFFFF  }
0xa5: {  	s4 =	sld [smem:$0x0]  }
0xa6: {  	s5 =	sand.u32 $0xFFFFFFFE, s1  }
0xa7: {  	p0 =	sne.s32 s1, s5  }
0xa8: {  	s5 =	sshll.u32 @p0 s5, $0xE  }
0xa9: {  	s5 =	sadd.s32 @p0 $0x11B8D, s5;
	s6 =	sshll.u32 @p0 s4, $0x11  }
0xaa: {  	s5 =	sor.u32 @p0 s6, s5  }
0xab: {  	[sflag:s5] =	ssyncadd.remote.s32 @p0 $0x1;
	_ =	sdelay $0x1  }
0xac: {  	s5 =	simm.s32 @p0 $0x1B8D  }
0xad: {  	_ =	swait.eq @p0 [sflag:s5], $0x1  }
0xae: {  	[sflag:s5] =	ssyncadd.s32 @p0 $0xFFFFFFFF  }
0xaf: {  	s6 =	sshll.u32 @!p0 s1, $0xE  }
0xb0: {  	s6 =	sor.u32 @!p0 $0x4000, s6;
	s5 =	simm.s32 @!p0 $0x1B8D  }
0xb1: {  	s4 =	sshll.u32 @!p0 s4, $0x11;
	s6 =	sadd.s32 @!p0 $0x11B8D, s6;
	_ =	swait.eq @!p0 [sflag:s5], $0x1  }
0xb2: {  	s4 =	sor.u32 @!p0 s4, s6;
	[sflag:s5] =	ssyncadd.s32 @!p0 $0xFFFFFFFF  }
0xb3: {  	s25 =	simm.s32 $0x1B8E;
	s24 =	sld [smem:$0x3FFE];
	[sflag:s4] =	ssyncadd.remote.s32 @!p0 $0x1  }
0xb4: {  	s26 =	simm.s32 $execute0_lowered;
	[smem:$0x3FD2] =	sst s25  }
0xb5: {  	s5 =	sshll.u32 s26, $0x1;
	_ =	strace $0x80000052;
	[dreg:$0x1] =	wrdreg $0xFFFFFFFF  }
0xb6: {  	s28 =	simm.s32 $_size_execute0_lowered;
	s3 =	sadd.s32 s3, s5;
	[dreg:$0x0] =	wrdreg $0x0  }
0xb7: {  	s5 =	sshll.u32 s28, $0x1;
	[dreg:$0x2] =	wrdreg s3  }
0xb8: {  	[dreg:$0x3] =	wrdreg s5  }
0xb9: {  	[dreg:$0x4] =	wrdreg $0xC0  }
0xba: {  	_ =	task [dreg:s22], $0x5FFFF  }
0xbb: {  	[dreg:$0x1] =	wrdreg $0xFFFFFFFF  }
0xbc: {  	[dreg:$0x0] =	wrdreg $0x60  }
0xbd: {  	[dreg:$0x2] =	wrdreg s24  }
0xbe: {  	[dreg:$0x3] =	wrdreg $0xB8000  }
0xbf: {  	[dreg:$0x4] =	wrdreg $0xA  }
0xc0: {  	_ =	task.clear_ibuf [dreg:s22], $0x5FFFF;
	_ =	strace $0x90000052  }
0xc1: {  	s29 =	simm.s32 $0xA;
	_ =	strace $0x80000054  }
0xc2: {  	_ =	swait.ge [sflag:s29], $0x1  }
0xc3: {  	[sflag:s29] =	ssyncadd.s32 $0xFFFFFFFF  }
0xc4: {  	_ =	strace $0x90000054  }
0xc5: {  	_ =	sfence  }
0xc6: {  	s30 =	sld [smem:$0x0];
	_ =	sdelay $0x2  }
0xc7: {  	s31 =	sshll.u32 s1, $0xD;
	s1 =	sshrl.u32 s1, $0x2  }
0xc8: {  	s4 =	sand.u32 $0x4000, s31;
	s1 =	sadd.s32 s1, s30  }
0xc9: {  	s0 =	sor.u32 s4, s0;
	s1 =	sshll.u32 s1, $0x11  }
0xca: {  	s0 =	sor.u32 s1, s0  }
0xcb: {  	s0 =	sadd.s32 $0x8F2B, s0  }
0xcc: {  	[sflag:s0] =	ssyncadd.remote.s32 $0x1  }
0xcd: {  	_ =	sfence.sel $0xFFFF  }
0xce: {  	[dreg:$0x0] =	wrdreg $0xFFFFFFFF;
	(pc) =	sbr.abs _section_cstart, $3  }
0xcf: {  	[dreg:$0x1] =	wrdreg $0xFFFFFFFF  }
0xd0: {  	_ =	task.clear_ibuf [dreg:s22], $0x2FFFF;
	_ =	strace $0x9FFFFFFF  }
0xd1: {  	(tm) =	ssettm $0x7FFFFFFF  }
tec
execute0_lowered:
.L_overlay_start_1:
0x0: {  	(tag) =	ssettag $0x1  }
0x1: {  	s0 =	rddreg [dreg:$0x0]  }
0x2: {  	s1 =	rddreg [dreg:$0x1];
	s2 =	srdreg.scid;
	s4 =	simm.s32 $0x0  }
0x3: {  	s10 =	stileid.u32;
	s12 =	simm.s32 $0x0;
	s2 =	sand.u32 $0x1, s2  }
0x4: {  	[smem:$0x7FF] =	sst s4;
	s5 =	smul.u32 $0x2800, s10;
	s4 =	sadd.s32 $0xF200, s0  }
0x5: {  	s7 =	sadd.s32 $0x5000, s0;
	s8 =	sadd.s32 $0xF000, s0;
	s18 =	sadd.s32 $0xEE00, s0  }
0x6: {  	s20 =	sadd.s32 $0x9D80, s0;
	_ =	strace $0x80000053;
	[dreg:$0x3] =	wrdreg s8  }
0x7: {  	s3 =	smul.u32 $0x28000, s2;
	s6 =	sshll.u32 s2, $0x4;
	[dreg:$0x4] =	wrdreg s18  }
0x8: {  	s2 =	ssub.s32 $0x2, s2;
	s6 =	sor.u32 s10, s6;
	s10 =	smul.u32 $0x50000, s10  }
0x9: {  	[dreg:$0x7] =	wrdreg s20;
	s8 =	simm.s32 $0x3;
	s17 =	smul.u32 $0x1400, s6  }
0xa: {  	s9 =	sshrl.u32 s2, $0x1;
	s3 =	sadd.s32 s5, s3;
	s19 =	smul.u32 $0x280, s6  }
0xb: {  	s2 =	ssub.s32 s2, s9;
	p0 =	seq.s32 s6, $0x1F;
	s6 =	simm.s32 $0x6800  }
0xc: {  	s9 =	simm.s32 $0x1;
	s3 =	sadd.s32 s3, s0;
	s0 =	sadd.s32 $0xEC00, s0  }
0xd: {  	s21 =	sshrl.u32 s10, $0x2;
	s23 =	smax.u32 s2, $0x1;
	s10 =	simm.s32 $0x2  }
0xe: {  	s5 =	sshrl.u32 s17, $0x3;
	[dreg:$0x8] =	wrdreg s0;
	s11 =	sadd.s32 s21, s1  }
0xf: {  	s22 =	sadd.s32 $0x86400, s3;
	[dreg:$0xa] =	wrdreg s23;
	s3 =	simm.s32 $0x80  }
0x10: {  	s5 =	sadd.s32 s7, s5;
	s7 =	sadd.s32 s7, s19;
	[dreg:$0x9] =	wrdreg s22  }
0x11: {  	s24 =	sadd.s32 $0x1000, s11;
	s25 =	sadd.s32 $0x2000, s11;
	s26 =	sadd.s32 $0x3000, s11  }
0x12: {  	s17 =	sadd.s32 $0x4000, s11;
	s18 =	sadd.s32 $0x5000, s11;
	s19 =	sadd.s32 $0x6000, s11  }
0x13: {  	s20 =	sadd.s32 $0x7000, s11;
	s21 =	sadd.s32 $0x8000, s11;
	s22 =	sadd.s32 $0x9000, s11  }
0x14: {  	s23 =	sadd.s32 $0xA000, s11;
	s28 =	sadd.s32 $0xE000, s11;
	[dreg:$0x5] =	wrdreg s7  }
0x15: {  	s29 =	sadd.s32 $0xF000, s11;
	s30 =	sadd.s32 $0x10000, s11;
	[dreg:$0xb] =	wrdreg s24  }
0x16: {  	s31 =	sadd.s32 $0x11000, s11;
	s0 =	sadd.s32 $0x12000, s11;
	[dreg:$0xc] =	wrdreg s25  }
0x17: {  	s2 =	sadd.s32 $0x13000, s11;
	s5 =	sadd.s32 $0x4E80, s5;
	[dreg:$0xd] =	wrdreg s26  }
0x18: {  	s24 =	sadd.s32 $0xB000, s11;
	s25 =	sadd.s32 $0xC000, s11;
	s26 =	sadd.s32 $0xD000, s11  }
0x19: {  	v0 =	vimm.f32 $0.0e+00;
	s7 =	simm.s32 $0xA800;
	[dreg:$0x6] =	wrdreg s5;
	s5 =	simm.s32 $0x2800  }
.LBB2_1:
0x1a: {  	s13 =	simm.s32 @p0 $0x0;
	s14 =	rddreg [dreg:$0x7]  }
0x1b: {  	[tilespmem:s13], [sflag:$0x3] =	stream.linear.gather @p0 [hbm4b:s14+s13], $0x400, $0x38;
	[tilespmem:$0x1F800] =	vst v63  }
0x1c: {  	s14 =	simm.s32 @p0 $0x3  }
0x1d: {  	_ =	swait.ge @p0 [sflag:s14], $0x400  }
0x1e: {  	[sflag:s14] =	ssyncset.done @p0 $0x0  }
0x1f: {  	s15 =	simm.s32 @p0 $0x400;
	s16 =	rddreg [dreg:$0x3];
	[sflag:s14] =	ssyncadd.s32 @p0 $0xFFFFFC00  }
0x20: {  	[tilespmem:s15], [sflag:$0x3] =	stream.linear.gather @p0 [hbm4b:s16+s13], $0x1000, $0x38;
	[tilespmem:$0x1F800] =	vst v63  }
0x21: {  	_ =	swait.ge @p0 [sflag:s14], $0x1000  }
0x22: {  	[sflag:s14] =	ssyncset.done @p0 $0x0  }
0x23: {  	s15 =	simm.s32 @p0 $0x1400;
	s16 =	rddreg [dreg:$0x8];
	[sflag:s14] =	ssyncadd.s32 @p0 $0xFFFFF000  }
0x24: {  	[tilespmem:s15], [sflag:$0x3] =	stream.linear.gather @p0 [hbm4b:s16+s13], $0x400, $0x38;
	[tilespmem:$0x1F800] =	vst v63  }
0x25: {  	_ =	swait.ge @p0 [sflag:s14], $0x400  }
0x26: {  	[sflag:s14] =	ssyncset.done @p0 $0x0  }
0x27: {  	s15 =	simm.s32 @p0 $0x1800;
	s16 =	rddreg [dreg:$0x4];
	[sflag:s14] =	ssyncadd.s32 @p0 $0xFFFFFC00  }
0x28: {  	[tilespmem:s15], [sflag:$0x3] =	stream.linear.gather @p0 [hbm4b:s16+s13], $0x1000, $0x38;
	[tilespmem:$0x1F800] =	vst v63  }
0x29: {  	_ =	swait.ge @p0 [sflag:s14], $0x1000  }
0x2a: {  	[sflag:s14] =	ssyncset.done @p0 $0x0  }
0x2b: {  	s13 =	simm.s32 @!p0 $0x0;
	[sflag:s14] =	ssyncadd.s32 @p0 $0xFFFFF000;
	s14 =	rddreg [dreg:$0x5]  }
0x2c: {  	[tilespmem:s13], [sflag:$0x3] =	stream.linear.gather @!p0 [hbm4b:s14+s13], $0x1400, $0x38;
	[tilespmem:$0x1F800] =	vst v63  }
0x2d: {  	s14 =	simm.s32 @!p0 $0x3  }
0x2e: {  	_ =	swait.ge @!p0 [sflag:s14], $0x1400  }
0x2f: {  	[sflag:s14] =	ssyncset.done @!p0 $0x0  }
0x30: {  	s15 =	simm.s32 @!p0 $0x1400;
	s16 =	rddreg [dreg:$0x6];
	[sflag:s14] =	ssyncadd.s32 @!p0 $0xFFFFEC00  }
0x31: {  	[tilespmem:s15], [sflag:$0x3] =	stream.linear.gather @!p0 [hbm4b:s16+s13], $0x1400, $0x38;
	[tilespmem:$0x1F800] =	vst v63  }
0x32: {  	_ =	swait.ge @!p0 [sflag:s14], $0x1400  }
0x33: {  	[sflag:s14] =	ssyncset.done @!p0 $0x0  }
0x34: {  	s16 =	simm.s32 $0x0;
	[sflag:s14] =	ssyncadd.s32 @!p0 $0xFFFFEC00  }
0x35: {  	[tilespmem:s5], [sflag:$0x1] =	stream.indirect.gather [hbm4b:s4+s3], $0x80, s16, s3, $0xb8;
	[tilespmem:$0x1F800] =	vst v63  }
0x36: {  	s13 =	simm.s32 $0x0;
	s14 =	simm.s32 $0x200  }
0x37: {  	[tilespmem:s6], [sflag:$0x2] =	stream.indirect.gather [hbm4b:s4+s3], $0x80, s3, s3, $0xb8;
	[tilespmem:$0x1F800] =	vst v63  }
.LBB2_2:
0x38: {  	p1 =	seq.s32 s14, $0x3E00;
	[tilespmem:s13+$0xA870] =	vst v0  }
0x39: {  	[tilespmem:s13+$0xA800] =	vst v0  }
0x3a: {  	[tilespmem:s13+$0xA810] =	vst v0  }
.Ltmp0:
0x3b: {  	[tilespmem:s13+$0xA820] =	vst v0;
	(pc) =	sbr.rel @!p1 .LBB2_2-.Ltmp0, $4  }
0x3c: {  	[tilespmem:s13+$0xA830] =	vst v0  }
0x3d: {  	[tilespmem:s13+$0xA840] =	vst v0  }
0x3e: {  	[tilespmem:s13+$0xA850] =	vst v0  }
0x3f: {  	[tilespmem:s13+$0xA860] =	vst v0;
	s13 =	sshra.s32 s14, $0x2;
	s14 =	sadd.s32 $0x200, s14  }
0x40: {  	[tilespmem:s13+$0xA870] =	vst v0  }
0x41: {  	[tilespmem:s13+$0xA800] =	vst v0  }
0x42: {  	[tilespmem:s13+$0xA810] =	vst v0  }
0x43: {  	[tilespmem:s13+$0xA820] =	vst v0  }
0x44: {  	[tilespmem:s13+$0xA830] =	vst v0  }
0x45: {  	[tilespmem:s13+$0xA840] =	vst v0  }
0x46: {  	[tilespmem:s13+$0xA850] =	vst v0  }
0x47: {  	[tilespmem:s13+$0xA860] =	vst v0  }
0x48: {  	[spmem:s11] =	stream.linear.scatter [tilespmem:s7], [sflag:$0x3], $0x1000, $0x38;
	[tilespmem:$0x1F800] =	vst v63  }
0x49: {  	_ =	swait.ge [sflag:s8], $0x1000  }
0x4a: {  	[sflag:s8] =	ssyncset.done $0x0  }
0x4b: {  	s14 =	rddreg [dreg:$0xb];
	[sflag:s8] =	ssyncadd.s32 $0xFFFFF000  }
0x4c: {  	[spmem:s14] =	stream.linear.scatter [tilespmem:s7], [sflag:$0x3], $0x1000, $0x38;
	[tilespmem:$0x1F800] =	vst v63  }
0x4d: {  	_ =	swait.ge [sflag:s8], $0x1000  }
0x4e: {  	[sflag:s8] =	ssyncset.done $0x0  }
0x4f: {  	s15 =	rddreg [dreg:$0xc];
	[sflag:s8] =	ssyncadd.s32 $0xFFFFF000  }
0x50: {  	[spmem:s15] =	stream.linear.scatter [tilespmem:s7], [sflag:$0x3], $0x1000, $0x38;
	[tilespmem:$0x1F800] =	vst v63  }
0x51: {  	_ =	swait.ge [sflag:s8], $0x1000  }
0x52: {  	[sflag:s8] =	ssyncset.done $0x0  }
0x53: {  	s16 =	rddreg [dreg:$0xd];
	[sflag:s8] =	ssyncadd.s32 $0xFFFFF000  }
0x54: {  	[spmem:s16] =	stream.linear.scatter [tilespmem:s7], [sflag:$0x3], $0x1000, $0x38;
	[tilespmem:$0x1F800] =	vst v63  }
0x55: {  	_ =	swait.ge [sflag:s8], $0x1000  }
0x56: {  	[sflag:s8] =	ssyncset.done $0x0  }
0x57: {  	[sflag:s8] =	ssyncadd.s32 $0xFFFFF000  }
0x58: {  	[spmem:s17] =	stream.linear.scatter [tilespmem:s7], [sflag:$0x3], $0x1000, $0x38;
	[tilespmem:$0x1F800] =	vst v63  }
0x59: {  	_ =	swait.ge [sflag:s8], $0x1000  }
0x5a: {  	[sflag:s8] =	ssyncset.done $0x0  }
0x5b: {  	[sflag:s8] =	ssyncadd.s32 $0xFFFFF000  }
0x5c: {  	[spmem:s18] =	stream.linear.scatter [tilespmem:s7], [sflag:$0x3], $0x1000, $0x38;
	[tilespmem:$0x1F800] =	vst v63  }
0x5d: {  	_ =	swait.ge [sflag:s8], $0x1000  }
0x5e: {  	[sflag:s8] =	ssyncset.done $0x0  }
0x5f: {  	[sflag:s8] =	ssyncadd.s32 $0xFFFFF000  }
0x60: {  	[spmem:s19] =	stream.linear.scatter [tilespmem:s7], [sflag:$0x3], $0x1000, $0x38;
	[tilespmem:$0x1F800] =	vst v63  }
0x61: {  	_ =	swait.ge [sflag:s8], $0x1000  }
0x62: {  	[sflag:s8] =	ssyncset.done $0x0  }
0x63: {  	[sflag:s8] =	ssyncadd.s32 $0xFFFFF000  }
0x64: {  	[spmem:s20] =	stream.linear.scatter [tilespmem:s7], [sflag:$0x3], $0x1000, $0x38;
	[tilespmem:$0x1F800] =	vst v63  }
0x65: {  	_ =	swait.ge [sflag:s8], $0x1000  }
0x66: {  	[sflag:s8] =	ssyncset.done $0x0  }
0x67: {  	[sflag:s8] =	ssyncadd.s32 $0xFFFFF000  }
0x68: {  	[spmem:s21] =	stream.linear.scatter [tilespmem:s7], [sflag:$0x3], $0x1000, $0x38;
	[tilespmem:$0x1F800] =	vst v63  }
0x69: {  	_ =	swait.ge [sflag:s8], $0x1000  }
0x6a: {  	[sflag:s8] =	ssyncset.done $0x0  }
0x6b: {  	[sflag:s8] =	ssyncadd.s32 $0xFFFFF000  }
0x6c: {  	[spmem:s22] =	stream.linear.scatter [tilespmem:s7], [sflag:$0x3], $0x1000, $0x38;
	[tilespmem:$0x1F800] =	vst v63  }
0x6d: {  	_ =	swait.ge [sflag:s8], $0x1000  }
0x6e: {  	[sflag:s8] =	ssyncset.done $0x0  }
0x6f: {  	[sflag:s8] =	ssyncadd.s32 $0xFFFFF000  }
0x70: {  	[spmem:s23] =	stream.linear.scatter [tilespmem:s7], [sflag:$0x3], $0x1000, $0x38;
	[tilespmem:$0x1F800] =	vst v63  }
0x71: {  	_ =	swait.ge [sflag:s8], $0x1000  }
0x72: {  	[sflag:s8] =	ssyncset.done $0x0  }
0x73: {  	[sflag:s8] =	ssyncadd.s32 $0xFFFFF000  }
0x74: {  	[spmem:s24] =	stream.linear.scatter [tilespmem:s7], [sflag:$0x3], $0x1000, $0x38;
	[tilespmem:$0x1F800] =	vst v63  }
0x75: {  	_ =	swait.ge [sflag:s8], $0x1000  }
0x76: {  	[sflag:s8] =	ssyncset.done $0x0  }
0x77: {  	[sflag:s8] =	ssyncadd.s32 $0xFFFFF000  }
0x78: {  	[spmem:s25] =	stream.linear.scatter [tilespmem:s7], [sflag:$0x3], $0x1000, $0x38;
	[tilespmem:$0x1F800] =	vst v63  }
0x79: {  	_ =	swait.ge [sflag:s8], $0x1000  }
0x7a: {  	[sflag:s8] =	ssyncset.done $0x0  }
0x7b: {  	[sflag:s8] =	ssyncadd.s32 $0xFFFFF000  }
0x7c: {  	[spmem:s26] =	stream.linear.scatter [tilespmem:s7], [sflag:$0x3], $0x1000, $0x38;
	[tilespmem:$0x1F800] =	vst v63  }
0x7d: {  	_ =	swait.ge [sflag:s8], $0x1000  }
0x7e: {  	[sflag:s8] =	ssyncset.done $0x0  }
0x7f: {  	[sflag:s8] =	ssyncadd.s32 $0xFFFFF000  }
0x80: {  	[spmem:s28] =	stream.linear.scatter [tilespmem:s7], [sflag:$0x3], $0x1000, $0x38;
	[tilespmem:$0x1F800] =	vst v63  }
0x81: {  	_ =	swait.ge [sflag:s8], $0x1000  }
0x82: {  	[sflag:s8] =	ssyncset.done $0x0  }
0x83: {  	[sflag:s8] =	ssyncadd.s32 $0xFFFFF000  }
0x84: {  	[spmem:s29] =	stream.linear.scatter [tilespmem:s7], [sflag:$0x3], $0x1000, $0x38;
	[tilespmem:$0x1F800] =	vst v63  }
0x85: {  	_ =	swait.ge [sflag:s8], $0x1000  }
0x86: {  	[sflag:s8] =	ssyncset.done $0x0  }
0x87: {  	[sflag:s8] =	ssyncadd.s32 $0xFFFFF000  }
0x88: {  	[spmem:s30] =	stream.linear.scatter [tilespmem:s7], [sflag:$0x3], $0x1000, $0x38;
	[tilespmem:$0x1F800] =	vst v63  }
0x89: {  	_ =	swait.ge [sflag:s8], $0x1000  }
0x8a: {  	[sflag:s8] =	ssyncset.done $0x0  }
0x8b: {  	[sflag:s8] =	ssyncadd.s32 $0xFFFFF000  }
0x8c: {  	[spmem:s31] =	stream.linear.scatter [tilespmem:s7], [sflag:$0x3], $0x1000, $0x38;
	[tilespmem:$0x1F800] =	vst v63  }
0x8d: {  	_ =	swait.ge [sflag:s8], $0x1000  }
0x8e: {  	[sflag:s8] =	ssyncset.done $0x0  }
0x8f: {  	[sflag:s8] =	ssyncadd.s32 $0xFFFFF000  }
0x90: {  	[spmem:s0] =	stream.linear.scatter [tilespmem:s7], [sflag:$0x3], $0x1000, $0x38;
	[tilespmem:$0x1F800] =	vst v63  }
0x91: {  	_ =	swait.ge [sflag:s8], $0x1000  }
0x92: {  	[sflag:s8] =	ssyncset.done $0x0  }
0x93: {  	[sflag:s8] =	ssyncadd.s32 $0xFFFFF000  }
0x94: {  	[spmem:s2] =	stream.linear.scatter [tilespmem:s7], [sflag:$0x3], $0x1000, $0x38;
	[tilespmem:$0x1F800] =	vst v63  }
0x95: {  	_ =	swait.ge [sflag:s8], $0x1000  }
0x96: {  	[sflag:s8] =	ssyncset.done $0x0  }
0x97: {  	[sflag:s8] =	ssyncadd.s32 $0xFFFFF000  }
0x98: {  	[bflag:$0x0] =	sbarrier.arrive $0xFFFF  }
0x99: {  	_ =	swait.ge [sflag:s9], $0x4000  }
0x9a: {  	[sflag:s9] =	ssyncset.done $0x0  }
0x9b: {  	s14 =	simm.s32 $0x1400;
	[sflag:s9] =	ssyncadd.s32 $0xFFFFC000  }
0x9c: {  	[spmem:s1] =	stream.indirect.scatter.add.f32 [tilespmem:s5], [sflag:$0x3], $0x80, s14, s3, $0xb8;
	[tilespmem:$0x1F800] =	vst v63  }
0x9d: {  	_ =	swait.ge [sflag:s8], $0x4000  }
0x9e: {  	[sflag:s8] =	ssyncset.done $0x0  }
0x9f: {  	s15 =	simm.s32 $0x100;
	[sflag:s8] =	ssyncadd.s32 $0xFFFFC000  }
0xa0: {  	[tilespmem:s5], [sflag:$0x1] =	stream.indirect.gather [hbm4b:s4+s3], $0x80, s15, s3, $0xb8;
	[tilespmem:$0x1F800] =	vst v63  }
0xa1: {  	_ =	swait.ge [sflag:s10], $0x4000  }
0xa2: {  	[sflag:s10] =	ssyncset.done $0x0  }
0xa3: {  	s16 =	simm.s32 $0x1480;
	[sflag:s10] =	ssyncadd.s32 $0xFFFFC000  }
0xa4: {  	[spmem:s1] =	stream.indirect.scatter.add.f32 [tilespmem:s6], [sflag:$0x3], $0x80, s16, s3, $0xb8;
	[tilespmem:$0x1F800] =	vst v63  }
0xa5: {  	_ =	swait.ge [sflag:s8], $0x4000  }
0xa6: {  	[sflag:s8] =	ssyncset.done $0x0  }
0xa7: {  	s13 =	simm.s32 $0x400;
	s14 =	simm.s32 $0x180;
	[sflag:s8] =	ssyncadd.s32 $0xFFFFC000  }
.LBB2_4:
0xa8: {  	[tilespmem:s6], [sflag:$0x2] =	stream.indirect.gather [hbm4b:s4+s3], $0x80, s14, s3, $0xb8;
	[tilespmem:$0x1F800] =	vst v63  }
0xa9: {  	s14 =	smov.u32 s13  }
0xaa: {  	p1 =	sne.s32 s13, $0x4800;
	s13 =	sadd.s32 $0x400, s13;
	_ =	swait.ge [sflag:s9], $0x4000  }
0xab: {  	s14 =	sshra.s32 s14, $0x2;
	[sflag:s9] =	ssyncset.done $0x0  }
0xac: {  	s15 =	sadd.s32 $0x1400, s14;
	[sflag:s9] =	ssyncadd.s32 $0xFFFFC000  }
0xad: {  	[spmem:s1] =	stream.indirect.scatter.add.f32 [tilespmem:s5], [sflag:$0x3], $0x80, s15, s3, $0xb8;
	[tilespmem:$0x1F800] =	vst v63  }
0xae: {  	_ =	swait.ge [sflag:s8], $0x4000  }
0xaf: {  	[sflag:s8] =	ssyncset.done $0x0  }
0xb0: {  	s15 =	sadd.s32 $0x100, s14;
	[sflag:s8] =	ssyncadd.s32 $0xFFFFC000  }
0xb1: {  	[tilespmem:s5], [sflag:$0x1] =	stream.indirect.gather [hbm4b:s4+s3], $0x80, s15, s3, $0xb8;
	[tilespmem:$0x1F800] =	vst v63  }
0xb2: {  	_ =	swait.ge [sflag:s10], $0x4000  }
0xb3: {  	[sflag:s10] =	ssyncset.done $0x0  }
.Ltmp1:
0xb4: {  	s15 =	sadd.s32 $0x1480, s14;
	[sflag:s10] =	ssyncadd.s32 $0xFFFFC000;
	(pc) =	sbr.rel @p1 .LBB2_4-.Ltmp1, $4  }
0xb5: {  	[spmem:s1] =	stream.indirect.scatter.add.f32 [tilespmem:s6], [sflag:$0x3], $0x80, s15, s3, $0xb8;
	[tilespmem:$0x1F800] =	vst v63  }
0xb6: {  	_ =	swait.ge [sflag:s8], $0x4000  }
0xb7: {  	[sflag:s8] =	ssyncset.done $0x0  }
0xb8: {  	s14 =	sadd.s32 $0x180, s14;
	[sflag:s8] =	ssyncadd.s32 $0xFFFFC000  }
0xb9: {  	[tilespmem:s6], [sflag:$0x2] =	stream.indirect.gather [hbm4b:s4+s3], $0x80, s14, s3, $0xb8;
	[tilespmem:$0x1F800] =	vst v63  }
0xba: {  	_ =	swait.ge [sflag:s9], $0x4000  }
0xbb: {  	[sflag:s9] =	ssyncset.done $0x0  }
0xbc: {  	s13 =	simm.s32 $0x2700;
	[sflag:s9] =	ssyncadd.s32 $0xFFFFC000  }
0xbd: {  	[spmem:s1] =	stream.indirect.scatter.add.f32 [tilespmem:s5], [sflag:$0x3], $0x80, s13, s3, $0xb8;
	[tilespmem:$0x1F800] =	vst v63  }
0xbe: {  	_ =	swait.ge [sflag:s8], $0x4000  }
0xbf: {  	[sflag:s8] =	ssyncset.done $0x0  }
0xc0: {  	s16 =	simm.s32 $0x0;
	[sflag:s8] =	ssyncadd.s32 $0xFFFFC000  }
0xc1: {  	[tilespmem:s5], [sflag:$0x1] =	stream.indirect.gather [hbm4b:s4+s3], $0x80, s16, s3, $0xb8;
	[tilespmem:$0x1F800] =	vst v63  }
0xc2: {  	_ =	swait.ge [sflag:s10], $0x4000  }
0xc3: {  	[sflag:s10] =	ssyncset.done $0x0  }
0xc4: {  	s14 =	simm.s32 $0x2780;
	[sflag:s10] =	ssyncadd.s32 $0xFFFFC000  }
0xc5: {  	[spmem:s1] =	stream.indirect.scatter.add.f32 [tilespmem:s6], [sflag:$0x3], $0x80, s14, s3, $0xb8;
	[tilespmem:$0x1F800] =	vst v63  }
0xc6: {  	_ =	swait.ge [sflag:s8], $0x4000  }
0xc7: {  	[sflag:s8] =	ssyncset.done $0x0  }
0xc8: {  	[sflag:s8] =	ssyncadd.s32 $0xFFFFC000  }
0xc9: {  	[tilespmem:s6], [sflag:$0x2] =	stream.indirect.gather [hbm4b:s4+s3], $0x80, s3, s3, $0xb8;
	[tilespmem:$0x1F800] =	vst v63  }
0xca: {  	_ =	swait.ge [sflag:s9], $0x4000  }
0xcb: {  	[sflag:s9] =	ssyncset.done $0x0  }
0xcc: {  	[sflag:s9] =	ssyncadd.s32 $0xFFFFC000  }
0xcd: {  	_ =	swait.ge [sflag:s10], $0x4000  }
0xce: {  	[sflag:s10] =	ssyncset.done $0x0  }
0xcf: {  	s15 =	stileid.u32;
	[sflag:s10] =	ssyncadd.s32 $0xFFFFC000  }
0xd0: {  	s13 =	sshll.u32 s15, $0x6;
	[bflag:$0x0] =	sbarrier.arrive $0xFFFF  }
0xd1: {  	s13 =	sor.u32 $0x1C03, s13;
	s16 =	sshrl.u32 s11, $0x3;
	s15 =	rddreg [dreg:$0x9]  }
0xd2: {  	[hbm:s15], [sflag:s13] =	dma.local [spmem:s16], $0x2800  }
0xd3: {  	_ =	swait.ge [sflag:s8], $0x2800  }
0xd4: {  	s12 =	sadd.s32 $0x1, s12;
	s16 =	rddreg [dreg:$0xa]  }
0xd5: {  	p1 =	sne.s32 s12, s16  }
.Ltmp2:
0xd6: {  	_ = 	snop;
	(pc) =	sbr.rel @p1 .LBB2_1-.Ltmp2, $3  }
0xd7: {  	_ =	sdelay $0x1  }
0xd8: {  	[sflag:s8] =	ssyncset.done $0x0  }
0xd9: {  	[sflag:s8] =	ssyncadd.s32 $0xFFFFD800  }
0xda: {  	_ =	sfence.sel $0x180000  }
0xdb: {  	[bflag:$0x0] =	sbarrier.arrive $0xFFFF  }
0xdc: {  	_ =	strace $0x90000053  }
0xdd: {  	s0 =	stileid.u32;
	[bflag:$0x2] =	sbarrier.arrive $0xFFFF  }
0xde: {  	p0 =	sne.s32 s0, $0x0;
	s0 =	rddreg [dreg:$0x2]  }
0xdf: {  	s0 =	sadd.s32 @!p0 $0x100000, s0  }
0xe0: {  	[sflag:s0] =	ssyncadd.tile.s32 @!p0 $0x1;
	_ =	shalt  }
.Lfunc_end2:
_tile_overlayer_lowered:
.L_overlay_start_2:
0xe1: {  	(tag) =	ssettag $0x2  }
0xe2: {  	s0 =	rddreg [dreg:$0x0];
	s2 =	stileid.u32  }
0xe3: {  	s1 =	rddreg [dreg:$0x1];
	p0 =	sne.s32 s2, $0x0  }
0xe4: {  	s3 =	rddreg [dreg:$0x2];
	[bflag:$0x3] =	sbarrier.arrive $0xFFFF;
	s2 =	simm.s32 @!p0 $0x1C03  }
0xe5: {  	[timem:s3], [sflag:s2] =	dma.local @!p0 [hbm:s0], s1  }
0xe6: {  	s0 =	simm.s32 @!p0 $0x3  }
0xe7: {  	_ =	swait.ge @!p0 [sflag:s0], s1  }
0xe8: {  	s1 =	ssub.s32 @!p0 $0x0, s1;
	[sflag:s0] =	ssyncset.done @!p0 $0x0  }
0xe9: {  	[sflag:s0] =	ssyncadd.s32 @!p0 s1  }
0xea: {  	[bflag:$0x3] =	sbarrier.arrive $0xFFFF  }
0xeb: {  	_ =	shalt  }

</sc_bundles>
